<compile_context>
chip_gen: v7x
topology: tpu7x:2x2x1
jax: 0.10.2.dev20260603
libtpu: 0.0.44.dev20260713+nightly
codegen_flags: <defaults>
</compile_context>

<pallas_src>
import functools
import jax
import jax.numpy as jnp
from jax import lax
from jax.experimental import pallas as pl
from jax.experimental.pallas import tpu as pltpu
from jax.experimental.pallas import tpu_sc as plsc

N_ = 10000
E_ = 320000
D_ = 128
K_ = 64
B_ = 8
BK_ = B_ * K_
DA_ = 128
NCH_ = 10
NC_BLK = N_ // NCH_
ECH_ = 160
EC_BLK = E_ // ECH_
SC_CHUNK = 400



def _s_body(x_ref, w_ref, b_ref, bat_ref, out_ref):
    xb = x_ref[...]
    logits = jnp.dot(xb, w_ref[...], preferred_element_type=jnp.float32)
    logits = logits + b_ref[...]
    m = jnp.max(logits, axis=1, keepdims=True)
    e = jnp.exp(logits - m)
    s1 = e / jnp.sum(e, axis=1, keepdims=True)
    m2 = jnp.max(s1, axis=1, keepdims=True)
    e2 = jnp.exp(s1 - m2)
    s2 = e2 / jnp.sum(e2, axis=1, keepdims=True)
    pad = jnp.zeros((NC_BLK, DA_ - K_ - 1), dtype=jnp.float32)
    out_ref[...] = jnp.concatenate([s2, bat_ref[...], pad], axis=1)


def _s_kernel(x, W, b2, batch_f):
    return pl.pallas_call(
        _s_body,
        grid=(NCH_,),
        in_specs=[
            pl.BlockSpec((NC_BLK, D_), lambda i: (i, 0)),
            pl.BlockSpec((D_, K_), lambda i: (0, 0)),
            pl.BlockSpec((1, K_), lambda i: (0, 0)),
            pl.BlockSpec((NC_BLK, 1), lambda i: (i, 0)),
        ],
        out_specs=pl.BlockSpec((NC_BLK, DA_), lambda i: (i, 0)),
        out_shape=jax.ShapeDtypeStruct((N_, DA_), jnp.float32),
    )(x, W, b2, batch_f)



def _gather_body(table_hbm, src_hbm, dst_hbm, gs_hbm, gd_hbm,
                 idx0, idx1, rows0, rows1, gsem0, gsem1, osem0, osem1):
    info = plsc.get_sparse_core_info()
    nc = info.num_cores
    wid = lax.axis_index("s") * nc + lax.axis_index("c")
    per_tile = E_ // (nc * info.num_subcores)
    base = wid * per_tile
    nchunks = per_tile // SC_CHUNK
    idxb = (idx0, idx1)
    rowsb = (rows0, rows1)
    gsem = (gsem0, gsem1)
    osem = (osem0, osem1)
    plan = [(src_hbm, gs_hbm, j) for j in range(nchunks)] + \
           [(dst_hbm, gd_hbm, j) for j in range(nchunks)]
    g = [None, None]
    o = [None, None]
    for j, (idx_hbm, out_hbm, c) in enumerate(plan):
        bi = j & 1
        if j >= 2:
            o[bi].wait()
        off = base + c * SC_CHUNK
        pltpu.sync_copy(idx_hbm.at[pl.ds(off, SC_CHUNK)], idxb[bi])
        g[bi] = pltpu.async_copy(table_hbm.at[idxb[bi]], rowsb[bi], gsem[bi])
        if j >= 1:
            _, pout, pc = plan[j - 1]
            pbi = 1 - bi
            g[pbi].wait()
            o[pbi] = pltpu.async_copy(
                rowsb[pbi], pout.at[pl.ds(base + pc * SC_CHUNK, SC_CHUNK)],
                osem[pbi])
    lbi = (len(plan) - 1) & 1
    _, lout, lc = plan[-1]
    g[lbi].wait()
    o[lbi] = pltpu.async_copy(
        rowsb[lbi], lout.at[pl.ds(base + lc * SC_CHUNK, SC_CHUNK)],
        osem[lbi])
    o[0].wait()
    o[1].wait()


def _gather_kernel(s_aug, src, dst):
    mesh = plsc.VectorSubcoreMesh(core_axis_name="c", subcore_axis_name="s")
    fn = functools.partial(
        pl.kernel,
        mesh=mesh,
        out_type=[
            jax.ShapeDtypeStruct((E_, DA_), jnp.float32),
            jax.ShapeDtypeStruct((E_, DA_), jnp.float32),
        ],
        scratch_types=[
            pltpu.VMEM((SC_CHUNK,), jnp.int32),
            pltpu.VMEM((SC_CHUNK,), jnp.int32),
            pltpu.VMEM((SC_CHUNK, DA_), jnp.float32),
            pltpu.VMEM((SC_CHUNK, DA_), jnp.float32),
            pltpu.SemaphoreType.DMA,
            pltpu.SemaphoreType.DMA,
            pltpu.SemaphoreType.DMA,
            pltpu.SemaphoreType.DMA,
        ],
    )(_gather_body)
    return fn(s_aug, src, dst)



def _edge_body(gs_ref, gd_ref, w_ref, adjn_ref, scal_ref, adj_ref, den_ref):
    i = pl.program_id(0)

    @pl.when(i == 0)
    def _init():
        adj_ref[...] = jnp.zeros((BK_, BK_), jnp.float32)
        den_ref[0, 0] = 0.0

    gs = gs_ref[...]
    gd = gd_ref[...]
    w = w_ref[...]
    ss = gs[:, :K_]
    sd = gd[:, :K_]
    bs = gs[:, K_:K_ + 1]
    bd = gd[:, K_:K_ + 1]
    colb = (lax.broadcasted_iota(jnp.int32, (1, BK_), 1) // K_
            ).astype(jnp.float32)
    tiled_s = jnp.concatenate([ss] * B_, axis=1)
    tiled_d = jnp.concatenate([sd] * B_, axis=1)
    es = jnp.where(colb == bs, tiled_s, 0.0).astype(jnp.bfloat16)
    ed = jnp.where(colb == bd, tiled_d * w, 0.0).astype(jnp.bfloat16)
    adj_ref[...] += lax.dot_general(
        es, ed, (((0,), (0,)), ((), ())),
        preferred_element_type=jnp.float32)
    den_ref[0, 0] += jnp.sum(w * jnp.sum(sd * sd, axis=1, keepdims=True))

    @pl.when(i == ECH_ - 1)
    def _fin():
        r = lax.broadcasted_iota(jnp.int32, (BK_, BK_), 0)
        c = lax.broadcasted_iota(jnp.int32, (BK_, BK_), 1)
        eye = jnp.where(r == c, 1.0, 0.0).astype(jnp.float32)
        adj_raw = adj_ref[...]
        trace = jnp.sum(adj_raw * eye)
        adj = adj_raw * (1.0 - eye)
        srow = jnp.sum(adj, axis=1, keepdims=True)
        inv = 1.0 / (jnp.sqrt(srow) + 1e-12)
        inv_row = jnp.sum(eye * inv, axis=0, keepdims=True)
        adjn_ref[...] = adj * inv * inv_row
        r8 = lax.broadcasted_iota(jnp.int32, (8, 128), 0)
        c8 = lax.broadcasted_iota(jnp.int32, (8, 128), 1)
        scal_ref[...] = (jnp.where((r8 == 0) & (c8 == 0), trace, 0.0)
                         + jnp.where((r8 == 0) & (c8 == 1), den_ref[0, 0],
                                     0.0))


def _edge_kernel(gs, gd, w2):
    return pl.pallas_call(
        _edge_body,
        grid=(ECH_,),
        in_specs=[
            pl.BlockSpec((EC_BLK, DA_), lambda i: (i, 0)),
            pl.BlockSpec((EC_BLK, DA_), lambda i: (i, 0)),
            pl.BlockSpec((EC_BLK, 1), lambda i: (i, 0)),
        ],
        out_specs=[
            pl.BlockSpec((BK_, BK_), lambda i: (0, 0)),
            pl.BlockSpec((8, 128), lambda i: (0, 0)),
        ],
        out_shape=[
            jax.ShapeDtypeStruct((BK_, BK_), jnp.float32),
            jax.ShapeDtypeStruct((8, 128), jnp.float32),
        ],
        scratch_shapes=[
            pltpu.VMEM((BK_, BK_), jnp.float32),
            pltpu.SMEM((1, 1), jnp.float32),
        ],
    )(gs, gd, w2)



_SELU_ALPHA = 1.6732632423543772
_SELU_SCALE = 1.0507009873554805


def _node_body(saug_ref, x_ref, bat_ref,
               outx_ref, ortho_ref, cc_acc, xc_acc):
    i = pl.program_id(0)

    @pl.when(i == 0)
    def _init():
        cc_acc[...] = jnp.zeros((BK_, BK_), jnp.float32)
        xc_acc[...] = jnp.zeros((BK_, D_), jnp.float32)

    s = saug_ref[:, :K_]
    bat = bat_ref[...]
    colb = (lax.broadcasted_iota(jnp.int32, (1, BK_), 1) // K_
            ).astype(jnp.float32)
    cfull = jnp.where(colb == bat, jnp.concatenate([s] * B_, axis=1), 0.0)
    cc_acc[...] += lax.dot_general(
        cfull, cfull, (((0,), (0,)), ((), ())),
        preferred_element_type=jnp.float32)
    xc_acc[...] += lax.dot_general(
        cfull, x_ref[...], (((0,), (0,)), ((), ())),
        preferred_element_type=jnp.float32)

    @pl.when(i == NCH_ - 1)
    def _fin():
        r = lax.broadcasted_iota(jnp.int32, (BK_, BK_), 0)
        c = lax.broadcasted_iota(jnp.int32, (BK_, BK_), 1)
        eye = jnp.where(r == c, 1.0, 0.0).astype(jnp.float32)
        cc = cc_acc[...]
        seg = jnp.where(
            lax.broadcasted_iota(jnp.int32, (B_, BK_), 0)
            == lax.broadcasted_iota(jnp.int32, (B_, BK_), 1) // K_,
            1.0, 0.0).astype(jnp.float32)
        rowsq = jnp.sum(cc * cc, axis=1, keepdims=True)
        norm = jnp.sqrt(lax.dot_general(
            seg, rowsq, (((1,), (0,)), ((), ())),
            preferred_element_type=jnp.float32))
        col_scale = jnp.sum(seg * (1.0 / norm), axis=0,
                            keepdims=True)
        ccs = cc * col_scale
        dmat = ccs - eye / jnp.sqrt(jnp.float32(K_))
        rowsd = jnp.sum(dmat * dmat, axis=1, keepdims=True)
        segd = lax.dot_general(seg, rowsd, (((1,), (0,)), ((), ())),
                               preferred_element_type=jnp.float32)
        ortho = jnp.mean(jnp.sqrt(segd))
        r8 = lax.broadcasted_iota(jnp.int32, (8, 128), 0)
        c8 = lax.broadcasted_iota(jnp.int32, (8, 128), 1)
        ortho_ref[...] = jnp.where((r8 == 0) & (c8 == 0), ortho, 0.0)
        xc = xc_acc[...]
        outx_ref[...] = _SELU_SCALE * jnp.where(
            xc > 0.0, xc, _SELU_ALPHA * (jnp.exp(xc) - 1.0))


def _node_kernel(s_aug, x, batch_f):
    return pl.pallas_call(
        _node_body,
        grid=(NCH_,),
        in_specs=[
            pl.BlockSpec((NC_BLK, DA_), lambda i: (i, 0)),
            pl.BlockSpec((NC_BLK, D_), lambda i: (i, 0)),
            pl.BlockSpec((NC_BLK, 1), lambda i: (i, 0)),
        ],
        out_specs=[
            pl.BlockSpec((BK_, D_), lambda i: (0, 0)),
            pl.BlockSpec((8, 128), lambda i: (0, 0)),
        ],
        out_shape=[
            jax.ShapeDtypeStruct((BK_, D_), jnp.float32),
            jax.ShapeDtypeStruct((8, 128), jnp.float32),
        ],
        scratch_shapes=[
            pltpu.VMEM((BK_, BK_), jnp.float32),
            pltpu.VMEM((BK_, D_), jnp.float32),
        ],
    )(s_aug, x, batch_f)



def kernel(x, edge_index, edge_weight, batch, W, b):
    src = edge_index[0]
    dst = edge_index[1]
    batch_f = batch.astype(jnp.float32).reshape(N_, 1)
    b2 = b.reshape(1, K_)
    s_aug = _s_kernel(x, W, b2, batch_f)
    gs, gd = _gather_kernel(s_aug, src, dst)
    w2 = edge_weight.reshape(E_, 1)
    adj_norm, scal = _edge_kernel(gs, gd, w2)
    mincut_loss = -scal[0, 0] / scal[0, 1]
    out_x, ortho_scal = _node_kernel(s_aug, x, batch_f)
    return out_x, adj_norm, mincut_loss, ortho_scal[0, 0]

# --- scband reference (transcript-rebuilt; emitter-appended) ---
"""Pipeline reference for scband-mincut-pooling-layer-36515811951303 (READ-ONLY COPY).

The authoritative reference and input builder live on the scoring server;
editing this copy changes nothing except your own understanding.
"""

import jax, jax.numpy as jnp
import numpy as np

N = 10000
E = 320000
D = 128
K = 64
B = 8


def setup_inputs(seed: int = 0):
    key = jax.random.key(seed)
    k1, k2, k3, k4, k5 = jax.random.split(key, 5)
    x = jax.random.normal(k1, (N, D), dtype=jnp.float32)
    edge_index = jax.random.randint(k2, (2, E), 0, N, dtype=jnp.int32)
    edge_weight = jax.random.uniform(k3, (E,), dtype=jnp.float32)
    batch = jnp.sort(jax.random.randint(k4, (N,), 0, B, dtype=jnp.int32))
    W = jax.random.normal(k5, (D, K), dtype=jnp.float32) / np.sqrt(D)
    b = jnp.zeros((K,), dtype=jnp.float32)
    return {"x": x, "edge_index": edge_index, "edge_weight": edge_weight, "batch": batch, "W": W, "b": b}


def _mincut_forward(x, edge_weight, W, b, edge_index, batch):
    src, dst = edge_index[0], edge_index[1]
    # layer: s = softmax(linear(x)); mincut_pool applies softmax again (temp=1.0), faithful to original
    s = jax.nn.softmax(x @ W + b, axis=-1)
    s = jax.nn.softmax(s, axis=-1)
    BK = B * K
    ar_k = jnp.arange(K)
    # block-diagonal assignment matrix C_bd as dense [N, B*K]; node i occupies cols batch[i]*K ... +K
    cols = batch[:, None] * K + ar_k[None, :]
    C = jnp.zeros((N, BK), dtype=x.dtype).at[jnp.arange(N)[:, None], cols].set(s)
    # degree d = adj.sum(axis=0) -> column sums via scatter-add on dst
    d = jnp.zeros((N,), dtype=x.dtype).at[dst].add(edge_weight)
    # A @ C_bd via edge scatter: row src accumulates w * C[dst]; exploit K-sparsity of C rows
    AC = jnp.zeros((N, BK), dtype=x.dtype).at[src[:, None], batch[dst][:, None] * K + ar_k[None, :]].add(edge_weight[:, None] * s[dst])
    out_adj_raw = C.T @ AC
    # mincut loss: -trace(C^T A C) / trace(C^T D C)
    mincut_den = jnp.sum(d * jnp.sum(s * s, axis=1))
    mincut_loss = -jnp.trace(out_adj_raw) / mincut_den
    # orthogonality loss
    CC = C.T @ C
    CC_batch = jnp.repeat(jnp.arange(B), K)
    CC_norm = jnp.sqrt(jax.ops.segment_sum(jnp.sum(CC ** 2, axis=1), CC_batch, num_segments=B))
    CC_scaled = CC * jnp.repeat(1.0 / CC_norm, K)[None, :]
    I_div_k = jnp.eye(BK, dtype=x.dtype) / jnp.sqrt(jnp.float32(K))
    ortho_loss = jnp.mean(jnp.sqrt(jax.ops.segment_sum(jnp.sum((CC_scaled - I_div_k) ** 2, axis=1), CC_batch, num_segments=B)))
    # pooled adjacency: mask diagonal, symmetric degree-normalize
    out_adj = out_adj_raw * (1.0 - jnp.eye(BK, dtype=x.dtype))
    inv_d2 = 1.0 / (jnp.sqrt(jnp.sum(out_adj, axis=1)) + 1e-12)
    out_adj_norm = out_adj * inv_d2[:, None] * inv_d2[None, :]
    # pooled features: hsplit_and_vstack(s.T @ x_bd) == C_bd^T @ x, then SELU (from layer forward)
    out_x = jax.nn.selu(C.T @ x)
    return out_x, out_adj_norm, mincut_loss, ortho_loss


def reference(x, edge_index, edge_weight, batch, W, b):
    return _mincut_forward(x, edge_weight, W, b, edge_index, batch)

if __name__ == "__main__":
    import jax
    _d = setup_inputs()
    print(jax.jit(kernel)(*tuple(_d.values())))

</pallas_src>

<mosaic_0001>
#map = affine_map<(d0, d1) -> (0, 0)>
#map1 = affine_map<(d0, d1) -> (0)>
module attributes {stable_mosaic.version = 14 : i64} {
  func.func @_gather_body(%arg0: i32, %arg1: i32, %arg2: memref<10000x128xf32, #tpu.memory_space<hbm>>, %arg3: memref<320000xi32, #tpu.memory_space<hbm>>, %arg4: memref<320000xi32, #tpu.memory_space<hbm>>, %arg5: memref<320000x128xf32, #tpu.memory_space<hbm>>, %arg6: memref<320000x128xf32, #tpu.memory_space<hbm>>, %arg7: memref<400xi32, #tpu.memory_space<vmem>>, %arg8: memref<400xi32, #tpu.memory_space<vmem>>, %arg9: memref<400x128xf32, #tpu.memory_space<vmem>>, %arg10: memref<400x128xf32, #tpu.memory_space<vmem>>, %arg11: memref<!tpu.dma_semaphore, #tpu.memory_space<semaphore_mem>>, %arg12: memref<!tpu.dma_semaphore, #tpu.memory_space<semaphore_mem>>, %arg13: memref<!tpu.dma_semaphore, #tpu.memory_space<semaphore_mem>>, %arg14: memref<!tpu.dma_semaphore, #tpu.memory_space<semaphore_mem>>) attributes {dimension_semantics = [#tpu.dimension_semantics<core_parallel>, #tpu.dimension_semantics<subcore_parallel>], iteration_bounds = array<i64: 2, 16>, scalar_prefetch = 0 : i64, scratch_operands = 8 : i64, tpu.core_type = #tpu.core_type<sc_vector_subcore>, window_params = [{transform_indices = #map}, {transform_indices = #map1}, {transform_indices = #map1}, {transform_indices = #map}, {transform_indices = #map}]} {
    %mul3A = arith.constant 2 : i32
    %mul3A_0 = arith.muli %arg1, %mul3A : i32
    %add3A = arith.addi %mul3A_0, %arg0 : i32
    %mul3A_1 = arith.constant 10000 : i32
    %mul3A_2 = arith.muli %add3A, %mul3A_1 : i32
    %add3A_3 = arith.constant 0 : i32
    %add3A_4 = arith.addi %mul3A_2, %add3A_3 : i32
    "tpu.region"() ({
      %run_scoped3A = tpu.sem_alloc : memref<!tpu.dma_semaphore, #tpu.memory_space<semaphore_mem>>
      %dma_start3A_901 = tpu.memref_slice %arg3[%add3A_4] : memref<320000xi32, #tpu.memory_space<hbm>> -> memref<400xi32, #tpu.memory_space<hbm>>
      %dma_start3A_902 = tpu.memref_slice %arg3[%add3A_4] : memref<320000xi32, #tpu.memory_space<hbm>> -> memref<400xi32, #tpu.memory_space<hbm>>
      tpu.enqueue_dma source(%dma_start3A_902 : memref<400xi32, #tpu.memory_space<hbm>>) target(%arg7 : memref<400xi32, #tpu.memory_space<vmem>>) target_semaphore(%run_scoped3A : memref<!tpu.dma_semaphore, #tpu.memory_space<semaphore_mem>>)
      %dma_wait3A_903 = tpu.memref_slice %arg3[%add3A_4] : memref<320000xi32, #tpu.memory_space<hbm>> -> memref<400xi32, #tpu.memory_space<hbm>>
      %dma_wait3A_904 = tpu.memref_slice %arg3[%add3A_4] : memref<320000xi32, #tpu.memory_space<hbm>> -> memref<400xi32, #tpu.memory_space<hbm>>
      tpu.wait_dma2 semaphore(%run_scoped3A : memref<!tpu.dma_semaphore, #tpu.memory_space<semaphore_mem>>) src(%dma_wait3A_904 : memref<400xi32, #tpu.memory_space<hbm>>) dst(%arg7 : memref<400xi32, #tpu.memory_space<vmem>>)
      tpu.yield
    }) : () -> ()
    %dma_start3A = arith.constant 0 : i32
    %dma_start3A_5 = arith.constant 0 : i32
    %dma_start3A_6 = tpu.memref_slice %arg2[%dma_start3A, %dma_start3A_5] : memref<10000x128xf32, #tpu.memory_space<hbm>> -> memref<10000x128xf32, #tpu.memory_space<hbm>>
    tpu.enqueue_indirect_dma source(%dma_start3A_6 : memref<10000x128xf32, #tpu.memory_space<hbm>>) target(%arg9 : memref<400x128xf32, #tpu.memory_space<vmem>>) offsets(%arg7 : memref<400xi32, #tpu.memory_space<vmem>>) semaphore(%arg11 : memref<!tpu.dma_semaphore, #tpu.memory_space<semaphore_mem>>)
    %add3A_7 = arith.constant 400 : i32
    %add3A_8 = arith.addi %mul3A_2, %add3A_7 : i32
    "tpu.region"() ({
      %run_scoped3A = tpu.sem_alloc : memref<!tpu.dma_semaphore, #tpu.memory_space<semaphore_mem>>
      %dma_start3A_901 = tpu.memref_slice %arg3[%add3A_8] : memref<320000xi32, #tpu.memory_space<hbm>> -> memref<400xi32, #tpu.memory_space<hbm>>
      %dma_start3A_902 = tpu.memref_slice %arg3[%add3A_8] : memref<320000xi32, #tpu.memory_space<hbm>> -> memref<400xi32, #tpu.memory_space<hbm>>
      tpu.enqueue_dma source(%dma_start3A_902 : memref<400xi32, #tpu.memory_space<hbm>>) target(%arg8 : memref<400xi32, #tpu.memory_space<vmem>>) target_semaphore(%run_scoped3A : memref<!tpu.dma_semaphore, #tpu.memory_space<semaphore_mem>>)
      %dma_wait3A_903 = tpu.memref_slice %arg3[%add3A_8] : memref<320000xi32, #tpu.memory_space<hbm>> -> memref<400xi32, #tpu.memory_space<hbm>>
      %dma_wait3A_904 = tpu.memref_slice %arg3[%add3A_8] : memref<320000xi32, #tpu.memory_space<hbm>> -> memref<400xi32, #tpu.memory_space<hbm>>
      tpu.wait_dma2 semaphore(%run_scoped3A : memref<!tpu.dma_semaphore, #tpu.memory_space<semaphore_mem>>) src(%dma_wait3A_904 : memref<400xi32, #tpu.memory_space<hbm>>) dst(%arg8 : memref<400xi32, #tpu.memory_space<vmem>>)
      tpu.yield
    }) : () -> ()
    %dma_start3A_9 = arith.constant 0 : i32
    %dma_start3A_10 = arith.constant 0 : i32
    %dma_start3A_11 = tpu.memref_slice %arg2[%dma_start3A_9, %dma_start3A_10] : memref<10000x128xf32, #tpu.memory_space<hbm>> -> memref<10000x128xf32, #tpu.memory_space<hbm>>
    tpu.enqueue_indirect_dma source(%dma_start3A_11 : memref<10000x128xf32, #tpu.memory_space<hbm>>) target(%arg10 : memref<400x128xf32, #tpu.memory_space<vmem>>) offsets(%arg8 : memref<400xi32, #tpu.memory_space<vmem>>) semaphore(%arg12 : memref<!tpu.dma_semaphore, #tpu.memory_space<semaphore_mem>>)
    %dma_wait3A = arith.constant 0 : i32
    %dma_wait3A_12 = arith.constant 0 : i32
    %dma_wait3A_13 = tpu.memref_slice %arg2[%dma_wait3A, %dma_wait3A_12] : memref<10000x128xf32, #tpu.memory_space<hbm>> -> memref<10000x128xf32, #tpu.memory_space<hbm>>
    tpu.wait_indirect_dma semaphore(%arg11 : memref<!tpu.dma_semaphore, #tpu.memory_space<semaphore_mem>>) src(%dma_wait3A_13 : memref<10000x128xf32, #tpu.memory_space<hbm>>) dst(%arg9 : memref<400x128xf32, #tpu.memory_space<vmem>>)
    %add3A_14 = arith.constant 0 : i32
    %add3A_15 = arith.addi %mul3A_2, %add3A_14 : i32
    %dma_start3A_16 = arith.constant 0 : i32
    %dma_start3A_17 = tpu.memref_slice %arg5[%add3A_15, %dma_start3A_16] : memref<320000x128xf32, #tpu.memory_space<hbm>> -> memref<400x128xf32, #tpu.memory_space<hbm>>
    %dma_start3A_18 = arith.constant 0 : i32
    %dma_start3A_19 = tpu.memref_slice %arg5[%add3A_15, %dma_start3A_18] : memref<320000x128xf32, #tpu.memory_space<hbm>> -> memref<400x128xf32, #tpu.memory_space<hbm>>
    tpu.enqueue_dma source(%arg9 : memref<400x128xf32, #tpu.memory_space<vmem>>) target(%dma_start3A_19 : memref<400x128xf32, #tpu.memory_space<hbm>>) target_semaphore(%arg13 : memref<!tpu.dma_semaphore, #tpu.memory_space<semaphore_mem>>)
    %dma_wait3A_20 = arith.constant 0 : i32
    %dma_wait3A_21 = tpu.memref_slice %arg5[%add3A_15, %dma_wait3A_20] : memref<320000x128xf32, #tpu.memory_space<hbm>> -> memref<400x128xf32, #tpu.memory_space<hbm>>
    %dma_wait3A_22 = arith.constant 0 : i32
    %dma_wait3A_23 = tpu.memref_slice %arg5[%add3A_15, %dma_wait3A_22] : memref<320000x128xf32, #tpu.memory_space<hbm>> -> memref<400x128xf32, #tpu.memory_space<hbm>>
    tpu.wait_dma2 semaphore(%arg13 : memref<!tpu.dma_semaphore, #tpu.memory_space<semaphore_mem>>) src(%arg9 : memref<400x128xf32, #tpu.memory_space<vmem>>) dst(%dma_wait3A_23 : memref<400x128xf32, #tpu.memory_space<hbm>>)
    %add3A_24 = arith.constant 800 : i32
    %add3A_25 = arith.addi %mul3A_2, %add3A_24 : i32
    "tpu.region"() ({
      %run_scoped3A = tpu.sem_alloc : memref<!tpu.dma_semaphore, #tpu.memory_space<semaphore_mem>>
      %dma_start3A_901 = tpu.memref_slice %arg3[%add3A_25] : memref<320000xi32, #tpu.memory_space<hbm>> -> memref<400xi32, #tpu.memory_space<hbm>>
      %dma_start3A_902 = tpu.memref_slice %arg3[%add3A_25] : memref<320000xi32, #tpu.memory_space<hbm>> -> memref<400xi32, #tpu.memory_space<hbm>>
      tpu.enqueue_dma source(%dma_start3A_902 : memref<400xi32, #tpu.memory_space<hbm>>) target(%arg7 : memref<400xi32, #tpu.memory_space<vmem>>) target_semaphore(%run_scoped3A : memref<!tpu.dma_semaphore, #tpu.memory_space<semaphore_mem>>)
      %dma_wait3A_903 = tpu.memref_slice %arg3[%add3A_25] : memref<320000xi32, #tpu.memory_space<hbm>> -> memref<400xi32, #tpu.memory_space<hbm>>
      %dma_wait3A_904 = tpu.memref_slice %arg3[%add3A_25] : memref<320000xi32, #tpu.memory_space<hbm>> -> memref<400xi32, #tpu.memory_space<hbm>>
      tpu.wait_dma2 semaphore(%run_scoped3A : memref<!tpu.dma_semaphore, #tpu.memory_space<semaphore_mem>>) src(%dma_wait3A_904 : memref<400xi32, #tpu.memory_space<hbm>>) dst(%arg7 : memref<400xi32, #tpu.memory_space<vmem>>)
      tpu.yield
    }) : () -> ()
    %dma_start3A_26 = arith.constant 0 : i32
    %dma_start3A_27 = arith.constant 0 : i32
    %dma_start3A_28 = tpu.memref_slice %arg2[%dma_start3A_26, %dma_start3A_27] : memref<10000x128xf32, #tpu.memory_space<hbm>> -> memref<10000x128xf32, #tpu.memory_space<hbm>>
    tpu.enqueue_indirect_dma source(%dma_start3A_28 : memref<10000x128xf32, #tpu.memory_space<hbm>>) target(%arg9 : memref<400x128xf32, #tpu.memory_space<vmem>>) offsets(%arg7 : memref<400xi32, #tpu.memory_space<vmem>>) semaphore(%arg11 : memref<!tpu.dma_semaphore, #tpu.memory_space<semaphore_mem>>)
    %dma_wait3A_29 = arith.constant 0 : i32
    %dma_wait3A_30 = arith.constant 0 : i32
    %dma_wait3A_31 = tpu.memref_slice %arg2[%dma_wait3A_29, %dma_wait3A_30] : memref<10000x128xf32, #tpu.memory_space<hbm>> -> memref<10000x128xf32, #tpu.memory_space<hbm>>
    tpu.wait_indirect_dma semaphore(%arg12 : memref<!tpu.dma_semaphore, #tpu.memory_space<semaphore_mem>>) src(%dma_wait3A_31 : memref<10000x128xf32, #tpu.memory_space<hbm>>) dst(%arg10 : memref<400x128xf32, #tpu.memory_space<vmem>>)
    %add3A_32 = arith.constant 400 : i32
    %add3A_33 = arith.addi %mul3A_2, %add3A_32 : i32
    %dma_start3A_34 = arith.constant 0 : i32
    %dma_start3A_35 = tpu.memref_slice %arg5[%add3A_33, %dma_start3A_34] : memref<320000x128xf32, #tpu.memory_space<hbm>> -> memref<400x128xf32, #tpu.memory_space<hbm>>
    %dma_start3A_36 = arith.constant 0 : i32
    %dma_start3A_37 = tpu.memref_slice %arg5[%add3A_33, %dma_start3A_36] : memref<320000x128xf32, #tpu.memory_space<hbm>> -> memref<400x128xf32, #tpu.memory_space<hbm>>
    tpu.enqueue_dma source(%arg10 : memref<400x128xf32, #tpu.memory_space<vmem>>) target(%dma_start3A_37 : memref<400x128xf32, #tpu.memory_space<hbm>>) target_semaphore(%arg14 : memref<!tpu.dma_semaphore, #tpu.memory_space<semaphore_mem>>)
    %dma_wait3A_38 = arith.constant 0 : i32
    %dma_wait3A_39 = tpu.memref_slice %arg5[%add3A_33, %dma_wait3A_38] : memref<320000x128xf32, #tpu.memory_space<hbm>> -> memref<400x128xf32, #tpu.memory_space<hbm>>
    %dma_wait3A_40 = arith.constant 0 : i32
    %dma_wait3A_41 = tpu.memref_slice %arg5[%add3A_33, %dma_wait3A_40] : memref<320000x128xf32, #tpu.memory_space<hbm>> -> memref<400x128xf32, #tpu.memory_space<hbm>>
    tpu.wait_dma2 semaphore(%arg14 : memref<!tpu.dma_semaphore, #tpu.memory_space<semaphore_mem>>) src(%arg10 : memref<400x128xf32, #tpu.memory_space<vmem>>) dst(%dma_wait3A_41 : memref<400x128xf32, #tpu.memory_space<hbm>>)
    %add3A_42 = arith.constant 1200 : i32
    %add3A_43 = arith.addi %mul3A_2, %add3A_42 : i32
    "tpu.region"() ({
      %run_scoped3A = tpu.sem_alloc : memref<!tpu.dma_semaphore, #tpu.memory_space<semaphore_mem>>
      %dma_start3A_901 = tpu.memref_slice %arg3[%add3A_43] : memref<320000xi32, #tpu.memory_space<hbm>> -> memref<400xi32, #tpu.memory_space<hbm>>
      %dma_start3A_902 = tpu.memref_slice %arg3[%add3A_43] : memref<320000xi32, #tpu.memory_space<hbm>> -> memref<400xi32, #tpu.memory_space<hbm>>
      tpu.enqueue_dma source(%dma_start3A_902 : memref<400xi32, #tpu.memory_space<hbm>>) target(%arg8 : memref<400xi32, #tpu.memory_space<vmem>>) target_semaphore(%run_scoped3A : memref<!tpu.dma_semaphore, #tpu.memory_space<semaphore_mem>>)
      %dma_wait3A_903 = tpu.memref_slice %arg3[%add3A_43] : memref<320000xi32, #tpu.memory_space<hbm>> -> memref<400xi32, #tpu.memory_space<hbm>>
      %dma_wait3A_904 = tpu.memref_slice %arg3[%add3A_43] : memref<320000xi32, #tpu.memory_space<hbm>> -> memref<400xi32, #tpu.memory_space<hbm>>
      tpu.wait_dma2 semaphore(%run_scoped3A : memref<!tpu.dma_semaphore, #tpu.memory_space<semaphore_mem>>) src(%dma_wait3A_904 : memref<400xi32, #tpu.memory_space<hbm>>) dst(%arg8 : memref<400xi32, #tpu.memory_space<vmem>>)
      tpu.yield
    }) : () -> ()
    %dma_start3A_44 = arith.constant 0 : i32
    %dma_start3A_45 = arith.constant 0 : i32
    %dma_start3A_46 = tpu.memref_slice %arg2[%dma_start3A_44, %dma_start3A_45] : memref<10000x128xf32, #tpu.memory_space<hbm>> -> memref<10000x128xf32, #tpu.memory_space<hbm>>
    tpu.enqueue_indirect_dma source(%dma_start3A_46 : memref<10000x128xf32, #tpu.memory_space<hbm>>) target(%arg10 : memref<400x128xf32, #tpu.memory_space<vmem>>) offsets(%arg8 : memref<400xi32, #tpu.memory_space<vmem>>) semaphore(%arg12 : memref<!tpu.dma_semaphore, #tpu.memory_space<semaphore_mem>>)
    %dma_wait3A_47 = arith.constant 0 : i32
    %dma_wait3A_48 = arith.constant 0 : i32
    %dma_wait3A_49 = tpu.memref_slice %arg2[%dma_wait3A_47, %dma_wait3A_48] : memref<10000x128xf32, #tpu.memory_space<hbm>> -> memref<10000x128xf32, #tpu.memory_space<hbm>>
    tpu.wait_indirect_dma semaphore(%arg11 : memref<!tpu.dma_semaphore, #tpu.memory_space<semaphore_mem>>) src(%dma_wait3A_49 : memref<10000x128xf32, #tpu.memory_space<hbm>>) dst(%arg9 : memref<400x128xf32, #tpu.memory_space<vmem>>)
    %add3A_50 = arith.constant 800 : i32
    %add3A_51 = arith.addi %mul3A_2, %add3A_50 : i32
    %dma_start3A_52 = arith.constant 0 : i32
    %dma_start3A_53 = tpu.memref_slice %arg5[%add3A_51, %dma_start3A_52] : memref<320000x128xf32, #tpu.memory_space<hbm>> -> memref<400x128xf32, #tpu.memory_space<hbm>>
    %dma_start3A_54 = arith.constant 0 : i32
    %dma_start3A_55 = tpu.memref_slice %arg5[%add3A_51, %dma_start3A_54] : memref<320000x128xf32, #tpu.memory_space<hbm>> -> memref<400x128xf32, #tpu.memory_space<hbm>>
    tpu.enqueue_dma source(%arg9 : memref<400x128xf32, #tpu.memory_space<vmem>>) target(%dma_start3A_55 : memref<400x128xf32, #tpu.memory_space<hbm>>) target_semaphore(%arg13 : memref<!tpu.dma_semaphore, #tpu.memory_space<semaphore_mem>>)
    %dma_wait3A_56 = arith.constant 0 : i32
    %dma_wait3A_57 = tpu.memref_slice %arg5[%add3A_51, %dma_wait3A_56] : memref<320000x128xf32, #tpu.memory_space<hbm>> -> memref<400x128xf32, #tpu.memory_space<hbm>>
    %dma_wait3A_58 = arith.constant 0 : i32
    %dma_wait3A_59 = tpu.memref_slice %arg5[%add3A_51, %dma_wait3A_58] : memref<320000x128xf32, #tpu.memory_space<hbm>> -> memref<400x128xf32, #tpu.memory_space<hbm>>
    tpu.wait_dma2 semaphore(%arg13 : memref<!tpu.dma_semaphore, #tpu.memory_space<semaphore_mem>>) src(%arg9 : memref<400x128xf32, #tpu.memory_space<vmem>>) dst(%dma_wait3A_59 : memref<400x128xf32, #tpu.memory_space<hbm>>)
    %add3A_60 = arith.constant 1600 : i32
    %add3A_61 = arith.addi %mul3A_2, %add3A_60 : i32
    "tpu.region"() ({
      %run_scoped3A = tpu.sem_alloc : memref<!tpu.dma_semaphore, #tpu.memory_space<semaphore_mem>>
      %dma_start3A_901 = tpu.memref_slice %arg3[%add3A_61] : memref<320000xi32, #tpu.memory_space<hbm>> -> memref<400xi32, #tpu.memory_space<hbm>>
      %dma_start3A_902 = tpu.memref_slice %arg3[%add3A_61] : memref<320000xi32, #tpu.memory_space<hbm>> -> memref<400xi32, #tpu.memory_space<hbm>>
      tpu.enqueue_dma source(%dma_start3A_902 : memref<400xi32, #tpu.memory_space<hbm>>) target(%arg7 : memref<400xi32, #tpu.memory_space<vmem>>) target_semaphore(%run_scoped3A : memref<!tpu.dma_semaphore, #tpu.memory_space<semaphore_mem>>)
      %dma_wait3A_903 = tpu.memref_slice %arg3[%add3A_61] : memref<320000xi32, #tpu.memory_space<hbm>> -> memref<400xi32, #tpu.memory_space<hbm>>
      %dma_wait3A_904 = tpu.memref_slice %arg3[%add3A_61] : memref<320000xi32, #tpu.memory_space<hbm>> -> memref<400xi32, #tpu.memory_space<hbm>>
      tpu.wait_dma2 semaphore(%run_scoped3A : memref<!tpu.dma_semaphore, #tpu.memory_space<semaphore_mem>>) src(%dma_wait3A_904 : memref<400xi32, #tpu.memory_space<hbm>>) dst(%arg7 : memref<400xi32, #tpu.memory_space<vmem>>)
      tpu.yield
    }) : () -> ()
    %dma_start3A_62 = arith.constant 0 : i32
    %dma_start3A_63 = arith.constant 0 : i32
    %dma_start3A_64 = tpu.memref_slice %arg2[%dma_start3A_62, %dma_start3A_63] : memref<10000x128xf32, #tpu.memory_space<hbm>> -> memref<10000x128xf32, #tpu.memory_space<hbm>>
    tpu.enqueue_indirect_dma source(%dma_start3A_64 : memref<10000x128xf32, #tpu.memory_space<hbm>>) target(%arg9 : memref<400x128xf32, #tpu.memory_space<vmem>>) offsets(%arg7 : memref<400xi32, #tpu.memory_space<vmem>>) semaphore(%arg11 : memref<!tpu.dma_semaphore, #tpu.memory_space<semaphore_mem>>)
    %dma_wait3A_65 = arith.constant 0 : i32
    %dma_wait3A_66 = arith.constant 0 : i32
    %dma_wait3A_67 = tpu.memref_slice %arg2[%dma_wait3A_65, %dma_wait3A_66] : memref<10000x128xf32, #tpu.memory_space<hbm>> -> memref<10000x128xf32, #tpu.memory_space<hbm>>
    tpu.wait_indirect_dma semaphore(%arg12 : memref<!tpu.dma_semaphore, #tpu.memory_space<semaphore_mem>>) src(%dma_wait3A_67 : memref<10000x128xf32, #tpu.memory_space<hbm>>) dst(%arg10 : memref<400x128xf32, #tpu.memory_space<vmem>>)
    %add3A_68 = arith.constant 1200 : i32
    %add3A_69 = arith.addi %mul3A_2, %add3A_68 : i32
    %dma_start3A_70 = arith.constant 0 : i32
    %dma_start3A_71 = tpu.memref_slice %arg5[%add3A_69, %dma_start3A_70] : memref<320000x128xf32, #tpu.memory_space<hbm>> -> memref<400x128xf32, #tpu.memory_space<hbm>>
    %dma_start3A_72 = arith.constant 0 : i32
    %dma_start3A_73 = tpu.memref_slice %arg5[%add3A_69, %dma_start3A_72] : memref<320000x128xf32, #tpu.memory_space<hbm>> -> memref<400x128xf32, #tpu.memory_space<hbm>>
    tpu.enqueue_dma source(%arg10 : memref<400x128xf32, #tpu.memory_space<vmem>>) target(%dma_start3A_73 : memref<400x128xf32, #tpu.memory_space<hbm>>) target_semaphore(%arg14 : memref<!tpu.dma_semaphore, #tpu.memory_space<semaphore_mem>>)
    %dma_wait3A_74 = arith.constant 0 : i32
    %dma_wait3A_75 = tpu.memref_slice %arg5[%add3A_69, %dma_wait3A_74] : memref<320000x128xf32, #tpu.memory_space<hbm>> -> memref<400x128xf32, #tpu.memory_space<hbm>>
    %dma_wait3A_76 = arith.constant 0 : i32
    %dma_wait3A_77 = tpu.memref_slice %arg5[%add3A_69, %dma_wait3A_76] : memref<320000x128xf32, #tpu.memory_space<hbm>> -> memref<400x128xf32, #tpu.memory_space<hbm>>
    tpu.wait_dma2 semaphore(%arg14 : memref<!tpu.dma_semaphore, #tpu.memory_space<semaphore_mem>>) src(%arg10 : memref<400x128xf32, #tpu.memory_space<vmem>>) dst(%dma_wait3A_77 : memref<400x128xf32, #tpu.memory_space<hbm>>)
    %add3A_78 = arith.constant 2000 : i32
    %add3A_79 = arith.addi %mul3A_2, %add3A_78 : i32
    "tpu.region"() ({
      %run_scoped3A = tpu.sem_alloc : memref<!tpu.dma_semaphore, #tpu.memory_space<semaphore_mem>>
      %dma_start3A_901 = tpu.memref_slice %arg3[%add3A_79] : memref<320000xi32, #tpu.memory_space<hbm>> -> memref<400xi32, #tpu.memory_space<hbm>>
      %dma_start3A_902 = tpu.memref_slice %arg3[%add3A_79] : memref<320000xi32, #tpu.memory_space<hbm>> -> memref<400xi32, #tpu.memory_space<hbm>>
      tpu.enqueue_dma source(%dma_start3A_902 : memref<400xi32, #tpu.memory_space<hbm>>) target(%arg8 : memref<400xi32, #tpu.memory_space<vmem>>) target_semaphore(%run_scoped3A : memref<!tpu.dma_semaphore, #tpu.memory_space<semaphore_mem>>)
      %dma_wait3A_903 = tpu.memref_slice %arg3[%add3A_79] : memref<320000xi32, #tpu.memory_space<hbm>> -> memref<400xi32, #tpu.memory_space<hbm>>
      %dma_wait3A_904 = tpu.memref_slice %arg3[%add3A_79] : memref<320000xi32, #tpu.memory_space<hbm>> -> memref<400xi32, #tpu.memory_space<hbm>>
      tpu.wait_dma2 semaphore(%run_scoped3A : memref<!tpu.dma_semaphore, #tpu.memory_space<semaphore_mem>>) src(%dma_wait3A_904 : memref<400xi32, #tpu.memory_space<hbm>>) dst(%arg8 : memref<400xi32, #tpu.memory_space<vmem>>)
      tpu.yield
    }) : () -> ()
    %dma_start3A_80 = arith.constant 0 : i32
    %dma_start3A_81 = arith.constant 0 : i32
    %dma_start3A_82 = tpu.memref_slice %arg2[%dma_start3A_80, %dma_start3A_81] : memref<10000x128xf32, #tpu.memory_space<hbm>> -> memref<10000x128xf32, #tpu.memory_space<hbm>>
    tpu.enqueue_indirect_dma source(%dma_start3A_82 : memref<10000x128xf32, #tpu.memory_space<hbm>>) target(%arg10 : memref<400x128xf32, #tpu.memory_space<vmem>>) offsets(%arg8 : memref<400xi32, #tpu.memory_space<vmem>>) semaphore(%arg12 : memref<!tpu.dma_semaphore, #tpu.memory_space<semaphore_mem>>)
    %dma_wait3A_83 = arith.constant 0 : i32
    %dma_wait3A_84 = arith.constant 0 : i32
    %dma_wait3A_85 = tpu.memref_slice %arg2[%dma_wait3A_83, %dma_wait3A_84] : memref<10000x128xf32, #tpu.memory_space<hbm>> -> memref<10000x128xf32, #tpu.memory_space<hbm>>
    tpu.wait_indirect_dma semaphore(%arg11 : memref<!tpu.dma_semaphore, #tpu.memory_space<semaphore_mem>>) src(%dma_wait3A_85 : memref<10000x128xf32, #tpu.memory_space<hbm>>) dst(%arg9 : memref<400x128xf32, #tpu.memory_space<vmem>>)
    %add3A_86 = arith.constant 1600 : i32
    %add3A_87 = arith.addi %mul3A_2, %add3A_86 : i32
    %dma_start3A_88 = arith.constant 0 : i32
    %dma_start3A_89 = tpu.memref_slice %arg5[%add3A_87, %dma_start3A_88] : memref<320000x128xf32, #tpu.memory_space<hbm>> -> memref<400x128xf32, #tpu.memory_space<hbm>>
    %dma_start3A_90 = arith.constant 0 : i32
    %dma_start3A_91 = tpu.memref_slice %arg5[%add3A_87, %dma_start3A_90] : memref<320000x128xf32, #tpu.memory_space<hbm>> -> memref<400x128xf32, #tpu.memory_space<hbm>>
    tpu.enqueue_dma source(%arg9 : memref<400x128xf32, #tpu.memory_space<vmem>>) target(%dma_start3A_91 : memref<400x128xf32, #tpu.memory_space<hbm>>) target_semaphore(%arg13 : memref<!tpu.dma_semaphore, #tpu.memory_space<semaphore_mem>>)
    %dma_wait3A_92 = arith.constant 0 : i32
    %dma_wait3A_93 = tpu.memref_slice %arg5[%add3A_87, %dma_wait3A_92] : memref<320000x128xf32, #tpu.memory_space<hbm>> -> memref<400x128xf32, #tpu.memory_space<hbm>>
    %dma_wait3A_94 = arith.constant 0 : i32
    %dma_wait3A_95 = tpu.memref_slice %arg5[%add3A_87, %dma_wait3A_94] : memref<320000x128xf32, #tpu.memory_space<hbm>> -> memref<400x128xf32, #tpu.memory_space<hbm>>
    tpu.wait_dma2 semaphore(%arg13 : memref<!tpu.dma_semaphore, #tpu.memory_space<semaphore_mem>>) src(%arg9 : memref<400x128xf32, #tpu.memory_space<vmem>>) dst(%dma_wait3A_95 : memref<400x128xf32, #tpu.memory_space<hbm>>)
    %add3A_96 = arith.constant 2400 : i32
    %add3A_97 = arith.addi %mul3A_2, %add3A_96 : i32
    "tpu.region"() ({
      %run_scoped3A = tpu.sem_alloc : memref<!tpu.dma_semaphore, #tpu.memory_space<semaphore_mem>>
      %dma_start3A_901 = tpu.memref_slice %arg3[%add3A_97] : memref<320000xi32, #tpu.memory_space<hbm>> -> memref<400xi32, #tpu.memory_space<hbm>>
      %dma_start3A_902 = tpu.memref_slice %arg3[%add3A_97] : memref<320000xi32, #tpu.memory_space<hbm>> -> memref<400xi32, #tpu.memory_space<hbm>>
      tpu.enqueue_dma source(%dma_start3A_902 : memref<400xi32, #tpu.memory_space<hbm>>) target(%arg7 : memref<400xi32, #tpu.memory_space<vmem>>) target_semaphore(%run_scoped3A : memref<!tpu.dma_semaphore, #tpu.memory_space<semaphore_mem>>)
      %dma_wait3A_903 = tpu.memref_slice %arg3[%add3A_97] : memref<320000xi32, #tpu.memory_space<hbm>> -> memref<400xi32, #tpu.memory_space<hbm>>
      %dma_wait3A_904 = tpu.memref_slice %arg3[%add3A_97] : memref<320000xi32, #tpu.memory_space<hbm>> -> memref<400xi32, #tpu.memory_space<hbm>>
      tpu.wait_dma2 semaphore(%run_scoped3A : memref<!tpu.dma_semaphore, #tpu.memory_space<semaphore_mem>>) src(%dma_wait3A_904 : memref<400xi32, #tpu.memory_space<hbm>>) dst(%arg7 : memref<400xi32, #tpu.memory_space<vmem>>)
      tpu.yield
    }) : () -> ()
    %dma_start3A_98 = arith.constant 0 : i32
    %dma_start3A_99 = arith.constant 0 : i32
    %dma_start3A_100 = tpu.memref_slice %arg2[%dma_start3A_98, %dma_start3A_99] : memref<10000x128xf32, #tpu.memory_space<hbm>> -> memref<10000x128xf32, #tpu.memory_space<hbm>>
    tpu.enqueue_indirect_dma source(%dma_start3A_100 : memref<10000x128xf32, #tpu.memory_space<hbm>>) target(%arg9 : memref<400x128xf32, #tpu.memory_space<vmem>>) offsets(%arg7 : memref<400xi32, #tpu.memory_space<vmem>>) semaphore(%arg11 : memref<!tpu.dma_semaphore, #tpu.memory_space<semaphore_mem>>)
    %dma_wait3A_101 = arith.constant 0 : i32
    %dma_wait3A_102 = arith.constant 0 : i32
    %dma_wait3A_103 = tpu.memref_slice %arg2[%dma_wait3A_101, %dma_wait3A_102] : memref<10000x128xf32, #tpu.memory_space<hbm>> -> memref<10000x128xf32, #tpu.memory_space<hbm>>
    tpu.wait_indirect_dma semaphore(%arg12 : memref<!tpu.dma_semaphore, #tpu.memory_space<semaphore_mem>>) src(%dma_wait3A_103 : memref<10000x128xf32, #tpu.memory_space<hbm>>) dst(%arg10 : memref<400x128xf32, #tpu.memory_space<vmem>>)
    %add3A_104 = arith.constant 2000 : i32
    %add3A_105 = arith.addi %mul3A_2, %add3A_104 : i32
    %dma_start3A_106 = arith.constant 0 : i32
    %dma_start3A_107 = tpu.memref_slice %arg5[%add3A_105, %dma_start3A_106] : memref<320000x128xf32, #tpu.memory_space<hbm>> -> memref<400x128xf32, #tpu.memory_space<hbm>>
    %dma_start3A_108 = arith.constant 0 : i32
    %dma_start3A_109 = tpu.memref_slice %arg5[%add3A_105, %dma_start3A_108] : memref<320000x128xf32, #tpu.memory_space<hbm>> -> memref<400x128xf32, #tpu.memory_space<hbm>>
    tpu.enqueue_dma source(%arg10 : memref<400x128xf32, #tpu.memory_space<vmem>>) target(%dma_start3A_109 : memref<400x128xf32, #tpu.memory_space<hbm>>) target_semaphore(%arg14 : memref<!tpu.dma_semaphore, #tpu.memory_space<semaphore_mem>>)
    %dma_wait3A_110 = arith.constant 0 : i32
    %dma_wait3A_111 = tpu.memref_slice %arg5[%add3A_105, %dma_wait3A_110] : memref<320000x128xf32, #tpu.memory_space<hbm>> -> memref<400x128xf32, #tpu.memory_space<hbm>>
    %dma_wait3A_112 = arith.constant 0 : i32
    %dma_wait3A_113 = tpu.memref_slice %arg5[%add3A_105, %dma_wait3A_112] : memref<320000x128xf32, #tpu.memory_space<hbm>> -> memref<400x128xf32, #tpu.memory_space<hbm>>
    tpu.wait_dma2 semaphore(%arg14 : memref<!tpu.dma_semaphore, #tpu.memory_space<semaphore_mem>>) src(%arg10 : memref<400x128xf32, #tpu.memory_space<vmem>>) dst(%dma_wait3A_113 : memref<400x128xf32, #tpu.memory_space<hbm>>)
    %add3A_114 = arith.constant 2800 : i32
    %add3A_115 = arith.addi %mul3A_2, %add3A_114 : i32
    "tpu.region"() ({
      %run_scoped3A = tpu.sem_alloc : memref<!tpu.dma_semaphore, #tpu.memory_space<semaphore_mem>>
      %dma_start3A_901 = tpu.memref_slice %arg3[%add3A_115] : memref<320000xi32, #tpu.memory_space<hbm>> -> memref<400xi32, #tpu.memory_space<hbm>>
      %dma_start3A_902 = tpu.memref_slice %arg3[%add3A_115] : memref<320000xi32, #tpu.memory_space<hbm>> -> memref<400xi32, #tpu.memory_space<hbm>>
      tpu.enqueue_dma source(%dma_start3A_902 : memref<400xi32, #tpu.memory_space<hbm>>) target(%arg8 : memref<400xi32, #tpu.memory_space<vmem>>) target_semaphore(%run_scoped3A : memref<!tpu.dma_semaphore, #tpu.memory_space<semaphore_mem>>)
      %dma_wait3A_903 = tpu.memref_slice %arg3[%add3A_115] : memref<320000xi32, #tpu.memory_space<hbm>> -> memref<400xi32, #tpu.memory_space<hbm>>
      %dma_wait3A_904 = tpu.memref_slice %arg3[%add3A_115] : memref<320000xi32, #tpu.memory_space<hbm>> -> memref<400xi32, #tpu.memory_space<hbm>>
      tpu.wait_dma2 semaphore(%run_scoped3A : memref<!tpu.dma_semaphore, #tpu.memory_space<semaphore_mem>>) src(%dma_wait3A_904 : memref<400xi32, #tpu.memory_space<hbm>>) dst(%arg8 : memref<400xi32, #tpu.memory_space<vmem>>)
      tpu.yield
    }) : () -> ()
    %dma_start3A_116 = arith.constant 0 : i32
    %dma_start3A_117 = arith.constant 0 : i32
    %dma_start3A_118 = tpu.memref_slice %arg2[%dma_start3A_116, %dma_start3A_117] : memref<10000x128xf32, #tpu.memory_space<hbm>> -> memref<10000x128xf32, #tpu.memory_space<hbm>>
    tpu.enqueue_indirect_dma source(%dma_start3A_118 : memref<10000x128xf32, #tpu.memory_space<hbm>>) target(%arg10 : memref<400x128xf32, #tpu.memory_space<vmem>>) offsets(%arg8 : memref<400xi32, #tpu.memory_space<vmem>>) semaphore(%arg12 : memref<!tpu.dma_semaphore, #tpu.memory_space<semaphore_mem>>)
    %dma_wait3A_119 = arith.constant 0 : i32
    %dma_wait3A_120 = arith.constant 0 : i32
    %dma_wait3A_121 = tpu.memref_slice %arg2[%dma_wait3A_119, %dma_wait3A_120] : memref<10000x128xf32, #tpu.memory_space<hbm>> -> memref<10000x128xf32, #tpu.memory_space<hbm>>
    tpu.wait_indirect_dma semaphore(%arg11 : memref<!tpu.dma_semaphore, #tpu.memory_space<semaphore_mem>>) src(%dma_wait3A_121 : memref<10000x128xf32, #tpu.memory_space<hbm>>) dst(%arg9 : memref<400x128xf32, #tpu.memory_space<vmem>>)
    %add3A_122 = arith.constant 2400 : i32
    %add3A_123 = arith.addi %mul3A_2, %add3A_122 : i32
    %dma_start3A_124 = arith.constant 0 : i32
    %dma_start3A_125 = tpu.memref_slice %arg5[%add3A_123, %dma_start3A_124] : memref<320000x128xf32, #tpu.memory_space<hbm>> -> memref<400x128xf32, #tpu.memory_space<hbm>>
    %dma_start3A_126 = arith.constant 0 : i32
    %dma_start3A_127 = tpu.memref_slice %arg5[%add3A_123, %dma_start3A_126] : memref<320000x128xf32, #tpu.memory_space<hbm>> -> memref<400x128xf32, #tpu.memory_space<hbm>>
    tpu.enqueue_dma source(%arg9 : memref<400x128xf32, #tpu.memory_space<vmem>>) target(%dma_start3A_127 : memref<400x128xf32, #tpu.memory_space<hbm>>) target_semaphore(%arg13 : memref<!tpu.dma_semaphore, #tpu.memory_space<semaphore_mem>>)
    %dma_wait3A_128 = arith.constant 0 : i32
    %dma_wait3A_129 = tpu.memref_slice %arg5[%add3A_123, %dma_wait3A_128] : memref<320000x128xf32, #tpu.memory_space<hbm>> -> memref<400x128xf32, #tpu.memory_space<hbm>>
    %dma_wait3A_130 = arith.constant 0 : i32
    %dma_wait3A_131 = tpu.memref_slice %arg5[%add3A_123, %dma_wait3A_130] : memref<320000x128xf32, #tpu.memory_space<hbm>> -> memref<400x128xf32, #tpu.memory_space<hbm>>
    tpu.wait_dma2 semaphore(%arg13 : memref<!tpu.dma_semaphore, #tpu.memory_space<semaphore_mem>>) src(%arg9 : memref<400x128xf32, #tpu.memory_space<vmem>>) dst(%dma_wait3A_131 : memref<400x128xf32, #tpu.memory_space<hbm>>)
    %add3A_132 = arith.constant 3200 : i32
    %add3A_133 = arith.addi %mul3A_2, %add3A_132 : i32
    "tpu.region"() ({
      %run_scoped3A = tpu.sem_alloc : memref<!tpu.dma_semaphore, #tpu.memory_space<semaphore_mem>>
      %dma_start3A_901 = tpu.memref_slice %arg3[%add3A_133] : memref<320000xi32, #tpu.memory_space<hbm>> -> memref<400xi32, #tpu.memory_space<hbm>>
      %dma_start3A_902 = tpu.memref_slice %arg3[%add3A_133] : memref<320000xi32, #tpu.memory_space<hbm>> -> memref<400xi32, #tpu.memory_space<hbm>>
      tpu.enqueue_dma source(%dma_start3A_902 : memref<400xi32, #tpu.memory_space<hbm>>) target(%arg7 : memref<400xi32, #tpu.memory_space<vmem>>) target_semaphore(%run_scoped3A : memref<!tpu.dma_semaphore, #tpu.memory_space<semaphore_mem>>)
      %dma_wait3A_903 = tpu.memref_slice %arg3[%add3A_133] : memref<320000xi32, #tpu.memory_space<hbm>> -> memref<400xi32, #tpu.memory_space<hbm>>
      %dma_wait3A_904 = tpu.memref_slice %arg3[%add3A_133] : memref<320000xi32, #tpu.memory_space<hbm>> -> memref<400xi32, #tpu.memory_space<hbm>>
      tpu.wait_dma2 semaphore(%run_scoped3A : memref<!tpu.dma_semaphore, #tpu.memory_space<semaphore_mem>>) src(%dma_wait3A_904 : memref<400xi32, #tpu.memory_space<hbm>>) dst(%arg7 : memref<400xi32, #tpu.memory_space<vmem>>)
      tpu.yield
    }) : () -> ()
    %dma_start3A_134 = arith.constant 0 : i32
    %dma_start3A_135 = arith.constant 0 : i32
    %dma_start3A_136 = tpu.memref_slice %arg2[%dma_start3A_134, %dma_start3A_135] : memref<10000x128xf32, #tpu.memory_space<hbm>> -> memref<10000x128xf32, #tpu.memory_space<hbm>>
    tpu.enqueue_indirect_dma source(%dma_start3A_136 : memref<10000x128xf32, #tpu.memory_space<hbm>>) target(%arg9 : memref<400x128xf32, #tpu.memory_space<vmem>>) offsets(%arg7 : memref<400xi32, #tpu.memory_space<vmem>>) semaphore(%arg11 : memref<!tpu.dma_semaphore, #tpu.memory_space<semaphore_mem>>)
    %dma_wait3A_137 = arith.constant 0 : i32
    %dma_wait3A_138 = arith.constant 0 : i32
    %dma_wait3A_139 = tpu.memref_slice %arg2[%dma_wait3A_137, %dma_wait3A_138] : memref<10000x128xf32, #tpu.memory_space<hbm>> -> memref<10000x128xf32, #tpu.memory_space<hbm>>
    tpu.wait_indirect_dma semaphore(%arg12 : memref<!tpu.dma_semaphore, #tpu.memory_space<semaphore_mem>>) src(%dma_wait3A_139 : memref<10000x128xf32, #tpu.memory_space<hbm>>) dst(%arg10 : memref<400x128xf32, #tpu.memory_space<vmem>>)
    %add3A_140 = arith.constant 2800 : i32
    %add3A_141 = arith.addi %mul3A_2, %add3A_140 : i32
    %dma_start3A_142 = arith.constant 0 : i32
    %dma_start3A_143 = tpu.memref_slice %arg5[%add3A_141, %dma_start3A_142] : memref<320000x128xf32, #tpu.memory_space<hbm>> -> memref<400x128xf32, #tpu.memory_space<hbm>>
    %dma_start3A_144 = arith.constant 0 : i32
    %dma_start3A_145 = tpu.memref_slice %arg5[%add3A_141, %dma_start3A_144] : memref<320000x128xf32, #tpu.memory_space<hbm>> -> memref<400x128xf32, #tpu.memory_space<hbm>>
    tpu.enqueue_dma source(%arg10 : memref<400x128xf32, #tpu.memory_space<vmem>>) target(%dma_start3A_145 : memref<400x128xf32, #tpu.memory_space<hbm>>) target_semaphore(%arg14 : memref<!tpu.dma_semaphore, #tpu.memory_space<semaphore_mem>>)
    %dma_wait3A_146 = arith.constant 0 : i32
    %dma_wait3A_147 = tpu.memref_slice %arg5[%add3A_141, %dma_wait3A_146] : memref<320000x128xf32, #tpu.memory_space<hbm>> -> memref<400x128xf32, #tpu.memory_space<hbm>>
    %dma_wait3A_148 = arith.constant 0 : i32
    %dma_wait3A_149 = tpu.memref_slice %arg5[%add3A_141, %dma_wait3A_148] : memref<320000x128xf32, #tpu.memory_space<hbm>> -> memref<400x128xf32, #tpu.memory_space<hbm>>
    tpu.wait_dma2 semaphore(%arg14 : memref<!tpu.dma_semaphore, #tpu.memory_space<semaphore_mem>>) src(%arg10 : memref<400x128xf32, #tpu.memory_space<vmem>>) dst(%dma_wait3A_149 : memref<400x128xf32, #tpu.memory_space<hbm>>)
    %add3A_150 = arith.constant 3600 : i32
    %add3A_151 = arith.addi %mul3A_2, %add3A_150 : i32
    "tpu.region"() ({
      %run_scoped3A = tpu.sem_alloc : memref<!tpu.dma_semaphore, #tpu.memory_space<semaphore_mem>>
      %dma_start3A_901 = tpu.memref_slice %arg3[%add3A_151] : memref<320000xi32, #tpu.memory_space<hbm>> -> memref<400xi32, #tpu.memory_space<hbm>>
      %dma_start3A_902 = tpu.memref_slice %arg3[%add3A_151] : memref<320000xi32, #tpu.memory_space<hbm>> -> memref<400xi32, #tpu.memory_space<hbm>>
      tpu.enqueue_dma source(%dma_start3A_902 : memref<400xi32, #tpu.memory_space<hbm>>) target(%arg8 : memref<400xi32, #tpu.memory_space<vmem>>) target_semaphore(%run_scoped3A : memref<!tpu.dma_semaphore, #tpu.memory_space<semaphore_mem>>)
      %dma_wait3A_903 = tpu.memref_slice %arg3[%add3A_151] : memref<320000xi32, #tpu.memory_space<hbm>> -> memref<400xi32, #tpu.memory_space<hbm>>
      %dma_wait3A_904 = tpu.memref_slice %arg3[%add3A_151] : memref<320000xi32, #tpu.memory_space<hbm>> -> memref<400xi32, #tpu.memory_space<hbm>>
      tpu.wait_dma2 semaphore(%run_scoped3A : memref<!tpu.dma_semaphore, #tpu.memory_space<semaphore_mem>>) src(%dma_wait3A_904 : memref<400xi32, #tpu.memory_space<hbm>>) dst(%arg8 : memref<400xi32, #tpu.memory_space<vmem>>)
      tpu.yield
    }) : () -> ()
    %dma_start3A_152 = arith.constant 0 : i32
    %dma_start3A_153 = arith.constant 0 : i32
    %dma_start3A_154 = tpu.memref_slice %arg2[%dma_start3A_152, %dma_start3A_153] : memref<10000x128xf32, #tpu.memory_space<hbm>> -> memref<10000x128xf32, #tpu.memory_space<hbm>>
    tpu.enqueue_indirect_dma source(%dma_start3A_154 : memref<10000x128xf32, #tpu.memory_space<hbm>>) target(%arg10 : memref<400x128xf32, #tpu.memory_space<vmem>>) offsets(%arg8 : memref<400xi32, #tpu.memory_space<vmem>>) semaphore(%arg12 : memref<!tpu.dma_semaphore, #tpu.memory_space<semaphore_mem>>)
    %dma_wait3A_155 = arith.constant 0 : i32
    %dma_wait3A_156 = arith.constant 0 : i32
    %dma_wait3A_157 = tpu.memref_slice %arg2[%dma_wait3A_155, %dma_wait3A_156] : memref<10000x128xf32, #tpu.memory_space<hbm>> -> memref<10000x128xf32, #tpu.memory_space<hbm>>
    tpu.wait_indirect_dma semaphore(%arg11 : memref<!tpu.dma_semaphore, #tpu.memory_space<semaphore_mem>>) src(%dma_wait3A_157 : memref<10000x128xf32, #tpu.memory_space<hbm>>) dst(%arg9 : memref<400x128xf32, #tpu.memory_space<vmem>>)
    %add3A_158 = arith.constant 3200 : i32
    %add3A_159 = arith.addi %mul3A_2, %add3A_158 : i32
    %dma_start3A_160 = arith.constant 0 : i32
    %dma_start3A_161 = tpu.memref_slice %arg5[%add3A_159, %dma_start3A_160] : memref<320000x128xf32, #tpu.memory_space<hbm>> -> memref<400x128xf32, #tpu.memory_space<hbm>>
    %dma_start3A_162 = arith.constant 0 : i32
    %dma_start3A_163 = tpu.memref_slice %arg5[%add3A_159, %dma_start3A_162] : memref<320000x128xf32, #tpu.memory_space<hbm>> -> memref<400x128xf32, #tpu.memory_space<hbm>>
    tpu.enqueue_dma source(%arg9 : memref<400x128xf32, #tpu.memory_space<vmem>>) target(%dma_start3A_163 : memref<400x128xf32, #tpu.memory_space<hbm>>) target_semaphore(%arg13 : memref<!tpu.dma_semaphore, #tpu.memory_space<semaphore_mem>>)
    %dma_wait3A_164 = arith.constant 0 : i32
    %dma_wait3A_165 = tpu.memref_slice %arg5[%add3A_159, %dma_wait3A_164] : memref<320000x128xf32, #tpu.memory_space<hbm>> -> memref<400x128xf32, #tpu.memory_space<hbm>>
    %dma_wait3A_166 = arith.constant 0 : i32
    %dma_wait3A_167 = tpu.memref_slice %arg5[%add3A_159, %dma_wait3A_166] : memref<320000x128xf32, #tpu.memory_space<hbm>> -> memref<400x128xf32, #tpu.memory_space<hbm>>
    tpu.wait_dma2 semaphore(%arg13 : memref<!tpu.dma_semaphore, #tpu.memory_space<semaphore_mem>>) src(%arg9 : memref<400x128xf32, #tpu.memory_space<vmem>>) dst(%dma_wait3A_167 : memref<400x128xf32, #tpu.memory_space<hbm>>)
    %add3A_168 = arith.constant 4000 : i32
    %add3A_169 = arith.addi %mul3A_2, %add3A_168 : i32
    "tpu.region"() ({
      %run_scoped3A = tpu.sem_alloc : memref<!tpu.dma_semaphore, #tpu.memory_space<semaphore_mem>>
      %dma_start3A_901 = tpu.memref_slice %arg3[%add3A_169] : memref<320000xi32, #tpu.memory_space<hbm>> -> memref<400xi32, #tpu.memory_space<hbm>>
      %dma_start3A_902 = tpu.memref_slice %arg3[%add3A_169] : memref<320000xi32, #tpu.memory_space<hbm>> -> memref<400xi32, #tpu.memory_space<hbm>>
      tpu.enqueue_dma source(%dma_start3A_902 : memref<400xi32, #tpu.memory_space<hbm>>) target(%arg7 : memref<400xi32, #tpu.memory_space<vmem>>) target_semaphore(%run_scoped3A : memref<!tpu.dma_semaphore, #tpu.memory_space<semaphore_mem>>)
      %dma_wait3A_903 = tpu.memref_slice %arg3[%add3A_169] : memref<320000xi32, #tpu.memory_space<hbm>> -> memref<400xi32, #tpu.memory_space<hbm>>
      %dma_wait3A_904 = tpu.memref_slice %arg3[%add3A_169] : memref<320000xi32, #tpu.memory_space<hbm>> -> memref<400xi32, #tpu.memory_space<hbm>>
      tpu.wait_dma2 semaphore(%run_scoped3A : memref<!tpu.dma_semaphore, #tpu.memory_space<semaphore_mem>>) src(%dma_wait3A_904 : memref<400xi32, #tpu.memory_space<hbm>>) dst(%arg7 : memref<400xi32, #tpu.memory_space<vmem>>)
      tpu.yield
    }) : () -> ()
    %dma_start3A_170 = arith.constant 0 : i32
    %dma_start3A_171 = arith.constant 0 : i32
    %dma_start3A_172 = tpu.memref_slice %arg2[%dma_start3A_170, %dma_start3A_171] : memref<10000x128xf32, #tpu.memory_space<hbm>> -> memref<10000x128xf32, #tpu.memory_space<hbm>>
    tpu.enqueue_indirect_dma source(%dma_start3A_172 : memref<10000x128xf32, #tpu.memory_space<hbm>>) target(%arg9 : memref<400x128xf32, #tpu.memory_space<vmem>>) offsets(%arg7 : memref<400xi32, #tpu.memory_space<vmem>>) semaphore(%arg11 : memref<!tpu.dma_semaphore, #tpu.memory_space<semaphore_mem>>)
    %dma_wait3A_173 = arith.constant 0 : i32
    %dma_wait3A_174 = arith.constant 0 : i32
    %dma_wait3A_175 = tpu.memref_slice %arg2[%dma_wait3A_173, %dma_wait3A_174] : memref<10000x128xf32, #tpu.memory_space<hbm>> -> memref<10000x128xf32, #tpu.memory_space<hbm>>
    tpu.wait_indirect_dma semaphore(%arg12 : memref<!tpu.dma_semaphore, #tpu.memory_space<semaphore_mem>>) src(%dma_wait3A_175 : memref<10000x128xf32, #tpu.memory_space<hbm>>) dst(%arg10 : memref<400x128xf32, #tpu.memory_space<vmem>>)
    %add3A_176 = arith.constant 3600 : i32
    %add3A_177 = arith.addi %mul3A_2, %add3A_176 : i32
    %dma_start3A_178 = arith.constant 0 : i32
    %dma_start3A_179 = tpu.memref_slice %arg5[%add3A_177, %dma_start3A_178] : memref<320000x128xf32, #tpu.memory_space<hbm>> -> memref<400x128xf32, #tpu.memory_space<hbm>>
    %dma_start3A_180 = arith.constant 0 : i32
    %dma_start3A_181 = tpu.memref_slice %arg5[%add3A_177, %dma_start3A_180] : memref<320000x128xf32, #tpu.memory_space<hbm>> -> memref<400x128xf32, #tpu.memory_space<hbm>>
    tpu.enqueue_dma source(%arg10 : memref<400x128xf32, #tpu.memory_space<vmem>>) target(%dma_start3A_181 : memref<400x128xf32, #tpu.memory_space<hbm>>) target_semaphore(%arg14 : memref<!tpu.dma_semaphore, #tpu.memory_space<semaphore_mem>>)
    %dma_wait3A_182 = arith.constant 0 : i32
    %dma_wait3A_183 = tpu.memref_slice %arg5[%add3A_177, %dma_wait3A_182] : memref<320000x128xf32, #tpu.memory_space<hbm>> -> memref<400x128xf32, #tpu.memory_space<hbm>>
    %dma_wait3A_184 = arith.constant 0 : i32
    %dma_wait3A_185 = tpu.memref_slice %arg5[%add3A_177, %dma_wait3A_184] : memref<320000x128xf32, #tpu.memory_space<hbm>> -> memref<400x128xf32, #tpu.memory_space<hbm>>
    tpu.wait_dma2 semaphore(%arg14 : memref<!tpu.dma_semaphore, #tpu.memory_space<semaphore_mem>>) src(%arg10 : memref<400x128xf32, #tpu.memory_space<vmem>>) dst(%dma_wait3A_185 : memref<400x128xf32, #tpu.memory_space<hbm>>)
    %add3A_186 = arith.constant 4400 : i32
    %add3A_187 = arith.addi %mul3A_2, %add3A_186 : i32
    "tpu.region"() ({
      %run_scoped3A = tpu.sem_alloc : memref<!tpu.dma_semaphore, #tpu.memory_space<semaphore_mem>>
      %dma_start3A_901 = tpu.memref_slice %arg3[%add3A_187] : memref<320000xi32, #tpu.memory_space<hbm>> -> memref<400xi32, #tpu.memory_space<hbm>>
      %dma_start3A_902 = tpu.memref_slice %arg3[%add3A_187] : memref<320000xi32, #tpu.memory_space<hbm>> -> memref<400xi32, #tpu.memory_space<hbm>>
      tpu.enqueue_dma source(%dma_start3A_902 : memref<400xi32, #tpu.memory_space<hbm>>) target(%arg8 : memref<400xi32, #tpu.memory_space<vmem>>) target_semaphore(%run_scoped3A : memref<!tpu.dma_semaphore, #tpu.memory_space<semaphore_mem>>)
      %dma_wait3A_903 = tpu.memref_slice %arg3[%add3A_187] : memref<320000xi32, #tpu.memory_space<hbm>> -> memref<400xi32, #tpu.memory_space<hbm>>
      %dma_wait3A_904 = tpu.memref_slice %arg3[%add3A_187] : memref<320000xi32, #tpu.memory_space<hbm>> -> memref<400xi32, #tpu.memory_space<hbm>>
      tpu.wait_dma2 semaphore(%run_scoped3A : memref<!tpu.dma_semaphore, #tpu.memory_space<semaphore_mem>>) src(%dma_wait3A_904 : memref<400xi32, #tpu.memory_space<hbm>>) dst(%arg8 : memref<400xi32, #tpu.memory_space<vmem>>)
      tpu.yield
    }) : () -> ()
    %dma_start3A_188 = arith.constant 0 : i32
    %dma_start3A_189 = arith.constant 0 : i32
    %dma_start3A_190 = tpu.memref_slice %arg2[%dma_start3A_188, %dma_start3A_189] : memref<10000x128xf32, #tpu.memory_space<hbm>> -> memref<10000x128xf32, #tpu.memory_space<hbm>>
    tpu.enqueue_indirect_dma source(%dma_start3A_190 : memref<10000x128xf32, #tpu.memory_space<hbm>>) target(%arg10 : memref<400x128xf32, #tpu.memory_space<vmem>>) offsets(%arg8 : memref<400xi32, #tpu.memory_space<vmem>>) semaphore(%arg12 : memref<!tpu.dma_semaphore, #tpu.memory_space<semaphore_mem>>)
    %dma_wait3A_191 = arith.constant 0 : i32
    %dma_wait3A_192 = arith.constant 0 : i32
    %dma_wait3A_193 = tpu.memref_slice %arg2[%dma_wait3A_191, %dma_wait3A_192] : memref<10000x128xf32, #tpu.memory_space<hbm>> -> memref<10000x128xf32, #tpu.memory_space<hbm>>
    tpu.wait_indirect_dma semaphore(%arg11 : memref<!tpu.dma_semaphore, #tpu.memory_space<semaphore_mem>>) src(%dma_wait3A_193 : memref<10000x128xf32, #tpu.memory_space<hbm>>) dst(%arg9 : memref<400x128xf32, #tpu.memory_space<vmem>>)
    %add3A_194 = arith.constant 4000 : i32
    %add3A_195 = arith.addi %mul3A_2, %add3A_194 : i32
    %dma_start3A_196 = arith.constant 0 : i32
    %dma_start3A_197 = tpu.memref_slice %arg5[%add3A_195, %dma_start3A_196] : memref<320000x128xf32, #tpu.memory_space<hbm>> -> memref<400x128xf32, #tpu.memory_space<hbm>>
    %dma_start3A_198 = arith.constant 0 : i32
    %dma_start3A_199 = tpu.memref_slice %arg5[%add3A_195, %dma_start3A_198] : memref<320000x128xf32, #tpu.memory_space<hbm>> -> memref<400x128xf32, #tpu.memory_space<hbm>>
    tpu.enqueue_dma source(%arg9 : memref<400x128xf32, #tpu.memory_space<vmem>>) target(%dma_start3A_199 : memref<400x128xf32, #tpu.memory_space<hbm>>) target_semaphore(%arg13 : memref<!tpu.dma_semaphore, #tpu.memory_space<semaphore_mem>>)
    %dma_wait3A_200 = arith.constant 0 : i32
    %dma_wait3A_201 = tpu.memref_slice %arg5[%add3A_195, %dma_wait3A_200] : memref<320000x128xf32, #tpu.memory_space<hbm>> -> memref<400x128xf32, #tpu.memory_space<hbm>>
    %dma_wait3A_202 = arith.constant 0 : i32
    %dma_wait3A_203 = tpu.memref_slice %arg5[%add3A_195, %dma_wait3A_202] : memref<320000x128xf32, #tpu.memory_space<hbm>> -> memref<400x128xf32, #tpu.memory_space<hbm>>
    tpu.wait_dma2 semaphore(%arg13 : memref<!tpu.dma_semaphore, #tpu.memory_space<semaphore_mem>>) src(%arg9 : memref<400x128xf32, #tpu.memory_space<vmem>>) dst(%dma_wait3A_203 : memref<400x128xf32, #tpu.memory_space<hbm>>)
    %add3A_204 = arith.constant 4800 : i32
    %add3A_205 = arith.addi %mul3A_2, %add3A_204 : i32
    "tpu.region"() ({
      %run_scoped3A = tpu.sem_alloc : memref<!tpu.dma_semaphore, #tpu.memory_space<semaphore_mem>>
      %dma_start3A_901 = tpu.memref_slice %arg3[%add3A_205] : memref<320000xi32, #tpu.memory_space<hbm>> -> memref<400xi32, #tpu.memory_space<hbm>>
      %dma_start3A_902 = tpu.memref_slice %arg3[%add3A_205] : memref<320000xi32, #tpu.memory_space<hbm>> -> memref<400xi32, #tpu.memory_space<hbm>>
      tpu.enqueue_dma source(%dma_start3A_902 : memref<400xi32, #tpu.memory_space<hbm>>) target(%arg7 : memref<400xi32, #tpu.memory_space<vmem>>) target_semaphore(%run_scoped3A : memref<!tpu.dma_semaphore, #tpu.memory_space<semaphore_mem>>)
      %dma_wait3A_903 = tpu.memref_slice %arg3[%add3A_205] : memref<320000xi32, #tpu.memory_space<hbm>> -> memref<400xi32, #tpu.memory_space<hbm>>
      %dma_wait3A_904 = tpu.memref_slice %arg3[%add3A_205] : memref<320000xi32, #tpu.memory_space<hbm>> -> memref<400xi32, #tpu.memory_space<hbm>>
      tpu.wait_dma2 semaphore(%run_scoped3A : memref<!tpu.dma_semaphore, #tpu.memory_space<semaphore_mem>>) src(%dma_wait3A_904 : memref<400xi32, #tpu.memory_space<hbm>>) dst(%arg7 : memref<400xi32, #tpu.memory_space<vmem>>)
      tpu.yield
    }) : () -> ()
    %dma_start3A_206 = arith.constant 0 : i32
    %dma_start3A_207 = arith.constant 0 : i32
    %dma_start3A_208 = tpu.memref_slice %arg2[%dma_start3A_206, %dma_start3A_207] : memref<10000x128xf32, #tpu.memory_space<hbm>> -> memref<10000x128xf32, #tpu.memory_space<hbm>>
    tpu.enqueue_indirect_dma source(%dma_start3A_208 : memref<10000x128xf32, #tpu.memory_space<hbm>>) target(%arg9 : memref<400x128xf32, #tpu.memory_space<vmem>>) offsets(%arg7 : memref<400xi32, #tpu.memory_space<vmem>>) semaphore(%arg11 : memref<!tpu.dma_semaphore, #tpu.memory_space<semaphore_mem>>)
    %dma_wait3A_209 = arith.constant 0 : i32
    %dma_wait3A_210 = arith.constant 0 : i32
    %dma_wait3A_211 = tpu.memref_slice %arg2[%dma_wait3A_209, %dma_wait3A_210] : memref<10000x128xf32, #tpu.memory_space<hbm>> -> memref<10000x128xf32, #tpu.memory_space<hbm>>
    tpu.wait_indirect_dma semaphore(%arg12 : memref<!tpu.dma_semaphore, #tpu.memory_space<semaphore_mem>>) src(%dma_wait3A_211 : memref<10000x128xf32, #tpu.memory_space<hbm>>) dst(%arg10 : memref<400x128xf32, #tpu.memory_space<vmem>>)
    %add3A_212 = arith.constant 4400 : i32
    %add3A_213 = arith.addi %mul3A_2, %add3A_212 : i32
    %dma_start3A_214 = arith.constant 0 : i32
    %dma_start3A_215 = tpu.memref_slice %arg5[%add3A_213, %dma_start3A_214] : memref<320000x128xf32, #tpu.memory_space<hbm>> -> memref<400x128xf32, #tpu.memory_space<hbm>>
    %dma_start3A_216 = arith.constant 0 : i32
    %dma_start3A_217 = tpu.memref_slice %arg5[%add3A_213, %dma_start3A_216] : memref<320000x128xf32, #tpu.memory_space<hbm>> -> memref<400x128xf32, #tpu.memory_space<hbm>>
    tpu.enqueue_dma source(%arg10 : memref<400x128xf32, #tpu.memory_space<vmem>>) target(%dma_start3A_217 : memref<400x128xf32, #tpu.memory_space<hbm>>) target_semaphore(%arg14 : memref<!tpu.dma_semaphore, #tpu.memory_space<semaphore_mem>>)
    %dma_wait3A_218 = arith.constant 0 : i32
    %dma_wait3A_219 = tpu.memref_slice %arg5[%add3A_213, %dma_wait3A_218] : memref<320000x128xf32, #tpu.memory_space<hbm>> -> memref<400x128xf32, #tpu.memory_space<hbm>>
    %dma_wait3A_220 = arith.constant 0 : i32
    %dma_wait3A_221 = tpu.memref_slice %arg5[%add3A_213, %dma_wait3A_220] : memref<320000x128xf32, #tpu.memory_space<hbm>> -> memref<400x128xf32, #tpu.memory_space<hbm>>
    tpu.wait_dma2 semaphore(%arg14 : memref<!tpu.dma_semaphore, #tpu.memory_space<semaphore_mem>>) src(%arg10 : memref<400x128xf32, #tpu.memory_space<vmem>>) dst(%dma_wait3A_221 : memref<400x128xf32, #tpu.memory_space<hbm>>)
    %add3A_222 = arith.constant 5200 : i32
    %add3A_223 = arith.addi %mul3A_2, %add3A_222 : i32
    "tpu.region"() ({
      %run_scoped3A = tpu.sem_alloc : memref<!tpu.dma_semaphore, #tpu.memory_space<semaphore_mem>>
      %dma_start3A_901 = tpu.memref_slice %arg3[%add3A_223] : memref<320000xi32, #tpu.memory_space<hbm>> -> memref<400xi32, #tpu.memory_space<hbm>>
      %dma_start3A_902 = tpu.memref_slice %arg3[%add3A_223] : memref<320000xi32, #tpu.memory_space<hbm>> -> memref<400xi32, #tpu.memory_space<hbm>>
      tpu.enqueue_dma source(%dma_start3A_902 : memref<400xi32, #tpu.memory_space<hbm>>) target(%arg8 : memref<400xi32, #tpu.memory_space<vmem>>) target_semaphore(%run_scoped3A : memref<!tpu.dma_semaphore, #tpu.memory_space<semaphore_mem>>)
      %dma_wait3A_903 = tpu.memref_slice %arg3[%add3A_223] : memref<320000xi32, #tpu.memory_space<hbm>> -> memref<400xi32, #tpu.memory_space<hbm>>
      %dma_wait3A_904 = tpu.memref_slice %arg3[%add3A_223] : memref<320000xi32, #tpu.memory_space<hbm>> -> memref<400xi32, #tpu.memory_space<hbm>>
      tpu.wait_dma2 semaphore(%run_scoped3A : memref<!tpu.dma_semaphore, #tpu.memory_space<semaphore_mem>>) src(%dma_wait3A_904 : memref<400xi32, #tpu.memory_space<hbm>>) dst(%arg8 : memref<400xi32, #tpu.memory_space<vmem>>)
      tpu.yield
    }) : () -> ()
    %dma_start3A_224 = arith.constant 0 : i32
    %dma_start3A_225 = arith.constant 0 : i32
    %dma_start3A_226 = tpu.memref_slice %arg2[%dma_start3A_224, %dma_start3A_225] : memref<10000x128xf32, #tpu.memory_space<hbm>> -> memref<10000x128xf32, #tpu.memory_space<hbm>>
    tpu.enqueue_indirect_dma source(%dma_start3A_226 : memref<10000x128xf32, #tpu.memory_space<hbm>>) target(%arg10 : memref<400x128xf32, #tpu.memory_space<vmem>>) offsets(%arg8 : memref<400xi32, #tpu.memory_space<vmem>>) semaphore(%arg12 : memref<!tpu.dma_semaphore, #tpu.memory_space<semaphore_mem>>)
    %dma_wait3A_227 = arith.constant 0 : i32
    %dma_wait3A_228 = arith.constant 0 : i32
    %dma_wait3A_229 = tpu.memref_slice %arg2[%dma_wait3A_227, %dma_wait3A_228] : memref<10000x128xf32, #tpu.memory_space<hbm>> -> memref<10000x128xf32, #tpu.memory_space<hbm>>
    tpu.wait_indirect_dma semaphore(%arg11 : memref<!tpu.dma_semaphore, #tpu.memory_space<semaphore_mem>>) src(%dma_wait3A_229 : memref<10000x128xf32, #tpu.memory_space<hbm>>) dst(%arg9 : memref<400x128xf32, #tpu.memory_space<vmem>>)
    %add3A_230 = arith.constant 4800 : i32
    %add3A_231 = arith.addi %mul3A_2, %add3A_230 : i32
    %dma_start3A_232 = arith.constant 0 : i32
    %dma_start3A_233 = tpu.memref_slice %arg5[%add3A_231, %dma_start3A_232] : memref<320000x128xf32, #tpu.memory_space<hbm>> -> memref<400x128xf32, #tpu.memory_space<hbm>>
    %dma_start3A_234 = arith.constant 0 : i32
    %dma_start3A_235 = tpu.memref_slice %arg5[%add3A_231, %dma_start3A_234] : memref<320000x128xf32, #tpu.memory_space<hbm>> -> memref<400x128xf32, #tpu.memory_space<hbm>>
    tpu.enqueue_dma source(%arg9 : memref<400x128xf32, #tpu.memory_space<vmem>>) target(%dma_start3A_235 : memref<400x128xf32, #tpu.memory_space<hbm>>) target_semaphore(%arg13 : memref<!tpu.dma_semaphore, #tpu.memory_space<semaphore_mem>>)
    %dma_wait3A_236 = arith.constant 0 : i32
    %dma_wait3A_237 = tpu.memref_slice %arg5[%add3A_231, %dma_wait3A_236] : memref<320000x128xf32, #tpu.memory_space<hbm>> -> memref<400x128xf32, #tpu.memory_space<hbm>>
    %dma_wait3A_238 = arith.constant 0 : i32
    %dma_wait3A_239 = tpu.memref_slice %arg5[%add3A_231, %dma_wait3A_238] : memref<320000x128xf32, #tpu.memory_space<hbm>> -> memref<400x128xf32, #tpu.memory_space<hbm>>
    tpu.wait_dma2 semaphore(%arg13 : memref<!tpu.dma_semaphore, #tpu.memory_space<semaphore_mem>>) src(%arg9 : memref<400x128xf32, #tpu.memory_space<vmem>>) dst(%dma_wait3A_239 : memref<400x128xf32, #tpu.memory_space<hbm>>)
    %add3A_240 = arith.constant 5600 : i32
    %add3A_241 = arith.addi %mul3A_2, %add3A_240 : i32
    "tpu.region"() ({
      %run_scoped3A = tpu.sem_alloc : memref<!tpu.dma_semaphore, #tpu.memory_space<semaphore_mem>>
      %dma_start3A_901 = tpu.memref_slice %arg3[%add3A_241] : memref<320000xi32, #tpu.memory_space<hbm>> -> memref<400xi32, #tpu.memory_space<hbm>>
      %dma_start3A_902 = tpu.memref_slice %arg3[%add3A_241] : memref<320000xi32, #tpu.memory_space<hbm>> -> memref<400xi32, #tpu.memory_space<hbm>>
      tpu.enqueue_dma source(%dma_start3A_902 : memref<400xi32, #tpu.memory_space<hbm>>) target(%arg7 : memref<400xi32, #tpu.memory_space<vmem>>) target_semaphore(%run_scoped3A : memref<!tpu.dma_semaphore, #tpu.memory_space<semaphore_mem>>)
      %dma_wait3A_903 = tpu.memref_slice %arg3[%add3A_241] : memref<320000xi32, #tpu.memory_space<hbm>> -> memref<400xi32, #tpu.memory_space<hbm>>
      %dma_wait3A_904 = tpu.memref_slice %arg3[%add3A_241] : memref<320000xi32, #tpu.memory_space<hbm>> -> memref<400xi32, #tpu.memory_space<hbm>>
      tpu.wait_dma2 semaphore(%run_scoped3A : memref<!tpu.dma_semaphore, #tpu.memory_space<semaphore_mem>>) src(%dma_wait3A_904 : memref<400xi32, #tpu.memory_space<hbm>>) dst(%arg7 : memref<400xi32, #tpu.memory_space<vmem>>)
      tpu.yield
    }) : () -> ()
    %dma_start3A_242 = arith.constant 0 : i32
    %dma_start3A_243 = arith.constant 0 : i32
    %dma_start3A_244 = tpu.memref_slice %arg2[%dma_start3A_242, %dma_start3A_243] : memref<10000x128xf32, #tpu.memory_space<hbm>> -> memref<10000x128xf32, #tpu.memory_space<hbm>>
    tpu.enqueue_indirect_dma source(%dma_start3A_244 : memref<10000x128xf32, #tpu.memory_space<hbm>>) target(%arg9 : memref<400x128xf32, #tpu.memory_space<vmem>>) offsets(%arg7 : memref<400xi32, #tpu.memory_space<vmem>>) semaphore(%arg11 : memref<!tpu.dma_semaphore, #tpu.memory_space<semaphore_mem>>)
    %dma_wait3A_245 = arith.constant 0 : i32
    %dma_wait3A_246 = arith.constant 0 : i32
    %dma_wait3A_247 = tpu.memref_slice %arg2[%dma_wait3A_245, %dma_wait3A_246] : memref<10000x128xf32, #tpu.memory_space<hbm>> -> memref<10000x128xf32, #tpu.memory_space<hbm>>
    tpu.wait_indirect_dma semaphore(%arg12 : memref<!tpu.dma_semaphore, #tpu.memory_space<semaphore_mem>>) src(%dma_wait3A_247 : memref<10000x128xf32, #tpu.memory_space<hbm>>) dst(%arg10 : memref<400x128xf32, #tpu.memory_space<vmem>>)
    %add3A_248 = arith.constant 5200 : i32
    %add3A_249 = arith.addi %mul3A_2, %add3A_248 : i32
    %dma_start3A_250 = arith.constant 0 : i32
    %dma_start3A_251 = tpu.memref_slice %arg5[%add3A_249, %dma_start3A_250] : memref<320000x128xf32, #tpu.memory_space<hbm>> -> memref<400x128xf32, #tpu.memory_space<hbm>>
    %dma_start3A_252 = arith.constant 0 : i32
    %dma_start3A_253 = tpu.memref_slice %arg5[%add3A_249, %dma_start3A_252] : memref<320000x128xf32, #tpu.memory_space<hbm>> -> memref<400x128xf32, #tpu.memory_space<hbm>>
    tpu.enqueue_dma source(%arg10 : memref<400x128xf32, #tpu.memory_space<vmem>>) target(%dma_start3A_253 : memref<400x128xf32, #tpu.memory_space<hbm>>) target_semaphore(%arg14 : memref<!tpu.dma_semaphore, #tpu.memory_space<semaphore_mem>>)
    %dma_wait3A_254 = arith.constant 0 : i32
    %dma_wait3A_255 = tpu.memref_slice %arg5[%add3A_249, %dma_wait3A_254] : memref<320000x128xf32, #tpu.memory_space<hbm>> -> memref<400x128xf32, #tpu.memory_space<hbm>>
    %dma_wait3A_256 = arith.constant 0 : i32
    %dma_wait3A_257 = tpu.memref_slice %arg5[%add3A_249, %dma_wait3A_256] : memref<320000x128xf32, #tpu.memory_space<hbm>> -> memref<400x128xf32, #tpu.memory_space<hbm>>
    tpu.wait_dma2 semaphore(%arg14 : memref<!tpu.dma_semaphore, #tpu.memory_space<semaphore_mem>>) src(%arg10 : memref<400x128xf32, #tpu.memory_space<vmem>>) dst(%dma_wait3A_257 : memref<400x128xf32, #tpu.memory_space<hbm>>)
    %add3A_258 = arith.constant 6000 : i32
    %add3A_259 = arith.addi %mul3A_2, %add3A_258 : i32
    "tpu.region"() ({
      %run_scoped3A = tpu.sem_alloc : memref<!tpu.dma_semaphore, #tpu.memory_space<semaphore_mem>>
      %dma_start3A_901 = tpu.memref_slice %arg3[%add3A_259] : memref<320000xi32, #tpu.memory_space<hbm>> -> memref<400xi32, #tpu.memory_space<hbm>>
      %dma_start3A_902 = tpu.memref_slice %arg3[%add3A_259] : memref<320000xi32, #tpu.memory_space<hbm>> -> memref<400xi32, #tpu.memory_space<hbm>>
      tpu.enqueue_dma source(%dma_start3A_902 : memref<400xi32, #tpu.memory_space<hbm>>) target(%arg8 : memref<400xi32, #tpu.memory_space<vmem>>) target_semaphore(%run_scoped3A : memref<!tpu.dma_semaphore, #tpu.memory_space<semaphore_mem>>)
      %dma_wait3A_903 = tpu.memref_slice %arg3[%add3A_259] : memref<320000xi32, #tpu.memory_space<hbm>> -> memref<400xi32, #tpu.memory_space<hbm>>
      %dma_wait3A_904 = tpu.memref_slice %arg3[%add3A_259] : memref<320000xi32, #tpu.memory_space<hbm>> -> memref<400xi32, #tpu.memory_space<hbm>>
      tpu.wait_dma2 semaphore(%run_scoped3A : memref<!tpu.dma_semaphore, #tpu.memory_space<semaphore_mem>>) src(%dma_wait3A_904 : memref<400xi32, #tpu.memory_space<hbm>>) dst(%arg8 : memref<400xi32, #tpu.memory_space<vmem>>)
      tpu.yield
    }) : () -> ()
    %dma_start3A_260 = arith.constant 0 : i32
    %dma_start3A_261 = arith.constant 0 : i32
    %dma_start3A_262 = tpu.memref_slice %arg2[%dma_start3A_260, %dma_start3A_261] : memref<10000x128xf32, #tpu.memory_space<hbm>> -> memref<10000x128xf32, #tpu.memory_space<hbm>>
    tpu.enqueue_indirect_dma source(%dma_start3A_262 : memref<10000x128xf32, #tpu.memory_space<hbm>>) target(%arg10 : memref<400x128xf32, #tpu.memory_space<vmem>>) offsets(%arg8 : memref<400xi32, #tpu.memory_space<vmem>>) semaphore(%arg12 : memref<!tpu.dma_semaphore, #tpu.memory_space<semaphore_mem>>)
    %dma_wait3A_263 = arith.constant 0 : i32
    %dma_wait3A_264 = arith.constant 0 : i32
    %dma_wait3A_265 = tpu.memref_slice %arg2[%dma_wait3A_263, %dma_wait3A_264] : memref<10000x128xf32, #tpu.memory_space<hbm>> -> memref<10000x128xf32, #tpu.memory_space<hbm>>
    tpu.wait_indirect_dma semaphore(%arg11 : memref<!tpu.dma_semaphore, #tpu.memory_space<semaphore_mem>>) src(%dma_wait3A_265 : memref<10000x128xf32, #tpu.memory_space<hbm>>) dst(%arg9 : memref<400x128xf32, #tpu.memory_space<vmem>>)
    %add3A_266 = arith.constant 5600 : i32
    %add3A_267 = arith.addi %mul3A_2, %add3A_266 : i32
    %dma_start3A_268 = arith.constant 0 : i32
    %dma_start3A_269 = tpu.memref_slice %arg5[%add3A_267, %dma_start3A_268] : memref<320000x128xf32, #tpu.memory_space<hbm>> -> memref<400x128xf32, #tpu.memory_space<hbm>>
    %dma_start3A_270 = arith.constant 0 : i32
    %dma_start3A_271 = tpu.memref_slice %arg5[%add3A_267, %dma_start3A_270] : memref<320000x128xf32, #tpu.memory_space<hbm>> -> memref<400x128xf32, #tpu.memory_space<hbm>>
    tpu.enqueue_dma source(%arg9 : memref<400x128xf32, #tpu.memory_space<vmem>>) target(%dma_start3A_271 : memref<400x128xf32, #tpu.memory_space<hbm>>) target_semaphore(%arg13 : memref<!tpu.dma_semaphore, #tpu.memory_space<semaphore_mem>>)
    %dma_wait3A_272 = arith.constant 0 : i32
    %dma_wait3A_273 = tpu.memref_slice %arg5[%add3A_267, %dma_wait3A_272] : memref<320000x128xf32, #tpu.memory_space<hbm>> -> memref<400x128xf32, #tpu.memory_space<hbm>>
    %dma_wait3A_274 = arith.constant 0 : i32
    %dma_wait3A_275 = tpu.memref_slice %arg5[%add3A_267, %dma_wait3A_274] : memref<320000x128xf32, #tpu.memory_space<hbm>> -> memref<400x128xf32, #tpu.memory_space<hbm>>
    tpu.wait_dma2 semaphore(%arg13 : memref<!tpu.dma_semaphore, #tpu.memory_space<semaphore_mem>>) src(%arg9 : memref<400x128xf32, #tpu.memory_space<vmem>>) dst(%dma_wait3A_275 : memref<400x128xf32, #tpu.memory_space<hbm>>)
    %add3A_276 = arith.constant 6400 : i32
    %add3A_277 = arith.addi %mul3A_2, %add3A_276 : i32
    "tpu.region"() ({
      %run_scoped3A = tpu.sem_alloc : memref<!tpu.dma_semaphore, #tpu.memory_space<semaphore_mem>>
      %dma_start3A_901 = tpu.memref_slice %arg3[%add3A_277] : memref<320000xi32, #tpu.memory_space<hbm>> -> memref<400xi32, #tpu.memory_space<hbm>>
      %dma_start3A_902 = tpu.memref_slice %arg3[%add3A_277] : memref<320000xi32, #tpu.memory_space<hbm>> -> memref<400xi32, #tpu.memory_space<hbm>>
      tpu.enqueue_dma source(%dma_start3A_902 : memref<400xi32, #tpu.memory_space<hbm>>) target(%arg7 : memref<400xi32, #tpu.memory_space<vmem>>) target_semaphore(%run_scoped3A : memref<!tpu.dma_semaphore, #tpu.memory_space<semaphore_mem>>)
      %dma_wait3A_903 = tpu.memref_slice %arg3[%add3A_277] : memref<320000xi32, #tpu.memory_space<hbm>> -> memref<400xi32, #tpu.memory_space<hbm>>
      %dma_wait3A_904 = tpu.memref_slice %arg3[%add3A_277] : memref<320000xi32, #tpu.memory_space<hbm>> -> memref<400xi32, #tpu.memory_space<hbm>>
      tpu.wait_dma2 semaphore(%run_scoped3A : memref<!tpu.dma_semaphore, #tpu.memory_space<semaphore_mem>>) src(%dma_wait3A_904 : memref<400xi32, #tpu.memory_space<hbm>>) dst(%arg7 : memref<400xi32, #tpu.memory_space<vmem>>)
      tpu.yield
    }) : () -> ()
    %dma_start3A_278 = arith.constant 0 : i32
    %dma_start3A_279 = arith.constant 0 : i32
    %dma_start3A_280 = tpu.memref_slice %arg2[%dma_start3A_278, %dma_start3A_279] : memref<10000x128xf32, #tpu.memory_space<hbm>> -> memref<10000x128xf32, #tpu.memory_space<hbm>>
    tpu.enqueue_indirect_dma source(%dma_start3A_280 : memref<10000x128xf32, #tpu.memory_space<hbm>>) target(%arg9 : memref<400x128xf32, #tpu.memory_space<vmem>>) offsets(%arg7 : memref<400xi32, #tpu.memory_space<vmem>>) semaphore(%arg11 : memref<!tpu.dma_semaphore, #tpu.memory_space<semaphore_mem>>)
    %dma_wait3A_281 = arith.constant 0 : i32
    %dma_wait3A_282 = arith.constant 0 : i32
    %dma_wait3A_283 = tpu.memref_slice %arg2[%dma_wait3A_281, %dma_wait3A_282] : memref<10000x128xf32, #tpu.memory_space<hbm>> -> memref<10000x128xf32, #tpu.memory_space<hbm>>
    tpu.wait_indirect_dma semaphore(%arg12 : memref<!tpu.dma_semaphore, #tpu.memory_space<semaphore_mem>>) src(%dma_wait3A_283 : memref<10000x128xf32, #tpu.memory_space<hbm>>) dst(%arg10 : memref<400x128xf32, #tpu.memory_space<vmem>>)
    %add3A_284 = arith.constant 6000 : i32
    %add3A_285 = arith.addi %mul3A_2, %add3A_284 : i32
    %dma_start3A_286 = arith.constant 0 : i32
    %dma_start3A_287 = tpu.memref_slice %arg5[%add3A_285, %dma_start3A_286] : memref<320000x128xf32, #tpu.memory_space<hbm>> -> memref<400x128xf32, #tpu.memory_space<hbm>>
    %dma_start3A_288 = arith.constant 0 : i32
    %dma_start3A_289 = tpu.memref_slice %arg5[%add3A_285, %dma_start3A_288] : memref<320000x128xf32, #tpu.memory_space<hbm>> -> memref<400x128xf32, #tpu.memory_space<hbm>>
    tpu.enqueue_dma source(%arg10 : memref<400x128xf32, #tpu.memory_space<vmem>>) target(%dma_start3A_289 : memref<400x128xf32, #tpu.memory_space<hbm>>) target_semaphore(%arg14 : memref<!tpu.dma_semaphore, #tpu.memory_space<semaphore_mem>>)
    %dma_wait3A_290 = arith.constant 0 : i32
    %dma_wait3A_291 = tpu.memref_slice %arg5[%add3A_285, %dma_wait3A_290] : memref<320000x128xf32, #tpu.memory_space<hbm>> -> memref<400x128xf32, #tpu.memory_space<hbm>>
    %dma_wait3A_292 = arith.constant 0 : i32
    %dma_wait3A_293 = tpu.memref_slice %arg5[%add3A_285, %dma_wait3A_292] : memref<320000x128xf32, #tpu.memory_space<hbm>> -> memref<400x128xf32, #tpu.memory_space<hbm>>
    tpu.wait_dma2 semaphore(%arg14 : memref<!tpu.dma_semaphore, #tpu.memory_space<semaphore_mem>>) src(%arg10 : memref<400x128xf32, #tpu.memory_space<vmem>>) dst(%dma_wait3A_293 : memref<400x128xf32, #tpu.memory_space<hbm>>)
    %add3A_294 = arith.constant 6800 : i32
    %add3A_295 = arith.addi %mul3A_2, %add3A_294 : i32
    "tpu.region"() ({
      %run_scoped3A = tpu.sem_alloc : memref<!tpu.dma_semaphore, #tpu.memory_space<semaphore_mem>>
      %dma_start3A_901 = tpu.memref_slice %arg3[%add3A_295] : memref<320000xi32, #tpu.memory_space<hbm>> -> memref<400xi32, #tpu.memory_space<hbm>>
      %dma_start3A_902 = tpu.memref_slice %arg3[%add3A_295] : memref<320000xi32, #tpu.memory_space<hbm>> -> memref<400xi32, #tpu.memory_space<hbm>>
      tpu.enqueue_dma source(%dma_start3A_902 : memref<400xi32, #tpu.memory_space<hbm>>) target(%arg8 : memref<400xi32, #tpu.memory_space<vmem>>) target_semaphore(%run_scoped3A : memref<!tpu.dma_semaphore, #tpu.memory_space<semaphore_mem>>)
      %dma_wait3A_903 = tpu.memref_slice %arg3[%add3A_295] : memref<320000xi32, #tpu.memory_space<hbm>> -> memref<400xi32, #tpu.memory_space<hbm>>
      %dma_wait3A_904 = tpu.memref_slice %arg3[%add3A_295] : memref<320000xi32, #tpu.memory_space<hbm>> -> memref<400xi32, #tpu.memory_space<hbm>>
      tpu.wait_dma2 semaphore(%run_scoped3A : memref<!tpu.dma_semaphore, #tpu.memory_space<semaphore_mem>>) src(%dma_wait3A_904 : memref<400xi32, #tpu.memory_space<hbm>>) dst(%arg8 : memref<400xi32, #tpu.memory_space<vmem>>)
      tpu.yield
    }) : () -> ()
    %dma_start3A_296 = arith.constant 0 : i32
    %dma_start3A_297 = arith.constant 0 : i32
    %dma_start3A_298 = tpu.memref_slice %arg2[%dma_start3A_296, %dma_start3A_297] : memref<10000x128xf32, #tpu.memory_space<hbm>> -> memref<10000x128xf32, #tpu.memory_space<hbm>>
    tpu.enqueue_indirect_dma source(%dma_start3A_298 : memref<10000x128xf32, #tpu.memory_space<hbm>>) target(%arg10 : memref<400x128xf32, #tpu.memory_space<vmem>>) offsets(%arg8 : memref<400xi32, #tpu.memory_space<vmem>>) semaphore(%arg12 : memref<!tpu.dma_semaphore, #tpu.memory_space<semaphore_mem>>)
    %dma_wait3A_299 = arith.constant 0 : i32
    %dma_wait3A_300 = arith.constant 0 : i32
    %dma_wait3A_301 = tpu.memref_slice %arg2[%dma_wait3A_299, %dma_wait3A_300] : memref<10000x128xf32, #tpu.memory_space<hbm>> -> memref<10000x128xf32, #tpu.memory_space<hbm>>
    tpu.wait_indirect_dma semaphore(%arg11 : memref<!tpu.dma_semaphore, #tpu.memory_space<semaphore_mem>>) src(%dma_wait3A_301 : memref<10000x128xf32, #tpu.memory_space<hbm>>) dst(%arg9 : memref<400x128xf32, #tpu.memory_space<vmem>>)
    %add3A_302 = arith.constant 6400 : i32
    %add3A_303 = arith.addi %mul3A_2, %add3A_302 : i32
    %dma_start3A_304 = arith.constant 0 : i32
    %dma_start3A_305 = tpu.memref_slice %arg5[%add3A_303, %dma_start3A_304] : memref<320000x128xf32, #tpu.memory_space<hbm>> -> memref<400x128xf32, #tpu.memory_space<hbm>>
    %dma_start3A_306 = arith.constant 0 : i32
    %dma_start3A_307 = tpu.memref_slice %arg5[%add3A_303, %dma_start3A_306] : memref<320000x128xf32, #tpu.memory_space<hbm>> -> memref<400x128xf32, #tpu.memory_space<hbm>>
    tpu.enqueue_dma source(%arg9 : memref<400x128xf32, #tpu.memory_space<vmem>>) target(%dma_start3A_307 : memref<400x128xf32, #tpu.memory_space<hbm>>) target_semaphore(%arg13 : memref<!tpu.dma_semaphore, #tpu.memory_space<semaphore_mem>>)
    %dma_wait3A_308 = arith.constant 0 : i32
    %dma_wait3A_309 = tpu.memref_slice %arg5[%add3A_303, %dma_wait3A_308] : memref<320000x128xf32, #tpu.memory_space<hbm>> -> memref<400x128xf32, #tpu.memory_space<hbm>>
    %dma_wait3A_310 = arith.constant 0 : i32
    %dma_wait3A_311 = tpu.memref_slice %arg5[%add3A_303, %dma_wait3A_310] : memref<320000x128xf32, #tpu.memory_space<hbm>> -> memref<400x128xf32, #tpu.memory_space<hbm>>
    tpu.wait_dma2 semaphore(%arg13 : memref<!tpu.dma_semaphore, #tpu.memory_space<semaphore_mem>>) src(%arg9 : memref<400x128xf32, #tpu.memory_space<vmem>>) dst(%dma_wait3A_311 : memref<400x128xf32, #tpu.memory_space<hbm>>)
    %add3A_312 = arith.constant 7200 : i32
    %add3A_313 = arith.addi %mul3A_2, %add3A_312 : i32
    "tpu.region"() ({
      %run_scoped3A = tpu.sem_alloc : memref<!tpu.dma_semaphore, #tpu.memory_space<semaphore_mem>>
      %dma_start3A_901 = tpu.memref_slice %arg3[%add3A_313] : memref<320000xi32, #tpu.memory_space<hbm>> -> memref<400xi32, #tpu.memory_space<hbm>>
      %dma_start3A_902 = tpu.memref_slice %arg3[%add3A_313] : memref<320000xi32, #tpu.memory_space<hbm>> -> memref<400xi32, #tpu.memory_space<hbm>>
      tpu.enqueue_dma source(%dma_start3A_902 : memref<400xi32, #tpu.memory_space<hbm>>) target(%arg7 : memref<400xi32, #tpu.memory_space<vmem>>) target_semaphore(%run_scoped3A : memref<!tpu.dma_semaphore, #tpu.memory_space<semaphore_mem>>)
      %dma_wait3A_903 = tpu.memref_slice %arg3[%add3A_313] : memref<320000xi32, #tpu.memory_space<hbm>> -> memref<400xi32, #tpu.memory_space<hbm>>
      %dma_wait3A_904 = tpu.memref_slice %arg3[%add3A_313] : memref<320000xi32, #tpu.memory_space<hbm>> -> memref<400xi32, #tpu.memory_space<hbm>>
      tpu.wait_dma2 semaphore(%run_scoped3A : memref<!tpu.dma_semaphore, #tpu.memory_space<semaphore_mem>>) src(%dma_wait3A_904 : memref<400xi32, #tpu.memory_space<hbm>>) dst(%arg7 : memref<400xi32, #tpu.memory_space<vmem>>)
      tpu.yield
    }) : () -> ()
    %dma_start3A_314 = arith.constant 0 : i32
    %dma_start3A_315 = arith.constant 0 : i32
    %dma_start3A_316 = tpu.memref_slice %arg2[%dma_start3A_314, %dma_start3A_315] : memref<10000x128xf32, #tpu.memory_space<hbm>> -> memref<10000x128xf32, #tpu.memory_space<hbm>>
    tpu.enqueue_indirect_dma source(%dma_start3A_316 : memref<10000x128xf32, #tpu.memory_space<hbm>>) target(%arg9 : memref<400x128xf32, #tpu.memory_space<vmem>>) offsets(%arg7 : memref<400xi32, #tpu.memory_space<vmem>>) semaphore(%arg11 : memref<!tpu.dma_semaphore, #tpu.memory_space<semaphore_mem>>)
    %dma_wait3A_317 = arith.constant 0 : i32
    %dma_wait3A_318 = arith.constant 0 : i32
    %dma_wait3A_319 = tpu.memref_slice %arg2[%dma_wait3A_317, %dma_wait3A_318] : memref<10000x128xf32, #tpu.memory_space<hbm>> -> memref<10000x128xf32, #tpu.memory_space<hbm>>
    tpu.wait_indirect_dma semaphore(%arg12 : memref<!tpu.dma_semaphore, #tpu.memory_space<semaphore_mem>>) src(%dma_wait3A_319 : memref<10000x128xf32, #tpu.memory_space<hbm>>) dst(%arg10 : memref<400x128xf32, #tpu.memory_space<vmem>>)
    %add3A_320 = arith.constant 6800 : i32
    %add3A_321 = arith.addi %mul3A_2, %add3A_320 : i32
    %dma_start3A_322 = arith.constant 0 : i32
    %dma_start3A_323 = tpu.memref_slice %arg5[%add3A_321, %dma_start3A_322] : memref<320000x128xf32, #tpu.memory_space<hbm>> -> memref<400x128xf32, #tpu.memory_space<hbm>>
    %dma_start3A_324 = arith.constant 0 : i32
    %dma_start3A_325 = tpu.memref_slice %arg5[%add3A_321, %dma_start3A_324] : memref<320000x128xf32, #tpu.memory_space<hbm>> -> memref<400x128xf32, #tpu.memory_space<hbm>>
    tpu.enqueue_dma source(%arg10 : memref<400x128xf32, #tpu.memory_space<vmem>>) target(%dma_start3A_325 : memref<400x128xf32, #tpu.memory_space<hbm>>) target_semaphore(%arg14 : memref<!tpu.dma_semaphore, #tpu.memory_space<semaphore_mem>>)
    %dma_wait3A_326 = arith.constant 0 : i32
    %dma_wait3A_327 = tpu.memref_slice %arg5[%add3A_321, %dma_wait3A_326] : memref<320000x128xf32, #tpu.memory_space<hbm>> -> memref<400x128xf32, #tpu.memory_space<hbm>>
    %dma_wait3A_328 = arith.constant 0 : i32
    %dma_wait3A_329 = tpu.memref_slice %arg5[%add3A_321, %dma_wait3A_328] : memref<320000x128xf32, #tpu.memory_space<hbm>> -> memref<400x128xf32, #tpu.memory_space<hbm>>
    tpu.wait_dma2 semaphore(%arg14 : memref<!tpu.dma_semaphore, #tpu.memory_space<semaphore_mem>>) src(%arg10 : memref<400x128xf32, #tpu.memory_space<vmem>>) dst(%dma_wait3A_329 : memref<400x128xf32, #tpu.memory_space<hbm>>)
    %add3A_330 = arith.constant 7600 : i32
    %add3A_331 = arith.addi %mul3A_2, %add3A_330 : i32
    "tpu.region"() ({
      %run_scoped3A = tpu.sem_alloc : memref<!tpu.dma_semaphore, #tpu.memory_space<semaphore_mem>>
      %dma_start3A_901 = tpu.memref_slice %arg3[%add3A_331] : memref<320000xi32, #tpu.memory_space<hbm>> -> memref<400xi32, #tpu.memory_space<hbm>>
      %dma_start3A_902 = tpu.memref_slice %arg3[%add3A_331] : memref<320000xi32, #tpu.memory_space<hbm>> -> memref<400xi32, #tpu.memory_space<hbm>>
      tpu.enqueue_dma source(%dma_start3A_902 : memref<400xi32, #tpu.memory_space<hbm>>) target(%arg8 : memref<400xi32, #tpu.memory_space<vmem>>) target_semaphore(%run_scoped3A : memref<!tpu.dma_semaphore, #tpu.memory_space<semaphore_mem>>)
      %dma_wait3A_903 = tpu.memref_slice %arg3[%add3A_331] : memref<320000xi32, #tpu.memory_space<hbm>> -> memref<400xi32, #tpu.memory_space<hbm>>
      %dma_wait3A_904 = tpu.memref_slice %arg3[%add3A_331] : memref<320000xi32, #tpu.memory_space<hbm>> -> memref<400xi32, #tpu.memory_space<hbm>>
      tpu.wait_dma2 semaphore(%run_scoped3A : memref<!tpu.dma_semaphore, #tpu.memory_space<semaphore_mem>>) src(%dma_wait3A_904 : memref<400xi32, #tpu.memory_space<hbm>>) dst(%arg8 : memref<400xi32, #tpu.memory_space<vmem>>)
      tpu.yield
    }) : () -> ()
    %dma_start3A_332 = arith.constant 0 : i32
    %dma_start3A_333 = arith.constant 0 : i32
    %dma_start3A_334 = tpu.memref_slice %arg2[%dma_start3A_332, %dma_start3A_333] : memref<10000x128xf32, #tpu.memory_space<hbm>> -> memref<10000x128xf32, #tpu.memory_space<hbm>>
    tpu.enqueue_indirect_dma source(%dma_start3A_334 : memref<10000x128xf32, #tpu.memory_space<hbm>>) target(%arg10 : memref<400x128xf32, #tpu.memory_space<vmem>>) offsets(%arg8 : memref<400xi32, #tpu.memory_space<vmem>>) semaphore(%arg12 : memref<!tpu.dma_semaphore, #tpu.memory_space<semaphore_mem>>)
    %dma_wait3A_335 = arith.constant 0 : i32
    %dma_wait3A_336 = arith.constant 0 : i32
    %dma_wait3A_337 = tpu.memref_slice %arg2[%dma_wait3A_335, %dma_wait3A_336] : memref<10000x128xf32, #tpu.memory_space<hbm>> -> memref<10000x128xf32, #tpu.memory_space<hbm>>
    tpu.wait_indirect_dma semaphore(%arg11 : memref<!tpu.dma_semaphore, #tpu.memory_space<semaphore_mem>>) src(%dma_wait3A_337 : memref<10000x128xf32, #tpu.memory_space<hbm>>) dst(%arg9 : memref<400x128xf32, #tpu.memory_space<vmem>>)
    %add3A_338 = arith.constant 7200 : i32
    %add3A_339 = arith.addi %mul3A_2, %add3A_338 : i32
    %dma_start3A_340 = arith.constant 0 : i32
    %dma_start3A_341 = tpu.memref_slice %arg5[%add3A_339, %dma_start3A_340] : memref<320000x128xf32, #tpu.memory_space<hbm>> -> memref<400x128xf32, #tpu.memory_space<hbm>>
    %dma_start3A_342 = arith.constant 0 : i32
    %dma_start3A_343 = tpu.memref_slice %arg5[%add3A_339, %dma_start3A_342] : memref<320000x128xf32, #tpu.memory_space<hbm>> -> memref<400x128xf32, #tpu.memory_space<hbm>>
    tpu.enqueue_dma source(%arg9 : memref<400x128xf32, #tpu.memory_space<vmem>>) target(%dma_start3A_343 : memref<400x128xf32, #tpu.memory_space<hbm>>) target_semaphore(%arg13 : memref<!tpu.dma_semaphore, #tpu.memory_space<semaphore_mem>>)
    %dma_wait3A_344 = arith.constant 0 : i32
    %dma_wait3A_345 = tpu.memref_slice %arg5[%add3A_339, %dma_wait3A_344] : memref<320000x128xf32, #tpu.memory_space<hbm>> -> memref<400x128xf32, #tpu.memory_space<hbm>>
    %dma_wait3A_346 = arith.constant 0 : i32
    %dma_wait3A_347 = tpu.memref_slice %arg5[%add3A_339, %dma_wait3A_346] : memref<320000x128xf32, #tpu.memory_space<hbm>> -> memref<400x128xf32, #tpu.memory_space<hbm>>
    tpu.wait_dma2 semaphore(%arg13 : memref<!tpu.dma_semaphore, #tpu.memory_space<semaphore_mem>>) src(%arg9 : memref<400x128xf32, #tpu.memory_space<vmem>>) dst(%dma_wait3A_347 : memref<400x128xf32, #tpu.memory_space<hbm>>)
    %add3A_348 = arith.constant 8000 : i32
    %add3A_349 = arith.addi %mul3A_2, %add3A_348 : i32
    "tpu.region"() ({
      %run_scoped3A = tpu.sem_alloc : memref<!tpu.dma_semaphore, #tpu.memory_space<semaphore_mem>>
      %dma_start3A_901 = tpu.memref_slice %arg3[%add3A_349] : memref<320000xi32, #tpu.memory_space<hbm>> -> memref<400xi32, #tpu.memory_space<hbm>>
      %dma_start3A_902 = tpu.memref_slice %arg3[%add3A_349] : memref<320000xi32, #tpu.memory_space<hbm>> -> memref<400xi32, #tpu.memory_space<hbm>>
      tpu.enqueue_dma source(%dma_start3A_902 : memref<400xi32, #tpu.memory_space<hbm>>) target(%arg7 : memref<400xi32, #tpu.memory_space<vmem>>) target_semaphore(%run_scoped3A : memref<!tpu.dma_semaphore, #tpu.memory_space<semaphore_mem>>)
      %dma_wait3A_903 = tpu.memref_slice %arg3[%add3A_349] : memref<320000xi32, #tpu.memory_space<hbm>> -> memref<400xi32, #tpu.memory_space<hbm>>
      %dma_wait3A_904 = tpu.memref_slice %arg3[%add3A_349] : memref<320000xi32, #tpu.memory_space<hbm>> -> memref<400xi32, #tpu.memory_space<hbm>>
      tpu.wait_dma2 semaphore(%run_scoped3A : memref<!tpu.dma_semaphore, #tpu.memory_space<semaphore_mem>>) src(%dma_wait3A_904 : memref<400xi32, #tpu.memory_space<hbm>>) dst(%arg7 : memref<400xi32, #tpu.memory_space<vmem>>)
      tpu.yield
    }) : () -> ()
    %dma_start3A_350 = arith.constant 0 : i32
    %dma_start3A_351 = arith.constant 0 : i32
    %dma_start3A_352 = tpu.memref_slice %arg2[%dma_start3A_350, %dma_start3A_351] : memref<10000x128xf32, #tpu.memory_space<hbm>> -> memref<10000x128xf32, #tpu.memory_space<hbm>>
    tpu.enqueue_indirect_dma source(%dma_start3A_352 : memref<10000x128xf32, #tpu.memory_space<hbm>>) target(%arg9 : memref<400x128xf32, #tpu.memory_space<vmem>>) offsets(%arg7 : memref<400xi32, #tpu.memory_space<vmem>>) semaphore(%arg11 : memref<!tpu.dma_semaphore, #tpu.memory_space<semaphore_mem>>)
    %dma_wait3A_353 = arith.constant 0 : i32
    %dma_wait3A_354 = arith.constant 0 : i32
    %dma_wait3A_355 = tpu.memref_slice %arg2[%dma_wait3A_353, %dma_wait3A_354] : memref<10000x128xf32, #tpu.memory_space<hbm>> -> memref<10000x128xf32, #tpu.memory_space<hbm>>
    tpu.wait_indirect_dma semaphore(%arg12 : memref<!tpu.dma_semaphore, #tpu.memory_space<semaphore_mem>>) src(%dma_wait3A_355 : memref<10000x128xf32, #tpu.memory_space<hbm>>) dst(%arg10 : memref<400x128xf32, #tpu.memory_space<vmem>>)
    %add3A_356 = arith.constant 7600 : i32
    %add3A_357 = arith.addi %mul3A_2, %add3A_356 : i32
    %dma_start3A_358 = arith.constant 0 : i32
    %dma_start3A_359 = tpu.memref_slice %arg5[%add3A_357, %dma_start3A_358] : memref<320000x128xf32, #tpu.memory_space<hbm>> -> memref<400x128xf32, #tpu.memory_space<hbm>>
    %dma_start3A_360 = arith.constant 0 : i32
    %dma_start3A_361 = tpu.memref_slice %arg5[%add3A_357, %dma_start3A_360] : memref<320000x128xf32, #tpu.memory_space<hbm>> -> memref<400x128xf32, #tpu.memory_space<hbm>>
    tpu.enqueue_dma source(%arg10 : memref<400x128xf32, #tpu.memory_space<vmem>>) target(%dma_start3A_361 : memref<400x128xf32, #tpu.memory_space<hbm>>) target_semaphore(%arg14 : memref<!tpu.dma_semaphore, #tpu.memory_space<semaphore_mem>>)
    %dma_wait3A_362 = arith.constant 0 : i32
    %dma_wait3A_363 = tpu.memref_slice %arg5[%add3A_357, %dma_wait3A_362] : memref<320000x128xf32, #tpu.memory_space<hbm>> -> memref<400x128xf32, #tpu.memory_space<hbm>>
    %dma_wait3A_364 = arith.constant 0 : i32
    %dma_wait3A_365 = tpu.memref_slice %arg5[%add3A_357, %dma_wait3A_364] : memref<320000x128xf32, #tpu.memory_space<hbm>> -> memref<400x128xf32, #tpu.memory_space<hbm>>
    tpu.wait_dma2 semaphore(%arg14 : memref<!tpu.dma_semaphore, #tpu.memory_space<semaphore_mem>>) src(%arg10 : memref<400x128xf32, #tpu.memory_space<vmem>>) dst(%dma_wait3A_365 : memref<400x128xf32, #tpu.memory_space<hbm>>)
    %add3A_366 = arith.constant 8400 : i32
    %add3A_367 = arith.addi %mul3A_2, %add3A_366 : i32
    "tpu.region"() ({
      %run_scoped3A = tpu.sem_alloc : memref<!tpu.dma_semaphore, #tpu.memory_space<semaphore_mem>>
      %dma_start3A_901 = tpu.memref_slice %arg3[%add3A_367] : memref<320000xi32, #tpu.memory_space<hbm>> -> memref<400xi32, #tpu.memory_space<hbm>>
      %dma_start3A_902 = tpu.memref_slice %arg3[%add3A_367] : memref<320000xi32, #tpu.memory_space<hbm>> -> memref<400xi32, #tpu.memory_space<hbm>>
      tpu.enqueue_dma source(%dma_start3A_902 : memref<400xi32, #tpu.memory_space<hbm>>) target(%arg8 : memref<400xi32, #tpu.memory_space<vmem>>) target_semaphore(%run_scoped3A : memref<!tpu.dma_semaphore, #tpu.memory_space<semaphore_mem>>)
      %dma_wait3A_903 = tpu.memref_slice %arg3[%add3A_367] : memref<320000xi32, #tpu.memory_space<hbm>> -> memref<400xi32, #tpu.memory_space<hbm>>
      %dma_wait3A_904 = tpu.memref_slice %arg3[%add3A_367] : memref<320000xi32, #tpu.memory_space<hbm>> -> memref<400xi32, #tpu.memory_space<hbm>>
      tpu.wait_dma2 semaphore(%run_scoped3A : memref<!tpu.dma_semaphore, #tpu.memory_space<semaphore_mem>>) src(%dma_wait3A_904 : memref<400xi32, #tpu.memory_space<hbm>>) dst(%arg8 : memref<400xi32, #tpu.memory_space<vmem>>)
      tpu.yield
    }) : () -> ()
    %dma_start3A_368 = arith.constant 0 : i32
    %dma_start3A_369 = arith.constant 0 : i32
    %dma_start3A_370 = tpu.memref_slice %arg2[%dma_start3A_368, %dma_start3A_369] : memref<10000x128xf32, #tpu.memory_space<hbm>> -> memref<10000x128xf32, #tpu.memory_space<hbm>>
    tpu.enqueue_indirect_dma source(%dma_start3A_370 : memref<10000x128xf32, #tpu.memory_space<hbm>>) target(%arg10 : memref<400x128xf32, #tpu.memory_space<vmem>>) offsets(%arg8 : memref<400xi32, #tpu.memory_space<vmem>>) semaphore(%arg12 : memref<!tpu.dma_semaphore, #tpu.memory_space<semaphore_mem>>)
    %dma_wait3A_371 = arith.constant 0 : i32
    %dma_wait3A_372 = arith.constant 0 : i32
    %dma_wait3A_373 = tpu.memref_slice %arg2[%dma_wait3A_371, %dma_wait3A_372] : memref<10000x128xf32, #tpu.memory_space<hbm>> -> memref<10000x128xf32, #tpu.memory_space<hbm>>
    tpu.wait_indirect_dma semaphore(%arg11 : memref<!tpu.dma_semaphore, #tpu.memory_space<semaphore_mem>>) src(%dma_wait3A_373 : memref<10000x128xf32, #tpu.memory_space<hbm>>) dst(%arg9 : memref<400x128xf32, #tpu.memory_space<vmem>>)
    %add3A_374 = arith.constant 8000 : i32
    %add3A_375 = arith.addi %mul3A_2, %add3A_374 : i32
    %dma_start3A_376 = arith.constant 0 : i32
    %dma_start3A_377 = tpu.memref_slice %arg5[%add3A_375, %dma_start3A_376] : memref<320000x128xf32, #tpu.memory_space<hbm>> -> memref<400x128xf32, #tpu.memory_space<hbm>>
    %dma_start3A_378 = arith.constant 0 : i32
    %dma_start3A_379 = tpu.memref_slice %arg5[%add3A_375, %dma_start3A_378] : memref<320000x128xf32, #tpu.memory_space<hbm>> -> memref<400x128xf32, #tpu.memory_space<hbm>>
    tpu.enqueue_dma source(%arg9 : memref<400x128xf32, #tpu.memory_space<vmem>>) target(%dma_start3A_379 : memref<400x128xf32, #tpu.memory_space<hbm>>) target_semaphore(%arg13 : memref<!tpu.dma_semaphore, #tpu.memory_space<semaphore_mem>>)
    %dma_wait3A_380 = arith.constant 0 : i32
    %dma_wait3A_381 = tpu.memref_slice %arg5[%add3A_375, %dma_wait3A_380] : memref<320000x128xf32, #tpu.memory_space<hbm>> -> memref<400x128xf32, #tpu.memory_space<hbm>>
    %dma_wait3A_382 = arith.constant 0 : i32
    %dma_wait3A_383 = tpu.memref_slice %arg5[%add3A_375, %dma_wait3A_382] : memref<320000x128xf32, #tpu.memory_space<hbm>> -> memref<400x128xf32, #tpu.memory_space<hbm>>
    tpu.wait_dma2 semaphore(%arg13 : memref<!tpu.dma_semaphore, #tpu.memory_space<semaphore_mem>>) src(%arg9 : memref<400x128xf32, #tpu.memory_space<vmem>>) dst(%dma_wait3A_383 : memref<400x128xf32, #tpu.memory_space<hbm>>)
    %add3A_384 = arith.constant 8800 : i32
    %add3A_385 = arith.addi %mul3A_2, %add3A_384 : i32
    "tpu.region"() ({
      %run_scoped3A = tpu.sem_alloc : memref<!tpu.dma_semaphore, #tpu.memory_space<semaphore_mem>>
      %dma_start3A_901 = tpu.memref_slice %arg3[%add3A_385] : memref<320000xi32, #tpu.memory_space<hbm>> -> memref<400xi32, #tpu.memory_space<hbm>>
      %dma_start3A_902 = tpu.memref_slice %arg3[%add3A_385] : memref<320000xi32, #tpu.memory_space<hbm>> -> memref<400xi32, #tpu.memory_space<hbm>>
      tpu.enqueue_dma source(%dma_start3A_902 : memref<400xi32, #tpu.memory_space<hbm>>) target(%arg7 : memref<400xi32, #tpu.memory_space<vmem>>) target_semaphore(%run_scoped3A : memref<!tpu.dma_semaphore, #tpu.memory_space<semaphore_mem>>)
      %dma_wait3A_903 = tpu.memref_slice %arg3[%add3A_385] : memref<320000xi32, #tpu.memory_space<hbm>> -> memref<400xi32, #tpu.memory_space<hbm>>
      %dma_wait3A_904 = tpu.memref_slice %arg3[%add3A_385] : memref<320000xi32, #tpu.memory_space<hbm>> -> memref<400xi32, #tpu.memory_space<hbm>>
      tpu.wait_dma2 semaphore(%run_scoped3A : memref<!tpu.dma_semaphore, #tpu.memory_space<semaphore_mem>>) src(%dma_wait3A_904 : memref<400xi32, #tpu.memory_space<hbm>>) dst(%arg7 : memref<400xi32, #tpu.memory_space<vmem>>)
      tpu.yield
    }) : () -> ()
    %dma_start3A_386 = arith.constant 0 : i32
    %dma_start3A_387 = arith.constant 0 : i32
    %dma_start3A_388 = tpu.memref_slice %arg2[%dma_start3A_386, %dma_start3A_387] : memref<10000x128xf32, #tpu.memory_space<hbm>> -> memref<10000x128xf32, #tpu.memory_space<hbm>>
    tpu.enqueue_indirect_dma source(%dma_start3A_388 : memref<10000x128xf32, #tpu.memory_space<hbm>>) target(%arg9 : memref<400x128xf32, #tpu.memory_space<vmem>>) offsets(%arg7 : memref<400xi32, #tpu.memory_space<vmem>>) semaphore(%arg11 : memref<!tpu.dma_semaphore, #tpu.memory_space<semaphore_mem>>)
    %dma_wait3A_389 = arith.constant 0 : i32
    %dma_wait3A_390 = arith.constant 0 : i32
    %dma_wait3A_391 = tpu.memref_slice %arg2[%dma_wait3A_389, %dma_wait3A_390] : memref<10000x128xf32, #tpu.memory_space<hbm>> -> memref<10000x128xf32, #tpu.memory_space<hbm>>
    tpu.wait_indirect_dma semaphore(%arg12 : memref<!tpu.dma_semaphore, #tpu.memory_space<semaphore_mem>>) src(%dma_wait3A_391 : memref<10000x128xf32, #tpu.memory_space<hbm>>) dst(%arg10 : memref<400x128xf32, #tpu.memory_space<vmem>>)
    %add3A_392 = arith.constant 8400 : i32
    %add3A_393 = arith.addi %mul3A_2, %add3A_392 : i32
    %dma_start3A_394 = arith.constant 0 : i32
    %dma_start3A_395 = tpu.memref_slice %arg5[%add3A_393, %dma_start3A_394] : memref<320000x128xf32, #tpu.memory_space<hbm>> -> memref<400x128xf32, #tpu.memory_space<hbm>>
    %dma_start3A_396 = arith.constant 0 : i32
    %dma_start3A_397 = tpu.memref_slice %arg5[%add3A_393, %dma_start3A_396] : memref<320000x128xf32, #tpu.memory_space<hbm>> -> memref<400x128xf32, #tpu.memory_space<hbm>>
    tpu.enqueue_dma source(%arg10 : memref<400x128xf32, #tpu.memory_space<vmem>>) target(%dma_start3A_397 : memref<400x128xf32, #tpu.memory_space<hbm>>) target_semaphore(%arg14 : memref<!tpu.dma_semaphore, #tpu.memory_space<semaphore_mem>>)
    %dma_wait3A_398 = arith.constant 0 : i32
    %dma_wait3A_399 = tpu.memref_slice %arg5[%add3A_393, %dma_wait3A_398] : memref<320000x128xf32, #tpu.memory_space<hbm>> -> memref<400x128xf32, #tpu.memory_space<hbm>>
    %dma_wait3A_400 = arith.constant 0 : i32
    %dma_wait3A_401 = tpu.memref_slice %arg5[%add3A_393, %dma_wait3A_400] : memref<320000x128xf32, #tpu.memory_space<hbm>> -> memref<400x128xf32, #tpu.memory_space<hbm>>
    tpu.wait_dma2 semaphore(%arg14 : memref<!tpu.dma_semaphore, #tpu.memory_space<semaphore_mem>>) src(%arg10 : memref<400x128xf32, #tpu.memory_space<vmem>>) dst(%dma_wait3A_401 : memref<400x128xf32, #tpu.memory_space<hbm>>)
    %add3A_402 = arith.constant 9200 : i32
    %add3A_403 = arith.addi %mul3A_2, %add3A_402 : i32
    "tpu.region"() ({
      %run_scoped3A = tpu.sem_alloc : memref<!tpu.dma_semaphore, #tpu.memory_space<semaphore_mem>>
      %dma_start3A_901 = tpu.memref_slice %arg3[%add3A_403] : memref<320000xi32, #tpu.memory_space<hbm>> -> memref<400xi32, #tpu.memory_space<hbm>>
      %dma_start3A_902 = tpu.memref_slice %arg3[%add3A_403] : memref<320000xi32, #tpu.memory_space<hbm>> -> memref<400xi32, #tpu.memory_space<hbm>>
      tpu.enqueue_dma source(%dma_start3A_902 : memref<400xi32, #tpu.memory_space<hbm>>) target(%arg8 : memref<400xi32, #tpu.memory_space<vmem>>) target_semaphore(%run_scoped3A : memref<!tpu.dma_semaphore, #tpu.memory_space<semaphore_mem>>)
      %dma_wait3A_903 = tpu.memref_slice %arg3[%add3A_403] : memref<320000xi32, #tpu.memory_space<hbm>> -> memref<400xi32, #tpu.memory_space<hbm>>
      %dma_wait3A_904 = tpu.memref_slice %arg3[%add3A_403] : memref<320000xi32, #tpu.memory_space<hbm>> -> memref<400xi32, #tpu.memory_space<hbm>>
      tpu.wait_dma2 semaphore(%run_scoped3A : memref<!tpu.dma_semaphore, #tpu.memory_space<semaphore_mem>>) src(%dma_wait3A_904 : memref<400xi32, #tpu.memory_space<hbm>>) dst(%arg8 : memref<400xi32, #tpu.memory_space<vmem>>)
      tpu.yield
    }) : () -> ()
    %dma_start3A_404 = arith.constant 0 : i32
    %dma_start3A_405 = arith.constant 0 : i32
    %dma_start3A_406 = tpu.memref_slice %arg2[%dma_start3A_404, %dma_start3A_405] : memref<10000x128xf32, #tpu.memory_space<hbm>> -> memref<10000x128xf32, #tpu.memory_space<hbm>>
    tpu.enqueue_indirect_dma source(%dma_start3A_406 : memref<10000x128xf32, #tpu.memory_space<hbm>>) target(%arg10 : memref<400x128xf32, #tpu.memory_space<vmem>>) offsets(%arg8 : memref<400xi32, #tpu.memory_space<vmem>>) semaphore(%arg12 : memref<!tpu.dma_semaphore, #tpu.memory_space<semaphore_mem>>)
    %dma_wait3A_407 = arith.constant 0 : i32
    %dma_wait3A_408 = arith.constant 0 : i32
    %dma_wait3A_409 = tpu.memref_slice %arg2[%dma_wait3A_407, %dma_wait3A_408] : memref<10000x128xf32, #tpu.memory_space<hbm>> -> memref<10000x128xf32, #tpu.memory_space<hbm>>
    tpu.wait_indirect_dma semaphore(%arg11 : memref<!tpu.dma_semaphore, #tpu.memory_space<semaphore_mem>>) src(%dma_wait3A_409 : memref<10000x128xf32, #tpu.memory_space<hbm>>) dst(%arg9 : memref<400x128xf32, #tpu.memory_space<vmem>>)
    %add3A_410 = arith.constant 8800 : i32
    %add3A_411 = arith.addi %mul3A_2, %add3A_410 : i32
    %dma_start3A_412 = arith.constant 0 : i32
    %dma_start3A_413 = tpu.memref_slice %arg5[%add3A_411, %dma_start3A_412] : memref<320000x128xf32, #tpu.memory_space<hbm>> -> memref<400x128xf32, #tpu.memory_space<hbm>>
    %dma_start3A_414 = arith.constant 0 : i32
    %dma_start3A_415 = tpu.memref_slice %arg5[%add3A_411, %dma_start3A_414] : memref<320000x128xf32, #tpu.memory_space<hbm>> -> memref<400x128xf32, #tpu.memory_space<hbm>>
    tpu.enqueue_dma source(%arg9 : memref<400x128xf32, #tpu.memory_space<vmem>>) target(%dma_start3A_415 : memref<400x128xf32, #tpu.memory_space<hbm>>) target_semaphore(%arg13 : memref<!tpu.dma_semaphore, #tpu.memory_space<semaphore_mem>>)
    %dma_wait3A_416 = arith.constant 0 : i32
    %dma_wait3A_417 = tpu.memref_slice %arg5[%add3A_411, %dma_wait3A_416] : memref<320000x128xf32, #tpu.memory_space<hbm>> -> memref<400x128xf32, #tpu.memory_space<hbm>>
    %dma_wait3A_418 = arith.constant 0 : i32
    %dma_wait3A_419 = tpu.memref_slice %arg5[%add3A_411, %dma_wait3A_418] : memref<320000x128xf32, #tpu.memory_space<hbm>> -> memref<400x128xf32, #tpu.memory_space<hbm>>
    tpu.wait_dma2 semaphore(%arg13 : memref<!tpu.dma_semaphore, #tpu.memory_space<semaphore_mem>>) src(%arg9 : memref<400x128xf32, #tpu.memory_space<vmem>>) dst(%dma_wait3A_419 : memref<400x128xf32, #tpu.memory_space<hbm>>)
    %add3A_420 = arith.constant 9600 : i32
    %add3A_421 = arith.addi %mul3A_2, %add3A_420 : i32
    "tpu.region"() ({
      %run_scoped3A = tpu.sem_alloc : memref<!tpu.dma_semaphore, #tpu.memory_space<semaphore_mem>>
      %dma_start3A_901 = tpu.memref_slice %arg3[%add3A_421] : memref<320000xi32, #tpu.memory_space<hbm>> -> memref<400xi32, #tpu.memory_space<hbm>>
      %dma_start3A_902 = tpu.memref_slice %arg3[%add3A_421] : memref<320000xi32, #tpu.memory_space<hbm>> -> memref<400xi32, #tpu.memory_space<hbm>>
      tpu.enqueue_dma source(%dma_start3A_902 : memref<400xi32, #tpu.memory_space<hbm>>) target(%arg7 : memref<400xi32, #tpu.memory_space<vmem>>) target_semaphore(%run_scoped3A : memref<!tpu.dma_semaphore, #tpu.memory_space<semaphore_mem>>)
      %dma_wait3A_903 = tpu.memref_slice %arg3[%add3A_421] : memref<320000xi32, #tpu.memory_space<hbm>> -> memref<400xi32, #tpu.memory_space<hbm>>
      %dma_wait3A_904 = tpu.memref_slice %arg3[%add3A_421] : memref<320000xi32, #tpu.memory_space<hbm>> -> memref<400xi32, #tpu.memory_space<hbm>>
      tpu.wait_dma2 semaphore(%run_scoped3A : memref<!tpu.dma_semaphore, #tpu.memory_space<semaphore_mem>>) src(%dma_wait3A_904 : memref<400xi32, #tpu.memory_space<hbm>>) dst(%arg7 : memref<400xi32, #tpu.memory_space<vmem>>)
      tpu.yield
    }) : () -> ()
    %dma_start3A_422 = arith.constant 0 : i32
    %dma_start3A_423 = arith.constant 0 : i32
    %dma_start3A_424 = tpu.memref_slice %arg2[%dma_start3A_422, %dma_start3A_423] : memref<10000x128xf32, #tpu.memory_space<hbm>> -> memref<10000x128xf32, #tpu.memory_space<hbm>>
    tpu.enqueue_indirect_dma source(%dma_start3A_424 : memref<10000x128xf32, #tpu.memory_space<hbm>>) target(%arg9 : memref<400x128xf32, #tpu.memory_space<vmem>>) offsets(%arg7 : memref<400xi32, #tpu.memory_space<vmem>>) semaphore(%arg11 : memref<!tpu.dma_semaphore, #tpu.memory_space<semaphore_mem>>)
    %dma_wait3A_425 = arith.constant 0 : i32
    %dma_wait3A_426 = arith.constant 0 : i32
    %dma_wait3A_427 = tpu.memref_slice %arg2[%dma_wait3A_425, %dma_wait3A_426] : memref<10000x128xf32, #tpu.memory_space<hbm>> -> memref<10000x128xf32, #tpu.memory_space<hbm>>
    tpu.wait_indirect_dma semaphore(%arg12 : memref<!tpu.dma_semaphore, #tpu.memory_space<semaphore_mem>>) src(%dma_wait3A_427 : memref<10000x128xf32, #tpu.memory_space<hbm>>) dst(%arg10 : memref<400x128xf32, #tpu.memory_space<vmem>>)
    %add3A_428 = arith.constant 9200 : i32
    %add3A_429 = arith.addi %mul3A_2, %add3A_428 : i32
    %dma_start3A_430 = arith.constant 0 : i32
    %dma_start3A_431 = tpu.memref_slice %arg5[%add3A_429, %dma_start3A_430] : memref<320000x128xf32, #tpu.memory_space<hbm>> -> memref<400x128xf32, #tpu.memory_space<hbm>>
    %dma_start3A_432 = arith.constant 0 : i32
    %dma_start3A_433 = tpu.memref_slice %arg5[%add3A_429, %dma_start3A_432] : memref<320000x128xf32, #tpu.memory_space<hbm>> -> memref<400x128xf32, #tpu.memory_space<hbm>>
    tpu.enqueue_dma source(%arg10 : memref<400x128xf32, #tpu.memory_space<vmem>>) target(%dma_start3A_433 : memref<400x128xf32, #tpu.memory_space<hbm>>) target_semaphore(%arg14 : memref<!tpu.dma_semaphore, #tpu.memory_space<semaphore_mem>>)
    %dma_wait3A_434 = arith.constant 0 : i32
    %dma_wait3A_435 = tpu.memref_slice %arg5[%add3A_429, %dma_wait3A_434] : memref<320000x128xf32, #tpu.memory_space<hbm>> -> memref<400x128xf32, #tpu.memory_space<hbm>>
    %dma_wait3A_436 = arith.constant 0 : i32
    %dma_wait3A_437 = tpu.memref_slice %arg5[%add3A_429, %dma_wait3A_436] : memref<320000x128xf32, #tpu.memory_space<hbm>> -> memref<400x128xf32, #tpu.memory_space<hbm>>
    tpu.wait_dma2 semaphore(%arg14 : memref<!tpu.dma_semaphore, #tpu.memory_space<semaphore_mem>>) src(%arg10 : memref<400x128xf32, #tpu.memory_space<vmem>>) dst(%dma_wait3A_437 : memref<400x128xf32, #tpu.memory_space<hbm>>)
    %add3A_438 = arith.constant 0 : i32
    %add3A_439 = arith.addi %mul3A_2, %add3A_438 : i32
    "tpu.region"() ({
      %run_scoped3A = tpu.sem_alloc : memref<!tpu.dma_semaphore, #tpu.memory_space<semaphore_mem>>
      %dma_start3A_901 = tpu.memref_slice %arg4[%add3A_439] : memref<320000xi32, #tpu.memory_space<hbm>> -> memref<400xi32, #tpu.memory_space<hbm>>
      %dma_start3A_902 = tpu.memref_slice %arg4[%add3A_439] : memref<320000xi32, #tpu.memory_space<hbm>> -> memref<400xi32, #tpu.memory_space<hbm>>
      tpu.enqueue_dma source(%dma_start3A_902 : memref<400xi32, #tpu.memory_space<hbm>>) target(%arg8 : memref<400xi32, #tpu.memory_space<vmem>>) target_semaphore(%run_scoped3A : memref<!tpu.dma_semaphore, #tpu.memory_space<semaphore_mem>>)
      %dma_wait3A_903 = tpu.memref_slice %arg4[%add3A_439] : memref<320000xi32, #tpu.memory_space<hbm>> -> memref<400xi32, #tpu.memory_space<hbm>>
      %dma_wait3A_904 = tpu.memref_slice %arg4[%add3A_439] : memref<320000xi32, #tpu.memory_space<hbm>> -> memref<400xi32, #tpu.memory_space<hbm>>
      tpu.wait_dma2 semaphore(%run_scoped3A : memref<!tpu.dma_semaphore, #tpu.memory_space<semaphore_mem>>) src(%dma_wait3A_904 : memref<400xi32, #tpu.memory_space<hbm>>) dst(%arg8 : memref<400xi32, #tpu.memory_space<vmem>>)
      tpu.yield
    }) : () -> ()
    %dma_start3A_440 = arith.constant 0 : i32
    %dma_start3A_441 = arith.constant 0 : i32
    %dma_start3A_442 = tpu.memref_slice %arg2[%dma_start3A_440, %dma_start3A_441] : memref<10000x128xf32, #tpu.memory_space<hbm>> -> memref<10000x128xf32, #tpu.memory_space<hbm>>
    tpu.enqueue_indirect_dma source(%dma_start3A_442 : memref<10000x128xf32, #tpu.memory_space<hbm>>) target(%arg10 : memref<400x128xf32, #tpu.memory_space<vmem>>) offsets(%arg8 : memref<400xi32, #tpu.memory_space<vmem>>) semaphore(%arg12 : memref<!tpu.dma_semaphore, #tpu.memory_space<semaphore_mem>>)
    %dma_wait3A_443 = arith.constant 0 : i32
    %dma_wait3A_444 = arith.constant 0 : i32
    %dma_wait3A_445 = tpu.memref_slice %arg2[%dma_wait3A_443, %dma_wait3A_444] : memref<10000x128xf32, #tpu.memory_space<hbm>> -> memref<10000x128xf32, #tpu.memory_space<hbm>>
    tpu.wait_indirect_dma semaphore(%arg11 : memref<!tpu.dma_semaphore, #tpu.memory_space<semaphore_mem>>) src(%dma_wait3A_445 : memref<10000x128xf32, #tpu.memory_space<hbm>>) dst(%arg9 : memref<400x128xf32, #tpu.memory_space<vmem>>)
    %add3A_446 = arith.constant 9600 : i32
    %add3A_447 = arith.addi %mul3A_2, %add3A_446 : i32
    %dma_start3A_448 = arith.constant 0 : i32
    %dma_start3A_449 = tpu.memref_slice %arg5[%add3A_447, %dma_start3A_448] : memref<320000x128xf32, #tpu.memory_space<hbm>> -> memref<400x128xf32, #tpu.memory_space<hbm>>
    %dma_start3A_450 = arith.constant 0 : i32
    %dma_start3A_451 = tpu.memref_slice %arg5[%add3A_447, %dma_start3A_450] : memref<320000x128xf32, #tpu.memory_space<hbm>> -> memref<400x128xf32, #tpu.memory_space<hbm>>
    tpu.enqueue_dma source(%arg9 : memref<400x128xf32, #tpu.memory_space<vmem>>) target(%dma_start3A_451 : memref<400x128xf32, #tpu.memory_space<hbm>>) target_semaphore(%arg13 : memref<!tpu.dma_semaphore, #tpu.memory_space<semaphore_mem>>)
    %dma_wait3A_452 = arith.constant 0 : i32
    %dma_wait3A_453 = tpu.memref_slice %arg5[%add3A_447, %dma_wait3A_452] : memref<320000x128xf32, #tpu.memory_space<hbm>> -> memref<400x128xf32, #tpu.memory_space<hbm>>
    %dma_wait3A_454 = arith.constant 0 : i32
    %dma_wait3A_455 = tpu.memref_slice %arg5[%add3A_447, %dma_wait3A_454] : memref<320000x128xf32, #tpu.memory_space<hbm>> -> memref<400x128xf32, #tpu.memory_space<hbm>>
    tpu.wait_dma2 semaphore(%arg13 : memref<!tpu.dma_semaphore, #tpu.memory_space<semaphore_mem>>) src(%arg9 : memref<400x128xf32, #tpu.memory_space<vmem>>) dst(%dma_wait3A_455 : memref<400x128xf32, #tpu.memory_space<hbm>>)
    %add3A_456 = arith.constant 400 : i32
    %add3A_457 = arith.addi %mul3A_2, %add3A_456 : i32
    "tpu.region"() ({
      %run_scoped3A = tpu.sem_alloc : memref<!tpu.dma_semaphore, #tpu.memory_space<semaphore_mem>>
      %dma_start3A_901 = tpu.memref_slice %arg4[%add3A_457] : memref<320000xi32, #tpu.memory_space<hbm>> -> memref<400xi32, #tpu.memory_space<hbm>>
      %dma_start3A_902 = tpu.memref_slice %arg4[%add3A_457] : memref<320000xi32, #tpu.memory_space<hbm>> -> memref<400xi32, #tpu.memory_space<hbm>>
      tpu.enqueue_dma source(%dma_start3A_902 : memref<400xi32, #tpu.memory_space<hbm>>) target(%arg7 : memref<400xi32, #tpu.memory_space<vmem>>) target_semaphore(%run_scoped3A : memref<!tpu.dma_semaphore, #tpu.memory_space<semaphore_mem>>)
      %dma_wait3A_903 = tpu.memref_slice %arg4[%add3A_457] : memref<320000xi32, #tpu.memory_space<hbm>> -> memref<400xi32, #tpu.memory_space<hbm>>
      %dma_wait3A_904 = tpu.memref_slice %arg4[%add3A_457] : memref<320000xi32, #tpu.memory_space<hbm>> -> memref<400xi32, #tpu.memory_space<hbm>>
      tpu.wait_dma2 semaphore(%run_scoped3A : memref<!tpu.dma_semaphore, #tpu.memory_space<semaphore_mem>>) src(%dma_wait3A_904 : memref<400xi32, #tpu.memory_space<hbm>>) dst(%arg7 : memref<400xi32, #tpu.memory_space<vmem>>)
      tpu.yield
    }) : () -> ()
    %dma_start3A_458 = arith.constant 0 : i32
    %dma_start3A_459 = arith.constant 0 : i32
    %dma_start3A_460 = tpu.memref_slice %arg2[%dma_start3A_458, %dma_start3A_459] : memref<10000x128xf32, #tpu.memory_space<hbm>> -> memref<10000x128xf32, #tpu.memory_space<hbm>>
    tpu.enqueue_indirect_dma source(%dma_start3A_460 : memref<10000x128xf32, #tpu.memory_space<hbm>>) target(%arg9 : memref<400x128xf32, #tpu.memory_space<vmem>>) offsets(%arg7 : memref<400xi32, #tpu.memory_space<vmem>>) semaphore(%arg11 : memref<!tpu.dma_semaphore, #tpu.memory_space<semaphore_mem>>)
    %dma_wait3A_461 = arith.constant 0 : i32
    %dma_wait3A_462 = arith.constant 0 : i32
    %dma_wait3A_463 = tpu.memref_slice %arg2[%dma_wait3A_461, %dma_wait3A_462] : memref<10000x128xf32, #tpu.memory_space<hbm>> -> memref<10000x128xf32, #tpu.memory_space<hbm>>
    tpu.wait_indirect_dma semaphore(%arg12 : memref<!tpu.dma_semaphore, #tpu.memory_space<semaphore_mem>>) src(%dma_wait3A_463 : memref<10000x128xf32, #tpu.memory_space<hbm>>) dst(%arg10 : memref<400x128xf32, #tpu.memory_space<vmem>>)
    %add3A_464 = arith.constant 0 : i32
    %add3A_465 = arith.addi %mul3A_2, %add3A_464 : i32
    %dma_start3A_466 = arith.constant 0 : i32
    %dma_start3A_467 = tpu.memref_slice %arg6[%add3A_465, %dma_start3A_466] : memref<320000x128xf32, #tpu.memory_space<hbm>> -> memref<400x128xf32, #tpu.memory_space<hbm>>
    %dma_start3A_468 = arith.constant 0 : i32
    %dma_start3A_469 = tpu.memref_slice %arg6[%add3A_465, %dma_start3A_468] : memref<320000x128xf32, #tpu.memory_space<hbm>> -> memref<400x128xf32, #tpu.memory_space<hbm>>
    tpu.enqueue_dma source(%arg10 : memref<400x128xf32, #tpu.memory_space<vmem>>) target(%dma_start3A_469 : memref<400x128xf32, #tpu.memory_space<hbm>>) target_semaphore(%arg14 : memref<!tpu.dma_semaphore, #tpu.memory_space<semaphore_mem>>)
    %dma_wait3A_470 = arith.constant 0 : i32
    %dma_wait3A_471 = tpu.memref_slice %arg6[%add3A_465, %dma_wait3A_470] : memref<320000x128xf32, #tpu.memory_space<hbm>> -> memref<400x128xf32, #tpu.memory_space<hbm>>
    %dma_wait3A_472 = arith.constant 0 : i32
    %dma_wait3A_473 = tpu.memref_slice %arg6[%add3A_465, %dma_wait3A_472] : memref<320000x128xf32, #tpu.memory_space<hbm>> -> memref<400x128xf32, #tpu.memory_space<hbm>>
    tpu.wait_dma2 semaphore(%arg14 : memref<!tpu.dma_semaphore, #tpu.memory_space<semaphore_mem>>) src(%arg10 : memref<400x128xf32, #tpu.memory_space<vmem>>) dst(%dma_wait3A_473 : memref<400x128xf32, #tpu.memory_space<hbm>>)
    %add3A_474 = arith.constant 800 : i32
    %add3A_475 = arith.addi %mul3A_2, %add3A_474 : i32
    "tpu.region"() ({
      %run_scoped3A = tpu.sem_alloc : memref<!tpu.dma_semaphore, #tpu.memory_space<semaphore_mem>>
      %dma_start3A_901 = tpu.memref_slice %arg4[%add3A_475] : memref<320000xi32, #tpu.memory_space<hbm>> -> memref<400xi32, #tpu.memory_space<hbm>>
      %dma_start3A_902 = tpu.memref_slice %arg4[%add3A_475] : memref<320000xi32, #tpu.memory_space<hbm>> -> memref<400xi32, #tpu.memory_space<hbm>>
      tpu.enqueue_dma source(%dma_start3A_902 : memref<400xi32, #tpu.memory_space<hbm>>) target(%arg8 : memref<400xi32, #tpu.memory_space<vmem>>) target_semaphore(%run_scoped3A : memref<!tpu.dma_semaphore, #tpu.memory_space<semaphore_mem>>)
      %dma_wait3A_903 = tpu.memref_slice %arg4[%add3A_475] : memref<320000xi32, #tpu.memory_space<hbm>> -> memref<400xi32, #tpu.memory_space<hbm>>
      %dma_wait3A_904 = tpu.memref_slice %arg4[%add3A_475] : memref<320000xi32, #tpu.memory_space<hbm>> -> memref<400xi32, #tpu.memory_space<hbm>>
      tpu.wait_dma2 semaphore(%run_scoped3A : memref<!tpu.dma_semaphore, #tpu.memory_space<semaphore_mem>>) src(%dma_wait3A_904 : memref<400xi32, #tpu.memory_space<hbm>>) dst(%arg8 : memref<400xi32, #tpu.memory_space<vmem>>)
      tpu.yield
    }) : () -> ()
    %dma_start3A_476 = arith.constant 0 : i32
    %dma_start3A_477 = arith.constant 0 : i32
    %dma_start3A_478 = tpu.memref_slice %arg2[%dma_start3A_476, %dma_start3A_477] : memref<10000x128xf32, #tpu.memory_space<hbm>> -> memref<10000x128xf32, #tpu.memory_space<hbm>>
    tpu.enqueue_indirect_dma source(%dma_start3A_478 : memref<10000x128xf32, #tpu.memory_space<hbm>>) target(%arg10 : memref<400x128xf32, #tpu.memory_space<vmem>>) offsets(%arg8 : memref<400xi32, #tpu.memory_space<vmem>>) semaphore(%arg12 : memref<!tpu.dma_semaphore, #tpu.memory_space<semaphore_mem>>)
    %dma_wait3A_479 = arith.constant 0 : i32
    %dma_wait3A_480 = arith.constant 0 : i32
    %dma_wait3A_481 = tpu.memref_slice %arg2[%dma_wait3A_479, %dma_wait3A_480] : memref<10000x128xf32, #tpu.memory_space<hbm>> -> memref<10000x128xf32, #tpu.memory_space<hbm>>
    tpu.wait_indirect_dma semaphore(%arg11 : memref<!tpu.dma_semaphore, #tpu.memory_space<semaphore_mem>>) src(%dma_wait3A_481 : memref<10000x128xf32, #tpu.memory_space<hbm>>) dst(%arg9 : memref<400x128xf32, #tpu.memory_space<vmem>>)
    %add3A_482 = arith.constant 400 : i32
    %add3A_483 = arith.addi %mul3A_2, %add3A_482 : i32
    %dma_start3A_484 = arith.constant 0 : i32
    %dma_start3A_485 = tpu.memref_slice %arg6[%add3A_483, %dma_start3A_484] : memref<320000x128xf32, #tpu.memory_space<hbm>> -> memref<400x128xf32, #tpu.memory_space<hbm>>
    %dma_start3A_486 = arith.constant 0 : i32
    %dma_start3A_487 = tpu.memref_slice %arg6[%add3A_483, %dma_start3A_486] : memref<320000x128xf32, #tpu.memory_space<hbm>> -> memref<400x128xf32, #tpu.memory_space<hbm>>
    tpu.enqueue_dma source(%arg9 : memref<400x128xf32, #tpu.memory_space<vmem>>) target(%dma_start3A_487 : memref<400x128xf32, #tpu.memory_space<hbm>>) target_semaphore(%arg13 : memref<!tpu.dma_semaphore, #tpu.memory_space<semaphore_mem>>)
    %dma_wait3A_488 = arith.constant 0 : i32
    %dma_wait3A_489 = tpu.memref_slice %arg6[%add3A_483, %dma_wait3A_488] : memref<320000x128xf32, #tpu.memory_space<hbm>> -> memref<400x128xf32, #tpu.memory_space<hbm>>
    %dma_wait3A_490 = arith.constant 0 : i32
    %dma_wait3A_491 = tpu.memref_slice %arg6[%add3A_483, %dma_wait3A_490] : memref<320000x128xf32, #tpu.memory_space<hbm>> -> memref<400x128xf32, #tpu.memory_space<hbm>>
    tpu.wait_dma2 semaphore(%arg13 : memref<!tpu.dma_semaphore, #tpu.memory_space<semaphore_mem>>) src(%arg9 : memref<400x128xf32, #tpu.memory_space<vmem>>) dst(%dma_wait3A_491 : memref<400x128xf32, #tpu.memory_space<hbm>>)
    %add3A_492 = arith.constant 1200 : i32
    %add3A_493 = arith.addi %mul3A_2, %add3A_492 : i32
    "tpu.region"() ({
      %run_scoped3A = tpu.sem_alloc : memref<!tpu.dma_semaphore, #tpu.memory_space<semaphore_mem>>
      %dma_start3A_901 = tpu.memref_slice %arg4[%add3A_493] : memref<320000xi32, #tpu.memory_space<hbm>> -> memref<400xi32, #tpu.memory_space<hbm>>
      %dma_start3A_902 = tpu.memref_slice %arg4[%add3A_493] : memref<320000xi32, #tpu.memory_space<hbm>> -> memref<400xi32, #tpu.memory_space<hbm>>
      tpu.enqueue_dma source(%dma_start3A_902 : memref<400xi32, #tpu.memory_space<hbm>>) target(%arg7 : memref<400xi32, #tpu.memory_space<vmem>>) target_semaphore(%run_scoped3A : memref<!tpu.dma_semaphore, #tpu.memory_space<semaphore_mem>>)
      %dma_wait3A_903 = tpu.memref_slice %arg4[%add3A_493] : memref<320000xi32, #tpu.memory_space<hbm>> -> memref<400xi32, #tpu.memory_space<hbm>>
      %dma_wait3A_904 = tpu.memref_slice %arg4[%add3A_493] : memref<320000xi32, #tpu.memory_space<hbm>> -> memref<400xi32, #tpu.memory_space<hbm>>
      tpu.wait_dma2 semaphore(%run_scoped3A : memref<!tpu.dma_semaphore, #tpu.memory_space<semaphore_mem>>) src(%dma_wait3A_904 : memref<400xi32, #tpu.memory_space<hbm>>) dst(%arg7 : memref<400xi32, #tpu.memory_space<vmem>>)
      tpu.yield
    }) : () -> ()
    %dma_start3A_494 = arith.constant 0 : i32
    %dma_start3A_495 = arith.constant 0 : i32
    %dma_start3A_496 = tpu.memref_slice %arg2[%dma_start3A_494, %dma_start3A_495] : memref<10000x128xf32, #tpu.memory_space<hbm>> -> memref<10000x128xf32, #tpu.memory_space<hbm>>
    tpu.enqueue_indirect_dma source(%dma_start3A_496 : memref<10000x128xf32, #tpu.memory_space<hbm>>) target(%arg9 : memref<400x128xf32, #tpu.memory_space<vmem>>) offsets(%arg7 : memref<400xi32, #tpu.memory_space<vmem>>) semaphore(%arg11 : memref<!tpu.dma_semaphore, #tpu.memory_space<semaphore_mem>>)
    %dma_wait3A_497 = arith.constant 0 : i32
    %dma_wait3A_498 = arith.constant 0 : i32
    %dma_wait3A_499 = tpu.memref_slice %arg2[%dma_wait3A_497, %dma_wait3A_498] : memref<10000x128xf32, #tpu.memory_space<hbm>> -> memref<10000x128xf32, #tpu.memory_space<hbm>>
    tpu.wait_indirect_dma semaphore(%arg12 : memref<!tpu.dma_semaphore, #tpu.memory_space<semaphore_mem>>) src(%dma_wait3A_499 : memref<10000x128xf32, #tpu.memory_space<hbm>>) dst(%arg10 : memref<400x128xf32, #tpu.memory_space<vmem>>)
    %add3A_500 = arith.constant 800 : i32
    %add3A_501 = arith.addi %mul3A_2, %add3A_500 : i32
    %dma_start3A_502 = arith.constant 0 : i32
    %dma_start3A_503 = tpu.memref_slice %arg6[%add3A_501, %dma_start3A_502] : memref<320000x128xf32, #tpu.memory_space<hbm>> -> memref<400x128xf32, #tpu.memory_space<hbm>>
    %dma_start3A_504 = arith.constant 0 : i32
    %dma_start3A_505 = tpu.memref_slice %arg6[%add3A_501, %dma_start3A_504] : memref<320000x128xf32, #tpu.memory_space<hbm>> -> memref<400x128xf32, #tpu.memory_space<hbm>>
    tpu.enqueue_dma source(%arg10 : memref<400x128xf32, #tpu.memory_space<vmem>>) target(%dma_start3A_505 : memref<400x128xf32, #tpu.memory_space<hbm>>) target_semaphore(%arg14 : memref<!tpu.dma_semaphore, #tpu.memory_space<semaphore_mem>>)
    %dma_wait3A_506 = arith.constant 0 : i32
    %dma_wait3A_507 = tpu.memref_slice %arg6[%add3A_501, %dma_wait3A_506] : memref<320000x128xf32, #tpu.memory_space<hbm>> -> memref<400x128xf32, #tpu.memory_space<hbm>>
    %dma_wait3A_508 = arith.constant 0 : i32
    %dma_wait3A_509 = tpu.memref_slice %arg6[%add3A_501, %dma_wait3A_508] : memref<320000x128xf32, #tpu.memory_space<hbm>> -> memref<400x128xf32, #tpu.memory_space<hbm>>
    tpu.wait_dma2 semaphore(%arg14 : memref<!tpu.dma_semaphore, #tpu.memory_space<semaphore_mem>>) src(%arg10 : memref<400x128xf32, #tpu.memory_space<vmem>>) dst(%dma_wait3A_509 : memref<400x128xf32, #tpu.memory_space<hbm>>)
    %add3A_510 = arith.constant 1600 : i32
    %add3A_511 = arith.addi %mul3A_2, %add3A_510 : i32
    "tpu.region"() ({
      %run_scoped3A = tpu.sem_alloc : memref<!tpu.dma_semaphore, #tpu.memory_space<semaphore_mem>>
      %dma_start3A_901 = tpu.memref_slice %arg4[%add3A_511] : memref<320000xi32, #tpu.memory_space<hbm>> -> memref<400xi32, #tpu.memory_space<hbm>>
      %dma_start3A_902 = tpu.memref_slice %arg4[%add3A_511] : memref<320000xi32, #tpu.memory_space<hbm>> -> memref<400xi32, #tpu.memory_space<hbm>>
      tpu.enqueue_dma source(%dma_start3A_902 : memref<400xi32, #tpu.memory_space<hbm>>) target(%arg8 : memref<400xi32, #tpu.memory_space<vmem>>) target_semaphore(%run_scoped3A : memref<!tpu.dma_semaphore, #tpu.memory_space<semaphore_mem>>)
      %dma_wait3A_903 = tpu.memref_slice %arg4[%add3A_511] : memref<320000xi32, #tpu.memory_space<hbm>> -> memref<400xi32, #tpu.memory_space<hbm>>
      %dma_wait3A_904 = tpu.memref_slice %arg4[%add3A_511] : memref<320000xi32, #tpu.memory_space<hbm>> -> memref<400xi32, #tpu.memory_space<hbm>>
      tpu.wait_dma2 semaphore(%run_scoped3A : memref<!tpu.dma_semaphore, #tpu.memory_space<semaphore_mem>>) src(%dma_wait3A_904 : memref<400xi32, #tpu.memory_space<hbm>>) dst(%arg8 : memref<400xi32, #tpu.memory_space<vmem>>)
      tpu.yield
    }) : () -> ()
    %dma_start3A_512 = arith.constant 0 : i32
    %dma_start3A_513 = arith.constant 0 : i32
    %dma_start3A_514 = tpu.memref_slice %arg2[%dma_start3A_512, %dma_start3A_513] : memref<10000x128xf32, #tpu.memory_space<hbm>> -> memref<10000x128xf32, #tpu.memory_space<hbm>>
    tpu.enqueue_indirect_dma source(%dma_start3A_514 : memref<10000x128xf32, #tpu.memory_space<hbm>>) target(%arg10 : memref<400x128xf32, #tpu.memory_space<vmem>>) offsets(%arg8 : memref<400xi32, #tpu.memory_space<vmem>>) semaphore(%arg12 : memref<!tpu.dma_semaphore, #tpu.memory_space<semaphore_mem>>)
    %dma_wait3A_515 = arith.constant 0 : i32
    %dma_wait3A_516 = arith.constant 0 : i32
    %dma_wait3A_517 = tpu.memref_slice %arg2[%dma_wait3A_515, %dma_wait3A_516] : memref<10000x128xf32, #tpu.memory_space<hbm>> -> memref<10000x128xf32, #tpu.memory_space<hbm>>
    tpu.wait_indirect_dma semaphore(%arg11 : memref<!tpu.dma_semaphore, #tpu.memory_space<semaphore_mem>>) src(%dma_wait3A_517 : memref<10000x128xf32, #tpu.memory_space<hbm>>) dst(%arg9 : memref<400x128xf32, #tpu.memory_space<vmem>>)
    %add3A_518 = arith.constant 1200 : i32
    %add3A_519 = arith.addi %mul3A_2, %add3A_518 : i32
    %dma_start3A_520 = arith.constant 0 : i32
    %dma_start3A_521 = tpu.memref_slice %arg6[%add3A_519, %dma_start3A_520] : memref<320000x128xf32, #tpu.memory_space<hbm>> -> memref<400x128xf32, #tpu.memory_space<hbm>>
    %dma_start3A_522 = arith.constant 0 : i32
    %dma_start3A_523 = tpu.memref_slice %arg6[%add3A_519, %dma_start3A_522] : memref<320000x128xf32, #tpu.memory_space<hbm>> -> memref<400x128xf32, #tpu.memory_space<hbm>>
    tpu.enqueue_dma source(%arg9 : memref<400x128xf32, #tpu.memory_space<vmem>>) target(%dma_start3A_523 : memref<400x128xf32, #tpu.memory_space<hbm>>) target_semaphore(%arg13 : memref<!tpu.dma_semaphore, #tpu.memory_space<semaphore_mem>>)
    %dma_wait3A_524 = arith.constant 0 : i32
    %dma_wait3A_525 = tpu.memref_slice %arg6[%add3A_519, %dma_wait3A_524] : memref<320000x128xf32, #tpu.memory_space<hbm>> -> memref<400x128xf32, #tpu.memory_space<hbm>>
    %dma_wait3A_526 = arith.constant 0 : i32
    %dma_wait3A_527 = tpu.memref_slice %arg6[%add3A_519, %dma_wait3A_526] : memref<320000x128xf32, #tpu.memory_space<hbm>> -> memref<400x128xf32, #tpu.memory_space<hbm>>
    tpu.wait_dma2 semaphore(%arg13 : memref<!tpu.dma_semaphore, #tpu.memory_space<semaphore_mem>>) src(%arg9 : memref<400x128xf32, #tpu.memory_space<vmem>>) dst(%dma_wait3A_527 : memref<400x128xf32, #tpu.memory_space<hbm>>)
    %add3A_528 = arith.constant 2000 : i32
    %add3A_529 = arith.addi %mul3A_2, %add3A_528 : i32
    "tpu.region"() ({
      %run_scoped3A = tpu.sem_alloc : memref<!tpu.dma_semaphore, #tpu.memory_space<semaphore_mem>>
      %dma_start3A_901 = tpu.memref_slice %arg4[%add3A_529] : memref<320000xi32, #tpu.memory_space<hbm>> -> memref<400xi32, #tpu.memory_space<hbm>>
      %dma_start3A_902 = tpu.memref_slice %arg4[%add3A_529] : memref<320000xi32, #tpu.memory_space<hbm>> -> memref<400xi32, #tpu.memory_space<hbm>>
      tpu.enqueue_dma source(%dma_start3A_902 : memref<400xi32, #tpu.memory_space<hbm>>) target(%arg7 : memref<400xi32, #tpu.memory_space<vmem>>) target_semaphore(%run_scoped3A : memref<!tpu.dma_semaphore, #tpu.memory_space<semaphore_mem>>)
      %dma_wait3A_903 = tpu.memref_slice %arg4[%add3A_529] : memref<320000xi32, #tpu.memory_space<hbm>> -> memref<400xi32, #tpu.memory_space<hbm>>
      %dma_wait3A_904 = tpu.memref_slice %arg4[%add3A_529] : memref<320000xi32, #tpu.memory_space<hbm>> -> memref<400xi32, #tpu.memory_space<hbm>>
      tpu.wait_dma2 semaphore(%run_scoped3A : memref<!tpu.dma_semaphore, #tpu.memory_space<semaphore_mem>>) src(%dma_wait3A_904 : memref<400xi32, #tpu.memory_space<hbm>>) dst(%arg7 : memref<400xi32, #tpu.memory_space<vmem>>)
      tpu.yield
    }) : () -> ()
    %dma_start3A_530 = arith.constant 0 : i32
    %dma_start3A_531 = arith.constant 0 : i32
    %dma_start3A_532 = tpu.memref_slice %arg2[%dma_start3A_530, %dma_start3A_531] : memref<10000x128xf32, #tpu.memory_space<hbm>> -> memref<10000x128xf32, #tpu.memory_space<hbm>>
    tpu.enqueue_indirect_dma source(%dma_start3A_532 : memref<10000x128xf32, #tpu.memory_space<hbm>>) target(%arg9 : memref<400x128xf32, #tpu.memory_space<vmem>>) offsets(%arg7 : memref<400xi32, #tpu.memory_space<vmem>>) semaphore(%arg11 : memref<!tpu.dma_semaphore, #tpu.memory_space<semaphore_mem>>)
    %dma_wait3A_533 = arith.constant 0 : i32
    %dma_wait3A_534 = arith.constant 0 : i32
    %dma_wait3A_535 = tpu.memref_slice %arg2[%dma_wait3A_533, %dma_wait3A_534] : memref<10000x128xf32, #tpu.memory_space<hbm>> -> memref<10000x128xf32, #tpu.memory_space<hbm>>
    tpu.wait_indirect_dma semaphore(%arg12 : memref<!tpu.dma_semaphore, #tpu.memory_space<semaphore_mem>>) src(%dma_wait3A_535 : memref<10000x128xf32, #tpu.memory_space<hbm>>) dst(%arg10 : memref<400x128xf32, #tpu.memory_space<vmem>>)
    %add3A_536 = arith.constant 1600 : i32
    %add3A_537 = arith.addi %mul3A_2, %add3A_536 : i32
    %dma_start3A_538 = arith.constant 0 : i32
    %dma_start3A_539 = tpu.memref_slice %arg6[%add3A_537, %dma_start3A_538] : memref<320000x128xf32, #tpu.memory_space<hbm>> -> memref<400x128xf32, #tpu.memory_space<hbm>>
    %dma_start3A_540 = arith.constant 0 : i32
    %dma_start3A_541 = tpu.memref_slice %arg6[%add3A_537, %dma_start3A_540] : memref<320000x128xf32, #tpu.memory_space<hbm>> -> memref<400x128xf32, #tpu.memory_space<hbm>>
    tpu.enqueue_dma source(%arg10 : memref<400x128xf32, #tpu.memory_space<vmem>>) target(%dma_start3A_541 : memref<400x128xf32, #tpu.memory_space<hbm>>) target_semaphore(%arg14 : memref<!tpu.dma_semaphore, #tpu.memory_space<semaphore_mem>>)
    %dma_wait3A_542 = arith.constant 0 : i32
    %dma_wait3A_543 = tpu.memref_slice %arg6[%add3A_537, %dma_wait3A_542] : memref<320000x128xf32, #tpu.memory_space<hbm>> -> memref<400x128xf32, #tpu.memory_space<hbm>>
    %dma_wait3A_544 = arith.constant 0 : i32
    %dma_wait3A_545 = tpu.memref_slice %arg6[%add3A_537, %dma_wait3A_544] : memref<320000x128xf32, #tpu.memory_space<hbm>> -> memref<400x128xf32, #tpu.memory_space<hbm>>
    tpu.wait_dma2 semaphore(%arg14 : memref<!tpu.dma_semaphore, #tpu.memory_space<semaphore_mem>>) src(%arg10 : memref<400x128xf32, #tpu.memory_space<vmem>>) dst(%dma_wait3A_545 : memref<400x128xf32, #tpu.memory_space<hbm>>)
    %add3A_546 = arith.constant 2400 : i32
    %add3A_547 = arith.addi %mul3A_2, %add3A_546 : i32
    "tpu.region"() ({
      %run_scoped3A = tpu.sem_alloc : memref<!tpu.dma_semaphore, #tpu.memory_space<semaphore_mem>>
      %dma_start3A_901 = tpu.memref_slice %arg4[%add3A_547] : memref<320000xi32, #tpu.memory_space<hbm>> -> memref<400xi32, #tpu.memory_space<hbm>>
      %dma_start3A_902 = tpu.memref_slice %arg4[%add3A_547] : memref<320000xi32, #tpu.memory_space<hbm>> -> memref<400xi32, #tpu.memory_space<hbm>>
      tpu.enqueue_dma source(%dma_start3A_902 : memref<400xi32, #tpu.memory_space<hbm>>) target(%arg8 : memref<400xi32, #tpu.memory_space<vmem>>) target_semaphore(%run_scoped3A : memref<!tpu.dma_semaphore, #tpu.memory_space<semaphore_mem>>)
      %dma_wait3A_903 = tpu.memref_slice %arg4[%add3A_547] : memref<320000xi32, #tpu.memory_space<hbm>> -> memref<400xi32, #tpu.memory_space<hbm>>
      %dma_wait3A_904 = tpu.memref_slice %arg4[%add3A_547] : memref<320000xi32, #tpu.memory_space<hbm>> -> memref<400xi32, #tpu.memory_space<hbm>>
      tpu.wait_dma2 semaphore(%run_scoped3A : memref<!tpu.dma_semaphore, #tpu.memory_space<semaphore_mem>>) src(%dma_wait3A_904 : memref<400xi32, #tpu.memory_space<hbm>>) dst(%arg8 : memref<400xi32, #tpu.memory_space<vmem>>)
      tpu.yield
    }) : () -> ()
    %dma_start3A_548 = arith.constant 0 : i32
    %dma_start3A_549 = arith.constant 0 : i32
    %dma_start3A_550 = tpu.memref_slice %arg2[%dma_start3A_548, %dma_start3A_549] : memref<10000x128xf32, #tpu.memory_space<hbm>> -> memref<10000x128xf32, #tpu.memory_space<hbm>>
    tpu.enqueue_indirect_dma source(%dma_start3A_550 : memref<10000x128xf32, #tpu.memory_space<hbm>>) target(%arg10 : memref<400x128xf32, #tpu.memory_space<vmem>>) offsets(%arg8 : memref<400xi32, #tpu.memory_space<vmem>>) semaphore(%arg12 : memref<!tpu.dma_semaphore, #tpu.memory_space<semaphore_mem>>)
    %dma_wait3A_551 = arith.constant 0 : i32
    %dma_wait3A_552 = arith.constant 0 : i32
    %dma_wait3A_553 = tpu.memref_slice %arg2[%dma_wait3A_551, %dma_wait3A_552] : memref<10000x128xf32, #tpu.memory_space<hbm>> -> memref<10000x128xf32, #tpu.memory_space<hbm>>
    tpu.wait_indirect_dma semaphore(%arg11 : memref<!tpu.dma_semaphore, #tpu.memory_space<semaphore_mem>>) src(%dma_wait3A_553 : memref<10000x128xf32, #tpu.memory_space<hbm>>) dst(%arg9 : memref<400x128xf32, #tpu.memory_space<vmem>>)
    %add3A_554 = arith.constant 2000 : i32
    %add3A_555 = arith.addi %mul3A_2, %add3A_554 : i32
    %dma_start3A_556 = arith.constant 0 : i32
    %dma_start3A_557 = tpu.memref_slice %arg6[%add3A_555, %dma_start3A_556] : memref<320000x128xf32, #tpu.memory_space<hbm>> -> memref<400x128xf32, #tpu.memory_space<hbm>>
    %dma_start3A_558 = arith.constant 0 : i32
    %dma_start3A_559 = tpu.memref_slice %arg6[%add3A_555, %dma_start3A_558] : memref<320000x128xf32, #tpu.memory_space<hbm>> -> memref<400x128xf32, #tpu.memory_space<hbm>>
    tpu.enqueue_dma source(%arg9 : memref<400x128xf32, #tpu.memory_space<vmem>>) target(%dma_start3A_559 : memref<400x128xf32, #tpu.memory_space<hbm>>) target_semaphore(%arg13 : memref<!tpu.dma_semaphore, #tpu.memory_space<semaphore_mem>>)
    %dma_wait3A_560 = arith.constant 0 : i32
    %dma_wait3A_561 = tpu.memref_slice %arg6[%add3A_555, %dma_wait3A_560] : memref<320000x128xf32, #tpu.memory_space<hbm>> -> memref<400x128xf32, #tpu.memory_space<hbm>>
    %dma_wait3A_562 = arith.constant 0 : i32
    %dma_wait3A_563 = tpu.memref_slice %arg6[%add3A_555, %dma_wait3A_562] : memref<320000x128xf32, #tpu.memory_space<hbm>> -> memref<400x128xf32, #tpu.memory_space<hbm>>
    tpu.wait_dma2 semaphore(%arg13 : memref<!tpu.dma_semaphore, #tpu.memory_space<semaphore_mem>>) src(%arg9 : memref<400x128xf32, #tpu.memory_space<vmem>>) dst(%dma_wait3A_563 : memref<400x128xf32, #tpu.memory_space<hbm>>)
    %add3A_564 = arith.constant 2800 : i32
    %add3A_565 = arith.addi %mul3A_2, %add3A_564 : i32
    "tpu.region"() ({
      %run_scoped3A = tpu.sem_alloc : memref<!tpu.dma_semaphore, #tpu.memory_space<semaphore_mem>>
      %dma_start3A_901 = tpu.memref_slice %arg4[%add3A_565] : memref<320000xi32, #tpu.memory_space<hbm>> -> memref<400xi32, #tpu.memory_space<hbm>>
      %dma_start3A_902 = tpu.memref_slice %arg4[%add3A_565] : memref<320000xi32, #tpu.memory_space<hbm>> -> memref<400xi32, #tpu.memory_space<hbm>>
      tpu.enqueue_dma source(%dma_start3A_902 : memref<400xi32, #tpu.memory_space<hbm>>) target(%arg7 : memref<400xi32, #tpu.memory_space<vmem>>) target_semaphore(%run_scoped3A : memref<!tpu.dma_semaphore, #tpu.memory_space<semaphore_mem>>)
      %dma_wait3A_903 = tpu.memref_slice %arg4[%add3A_565] : memref<320000xi32, #tpu.memory_space<hbm>> -> memref<400xi32, #tpu.memory_space<hbm>>
      %dma_wait3A_904 = tpu.memref_slice %arg4[%add3A_565] : memref<320000xi32, #tpu.memory_space<hbm>> -> memref<400xi32, #tpu.memory_space<hbm>>
      tpu.wait_dma2 semaphore(%run_scoped3A : memref<!tpu.dma_semaphore, #tpu.memory_space<semaphore_mem>>) src(%dma_wait3A_904 : memref<400xi32, #tpu.memory_space<hbm>>) dst(%arg7 : memref<400xi32, #tpu.memory_space<vmem>>)
      tpu.yield
    }) : () -> ()
    %dma_start3A_566 = arith.constant 0 : i32
    %dma_start3A_567 = arith.constant 0 : i32
    %dma_start3A_568 = tpu.memref_slice %arg2[%dma_start3A_566, %dma_start3A_567] : memref<10000x128xf32, #tpu.memory_space<hbm>> -> memref<10000x128xf32, #tpu.memory_space<hbm>>
    tpu.enqueue_indirect_dma source(%dma_start3A_568 : memref<10000x128xf32, #tpu.memory_space<hbm>>) target(%arg9 : memref<400x128xf32, #tpu.memory_space<vmem>>) offsets(%arg7 : memref<400xi32, #tpu.memory_space<vmem>>) semaphore(%arg11 : memref<!tpu.dma_semaphore, #tpu.memory_space<semaphore_mem>>)
    %dma_wait3A_569 = arith.constant 0 : i32
    %dma_wait3A_570 = arith.constant 0 : i32
    %dma_wait3A_571 = tpu.memref_slice %arg2[%dma_wait3A_569, %dma_wait3A_570] : memref<10000x128xf32, #tpu.memory_space<hbm>> -> memref<10000x128xf32, #tpu.memory_space<hbm>>
    tpu.wait_indirect_dma semaphore(%arg12 : memref<!tpu.dma_semaphore, #tpu.memory_space<semaphore_mem>>) src(%dma_wait3A_571 : memref<10000x128xf32, #tpu.memory_space<hbm>>) dst(%arg10 : memref<400x128xf32, #tpu.memory_space<vmem>>)
    %add3A_572 = arith.constant 2400 : i32
    %add3A_573 = arith.addi %mul3A_2, %add3A_572 : i32
    %dma_start3A_574 = arith.constant 0 : i32
    %dma_start3A_575 = tpu.memref_slice %arg6[%add3A_573, %dma_start3A_574] : memref<320000x128xf32, #tpu.memory_space<hbm>> -> memref<400x128xf32, #tpu.memory_space<hbm>>
    %dma_start3A_576 = arith.constant 0 : i32
    %dma_start3A_577 = tpu.memref_slice %arg6[%add3A_573, %dma_start3A_576] : memref<320000x128xf32, #tpu.memory_space<hbm>> -> memref<400x128xf32, #tpu.memory_space<hbm>>
    tpu.enqueue_dma source(%arg10 : memref<400x128xf32, #tpu.memory_space<vmem>>) target(%dma_start3A_577 : memref<400x128xf32, #tpu.memory_space<hbm>>) target_semaphore(%arg14 : memref<!tpu.dma_semaphore, #tpu.memory_space<semaphore_mem>>)
    %dma_wait3A_578 = arith.constant 0 : i32
    %dma_wait3A_579 = tpu.memref_slice %arg6[%add3A_573, %dma_wait3A_578] : memref<320000x128xf32, #tpu.memory_space<hbm>> -> memref<400x128xf32, #tpu.memory_space<hbm>>
    %dma_wait3A_580 = arith.constant 0 : i32
    %dma_wait3A_581 = tpu.memref_slice %arg6[%add3A_573, %dma_wait3A_580] : memref<320000x128xf32, #tpu.memory_space<hbm>> -> memref<400x128xf32, #tpu.memory_space<hbm>>
    tpu.wait_dma2 semaphore(%arg14 : memref<!tpu.dma_semaphore, #tpu.memory_space<semaphore_mem>>) src(%arg10 : memref<400x128xf32, #tpu.memory_space<vmem>>) dst(%dma_wait3A_581 : memref<400x128xf32, #tpu.memory_space<hbm>>)
    %add3A_582 = arith.constant 3200 : i32
    %add3A_583 = arith.addi %mul3A_2, %add3A_582 : i32
    "tpu.region"() ({
      %run_scoped3A = tpu.sem_alloc : memref<!tpu.dma_semaphore, #tpu.memory_space<semaphore_mem>>
      %dma_start3A_901 = tpu.memref_slice %arg4[%add3A_583] : memref<320000xi32, #tpu.memory_space<hbm>> -> memref<400xi32, #tpu.memory_space<hbm>>
      %dma_start3A_902 = tpu.memref_slice %arg4[%add3A_583] : memref<320000xi32, #tpu.memory_space<hbm>> -> memref<400xi32, #tpu.memory_space<hbm>>
      tpu.enqueue_dma source(%dma_start3A_902 : memref<400xi32, #tpu.memory_space<hbm>>) target(%arg8 : memref<400xi32, #tpu.memory_space<vmem>>) target_semaphore(%run_scoped3A : memref<!tpu.dma_semaphore, #tpu.memory_space<semaphore_mem>>)
      %dma_wait3A_903 = tpu.memref_slice %arg4[%add3A_583] : memref<320000xi32, #tpu.memory_space<hbm>> -> memref<400xi32, #tpu.memory_space<hbm>>
      %dma_wait3A_904 = tpu.memref_slice %arg4[%add3A_583] : memref<320000xi32, #tpu.memory_space<hbm>> -> memref<400xi32, #tpu.memory_space<hbm>>
      tpu.wait_dma2 semaphore(%run_scoped3A : memref<!tpu.dma_semaphore, #tpu.memory_space<semaphore_mem>>) src(%dma_wait3A_904 : memref<400xi32, #tpu.memory_space<hbm>>) dst(%arg8 : memref<400xi32, #tpu.memory_space<vmem>>)
      tpu.yield
    }) : () -> ()
    %dma_start3A_584 = arith.constant 0 : i32
    %dma_start3A_585 = arith.constant 0 : i32
    %dma_start3A_586 = tpu.memref_slice %arg2[%dma_start3A_584, %dma_start3A_585] : memref<10000x128xf32, #tpu.memory_space<hbm>> -> memref<10000x128xf32, #tpu.memory_space<hbm>>
    tpu.enqueue_indirect_dma source(%dma_start3A_586 : memref<10000x128xf32, #tpu.memory_space<hbm>>) target(%arg10 : memref<400x128xf32, #tpu.memory_space<vmem>>) offsets(%arg8 : memref<400xi32, #tpu.memory_space<vmem>>) semaphore(%arg12 : memref<!tpu.dma_semaphore, #tpu.memory_space<semaphore_mem>>)
    %dma_wait3A_587 = arith.constant 0 : i32
    %dma_wait3A_588 = arith.constant 0 : i32
    %dma_wait3A_589 = tpu.memref_slice %arg2[%dma_wait3A_587, %dma_wait3A_588] : memref<10000x128xf32, #tpu.memory_space<hbm>> -> memref<10000x128xf32, #tpu.memory_space<hbm>>
    tpu.wait_indirect_dma semaphore(%arg11 : memref<!tpu.dma_semaphore, #tpu.memory_space<semaphore_mem>>) src(%dma_wait3A_589 : memref<10000x128xf32, #tpu.memory_space<hbm>>) dst(%arg9 : memref<400x128xf32, #tpu.memory_space<vmem>>)
    %add3A_590 = arith.constant 2800 : i32
    %add3A_591 = arith.addi %mul3A_2, %add3A_590 : i32
    %dma_start3A_592 = arith.constant 0 : i32
    %dma_start3A_593 = tpu.memref_slice %arg6[%add3A_591, %dma_start3A_592] : memref<320000x128xf32, #tpu.memory_space<hbm>> -> memref<400x128xf32, #tpu.memory_space<hbm>>
    %dma_start3A_594 = arith.constant 0 : i32
    %dma_start3A_595 = tpu.memref_slice %arg6[%add3A_591, %dma_start3A_594] : memref<320000x128xf32, #tpu.memory_space<hbm>> -> memref<400x128xf32, #tpu.memory_space<hbm>>
    tpu.enqueue_dma source(%arg9 : memref<400x128xf32, #tpu.memory_space<vmem>>) target(%dma_start3A_595 : memref<400x128xf32, #tpu.memory_space<hbm>>) target_semaphore(%arg13 : memref<!tpu.dma_semaphore, #tpu.memory_space<semaphore_mem>>)
    %dma_wait3A_596 = arith.constant 0 : i32
    %dma_wait3A_597 = tpu.memref_slice %arg6[%add3A_591, %dma_wait3A_596] : memref<320000x128xf32, #tpu.memory_space<hbm>> -> memref<400x128xf32, #tpu.memory_space<hbm>>
    %dma_wait3A_598 = arith.constant 0 : i32
    %dma_wait3A_599 = tpu.memref_slice %arg6[%add3A_591, %dma_wait3A_598] : memref<320000x128xf32, #tpu.memory_space<hbm>> -> memref<400x128xf32, #tpu.memory_space<hbm>>
    tpu.wait_dma2 semaphore(%arg13 : memref<!tpu.dma_semaphore, #tpu.memory_space<semaphore_mem>>) src(%arg9 : memref<400x128xf32, #tpu.memory_space<vmem>>) dst(%dma_wait3A_599 : memref<400x128xf32, #tpu.memory_space<hbm>>)
    %add3A_600 = arith.constant 3600 : i32
    %add3A_601 = arith.addi %mul3A_2, %add3A_600 : i32
    "tpu.region"() ({
      %run_scoped3A = tpu.sem_alloc : memref<!tpu.dma_semaphore, #tpu.memory_space<semaphore_mem>>
      %dma_start3A_901 = tpu.memref_slice %arg4[%add3A_601] : memref<320000xi32, #tpu.memory_space<hbm>> -> memref<400xi32, #tpu.memory_space<hbm>>
      %dma_start3A_902 = tpu.memref_slice %arg4[%add3A_601] : memref<320000xi32, #tpu.memory_space<hbm>> -> memref<400xi32, #tpu.memory_space<hbm>>
      tpu.enqueue_dma source(%dma_start3A_902 : memref<400xi32, #tpu.memory_space<hbm>>) target(%arg7 : memref<400xi32, #tpu.memory_space<vmem>>) target_semaphore(%run_scoped3A : memref<!tpu.dma_semaphore, #tpu.memory_space<semaphore_mem>>)
      %dma_wait3A_903 = tpu.memref_slice %arg4[%add3A_601] : memref<320000xi32, #tpu.memory_space<hbm>> -> memref<400xi32, #tpu.memory_space<hbm>>
      %dma_wait3A_904 = tpu.memref_slice %arg4[%add3A_601] : memref<320000xi32, #tpu.memory_space<hbm>> -> memref<400xi32, #tpu.memory_space<hbm>>
      tpu.wait_dma2 semaphore(%run_scoped3A : memref<!tpu.dma_semaphore, #tpu.memory_space<semaphore_mem>>) src(%dma_wait3A_904 : memref<400xi32, #tpu.memory_space<hbm>>) dst(%arg7 : memref<400xi32, #tpu.memory_space<vmem>>)
      tpu.yield
    }) : () -> ()
    %dma_start3A_602 = arith.constant 0 : i32
    %dma_start3A_603 = arith.constant 0 : i32
    %dma_start3A_604 = tpu.memref_slice %arg2[%dma_start3A_602, %dma_start3A_603] : memref<10000x128xf32, #tpu.memory_space<hbm>> -> memref<10000x128xf32, #tpu.memory_space<hbm>>
    tpu.enqueue_indirect_dma source(%dma_start3A_604 : memref<10000x128xf32, #tpu.memory_space<hbm>>) target(%arg9 : memref<400x128xf32, #tpu.memory_space<vmem>>) offsets(%arg7 : memref<400xi32, #tpu.memory_space<vmem>>) semaphore(%arg11 : memref<!tpu.dma_semaphore, #tpu.memory_space<semaphore_mem>>)
    %dma_wait3A_605 = arith.constant 0 : i32
    %dma_wait3A_606 = arith.constant 0 : i32
    %dma_wait3A_607 = tpu.memref_slice %arg2[%dma_wait3A_605, %dma_wait3A_606] : memref<10000x128xf32, #tpu.memory_space<hbm>> -> memref<10000x128xf32, #tpu.memory_space<hbm>>
    tpu.wait_indirect_dma semaphore(%arg12 : memref<!tpu.dma_semaphore, #tpu.memory_space<semaphore_mem>>) src(%dma_wait3A_607 : memref<10000x128xf32, #tpu.memory_space<hbm>>) dst(%arg10 : memref<400x128xf32, #tpu.memory_space<vmem>>)
    %add3A_608 = arith.constant 3200 : i32
    %add3A_609 = arith.addi %mul3A_2, %add3A_608 : i32
    %dma_start3A_610 = arith.constant 0 : i32
    %dma_start3A_611 = tpu.memref_slice %arg6[%add3A_609, %dma_start3A_610] : memref<320000x128xf32, #tpu.memory_space<hbm>> -> memref<400x128xf32, #tpu.memory_space<hbm>>
    %dma_start3A_612 = arith.constant 0 : i32
    %dma_start3A_613 = tpu.memref_slice %arg6[%add3A_609, %dma_start3A_612] : memref<320000x128xf32, #tpu.memory_space<hbm>> -> memref<400x128xf32, #tpu.memory_space<hbm>>
    tpu.enqueue_dma source(%arg10 : memref<400x128xf32, #tpu.memory_space<vmem>>) target(%dma_start3A_613 : memref<400x128xf32, #tpu.memory_space<hbm>>) target_semaphore(%arg14 : memref<!tpu.dma_semaphore, #tpu.memory_space<semaphore_mem>>)
    %dma_wait3A_614 = arith.constant 0 : i32
    %dma_wait3A_615 = tpu.memref_slice %arg6[%add3A_609, %dma_wait3A_614] : memref<320000x128xf32, #tpu.memory_space<hbm>> -> memref<400x128xf32, #tpu.memory_space<hbm>>
    %dma_wait3A_616 = arith.constant 0 : i32
    %dma_wait3A_617 = tpu.memref_slice %arg6[%add3A_609, %dma_wait3A_616] : memref<320000x128xf32, #tpu.memory_space<hbm>> -> memref<400x128xf32, #tpu.memory_space<hbm>>
    tpu.wait_dma2 semaphore(%arg14 : memref<!tpu.dma_semaphore, #tpu.memory_space<semaphore_mem>>) src(%arg10 : memref<400x128xf32, #tpu.memory_space<vmem>>) dst(%dma_wait3A_617 : memref<400x128xf32, #tpu.memory_space<hbm>>)
    %add3A_618 = arith.constant 4000 : i32
    %add3A_619 = arith.addi %mul3A_2, %add3A_618 : i32
    "tpu.region"() ({
      %run_scoped3A = tpu.sem_alloc : memref<!tpu.dma_semaphore, #tpu.memory_space<semaphore_mem>>
      %dma_start3A_901 = tpu.memref_slice %arg4[%add3A_619] : memref<320000xi32, #tpu.memory_space<hbm>> -> memref<400xi32, #tpu.memory_space<hbm>>
      %dma_start3A_902 = tpu.memref_slice %arg4[%add3A_619] : memref<320000xi32, #tpu.memory_space<hbm>> -> memref<400xi32, #tpu.memory_space<hbm>>
      tpu.enqueue_dma source(%dma_start3A_902 : memref<400xi32, #tpu.memory_space<hbm>>) target(%arg8 : memref<400xi32, #tpu.memory_space<vmem>>) target_semaphore(%run_scoped3A : memref<!tpu.dma_semaphore, #tpu.memory_space<semaphore_mem>>)
      %dma_wait3A_903 = tpu.memref_slice %arg4[%add3A_619] : memref<320000xi32, #tpu.memory_space<hbm>> -> memref<400xi32, #tpu.memory_space<hbm>>
      %dma_wait3A_904 = tpu.memref_slice %arg4[%add3A_619] : memref<320000xi32, #tpu.memory_space<hbm>> -> memref<400xi32, #tpu.memory_space<hbm>>
      tpu.wait_dma2 semaphore(%run_scoped3A : memref<!tpu.dma_semaphore, #tpu.memory_space<semaphore_mem>>) src(%dma_wait3A_904 : memref<400xi32, #tpu.memory_space<hbm>>) dst(%arg8 : memref<400xi32, #tpu.memory_space<vmem>>)
      tpu.yield
    }) : () -> ()
    %dma_start3A_620 = arith.constant 0 : i32
    %dma_start3A_621 = arith.constant 0 : i32
    %dma_start3A_622 = tpu.memref_slice %arg2[%dma_start3A_620, %dma_start3A_621] : memref<10000x128xf32, #tpu.memory_space<hbm>> -> memref<10000x128xf32, #tpu.memory_space<hbm>>
    tpu.enqueue_indirect_dma source(%dma_start3A_622 : memref<10000x128xf32, #tpu.memory_space<hbm>>) target(%arg10 : memref<400x128xf32, #tpu.memory_space<vmem>>) offsets(%arg8 : memref<400xi32, #tpu.memory_space<vmem>>) semaphore(%arg12 : memref<!tpu.dma_semaphore, #tpu.memory_space<semaphore_mem>>)
    %dma_wait3A_623 = arith.constant 0 : i32
    %dma_wait3A_624 = arith.constant 0 : i32
    %dma_wait3A_625 = tpu.memref_slice %arg2[%dma_wait3A_623, %dma_wait3A_624] : memref<10000x128xf32, #tpu.memory_space<hbm>> -> memref<10000x128xf32, #tpu.memory_space<hbm>>
    tpu.wait_indirect_dma semaphore(%arg11 : memref<!tpu.dma_semaphore, #tpu.memory_space<semaphore_mem>>) src(%dma_wait3A_625 : memref<10000x128xf32, #tpu.memory_space<hbm>>) dst(%arg9 : memref<400x128xf32, #tpu.memory_space<vmem>>)
    %add3A_626 = arith.constant 3600 : i32
    %add3A_627 = arith.addi %mul3A_2, %add3A_626 : i32
    %dma_start3A_628 = arith.constant 0 : i32
    %dma_start3A_629 = tpu.memref_slice %arg6[%add3A_627, %dma_start3A_628] : memref<320000x128xf32, #tpu.memory_space<hbm>> -> memref<400x128xf32, #tpu.memory_space<hbm>>
    %dma_start3A_630 = arith.constant 0 : i32
    %dma_start3A_631 = tpu.memref_slice %arg6[%add3A_627, %dma_start3A_630] : memref<320000x128xf32, #tpu.memory_space<hbm>> -> memref<400x128xf32, #tpu.memory_space<hbm>>
    tpu.enqueue_dma source(%arg9 : memref<400x128xf32, #tpu.memory_space<vmem>>) target(%dma_start3A_631 : memref<400x128xf32, #tpu.memory_space<hbm>>) target_semaphore(%arg13 : memref<!tpu.dma_semaphore, #tpu.memory_space<semaphore_mem>>)
    %dma_wait3A_632 = arith.constant 0 : i32
    %dma_wait3A_633 = tpu.memref_slice %arg6[%add3A_627, %dma_wait3A_632] : memref<320000x128xf32, #tpu.memory_space<hbm>> -> memref<400x128xf32, #tpu.memory_space<hbm>>
    %dma_wait3A_634 = arith.constant 0 : i32
    %dma_wait3A_635 = tpu.memref_slice %arg6[%add3A_627, %dma_wait3A_634] : memref<320000x128xf32, #tpu.memory_space<hbm>> -> memref<400x128xf32, #tpu.memory_space<hbm>>
    tpu.wait_dma2 semaphore(%arg13 : memref<!tpu.dma_semaphore, #tpu.memory_space<semaphore_mem>>) src(%arg9 : memref<400x128xf32, #tpu.memory_space<vmem>>) dst(%dma_wait3A_635 : memref<400x128xf32, #tpu.memory_space<hbm>>)
    %add3A_636 = arith.constant 4400 : i32
    %add3A_637 = arith.addi %mul3A_2, %add3A_636 : i32
    "tpu.region"() ({
      %run_scoped3A = tpu.sem_alloc : memref<!tpu.dma_semaphore, #tpu.memory_space<semaphore_mem>>
      %dma_start3A_901 = tpu.memref_slice %arg4[%add3A_637] : memref<320000xi32, #tpu.memory_space<hbm>> -> memref<400xi32, #tpu.memory_space<hbm>>
      %dma_start3A_902 = tpu.memref_slice %arg4[%add3A_637] : memref<320000xi32, #tpu.memory_space<hbm>> -> memref<400xi32, #tpu.memory_space<hbm>>
      tpu.enqueue_dma source(%dma_start3A_902 : memref<400xi32, #tpu.memory_space<hbm>>) target(%arg7 : memref<400xi32, #tpu.memory_space<vmem>>) target_semaphore(%run_scoped3A : memref<!tpu.dma_semaphore, #tpu.memory_space<semaphore_mem>>)
      %dma_wait3A_903 = tpu.memref_slice %arg4[%add3A_637] : memref<320000xi32, #tpu.memory_space<hbm>> -> memref<400xi32, #tpu.memory_space<hbm>>
      %dma_wait3A_904 = tpu.memref_slice %arg4[%add3A_637] : memref<320000xi32, #tpu.memory_space<hbm>> -> memref<400xi32, #tpu.memory_space<hbm>>
      tpu.wait_dma2 semaphore(%run_scoped3A : memref<!tpu.dma_semaphore, #tpu.memory_space<semaphore_mem>>) src(%dma_wait3A_904 : memref<400xi32, #tpu.memory_space<hbm>>) dst(%arg7 : memref<400xi32, #tpu.memory_space<vmem>>)
      tpu.yield
    }) : () -> ()
    %dma_start3A_638 = arith.constant 0 : i32
    %dma_start3A_639 = arith.constant 0 : i32
    %dma_start3A_640 = tpu.memref_slice %arg2[%dma_start3A_638, %dma_start3A_639] : memref<10000x128xf32, #tpu.memory_space<hbm>> -> memref<10000x128xf32, #tpu.memory_space<hbm>>
    tpu.enqueue_indirect_dma source(%dma_start3A_640 : memref<10000x128xf32, #tpu.memory_space<hbm>>) target(%arg9 : memref<400x128xf32, #tpu.memory_space<vmem>>) offsets(%arg7 : memref<400xi32, #tpu.memory_space<vmem>>) semaphore(%arg11 : memref<!tpu.dma_semaphore, #tpu.memory_space<semaphore_mem>>)
    %dma_wait3A_641 = arith.constant 0 : i32
    %dma_wait3A_642 = arith.constant 0 : i32
    %dma_wait3A_643 = tpu.memref_slice %arg2[%dma_wait3A_641, %dma_wait3A_642] : memref<10000x128xf32, #tpu.memory_space<hbm>> -> memref<10000x128xf32, #tpu.memory_space<hbm>>
    tpu.wait_indirect_dma semaphore(%arg12 : memref<!tpu.dma_semaphore, #tpu.memory_space<semaphore_mem>>) src(%dma_wait3A_643 : memref<10000x128xf32, #tpu.memory_space<hbm>>) dst(%arg10 : memref<400x128xf32, #tpu.memory_space<vmem>>)
    %add3A_644 = arith.constant 4000 : i32
    %add3A_645 = arith.addi %mul3A_2, %add3A_644 : i32
    %dma_start3A_646 = arith.constant 0 : i32
    %dma_start3A_647 = tpu.memref_slice %arg6[%add3A_645, %dma_start3A_646] : memref<320000x128xf32, #tpu.memory_space<hbm>> -> memref<400x128xf32, #tpu.memory_space<hbm>>
    %dma_start3A_648 = arith.constant 0 : i32
    %dma_start3A_649 = tpu.memref_slice %arg6[%add3A_645, %dma_start3A_648] : memref<320000x128xf32, #tpu.memory_space<hbm>> -> memref<400x128xf32, #tpu.memory_space<hbm>>
    tpu.enqueue_dma source(%arg10 : memref<400x128xf32, #tpu.memory_space<vmem>>) target(%dma_start3A_649 : memref<400x128xf32, #tpu.memory_space<hbm>>) target_semaphore(%arg14 : memref<!tpu.dma_semaphore, #tpu.memory_space<semaphore_mem>>)
    %dma_wait3A_650 = arith.constant 0 : i32
    %dma_wait3A_651 = tpu.memref_slice %arg6[%add3A_645, %dma_wait3A_650] : memref<320000x128xf32, #tpu.memory_space<hbm>> -> memref<400x128xf32, #tpu.memory_space<hbm>>
    %dma_wait3A_652 = arith.constant 0 : i32
    %dma_wait3A_653 = tpu.memref_slice %arg6[%add3A_645, %dma_wait3A_652] : memref<320000x128xf32, #tpu.memory_space<hbm>> -> memref<400x128xf32, #tpu.memory_space<hbm>>
    tpu.wait_dma2 semaphore(%arg14 : memref<!tpu.dma_semaphore, #tpu.memory_space<semaphore_mem>>) src(%arg10 : memref<400x128xf32, #tpu.memory_space<vmem>>) dst(%dma_wait3A_653 : memref<400x128xf32, #tpu.memory_space<hbm>>)
    %add3A_654 = arith.constant 4800 : i32
    %add3A_655 = arith.addi %mul3A_2, %add3A_654 : i32
    "tpu.region"() ({
      %run_scoped3A = tpu.sem_alloc : memref<!tpu.dma_semaphore, #tpu.memory_space<semaphore_mem>>
      %dma_start3A_901 = tpu.memref_slice %arg4[%add3A_655] : memref<320000xi32, #tpu.memory_space<hbm>> -> memref<400xi32, #tpu.memory_space<hbm>>
      %dma_start3A_902 = tpu.memref_slice %arg4[%add3A_655] : memref<320000xi32, #tpu.memory_space<hbm>> -> memref<400xi32, #tpu.memory_space<hbm>>
      tpu.enqueue_dma source(%dma_start3A_902 : memref<400xi32, #tpu.memory_space<hbm>>) target(%arg8 : memref<400xi32, #tpu.memory_space<vmem>>) target_semaphore(%run_scoped3A : memref<!tpu.dma_semaphore, #tpu.memory_space<semaphore_mem>>)
      %dma_wait3A_903 = tpu.memref_slice %arg4[%add3A_655] : memref<320000xi32, #tpu.memory_space<hbm>> -> memref<400xi32, #tpu.memory_space<hbm>>
      %dma_wait3A_904 = tpu.memref_slice %arg4[%add3A_655] : memref<320000xi32, #tpu.memory_space<hbm>> -> memref<400xi32, #tpu.memory_space<hbm>>
      tpu.wait_dma2 semaphore(%run_scoped3A : memref<!tpu.dma_semaphore, #tpu.memory_space<semaphore_mem>>) src(%dma_wait3A_904 : memref<400xi32, #tpu.memory_space<hbm>>) dst(%arg8 : memref<400xi32, #tpu.memory_space<vmem>>)
      tpu.yield
    }) : () -> ()
    %dma_start3A_656 = arith.constant 0 : i32
    %dma_start3A_657 = arith.constant 0 : i32
    %dma_start3A_658 = tpu.memref_slice %arg2[%dma_start3A_656, %dma_start3A_657] : memref<10000x128xf32, #tpu.memory_space<hbm>> -> memref<10000x128xf32, #tpu.memory_space<hbm>>
    tpu.enqueue_indirect_dma source(%dma_start3A_658 : memref<10000x128xf32, #tpu.memory_space<hbm>>) target(%arg10 : memref<400x128xf32, #tpu.memory_space<vmem>>) offsets(%arg8 : memref<400xi32, #tpu.memory_space<vmem>>) semaphore(%arg12 : memref<!tpu.dma_semaphore, #tpu.memory_space<semaphore_mem>>)
    %dma_wait3A_659 = arith.constant 0 : i32
    %dma_wait3A_660 = arith.constant 0 : i32
    %dma_wait3A_661 = tpu.memref_slice %arg2[%dma_wait3A_659, %dma_wait3A_660] : memref<10000x128xf32, #tpu.memory_space<hbm>> -> memref<10000x128xf32, #tpu.memory_space<hbm>>
    tpu.wait_indirect_dma semaphore(%arg11 : memref<!tpu.dma_semaphore, #tpu.memory_space<semaphore_mem>>) src(%dma_wait3A_661 : memref<10000x128xf32, #tpu.memory_space<hbm>>) dst(%arg9 : memref<400x128xf32, #tpu.memory_space<vmem>>)
    %add3A_662 = arith.constant 4400 : i32
    %add3A_663 = arith.addi %mul3A_2, %add3A_662 : i32
    %dma_start3A_664 = arith.constant 0 : i32
    %dma_start3A_665 = tpu.memref_slice %arg6[%add3A_663, %dma_start3A_664] : memref<320000x128xf32, #tpu.memory_space<hbm>> -> memref<400x128xf32, #tpu.memory_space<hbm>>
    %dma_start3A_666 = arith.constant 0 : i32
    %dma_start3A_667 = tpu.memref_slice %arg6[%add3A_663, %dma_start3A_666] : memref<320000x128xf32, #tpu.memory_space<hbm>> -> memref<400x128xf32, #tpu.memory_space<hbm>>
    tpu.enqueue_dma source(%arg9 : memref<400x128xf32, #tpu.memory_space<vmem>>) target(%dma_start3A_667 : memref<400x128xf32, #tpu.memory_space<hbm>>) target_semaphore(%arg13 : memref<!tpu.dma_semaphore, #tpu.memory_space<semaphore_mem>>)
    %dma_wait3A_668 = arith.constant 0 : i32
    %dma_wait3A_669 = tpu.memref_slice %arg6[%add3A_663, %dma_wait3A_668] : memref<320000x128xf32, #tpu.memory_space<hbm>> -> memref<400x128xf32, #tpu.memory_space<hbm>>
    %dma_wait3A_670 = arith.constant 0 : i32
    %dma_wait3A_671 = tpu.memref_slice %arg6[%add3A_663, %dma_wait3A_670] : memref<320000x128xf32, #tpu.memory_space<hbm>> -> memref<400x128xf32, #tpu.memory_space<hbm>>
    tpu.wait_dma2 semaphore(%arg13 : memref<!tpu.dma_semaphore, #tpu.memory_space<semaphore_mem>>) src(%arg9 : memref<400x128xf32, #tpu.memory_space<vmem>>) dst(%dma_wait3A_671 : memref<400x128xf32, #tpu.memory_space<hbm>>)
    %add3A_672 = arith.constant 5200 : i32
    %add3A_673 = arith.addi %mul3A_2, %add3A_672 : i32
    "tpu.region"() ({
      %run_scoped3A = tpu.sem_alloc : memref<!tpu.dma_semaphore, #tpu.memory_space<semaphore_mem>>
      %dma_start3A_901 = tpu.memref_slice %arg4[%add3A_673] : memref<320000xi32, #tpu.memory_space<hbm>> -> memref<400xi32, #tpu.memory_space<hbm>>
      %dma_start3A_902 = tpu.memref_slice %arg4[%add3A_673] : memref<320000xi32, #tpu.memory_space<hbm>> -> memref<400xi32, #tpu.memory_space<hbm>>
      tpu.enqueue_dma source(%dma_start3A_902 : memref<400xi32, #tpu.memory_space<hbm>>) target(%arg7 : memref<400xi32, #tpu.memory_space<vmem>>) target_semaphore(%run_scoped3A : memref<!tpu.dma_semaphore, #tpu.memory_space<semaphore_mem>>)
      %dma_wait3A_903 = tpu.memref_slice %arg4[%add3A_673] : memref<320000xi32, #tpu.memory_space<hbm>> -> memref<400xi32, #tpu.memory_space<hbm>>
      %dma_wait3A_904 = tpu.memref_slice %arg4[%add3A_673] : memref<320000xi32, #tpu.memory_space<hbm>> -> memref<400xi32, #tpu.memory_space<hbm>>
      tpu.wait_dma2 semaphore(%run_scoped3A : memref<!tpu.dma_semaphore, #tpu.memory_space<semaphore_mem>>) src(%dma_wait3A_904 : memref<400xi32, #tpu.memory_space<hbm>>) dst(%arg7 : memref<400xi32, #tpu.memory_space<vmem>>)
      tpu.yield
    }) : () -> ()
    %dma_start3A_674 = arith.constant 0 : i32
    %dma_start3A_675 = arith.constant 0 : i32
    %dma_start3A_676 = tpu.memref_slice %arg2[%dma_start3A_674, %dma_start3A_675] : memref<10000x128xf32, #tpu.memory_space<hbm>> -> memref<10000x128xf32, #tpu.memory_space<hbm>>
    tpu.enqueue_indirect_dma source(%dma_start3A_676 : memref<10000x128xf32, #tpu.memory_space<hbm>>) target(%arg9 : memref<400x128xf32, #tpu.memory_space<vmem>>) offsets(%arg7 : memref<400xi32, #tpu.memory_space<vmem>>) semaphore(%arg11 : memref<!tpu.dma_semaphore, #tpu.memory_space<semaphore_mem>>)
    %dma_wait3A_677 = arith.constant 0 : i32
    %dma_wait3A_678 = arith.constant 0 : i32
    %dma_wait3A_679 = tpu.memref_slice %arg2[%dma_wait3A_677, %dma_wait3A_678] : memref<10000x128xf32, #tpu.memory_space<hbm>> -> memref<10000x128xf32, #tpu.memory_space<hbm>>
    tpu.wait_indirect_dma semaphore(%arg12 : memref<!tpu.dma_semaphore, #tpu.memory_space<semaphore_mem>>) src(%dma_wait3A_679 : memref<10000x128xf32, #tpu.memory_space<hbm>>) dst(%arg10 : memref<400x128xf32, #tpu.memory_space<vmem>>)
    %add3A_680 = arith.constant 4800 : i32
    %add3A_681 = arith.addi %mul3A_2, %add3A_680 : i32
    %dma_start3A_682 = arith.constant 0 : i32
    %dma_start3A_683 = tpu.memref_slice %arg6[%add3A_681, %dma_start3A_682] : memref<320000x128xf32, #tpu.memory_space<hbm>> -> memref<400x128xf32, #tpu.memory_space<hbm>>
    %dma_start3A_684 = arith.constant 0 : i32
    %dma_start3A_685 = tpu.memref_slice %arg6[%add3A_681, %dma_start3A_684] : memref<320000x128xf32, #tpu.memory_space<hbm>> -> memref<400x128xf32, #tpu.memory_space<hbm>>
    tpu.enqueue_dma source(%arg10 : memref<400x128xf32, #tpu.memory_space<vmem>>) target(%dma_start3A_685 : memref<400x128xf32, #tpu.memory_space<hbm>>) target_semaphore(%arg14 : memref<!tpu.dma_semaphore, #tpu.memory_space<semaphore_mem>>)
    %dma_wait3A_686 = arith.constant 0 : i32
    %dma_wait3A_687 = tpu.memref_slice %arg6[%add3A_681, %dma_wait3A_686] : memref<320000x128xf32, #tpu.memory_space<hbm>> -> memref<400x128xf32, #tpu.memory_space<hbm>>
    %dma_wait3A_688 = arith.constant 0 : i32
    %dma_wait3A_689 = tpu.memref_slice %arg6[%add3A_681, %dma_wait3A_688] : memref<320000x128xf32, #tpu.memory_space<hbm>> -> memref<400x128xf32, #tpu.memory_space<hbm>>
    tpu.wait_dma2 semaphore(%arg14 : memref<!tpu.dma_semaphore, #tpu.memory_space<semaphore_mem>>) src(%arg10 : memref<400x128xf32, #tpu.memory_space<vmem>>) dst(%dma_wait3A_689 : memref<400x128xf32, #tpu.memory_space<hbm>>)
    %add3A_690 = arith.constant 5600 : i32
    %add3A_691 = arith.addi %mul3A_2, %add3A_690 : i32
    "tpu.region"() ({
      %run_scoped3A = tpu.sem_alloc : memref<!tpu.dma_semaphore, #tpu.memory_space<semaphore_mem>>
      %dma_start3A_901 = tpu.memref_slice %arg4[%add3A_691] : memref<320000xi32, #tpu.memory_space<hbm>> -> memref<400xi32, #tpu.memory_space<hbm>>
      %dma_start3A_902 = tpu.memref_slice %arg4[%add3A_691] : memref<320000xi32, #tpu.memory_space<hbm>> -> memref<400xi32, #tpu.memory_space<hbm>>
      tpu.enqueue_dma source(%dma_start3A_902 : memref<400xi32, #tpu.memory_space<hbm>>) target(%arg8 : memref<400xi32, #tpu.memory_space<vmem>>) target_semaphore(%run_scoped3A : memref<!tpu.dma_semaphore, #tpu.memory_space<semaphore_mem>>)
      %dma_wait3A_903 = tpu.memref_slice %arg4[%add3A_691] : memref<320000xi32, #tpu.memory_space<hbm>> -> memref<400xi32, #tpu.memory_space<hbm>>
      %dma_wait3A_904 = tpu.memref_slice %arg4[%add3A_691] : memref<320000xi32, #tpu.memory_space<hbm>> -> memref<400xi32, #tpu.memory_space<hbm>>
      tpu.wait_dma2 semaphore(%run_scoped3A : memref<!tpu.dma_semaphore, #tpu.memory_space<semaphore_mem>>) src(%dma_wait3A_904 : memref<400xi32, #tpu.memory_space<hbm>>) dst(%arg8 : memref<400xi32, #tpu.memory_space<vmem>>)
      tpu.yield
    }) : () -> ()
    %dma_start3A_692 = arith.constant 0 : i32
    %dma_start3A_693 = arith.constant 0 : i32
    %dma_start3A_694 = tpu.memref_slice %arg2[%dma_start3A_692, %dma_start3A_693] : memref<10000x128xf32, #tpu.memory_space<hbm>> -> memref<10000x128xf32, #tpu.memory_space<hbm>>
    tpu.enqueue_indirect_dma source(%dma_start3A_694 : memref<10000x128xf32, #tpu.memory_space<hbm>>) target(%arg10 : memref<400x128xf32, #tpu.memory_space<vmem>>) offsets(%arg8 : memref<400xi32, #tpu.memory_space<vmem>>) semaphore(%arg12 : memref<!tpu.dma_semaphore, #tpu.memory_space<semaphore_mem>>)
    %dma_wait3A_695 = arith.constant 0 : i32
    %dma_wait3A_696 = arith.constant 0 : i32
    %dma_wait3A_697 = tpu.memref_slice %arg2[%dma_wait3A_695, %dma_wait3A_696] : memref<10000x128xf32, #tpu.memory_space<hbm>> -> memref<10000x128xf32, #tpu.memory_space<hbm>>
    tpu.wait_indirect_dma semaphore(%arg11 : memref<!tpu.dma_semaphore, #tpu.memory_space<semaphore_mem>>) src(%dma_wait3A_697 : memref<10000x128xf32, #tpu.memory_space<hbm>>) dst(%arg9 : memref<400x128xf32, #tpu.memory_space<vmem>>)
    %add3A_698 = arith.constant 5200 : i32
    %add3A_699 = arith.addi %mul3A_2, %add3A_698 : i32
    %dma_start3A_700 = arith.constant 0 : i32
    %dma_start3A_701 = tpu.memref_slice %arg6[%add3A_699, %dma_start3A_700] : memref<320000x128xf32, #tpu.memory_space<hbm>> -> memref<400x128xf32, #tpu.memory_space<hbm>>
    %dma_start3A_702 = arith.constant 0 : i32
    %dma_start3A_703 = tpu.memref_slice %arg6[%add3A_699, %dma_start3A_702] : memref<320000x128xf32, #tpu.memory_space<hbm>> -> memref<400x128xf32, #tpu.memory_space<hbm>>
    tpu.enqueue_dma source(%arg9 : memref<400x128xf32, #tpu.memory_space<vmem>>) target(%dma_start3A_703 : memref<400x128xf32, #tpu.memory_space<hbm>>) target_semaphore(%arg13 : memref<!tpu.dma_semaphore, #tpu.memory_space<semaphore_mem>>)
    %dma_wait3A_704 = arith.constant 0 : i32
    %dma_wait3A_705 = tpu.memref_slice %arg6[%add3A_699, %dma_wait3A_704] : memref<320000x128xf32, #tpu.memory_space<hbm>> -> memref<400x128xf32, #tpu.memory_space<hbm>>
    %dma_wait3A_706 = arith.constant 0 : i32
    %dma_wait3A_707 = tpu.memref_slice %arg6[%add3A_699, %dma_wait3A_706] : memref<320000x128xf32, #tpu.memory_space<hbm>> -> memref<400x128xf32, #tpu.memory_space<hbm>>
    tpu.wait_dma2 semaphore(%arg13 : memref<!tpu.dma_semaphore, #tpu.memory_space<semaphore_mem>>) src(%arg9 : memref<400x128xf32, #tpu.memory_space<vmem>>) dst(%dma_wait3A_707 : memref<400x128xf32, #tpu.memory_space<hbm>>)
    %add3A_708 = arith.constant 6000 : i32
    %add3A_709 = arith.addi %mul3A_2, %add3A_708 : i32
    "tpu.region"() ({
      %run_scoped3A = tpu.sem_alloc : memref<!tpu.dma_semaphore, #tpu.memory_space<semaphore_mem>>
      %dma_start3A_901 = tpu.memref_slice %arg4[%add3A_709] : memref<320000xi32, #tpu.memory_space<hbm>> -> memref<400xi32, #tpu.memory_space<hbm>>
      %dma_start3A_902 = tpu.memref_slice %arg4[%add3A_709] : memref<320000xi32, #tpu.memory_space<hbm>> -> memref<400xi32, #tpu.memory_space<hbm>>
      tpu.enqueue_dma source(%dma_start3A_902 : memref<400xi32, #tpu.memory_space<hbm>>) target(%arg7 : memref<400xi32, #tpu.memory_space<vmem>>) target_semaphore(%run_scoped3A : memref<!tpu.dma_semaphore, #tpu.memory_space<semaphore_mem>>)
      %dma_wait3A_903 = tpu.memref_slice %arg4[%add3A_709] : memref<320000xi32, #tpu.memory_space<hbm>> -> memref<400xi32, #tpu.memory_space<hbm>>
      %dma_wait3A_904 = tpu.memref_slice %arg4[%add3A_709] : memref<320000xi32, #tpu.memory_space<hbm>> -> memref<400xi32, #tpu.memory_space<hbm>>
      tpu.wait_dma2 semaphore(%run_scoped3A : memref<!tpu.dma_semaphore, #tpu.memory_space<semaphore_mem>>) src(%dma_wait3A_904 : memref<400xi32, #tpu.memory_space<hbm>>) dst(%arg7 : memref<400xi32, #tpu.memory_space<vmem>>)
      tpu.yield
    }) : () -> ()
    %dma_start3A_710 = arith.constant 0 : i32
    %dma_start3A_711 = arith.constant 0 : i32
    %dma_start3A_712 = tpu.memref_slice %arg2[%dma_start3A_710, %dma_start3A_711] : memref<10000x128xf32, #tpu.memory_space<hbm>> -> memref<10000x128xf32, #tpu.memory_space<hbm>>
    tpu.enqueue_indirect_dma source(%dma_start3A_712 : memref<10000x128xf32, #tpu.memory_space<hbm>>) target(%arg9 : memref<400x128xf32, #tpu.memory_space<vmem>>) offsets(%arg7 : memref<400xi32, #tpu.memory_space<vmem>>) semaphore(%arg11 : memref<!tpu.dma_semaphore, #tpu.memory_space<semaphore_mem>>)
    %dma_wait3A_713 = arith.constant 0 : i32
    %dma_wait3A_714 = arith.constant 0 : i32
    %dma_wait3A_715 = tpu.memref_slice %arg2[%dma_wait3A_713, %dma_wait3A_714] : memref<10000x128xf32, #tpu.memory_space<hbm>> -> memref<10000x128xf32, #tpu.memory_space<hbm>>
    tpu.wait_indirect_dma semaphore(%arg12 : memref<!tpu.dma_semaphore, #tpu.memory_space<semaphore_mem>>) src(%dma_wait3A_715 : memref<10000x128xf32, #tpu.memory_space<hbm>>) dst(%arg10 : memref<400x128xf32, #tpu.memory_space<vmem>>)
    %add3A_716 = arith.constant 5600 : i32
    %add3A_717 = arith.addi %mul3A_2, %add3A_716 : i32
    %dma_start3A_718 = arith.constant 0 : i32
    %dma_start3A_719 = tpu.memref_slice %arg6[%add3A_717, %dma_start3A_718] : memref<320000x128xf32, #tpu.memory_space<hbm>> -> memref<400x128xf32, #tpu.memory_space<hbm>>
    %dma_start3A_720 = arith.constant 0 : i32
    %dma_start3A_721 = tpu.memref_slice %arg6[%add3A_717, %dma_start3A_720] : memref<320000x128xf32, #tpu.memory_space<hbm>> -> memref<400x128xf32, #tpu.memory_space<hbm>>
    tpu.enqueue_dma source(%arg10 : memref<400x128xf32, #tpu.memory_space<vmem>>) target(%dma_start3A_721 : memref<400x128xf32, #tpu.memory_space<hbm>>) target_semaphore(%arg14 : memref<!tpu.dma_semaphore, #tpu.memory_space<semaphore_mem>>)
    %dma_wait3A_722 = arith.constant 0 : i32
    %dma_wait3A_723 = tpu.memref_slice %arg6[%add3A_717, %dma_wait3A_722] : memref<320000x128xf32, #tpu.memory_space<hbm>> -> memref<400x128xf32, #tpu.memory_space<hbm>>
    %dma_wait3A_724 = arith.constant 0 : i32
    %dma_wait3A_725 = tpu.memref_slice %arg6[%add3A_717, %dma_wait3A_724] : memref<320000x128xf32, #tpu.memory_space<hbm>> -> memref<400x128xf32, #tpu.memory_space<hbm>>
    tpu.wait_dma2 semaphore(%arg14 : memref<!tpu.dma_semaphore, #tpu.memory_space<semaphore_mem>>) src(%arg10 : memref<400x128xf32, #tpu.memory_space<vmem>>) dst(%dma_wait3A_725 : memref<400x128xf32, #tpu.memory_space<hbm>>)
    %add3A_726 = arith.constant 6400 : i32
    %add3A_727 = arith.addi %mul3A_2, %add3A_726 : i32
    "tpu.region"() ({
      %run_scoped3A = tpu.sem_alloc : memref<!tpu.dma_semaphore, #tpu.memory_space<semaphore_mem>>
      %dma_start3A_901 = tpu.memref_slice %arg4[%add3A_727] : memref<320000xi32, #tpu.memory_space<hbm>> -> memref<400xi32, #tpu.memory_space<hbm>>
      %dma_start3A_902 = tpu.memref_slice %arg4[%add3A_727] : memref<320000xi32, #tpu.memory_space<hbm>> -> memref<400xi32, #tpu.memory_space<hbm>>
      tpu.enqueue_dma source(%dma_start3A_902 : memref<400xi32, #tpu.memory_space<hbm>>) target(%arg8 : memref<400xi32, #tpu.memory_space<vmem>>) target_semaphore(%run_scoped3A : memref<!tpu.dma_semaphore, #tpu.memory_space<semaphore_mem>>)
      %dma_wait3A_903 = tpu.memref_slice %arg4[%add3A_727] : memref<320000xi32, #tpu.memory_space<hbm>> -> memref<400xi32, #tpu.memory_space<hbm>>
      %dma_wait3A_904 = tpu.memref_slice %arg4[%add3A_727] : memref<320000xi32, #tpu.memory_space<hbm>> -> memref<400xi32, #tpu.memory_space<hbm>>
      tpu.wait_dma2 semaphore(%run_scoped3A : memref<!tpu.dma_semaphore, #tpu.memory_space<semaphore_mem>>) src(%dma_wait3A_904 : memref<400xi32, #tpu.memory_space<hbm>>) dst(%arg8 : memref<400xi32, #tpu.memory_space<vmem>>)
      tpu.yield
    }) : () -> ()
    %dma_start3A_728 = arith.constant 0 : i32
    %dma_start3A_729 = arith.constant 0 : i32
    %dma_start3A_730 = tpu.memref_slice %arg2[%dma_start3A_728, %dma_start3A_729] : memref<10000x128xf32, #tpu.memory_space<hbm>> -> memref<10000x128xf32, #tpu.memory_space<hbm>>
    tpu.enqueue_indirect_dma source(%dma_start3A_730 : memref<10000x128xf32, #tpu.memory_space<hbm>>) target(%arg10 : memref<400x128xf32, #tpu.memory_space<vmem>>) offsets(%arg8 : memref<400xi32, #tpu.memory_space<vmem>>) semaphore(%arg12 : memref<!tpu.dma_semaphore, #tpu.memory_space<semaphore_mem>>)
    %dma_wait3A_731 = arith.constant 0 : i32
    %dma_wait3A_732 = arith.constant 0 : i32
    %dma_wait3A_733 = tpu.memref_slice %arg2[%dma_wait3A_731, %dma_wait3A_732] : memref<10000x128xf32, #tpu.memory_space<hbm>> -> memref<10000x128xf32, #tpu.memory_space<hbm>>
    tpu.wait_indirect_dma semaphore(%arg11 : memref<!tpu.dma_semaphore, #tpu.memory_space<semaphore_mem>>) src(%dma_wait3A_733 : memref<10000x128xf32, #tpu.memory_space<hbm>>) dst(%arg9 : memref<400x128xf32, #tpu.memory_space<vmem>>)
    %add3A_734 = arith.constant 6000 : i32
    %add3A_735 = arith.addi %mul3A_2, %add3A_734 : i32
    %dma_start3A_736 = arith.constant 0 : i32
    %dma_start3A_737 = tpu.memref_slice %arg6[%add3A_735, %dma_start3A_736] : memref<320000x128xf32, #tpu.memory_space<hbm>> -> memref<400x128xf32, #tpu.memory_space<hbm>>
    %dma_start3A_738 = arith.constant 0 : i32
    %dma_start3A_739 = tpu.memref_slice %arg6[%add3A_735, %dma_start3A_738] : memref<320000x128xf32, #tpu.memory_space<hbm>> -> memref<400x128xf32, #tpu.memory_space<hbm>>
    tpu.enqueue_dma source(%arg9 : memref<400x128xf32, #tpu.memory_space<vmem>>) target(%dma_start3A_739 : memref<400x128xf32, #tpu.memory_space<hbm>>) target_semaphore(%arg13 : memref<!tpu.dma_semaphore, #tpu.memory_space<semaphore_mem>>)
    %dma_wait3A_740 = arith.constant 0 : i32
    %dma_wait3A_741 = tpu.memref_slice %arg6[%add3A_735, %dma_wait3A_740] : memref<320000x128xf32, #tpu.memory_space<hbm>> -> memref<400x128xf32, #tpu.memory_space<hbm>>
    %dma_wait3A_742 = arith.constant 0 : i32
    %dma_wait3A_743 = tpu.memref_slice %arg6[%add3A_735, %dma_wait3A_742] : memref<320000x128xf32, #tpu.memory_space<hbm>> -> memref<400x128xf32, #tpu.memory_space<hbm>>
    tpu.wait_dma2 semaphore(%arg13 : memref<!tpu.dma_semaphore, #tpu.memory_space<semaphore_mem>>) src(%arg9 : memref<400x128xf32, #tpu.memory_space<vmem>>) dst(%dma_wait3A_743 : memref<400x128xf32, #tpu.memory_space<hbm>>)
    %add3A_744 = arith.constant 6800 : i32
    %add3A_745 = arith.addi %mul3A_2, %add3A_744 : i32
    "tpu.region"() ({
      %run_scoped3A = tpu.sem_alloc : memref<!tpu.dma_semaphore, #tpu.memory_space<semaphore_mem>>
      %dma_start3A_901 = tpu.memref_slice %arg4[%add3A_745] : memref<320000xi32, #tpu.memory_space<hbm>> -> memref<400xi32, #tpu.memory_space<hbm>>
      %dma_start3A_902 = tpu.memref_slice %arg4[%add3A_745] : memref<320000xi32, #tpu.memory_space<hbm>> -> memref<400xi32, #tpu.memory_space<hbm>>
      tpu.enqueue_dma source(%dma_start3A_902 : memref<400xi32, #tpu.memory_space<hbm>>) target(%arg7 : memref<400xi32, #tpu.memory_space<vmem>>) target_semaphore(%run_scoped3A : memref<!tpu.dma_semaphore, #tpu.memory_space<semaphore_mem>>)
      %dma_wait3A_903 = tpu.memref_slice %arg4[%add3A_745] : memref<320000xi32, #tpu.memory_space<hbm>> -> memref<400xi32, #tpu.memory_space<hbm>>
      %dma_wait3A_904 = tpu.memref_slice %arg4[%add3A_745] : memref<320000xi32, #tpu.memory_space<hbm>> -> memref<400xi32, #tpu.memory_space<hbm>>
      tpu.wait_dma2 semaphore(%run_scoped3A : memref<!tpu.dma_semaphore, #tpu.memory_space<semaphore_mem>>) src(%dma_wait3A_904 : memref<400xi32, #tpu.memory_space<hbm>>) dst(%arg7 : memref<400xi32, #tpu.memory_space<vmem>>)
      tpu.yield
    }) : () -> ()
    %dma_start3A_746 = arith.constant 0 : i32
    %dma_start3A_747 = arith.constant 0 : i32
    %dma_start3A_748 = tpu.memref_slice %arg2[%dma_start3A_746, %dma_start3A_747] : memref<10000x128xf32, #tpu.memory_space<hbm>> -> memref<10000x128xf32, #tpu.memory_space<hbm>>
    tpu.enqueue_indirect_dma source(%dma_start3A_748 : memref<10000x128xf32, #tpu.memory_space<hbm>>) target(%arg9 : memref<400x128xf32, #tpu.memory_space<vmem>>) offsets(%arg7 : memref<400xi32, #tpu.memory_space<vmem>>) semaphore(%arg11 : memref<!tpu.dma_semaphore, #tpu.memory_space<semaphore_mem>>)
    %dma_wait3A_749 = arith.constant 0 : i32
    %dma_wait3A_750 = arith.constant 0 : i32
    %dma_wait3A_751 = tpu.memref_slice %arg2[%dma_wait3A_749, %dma_wait3A_750] : memref<10000x128xf32, #tpu.memory_space<hbm>> -> memref<10000x128xf32, #tpu.memory_space<hbm>>
    tpu.wait_indirect_dma semaphore(%arg12 : memref<!tpu.dma_semaphore, #tpu.memory_space<semaphore_mem>>) src(%dma_wait3A_751 : memref<10000x128xf32, #tpu.memory_space<hbm>>) dst(%arg10 : memref<400x128xf32, #tpu.memory_space<vmem>>)
    %add3A_752 = arith.constant 6400 : i32
    %add3A_753 = arith.addi %mul3A_2, %add3A_752 : i32
    %dma_start3A_754 = arith.constant 0 : i32
    %dma_start3A_755 = tpu.memref_slice %arg6[%add3A_753, %dma_start3A_754] : memref<320000x128xf32, #tpu.memory_space<hbm>> -> memref<400x128xf32, #tpu.memory_space<hbm>>
    %dma_start3A_756 = arith.constant 0 : i32
    %dma_start3A_757 = tpu.memref_slice %arg6[%add3A_753, %dma_start3A_756] : memref<320000x128xf32, #tpu.memory_space<hbm>> -> memref<400x128xf32, #tpu.memory_space<hbm>>
    tpu.enqueue_dma source(%arg10 : memref<400x128xf32, #tpu.memory_space<vmem>>) target(%dma_start3A_757 : memref<400x128xf32, #tpu.memory_space<hbm>>) target_semaphore(%arg14 : memref<!tpu.dma_semaphore, #tpu.memory_space<semaphore_mem>>)
    %dma_wait3A_758 = arith.constant 0 : i32
    %dma_wait3A_759 = tpu.memref_slice %arg6[%add3A_753, %dma_wait3A_758] : memref<320000x128xf32, #tpu.memory_space<hbm>> -> memref<400x128xf32, #tpu.memory_space<hbm>>
    %dma_wait3A_760 = arith.constant 0 : i32
    %dma_wait3A_761 = tpu.memref_slice %arg6[%add3A_753, %dma_wait3A_760] : memref<320000x128xf32, #tpu.memory_space<hbm>> -> memref<400x128xf32, #tpu.memory_space<hbm>>
    tpu.wait_dma2 semaphore(%arg14 : memref<!tpu.dma_semaphore, #tpu.memory_space<semaphore_mem>>) src(%arg10 : memref<400x128xf32, #tpu.memory_space<vmem>>) dst(%dma_wait3A_761 : memref<400x128xf32, #tpu.memory_space<hbm>>)
    %add3A_762 = arith.constant 7200 : i32
    %add3A_763 = arith.addi %mul3A_2, %add3A_762 : i32
    "tpu.region"() ({
      %run_scoped3A = tpu.sem_alloc : memref<!tpu.dma_semaphore, #tpu.memory_space<semaphore_mem>>
      %dma_start3A_901 = tpu.memref_slice %arg4[%add3A_763] : memref<320000xi32, #tpu.memory_space<hbm>> -> memref<400xi32, #tpu.memory_space<hbm>>
      %dma_start3A_902 = tpu.memref_slice %arg4[%add3A_763] : memref<320000xi32, #tpu.memory_space<hbm>> -> memref<400xi32, #tpu.memory_space<hbm>>
      tpu.enqueue_dma source(%dma_start3A_902 : memref<400xi32, #tpu.memory_space<hbm>>) target(%arg8 : memref<400xi32, #tpu.memory_space<vmem>>) target_semaphore(%run_scoped3A : memref<!tpu.dma_semaphore, #tpu.memory_space<semaphore_mem>>)
      %dma_wait3A_903 = tpu.memref_slice %arg4[%add3A_763] : memref<320000xi32, #tpu.memory_space<hbm>> -> memref<400xi32, #tpu.memory_space<hbm>>
      %dma_wait3A_904 = tpu.memref_slice %arg4[%add3A_763] : memref<320000xi32, #tpu.memory_space<hbm>> -> memref<400xi32, #tpu.memory_space<hbm>>
      tpu.wait_dma2 semaphore(%run_scoped3A : memref<!tpu.dma_semaphore, #tpu.memory_space<semaphore_mem>>) src(%dma_wait3A_904 : memref<400xi32, #tpu.memory_space<hbm>>) dst(%arg8 : memref<400xi32, #tpu.memory_space<vmem>>)
      tpu.yield
    }) : () -> ()
    %dma_start3A_764 = arith.constant 0 : i32
    %dma_start3A_765 = arith.constant 0 : i32
    %dma_start3A_766 = tpu.memref_slice %arg2[%dma_start3A_764, %dma_start3A_765] : memref<10000x128xf32, #tpu.memory_space<hbm>> -> memref<10000x128xf32, #tpu.memory_space<hbm>>
    tpu.enqueue_indirect_dma source(%dma_start3A_766 : memref<10000x128xf32, #tpu.memory_space<hbm>>) target(%arg10 : memref<400x128xf32, #tpu.memory_space<vmem>>) offsets(%arg8 : memref<400xi32, #tpu.memory_space<vmem>>) semaphore(%arg12 : memref<!tpu.dma_semaphore, #tpu.memory_space<semaphore_mem>>)
    %dma_wait3A_767 = arith.constant 0 : i32
    %dma_wait3A_768 = arith.constant 0 : i32
    %dma_wait3A_769 = tpu.memref_slice %arg2[%dma_wait3A_767, %dma_wait3A_768] : memref<10000x128xf32, #tpu.memory_space<hbm>> -> memref<10000x128xf32, #tpu.memory_space<hbm>>
    tpu.wait_indirect_dma semaphore(%arg11 : memref<!tpu.dma_semaphore, #tpu.memory_space<semaphore_mem>>) src(%dma_wait3A_769 : memref<10000x128xf32, #tpu.memory_space<hbm>>) dst(%arg9 : memref<400x128xf32, #tpu.memory_space<vmem>>)
    %add3A_770 = arith.constant 6800 : i32
    %add3A_771 = arith.addi %mul3A_2, %add3A_770 : i32
    %dma_start3A_772 = arith.constant 0 : i32
    %dma_start3A_773 = tpu.memref_slice %arg6[%add3A_771, %dma_start3A_772] : memref<320000x128xf32, #tpu.memory_space<hbm>> -> memref<400x128xf32, #tpu.memory_space<hbm>>
    %dma_start3A_774 = arith.constant 0 : i32
    %dma_start3A_775 = tpu.memref_slice %arg6[%add3A_771, %dma_start3A_774] : memref<320000x128xf32, #tpu.memory_space<hbm>> -> memref<400x128xf32, #tpu.memory_space<hbm>>
    tpu.enqueue_dma source(%arg9 : memref<400x128xf32, #tpu.memory_space<vmem>>) target(%dma_start3A_775 : memref<400x128xf32, #tpu.memory_space<hbm>>) target_semaphore(%arg13 : memref<!tpu.dma_semaphore, #tpu.memory_space<semaphore_mem>>)
    %dma_wait3A_776 = arith.constant 0 : i32
    %dma_wait3A_777 = tpu.memref_slice %arg6[%add3A_771, %dma_wait3A_776] : memref<320000x128xf32, #tpu.memory_space<hbm>> -> memref<400x128xf32, #tpu.memory_space<hbm>>
    %dma_wait3A_778 = arith.constant 0 : i32
    %dma_wait3A_779 = tpu.memref_slice %arg6[%add3A_771, %dma_wait3A_778] : memref<320000x128xf32, #tpu.memory_space<hbm>> -> memref<400x128xf32, #tpu.memory_space<hbm>>
    tpu.wait_dma2 semaphore(%arg13 : memref<!tpu.dma_semaphore, #tpu.memory_space<semaphore_mem>>) src(%arg9 : memref<400x128xf32, #tpu.memory_space<vmem>>) dst(%dma_wait3A_779 : memref<400x128xf32, #tpu.memory_space<hbm>>)
    %add3A_780 = arith.constant 7600 : i32
    %add3A_781 = arith.addi %mul3A_2, %add3A_780 : i32
    "tpu.region"() ({
      %run_scoped3A = tpu.sem_alloc : memref<!tpu.dma_semaphore, #tpu.memory_space<semaphore_mem>>
      %dma_start3A_901 = tpu.memref_slice %arg4[%add3A_781] : memref<320000xi32, #tpu.memory_space<hbm>> -> memref<400xi32, #tpu.memory_space<hbm>>
      %dma_start3A_902 = tpu.memref_slice %arg4[%add3A_781] : memref<320000xi32, #tpu.memory_space<hbm>> -> memref<400xi32, #tpu.memory_space<hbm>>
      tpu.enqueue_dma source(%dma_start3A_902 : memref<400xi32, #tpu.memory_space<hbm>>) target(%arg7 : memref<400xi32, #tpu.memory_space<vmem>>) target_semaphore(%run_scoped3A : memref<!tpu.dma_semaphore, #tpu.memory_space<semaphore_mem>>)
      %dma_wait3A_903 = tpu.memref_slice %arg4[%add3A_781] : memref<320000xi32, #tpu.memory_space<hbm>> -> memref<400xi32, #tpu.memory_space<hbm>>
      %dma_wait3A_904 = tpu.memref_slice %arg4[%add3A_781] : memref<320000xi32, #tpu.memory_space<hbm>> -> memref<400xi32, #tpu.memory_space<hbm>>
      tpu.wait_dma2 semaphore(%run_scoped3A : memref<!tpu.dma_semaphore, #tpu.memory_space<semaphore_mem>>) src(%dma_wait3A_904 : memref<400xi32, #tpu.memory_space<hbm>>) dst(%arg7 : memref<400xi32, #tpu.memory_space<vmem>>)
      tpu.yield
    }) : () -> ()
    %dma_start3A_782 = arith.constant 0 : i32
    %dma_start3A_783 = arith.constant 0 : i32
    %dma_start3A_784 = tpu.memref_slice %arg2[%dma_start3A_782, %dma_start3A_783] : memref<10000x128xf32, #tpu.memory_space<hbm>> -> memref<10000x128xf32, #tpu.memory_space<hbm>>
    tpu.enqueue_indirect_dma source(%dma_start3A_784 : memref<10000x128xf32, #tpu.memory_space<hbm>>) target(%arg9 : memref<400x128xf32, #tpu.memory_space<vmem>>) offsets(%arg7 : memref<400xi32, #tpu.memory_space<vmem>>) semaphore(%arg11 : memref<!tpu.dma_semaphore, #tpu.memory_space<semaphore_mem>>)
    %dma_wait3A_785 = arith.constant 0 : i32
    %dma_wait3A_786 = arith.constant 0 : i32
    %dma_wait3A_787 = tpu.memref_slice %arg2[%dma_wait3A_785, %dma_wait3A_786] : memref<10000x128xf32, #tpu.memory_space<hbm>> -> memref<10000x128xf32, #tpu.memory_space<hbm>>
    tpu.wait_indirect_dma semaphore(%arg12 : memref<!tpu.dma_semaphore, #tpu.memory_space<semaphore_mem>>) src(%dma_wait3A_787 : memref<10000x128xf32, #tpu.memory_space<hbm>>) dst(%arg10 : memref<400x128xf32, #tpu.memory_space<vmem>>)
    %add3A_788 = arith.constant 7200 : i32
    %add3A_789 = arith.addi %mul3A_2, %add3A_788 : i32
    %dma_start3A_790 = arith.constant 0 : i32
    %dma_start3A_791 = tpu.memref_slice %arg6[%add3A_789, %dma_start3A_790] : memref<320000x128xf32, #tpu.memory_space<hbm>> -> memref<400x128xf32, #tpu.memory_space<hbm>>
    %dma_start3A_792 = arith.constant 0 : i32
    %dma_start3A_793 = tpu.memref_slice %arg6[%add3A_789, %dma_start3A_792] : memref<320000x128xf32, #tpu.memory_space<hbm>> -> memref<400x128xf32, #tpu.memory_space<hbm>>
    tpu.enqueue_dma source(%arg10 : memref<400x128xf32, #tpu.memory_space<vmem>>) target(%dma_start3A_793 : memref<400x128xf32, #tpu.memory_space<hbm>>) target_semaphore(%arg14 : memref<!tpu.dma_semaphore, #tpu.memory_space<semaphore_mem>>)
    %dma_wait3A_794 = arith.constant 0 : i32
    %dma_wait3A_795 = tpu.memref_slice %arg6[%add3A_789, %dma_wait3A_794] : memref<320000x128xf32, #tpu.memory_space<hbm>> -> memref<400x128xf32, #tpu.memory_space<hbm>>
    %dma_wait3A_796 = arith.constant 0 : i32
    %dma_wait3A_797 = tpu.memref_slice %arg6[%add3A_789, %dma_wait3A_796] : memref<320000x128xf32, #tpu.memory_space<hbm>> -> memref<400x128xf32, #tpu.memory_space<hbm>>
    tpu.wait_dma2 semaphore(%arg14 : memref<!tpu.dma_semaphore, #tpu.memory_space<semaphore_mem>>) src(%arg10 : memref<400x128xf32, #tpu.memory_space<vmem>>) dst(%dma_wait3A_797 : memref<400x128xf32, #tpu.memory_space<hbm>>)
    %add3A_798 = arith.constant 8000 : i32
    %add3A_799 = arith.addi %mul3A_2, %add3A_798 : i32
    "tpu.region"() ({
      %run_scoped3A = tpu.sem_alloc : memref<!tpu.dma_semaphore, #tpu.memory_space<semaphore_mem>>
      %dma_start3A_901 = tpu.memref_slice %arg4[%add3A_799] : memref<320000xi32, #tpu.memory_space<hbm>> -> memref<400xi32, #tpu.memory_space<hbm>>
      %dma_start3A_902 = tpu.memref_slice %arg4[%add3A_799] : memref<320000xi32, #tpu.memory_space<hbm>> -> memref<400xi32, #tpu.memory_space<hbm>>
      tpu.enqueue_dma source(%dma_start3A_902 : memref<400xi32, #tpu.memory_space<hbm>>) target(%arg8 : memref<400xi32, #tpu.memory_space<vmem>>) target_semaphore(%run_scoped3A : memref<!tpu.dma_semaphore, #tpu.memory_space<semaphore_mem>>)
      %dma_wait3A_903 = tpu.memref_slice %arg4[%add3A_799] : memref<320000xi32, #tpu.memory_space<hbm>> -> memref<400xi32, #tpu.memory_space<hbm>>
      %dma_wait3A_904 = tpu.memref_slice %arg4[%add3A_799] : memref<320000xi32, #tpu.memory_space<hbm>> -> memref<400xi32, #tpu.memory_space<hbm>>
      tpu.wait_dma2 semaphore(%run_scoped3A : memref<!tpu.dma_semaphore, #tpu.memory_space<semaphore_mem>>) src(%dma_wait3A_904 : memref<400xi32, #tpu.memory_space<hbm>>) dst(%arg8 : memref<400xi32, #tpu.memory_space<vmem>>)
      tpu.yield
    }) : () -> ()
    %dma_start3A_800 = arith.constant 0 : i32
    %dma_start3A_801 = arith.constant 0 : i32
    %dma_start3A_802 = tpu.memref_slice %arg2[%dma_start3A_800, %dma_start3A_801] : memref<10000x128xf32, #tpu.memory_space<hbm>> -> memref<10000x128xf32, #tpu.memory_space<hbm>>
    tpu.enqueue_indirect_dma source(%dma_start3A_802 : memref<10000x128xf32, #tpu.memory_space<hbm>>) target(%arg10 : memref<400x128xf32, #tpu.memory_space<vmem>>) offsets(%arg8 : memref<400xi32, #tpu.memory_space<vmem>>) semaphore(%arg12 : memref<!tpu.dma_semaphore, #tpu.memory_space<semaphore_mem>>)
    %dma_wait3A_803 = arith.constant 0 : i32
    %dma_wait3A_804 = arith.constant 0 : i32
    %dma_wait3A_805 = tpu.memref_slice %arg2[%dma_wait3A_803, %dma_wait3A_804] : memref<10000x128xf32, #tpu.memory_space<hbm>> -> memref<10000x128xf32, #tpu.memory_space<hbm>>
    tpu.wait_indirect_dma semaphore(%arg11 : memref<!tpu.dma_semaphore, #tpu.memory_space<semaphore_mem>>) src(%dma_wait3A_805 : memref<10000x128xf32, #tpu.memory_space<hbm>>) dst(%arg9 : memref<400x128xf32, #tpu.memory_space<vmem>>)
    %add3A_806 = arith.constant 7600 : i32
    %add3A_807 = arith.addi %mul3A_2, %add3A_806 : i32
    %dma_start3A_808 = arith.constant 0 : i32
    %dma_start3A_809 = tpu.memref_slice %arg6[%add3A_807, %dma_start3A_808] : memref<320000x128xf32, #tpu.memory_space<hbm>> -> memref<400x128xf32, #tpu.memory_space<hbm>>
    %dma_start3A_810 = arith.constant 0 : i32
    %dma_start3A_811 = tpu.memref_slice %arg6[%add3A_807, %dma_start3A_810] : memref<320000x128xf32, #tpu.memory_space<hbm>> -> memref<400x128xf32, #tpu.memory_space<hbm>>
    tpu.enqueue_dma source(%arg9 : memref<400x128xf32, #tpu.memory_space<vmem>>) target(%dma_start3A_811 : memref<400x128xf32, #tpu.memory_space<hbm>>) target_semaphore(%arg13 : memref<!tpu.dma_semaphore, #tpu.memory_space<semaphore_mem>>)
    %dma_wait3A_812 = arith.constant 0 : i32
    %dma_wait3A_813 = tpu.memref_slice %arg6[%add3A_807, %dma_wait3A_812] : memref<320000x128xf32, #tpu.memory_space<hbm>> -> memref<400x128xf32, #tpu.memory_space<hbm>>
    %dma_wait3A_814 = arith.constant 0 : i32
    %dma_wait3A_815 = tpu.memref_slice %arg6[%add3A_807, %dma_wait3A_814] : memref<320000x128xf32, #tpu.memory_space<hbm>> -> memref<400x128xf32, #tpu.memory_space<hbm>>
    tpu.wait_dma2 semaphore(%arg13 : memref<!tpu.dma_semaphore, #tpu.memory_space<semaphore_mem>>) src(%arg9 : memref<400x128xf32, #tpu.memory_space<vmem>>) dst(%dma_wait3A_815 : memref<400x128xf32, #tpu.memory_space<hbm>>)
    %add3A_816 = arith.constant 8400 : i32
    %add3A_817 = arith.addi %mul3A_2, %add3A_816 : i32
    "tpu.region"() ({
      %run_scoped3A = tpu.sem_alloc : memref<!tpu.dma_semaphore, #tpu.memory_space<semaphore_mem>>
      %dma_start3A_901 = tpu.memref_slice %arg4[%add3A_817] : memref<320000xi32, #tpu.memory_space<hbm>> -> memref<400xi32, #tpu.memory_space<hbm>>
      %dma_start3A_902 = tpu.memref_slice %arg4[%add3A_817] : memref<320000xi32, #tpu.memory_space<hbm>> -> memref<400xi32, #tpu.memory_space<hbm>>
      tpu.enqueue_dma source(%dma_start3A_902 : memref<400xi32, #tpu.memory_space<hbm>>) target(%arg7 : memref<400xi32, #tpu.memory_space<vmem>>) target_semaphore(%run_scoped3A : memref<!tpu.dma_semaphore, #tpu.memory_space<semaphore_mem>>)
      %dma_wait3A_903 = tpu.memref_slice %arg4[%add3A_817] : memref<320000xi32, #tpu.memory_space<hbm>> -> memref<400xi32, #tpu.memory_space<hbm>>
      %dma_wait3A_904 = tpu.memref_slice %arg4[%add3A_817] : memref<320000xi32, #tpu.memory_space<hbm>> -> memref<400xi32, #tpu.memory_space<hbm>>
      tpu.wait_dma2 semaphore(%run_scoped3A : memref<!tpu.dma_semaphore, #tpu.memory_space<semaphore_mem>>) src(%dma_wait3A_904 : memref<400xi32, #tpu.memory_space<hbm>>) dst(%arg7 : memref<400xi32, #tpu.memory_space<vmem>>)
      tpu.yield
    }) : () -> ()
    %dma_start3A_818 = arith.constant 0 : i32
    %dma_start3A_819 = arith.constant 0 : i32
    %dma_start3A_820 = tpu.memref_slice %arg2[%dma_start3A_818, %dma_start3A_819] : memref<10000x128xf32, #tpu.memory_space<hbm>> -> memref<10000x128xf32, #tpu.memory_space<hbm>>
    tpu.enqueue_indirect_dma source(%dma_start3A_820 : memref<10000x128xf32, #tpu.memory_space<hbm>>) target(%arg9 : memref<400x128xf32, #tpu.memory_space<vmem>>) offsets(%arg7 : memref<400xi32, #tpu.memory_space<vmem>>) semaphore(%arg11 : memref<!tpu.dma_semaphore, #tpu.memory_space<semaphore_mem>>)
    %dma_wait3A_821 = arith.constant 0 : i32
    %dma_wait3A_822 = arith.constant 0 : i32
    %dma_wait3A_823 = tpu.memref_slice %arg2[%dma_wait3A_821, %dma_wait3A_822] : memref<10000x128xf32, #tpu.memory_space<hbm>> -> memref<10000x128xf32, #tpu.memory_space<hbm>>
    tpu.wait_indirect_dma semaphore(%arg12 : memref<!tpu.dma_semaphore, #tpu.memory_space<semaphore_mem>>) src(%dma_wait3A_823 : memref<10000x128xf32, #tpu.memory_space<hbm>>) dst(%arg10 : memref<400x128xf32, #tpu.memory_space<vmem>>)
    %add3A_824 = arith.constant 8000 : i32
    %add3A_825 = arith.addi %mul3A_2, %add3A_824 : i32
    %dma_start3A_826 = arith.constant 0 : i32
    %dma_start3A_827 = tpu.memref_slice %arg6[%add3A_825, %dma_start3A_826] : memref<320000x128xf32, #tpu.memory_space<hbm>> -> memref<400x128xf32, #tpu.memory_space<hbm>>
    %dma_start3A_828 = arith.constant 0 : i32
    %dma_start3A_829 = tpu.memref_slice %arg6[%add3A_825, %dma_start3A_828] : memref<320000x128xf32, #tpu.memory_space<hbm>> -> memref<400x128xf32, #tpu.memory_space<hbm>>
    tpu.enqueue_dma source(%arg10 : memref<400x128xf32, #tpu.memory_space<vmem>>) target(%dma_start3A_829 : memref<400x128xf32, #tpu.memory_space<hbm>>) target_semaphore(%arg14 : memref<!tpu.dma_semaphore, #tpu.memory_space<semaphore_mem>>)
    %dma_wait3A_830 = arith.constant 0 : i32
    %dma_wait3A_831 = tpu.memref_slice %arg6[%add3A_825, %dma_wait3A_830] : memref<320000x128xf32, #tpu.memory_space<hbm>> -> memref<400x128xf32, #tpu.memory_space<hbm>>
    %dma_wait3A_832 = arith.constant 0 : i32
    %dma_wait3A_833 = tpu.memref_slice %arg6[%add3A_825, %dma_wait3A_832] : memref<320000x128xf32, #tpu.memory_space<hbm>> -> memref<400x128xf32, #tpu.memory_space<hbm>>
    tpu.wait_dma2 semaphore(%arg14 : memref<!tpu.dma_semaphore, #tpu.memory_space<semaphore_mem>>) src(%arg10 : memref<400x128xf32, #tpu.memory_space<vmem>>) dst(%dma_wait3A_833 : memref<400x128xf32, #tpu.memory_space<hbm>>)
    %add3A_834 = arith.constant 8800 : i32
    %add3A_835 = arith.addi %mul3A_2, %add3A_834 : i32
    "tpu.region"() ({
      %run_scoped3A = tpu.sem_alloc : memref<!tpu.dma_semaphore, #tpu.memory_space<semaphore_mem>>
      %dma_start3A_901 = tpu.memref_slice %arg4[%add3A_835] : memref<320000xi32, #tpu.memory_space<hbm>> -> memref<400xi32, #tpu.memory_space<hbm>>
      %dma_start3A_902 = tpu.memref_slice %arg4[%add3A_835] : memref<320000xi32, #tpu.memory_space<hbm>> -> memref<400xi32, #tpu.memory_space<hbm>>
      tpu.enqueue_dma source(%dma_start3A_902 : memref<400xi32, #tpu.memory_space<hbm>>) target(%arg8 : memref<400xi32, #tpu.memory_space<vmem>>) target_semaphore(%run_scoped3A : memref<!tpu.dma_semaphore, #tpu.memory_space<semaphore_mem>>)
      %dma_wait3A_903 = tpu.memref_slice %arg4[%add3A_835] : memref<320000xi32, #tpu.memory_space<hbm>> -> memref<400xi32, #tpu.memory_space<hbm>>
      %dma_wait3A_904 = tpu.memref_slice %arg4[%add3A_835] : memref<320000xi32, #tpu.memory_space<hbm>> -> memref<400xi32, #tpu.memory_space<hbm>>
      tpu.wait_dma2 semaphore(%run_scoped3A : memref<!tpu.dma_semaphore, #tpu.memory_space<semaphore_mem>>) src(%dma_wait3A_904 : memref<400xi32, #tpu.memory_space<hbm>>) dst(%arg8 : memref<400xi32, #tpu.memory_space<vmem>>)
      tpu.yield
    }) : () -> ()
    %dma_start3A_836 = arith.constant 0 : i32
    %dma_start3A_837 = arith.constant 0 : i32
    %dma_start3A_838 = tpu.memref_slice %arg2[%dma_start3A_836, %dma_start3A_837] : memref<10000x128xf32, #tpu.memory_space<hbm>> -> memref<10000x128xf32, #tpu.memory_space<hbm>>
    tpu.enqueue_indirect_dma source(%dma_start3A_838 : memref<10000x128xf32, #tpu.memory_space<hbm>>) target(%arg10 : memref<400x128xf32, #tpu.memory_space<vmem>>) offsets(%arg8 : memref<400xi32, #tpu.memory_space<vmem>>) semaphore(%arg12 : memref<!tpu.dma_semaphore, #tpu.memory_space<semaphore_mem>>)
    %dma_wait3A_839 = arith.constant 0 : i32
    %dma_wait3A_840 = arith.constant 0 : i32
    %dma_wait3A_841 = tpu.memref_slice %arg2[%dma_wait3A_839, %dma_wait3A_840] : memref<10000x128xf32, #tpu.memory_space<hbm>> -> memref<10000x128xf32, #tpu.memory_space<hbm>>
    tpu.wait_indirect_dma semaphore(%arg11 : memref<!tpu.dma_semaphore, #tpu.memory_space<semaphore_mem>>) src(%dma_wait3A_841 : memref<10000x128xf32, #tpu.memory_space<hbm>>) dst(%arg9 : memref<400x128xf32, #tpu.memory_space<vmem>>)
    %add3A_842 = arith.constant 8400 : i32
    %add3A_843 = arith.addi %mul3A_2, %add3A_842 : i32
    %dma_start3A_844 = arith.constant 0 : i32
    %dma_start3A_845 = tpu.memref_slice %arg6[%add3A_843, %dma_start3A_844] : memref<320000x128xf32, #tpu.memory_space<hbm>> -> memref<400x128xf32, #tpu.memory_space<hbm>>
    %dma_start3A_846 = arith.constant 0 : i32
    %dma_start3A_847 = tpu.memref_slice %arg6[%add3A_843, %dma_start3A_846] : memref<320000x128xf32, #tpu.memory_space<hbm>> -> memref<400x128xf32, #tpu.memory_space<hbm>>
    tpu.enqueue_dma source(%arg9 : memref<400x128xf32, #tpu.memory_space<vmem>>) target(%dma_start3A_847 : memref<400x128xf32, #tpu.memory_space<hbm>>) target_semaphore(%arg13 : memref<!tpu.dma_semaphore, #tpu.memory_space<semaphore_mem>>)
    %dma_wait3A_848 = arith.constant 0 : i32
    %dma_wait3A_849 = tpu.memref_slice %arg6[%add3A_843, %dma_wait3A_848] : memref<320000x128xf32, #tpu.memory_space<hbm>> -> memref<400x128xf32, #tpu.memory_space<hbm>>
    %dma_wait3A_850 = arith.constant 0 : i32
    %dma_wait3A_851 = tpu.memref_slice %arg6[%add3A_843, %dma_wait3A_850] : memref<320000x128xf32, #tpu.memory_space<hbm>> -> memref<400x128xf32, #tpu.memory_space<hbm>>
    tpu.wait_dma2 semaphore(%arg13 : memref<!tpu.dma_semaphore, #tpu.memory_space<semaphore_mem>>) src(%arg9 : memref<400x128xf32, #tpu.memory_space<vmem>>) dst(%dma_wait3A_851 : memref<400x128xf32, #tpu.memory_space<hbm>>)
    %add3A_852 = arith.constant 9200 : i32
    %add3A_853 = arith.addi %mul3A_2, %add3A_852 : i32
    "tpu.region"() ({
      %run_scoped3A = tpu.sem_alloc : memref<!tpu.dma_semaphore, #tpu.memory_space<semaphore_mem>>
      %dma_start3A_901 = tpu.memref_slice %arg4[%add3A_853] : memref<320000xi32, #tpu.memory_space<hbm>> -> memref<400xi32, #tpu.memory_space<hbm>>
      %dma_start3A_902 = tpu.memref_slice %arg4[%add3A_853] : memref<320000xi32, #tpu.memory_space<hbm>> -> memref<400xi32, #tpu.memory_space<hbm>>
      tpu.enqueue_dma source(%dma_start3A_902 : memref<400xi32, #tpu.memory_space<hbm>>) target(%arg7 : memref<400xi32, #tpu.memory_space<vmem>>) target_semaphore(%run_scoped3A : memref<!tpu.dma_semaphore, #tpu.memory_space<semaphore_mem>>)
      %dma_wait3A_903 = tpu.memref_slice %arg4[%add3A_853] : memref<320000xi32, #tpu.memory_space<hbm>> -> memref<400xi32, #tpu.memory_space<hbm>>
      %dma_wait3A_904 = tpu.memref_slice %arg4[%add3A_853] : memref<320000xi32, #tpu.memory_space<hbm>> -> memref<400xi32, #tpu.memory_space<hbm>>
      tpu.wait_dma2 semaphore(%run_scoped3A : memref<!tpu.dma_semaphore, #tpu.memory_space<semaphore_mem>>) src(%dma_wait3A_904 : memref<400xi32, #tpu.memory_space<hbm>>) dst(%arg7 : memref<400xi32, #tpu.memory_space<vmem>>)
      tpu.yield
    }) : () -> ()
    %dma_start3A_854 = arith.constant 0 : i32
    %dma_start3A_855 = arith.constant 0 : i32
    %dma_start3A_856 = tpu.memref_slice %arg2[%dma_start3A_854, %dma_start3A_855] : memref<10000x128xf32, #tpu.memory_space<hbm>> -> memref<10000x128xf32, #tpu.memory_space<hbm>>
    tpu.enqueue_indirect_dma source(%dma_start3A_856 : memref<10000x128xf32, #tpu.memory_space<hbm>>) target(%arg9 : memref<400x128xf32, #tpu.memory_space<vmem>>) offsets(%arg7 : memref<400xi32, #tpu.memory_space<vmem>>) semaphore(%arg11 : memref<!tpu.dma_semaphore, #tpu.memory_space<semaphore_mem>>)
    %dma_wait3A_857 = arith.constant 0 : i32
    %dma_wait3A_858 = arith.constant 0 : i32
    %dma_wait3A_859 = tpu.memref_slice %arg2[%dma_wait3A_857, %dma_wait3A_858] : memref<10000x128xf32, #tpu.memory_space<hbm>> -> memref<10000x128xf32, #tpu.memory_space<hbm>>
    tpu.wait_indirect_dma semaphore(%arg12 : memref<!tpu.dma_semaphore, #tpu.memory_space<semaphore_mem>>) src(%dma_wait3A_859 : memref<10000x128xf32, #tpu.memory_space<hbm>>) dst(%arg10 : memref<400x128xf32, #tpu.memory_space<vmem>>)
    %add3A_860 = arith.constant 8800 : i32
    %add3A_861 = arith.addi %mul3A_2, %add3A_860 : i32
    %dma_start3A_862 = arith.constant 0 : i32
    %dma_start3A_863 = tpu.memref_slice %arg6[%add3A_861, %dma_start3A_862] : memref<320000x128xf32, #tpu.memory_space<hbm>> -> memref<400x128xf32, #tpu.memory_space<hbm>>
    %dma_start3A_864 = arith.constant 0 : i32
    %dma_start3A_865 = tpu.memref_slice %arg6[%add3A_861, %dma_start3A_864] : memref<320000x128xf32, #tpu.memory_space<hbm>> -> memref<400x128xf32, #tpu.memory_space<hbm>>
    tpu.enqueue_dma source(%arg10 : memref<400x128xf32, #tpu.memory_space<vmem>>) target(%dma_start3A_865 : memref<400x128xf32, #tpu.memory_space<hbm>>) target_semaphore(%arg14 : memref<!tpu.dma_semaphore, #tpu.memory_space<semaphore_mem>>)
    %dma_wait3A_866 = arith.constant 0 : i32
    %dma_wait3A_867 = tpu.memref_slice %arg6[%add3A_861, %dma_wait3A_866] : memref<320000x128xf32, #tpu.memory_space<hbm>> -> memref<400x128xf32, #tpu.memory_space<hbm>>
    %dma_wait3A_868 = arith.constant 0 : i32
    %dma_wait3A_869 = tpu.memref_slice %arg6[%add3A_861, %dma_wait3A_868] : memref<320000x128xf32, #tpu.memory_space<hbm>> -> memref<400x128xf32, #tpu.memory_space<hbm>>
    tpu.wait_dma2 semaphore(%arg14 : memref<!tpu.dma_semaphore, #tpu.memory_space<semaphore_mem>>) src(%arg10 : memref<400x128xf32, #tpu.memory_space<vmem>>) dst(%dma_wait3A_869 : memref<400x128xf32, #tpu.memory_space<hbm>>)
    %add3A_870 = arith.constant 9600 : i32
    %add3A_871 = arith.addi %mul3A_2, %add3A_870 : i32
    "tpu.region"() ({
      %run_scoped3A = tpu.sem_alloc : memref<!tpu.dma_semaphore, #tpu.memory_space<semaphore_mem>>
      %dma_start3A_901 = tpu.memref_slice %arg4[%add3A_871] : memref<320000xi32, #tpu.memory_space<hbm>> -> memref<400xi32, #tpu.memory_space<hbm>>
      %dma_start3A_902 = tpu.memref_slice %arg4[%add3A_871] : memref<320000xi32, #tpu.memory_space<hbm>> -> memref<400xi32, #tpu.memory_space<hbm>>
      tpu.enqueue_dma source(%dma_start3A_902 : memref<400xi32, #tpu.memory_space<hbm>>) target(%arg8 : memref<400xi32, #tpu.memory_space<vmem>>) target_semaphore(%run_scoped3A : memref<!tpu.dma_semaphore, #tpu.memory_space<semaphore_mem>>)
      %dma_wait3A_903 = tpu.memref_slice %arg4[%add3A_871] : memref<320000xi32, #tpu.memory_space<hbm>> -> memref<400xi32, #tpu.memory_space<hbm>>
      %dma_wait3A_904 = tpu.memref_slice %arg4[%add3A_871] : memref<320000xi32, #tpu.memory_space<hbm>> -> memref<400xi32, #tpu.memory_space<hbm>>
      tpu.wait_dma2 semaphore(%run_scoped3A : memref<!tpu.dma_semaphore, #tpu.memory_space<semaphore_mem>>) src(%dma_wait3A_904 : memref<400xi32, #tpu.memory_space<hbm>>) dst(%arg8 : memref<400xi32, #tpu.memory_space<vmem>>)
      tpu.yield
    }) : () -> ()
    %dma_start3A_872 = arith.constant 0 : i32
    %dma_start3A_873 = arith.constant 0 : i32
    %dma_start3A_874 = tpu.memref_slice %arg2[%dma_start3A_872, %dma_start3A_873] : memref<10000x128xf32, #tpu.memory_space<hbm>> -> memref<10000x128xf32, #tpu.memory_space<hbm>>
    tpu.enqueue_indirect_dma source(%dma_start3A_874 : memref<10000x128xf32, #tpu.memory_space<hbm>>) target(%arg10 : memref<400x128xf32, #tpu.memory_space<vmem>>) offsets(%arg8 : memref<400xi32, #tpu.memory_space<vmem>>) semaphore(%arg12 : memref<!tpu.dma_semaphore, #tpu.memory_space<semaphore_mem>>)
    %dma_wait3A_875 = arith.constant 0 : i32
    %dma_wait3A_876 = arith.constant 0 : i32
    %dma_wait3A_877 = tpu.memref_slice %arg2[%dma_wait3A_875, %dma_wait3A_876] : memref<10000x128xf32, #tpu.memory_space<hbm>> -> memref<10000x128xf32, #tpu.memory_space<hbm>>
    tpu.wait_indirect_dma semaphore(%arg11 : memref<!tpu.dma_semaphore, #tpu.memory_space<semaphore_mem>>) src(%dma_wait3A_877 : memref<10000x128xf32, #tpu.memory_space<hbm>>) dst(%arg9 : memref<400x128xf32, #tpu.memory_space<vmem>>)
    %add3A_878 = arith.constant 9200 : i32
    %add3A_879 = arith.addi %mul3A_2, %add3A_878 : i32
    %dma_start3A_880 = arith.constant 0 : i32
    %dma_start3A_881 = tpu.memref_slice %arg6[%add3A_879, %dma_start3A_880] : memref<320000x128xf32, #tpu.memory_space<hbm>> -> memref<400x128xf32, #tpu.memory_space<hbm>>
    %dma_start3A_882 = arith.constant 0 : i32
    %dma_start3A_883 = tpu.memref_slice %arg6[%add3A_879, %dma_start3A_882] : memref<320000x128xf32, #tpu.memory_space<hbm>> -> memref<400x128xf32, #tpu.memory_space<hbm>>
    tpu.enqueue_dma source(%arg9 : memref<400x128xf32, #tpu.memory_space<vmem>>) target(%dma_start3A_883 : memref<400x128xf32, #tpu.memory_space<hbm>>) target_semaphore(%arg13 : memref<!tpu.dma_semaphore, #tpu.memory_space<semaphore_mem>>)
    %dma_wait3A_884 = arith.constant 0 : i32
    %dma_wait3A_885 = arith.constant 0 : i32
    %dma_wait3A_886 = tpu.memref_slice %arg2[%dma_wait3A_884, %dma_wait3A_885] : memref<10000x128xf32, #tpu.memory_space<hbm>> -> memref<10000x128xf32, #tpu.memory_space<hbm>>
    tpu.wait_indirect_dma semaphore(%arg12 : memref<!tpu.dma_semaphore, #tpu.memory_space<semaphore_mem>>) src(%dma_wait3A_886 : memref<10000x128xf32, #tpu.memory_space<hbm>>) dst(%arg10 : memref<400x128xf32, #tpu.memory_space<vmem>>)
    %add3A_887 = arith.constant 9600 : i32
    %add3A_888 = arith.addi %mul3A_2, %add3A_887 : i32
    %dma_start3A_889 = arith.constant 0 : i32
    %dma_start3A_890 = tpu.memref_slice %arg6[%add3A_888, %dma_start3A_889] : memref<320000x128xf32, #tpu.memory_space<hbm>> -> memref<400x128xf32, #tpu.memory_space<hbm>>
    %dma_start3A_891 = arith.constant 0 : i32
    %dma_start3A_892 = tpu.memref_slice %arg6[%add3A_888, %dma_start3A_891] : memref<320000x128xf32, #tpu.memory_space<hbm>> -> memref<400x128xf32, #tpu.memory_space<hbm>>
    tpu.enqueue_dma source(%arg10 : memref<400x128xf32, #tpu.memory_space<vmem>>) target(%dma_start3A_892 : memref<400x128xf32, #tpu.memory_space<hbm>>) target_semaphore(%arg14 : memref<!tpu.dma_semaphore, #tpu.memory_space<semaphore_mem>>)
    %dma_wait3A_893 = arith.constant 0 : i32
    %dma_wait3A_894 = tpu.memref_slice %arg6[%add3A_879, %dma_wait3A_893] : memref<320000x128xf32, #tpu.memory_space<hbm>> -> memref<400x128xf32, #tpu.memory_space<hbm>>
    %dma_wait3A_895 = arith.constant 0 : i32
    %dma_wait3A_896 = tpu.memref_slice %arg6[%add3A_879, %dma_wait3A_895] : memref<320000x128xf32, #tpu.memory_space<hbm>> -> memref<400x128xf32, #tpu.memory_space<hbm>>
    tpu.wait_dma2 semaphore(%arg13 : memref<!tpu.dma_semaphore, #tpu.memory_space<semaphore_mem>>) src(%arg9 : memref<400x128xf32, #tpu.memory_space<vmem>>) dst(%dma_wait3A_896 : memref<400x128xf32, #tpu.memory_space<hbm>>)
    %dma_wait3A_897 = arith.constant 0 : i32
    %dma_wait3A_898 = tpu.memref_slice %arg6[%add3A_888, %dma_wait3A_897] : memref<320000x128xf32, #tpu.memory_space<hbm>> -> memref<400x128xf32, #tpu.memory_space<hbm>>
    %dma_wait3A_899 = arith.constant 0 : i32
    %dma_wait3A_900 = tpu.memref_slice %arg6[%add3A_888, %dma_wait3A_899] : memref<320000x128xf32, #tpu.memory_space<hbm>> -> memref<400x128xf32, #tpu.memory_space<hbm>>
    tpu.wait_dma2 semaphore(%arg14 : memref<!tpu.dma_semaphore, #tpu.memory_space<semaphore_mem>>) src(%arg10 : memref<400x128xf32, #tpu.memory_space<vmem>>) dst(%dma_wait3A_900 : memref<400x128xf32, #tpu.memory_space<hbm>>)
    return
  }
}

module attributes {stable_mosaic.version = 14 : i64} {
  func.func @_node_body(%arg0: i32, %arg1: memref<1000x128xf32, #tpu.memory_space<vmem>>, %arg2: memref<1000x128xf32, #tpu.memory_space<vmem>>, %arg3: memref<1000x1xf32, #tpu.memory_space<vmem>>, %arg4: memref<512x128xf32, #tpu.memory_space<vmem>>, %arg5: memref<8x128xf32, #tpu.memory_space<vmem>>, %arg6: memref<512x512xf32, #tpu.memory_space<vmem>>, %arg7: memref<512x128xf32, #tpu.memory_space<vmem>>) attributes {dimension_semantics = [#tpu.dimension_semantics<arbitrary>], iteration_bounds = array<i64: 10>, scalar_prefetch = 0 : i64, scratch_operands = 2 : i64, tpu.core_type = #tpu.core_type<tc>, window_params = [{transform_indices = @transform_0, window_bounds = array<i64: 1000, 128>}, {transform_indices = @transform_1, window_bounds = array<i64: 1000, 128>}, {transform_indices = @transform_2, window_bounds = array<i64: 1000, 1>}, {pipeline_mode = #tpu.pipeline_mode<synchronous>, transform_indices = @transform_3, window_bounds = array<i64: 512, 128>}, {pipeline_mode = #tpu.pipeline_mode<synchronous>, transform_indices = @transform_4, window_bounds = array<i64: 8, 128>}]} {
    %eq3A = arith.constant 0 : i32
    %eq3A_0 = arith.cmpi eq, %arg0, %eq3A : i32
    %convert_element_type3A = arith.extui %eq3A_0 : i1 to i32
    %cond3A = arith.constant 0 : i32
    %cond3A_1 = arith.cmpi ne, %convert_element_type3A, %cond3A : i32
    scf.if %cond3A_1 {
      %broadcast_in_dim3A_59 = arith.constant 0.000000e+00 : f32
      %broadcast_in_dim3A_60 = vector.broadcast %broadcast_in_dim3A_59 : f32 to vector<512x512xf32>
      %swap3A_61 = arith.constant 0 : index
      %swap3A_62 = arith.constant 0 : index
      %swap3A_63 = vector.load %arg6[%swap3A_61, %swap3A_62] : memref<512x512xf32, #tpu.memory_space<vmem>>, vector<512x512xf32>
      tpu.vector_store %arg6[%swap3A_61, %swap3A_62], %broadcast_in_dim3A_60 {strides = array<i32>} : memref<512x512xf32, #tpu.memory_space<vmem>>, vector<512x512xf32>,
      %broadcast_in_dim3A_64 = arith.constant 0.000000e+00 : f32
      %broadcast_in_dim3A_65 = vector.broadcast %broadcast_in_dim3A_64 : f32 to vector<512x128xf32>
      %swap3A_66 = arith.constant 0 : index
      %swap3A_67 = arith.constant 0 : index
      %swap3A_68 = vector.load %arg7[%swap3A_66, %swap3A_67] : memref<512x128xf32, #tpu.memory_space<vmem>>, vector<512x128xf32>
      tpu.vector_store %arg7[%swap3A_66, %swap3A_67], %broadcast_in_dim3A_65 {strides = array<i32>} : memref<512x128xf32, #tpu.memory_space<vmem>>, vector<512x128xf32>,
    } else {
    }
    %get3A = arith.constant 0 : index
    %get3A_2 = arith.constant 0 : index
    %get3A_3 = vector.load %arg1[%get3A, %get3A_2] : memref<1000x128xf32, #tpu.memory_space<vmem>>, vector<1000x64xf32>
    %get3A_4 = arith.constant 0 : index
    %get3A_5 = arith.constant 0 : index
    %get3A_6 = vector.load %arg3[%get3A_4, %get3A_5] : memref<1000x1xf32, #tpu.memory_space<vmem>>, vector<1000x1xf32>
    %iota3A = tpu.iota {dimensions = array<i32: 1>} : vector<1x512xi32>
    %jit3A = arith.constant 64 : i32
    %div3A = vector.broadcast %jit3A : i32 to vector<1x512xi32>
    %div3A_7 = arith.divsi %iota3A, %div3A : vector<1x512xi32>
    %sign3A = arith.constant 0 : i32
    %sign3A_8 = vector.broadcast %sign3A : i32 to vector<1x512xi32>
    %sign3A_9 = arith.cmpi sgt, %iota3A, %sign3A_8 : vector<1x512xi32>
    %sign3A_10 = arith.extui %sign3A_9 : vector<1x512xi1> to vector<1x512xi32>
    %sign3A_11 = arith.constant 0 : i32
    %sign3A_12 = vector.broadcast %sign3A_11 : i32 to vector<1x512xi32>
    %sign3A_13 = arith.cmpi slt, %iota3A, %sign3A_12 : vector<1x512xi32>
    %sign3A_14 = arith.extui %sign3A_13 : vector<1x512xi1> to vector<1x512xi32>
    %sign3A_15 = arith.subi %sign3A_10, %sign3A_14 : vector<1x512xi32>
    %sign3A_16 = arith.constant 0 : i32
    %sign3A_17 = arith.cmpi sgt, %jit3A, %sign3A_16 : i32
    %sign3A_18 = arith.extui %sign3A_17 : i1 to i32
    %sign3A_19 = arith.constant 0 : i32
    %sign3A_20 = arith.cmpi slt, %jit3A, %sign3A_19 : i32
    %sign3A_21 = arith.extui %sign3A_20 : i1 to i32
    %sign3A_22 = arith.subi %sign3A_18, %sign3A_21 : i32
    %ne3A = vector.broadcast %sign3A_22 : i32 to vector<1x512xi32>
    %ne3A_23 = arith.cmpi ne, %sign3A_15, %ne3A : vector<1x512xi32>
    %rem3A = vector.broadcast %jit3A : i32 to vector<1x512xi32>
    %rem3A_24 = arith.remsi %iota3A, %rem3A : vector<1x512xi32>
    %ne3A_25 = arith.constant 0 : i32
    %ne3A_26 = vector.broadcast %ne3A_25 : i32 to vector<1x512xi32>
    %ne3A_27 = arith.cmpi ne, %rem3A_24, %ne3A_26 : vector<1x512xi32>
    %and3A = arith.andi %ne3A_23, %ne3A_27 : vector<1x512xi1>
    %sub3A = arith.constant 1 : i32
    %sub3A_28 = vector.broadcast %sub3A : i32 to vector<1x512xi32>
    %sub3A_29 = arith.subi %div3A_7, %sub3A_28 : vector<1x512xi32>
    %select_n3A = arith.select %and3A, %sub3A_29, %div3A_7 : vector<1x512xi1>, vector<1x512xi32>
    %convert_element_type3A_30 = arith.sitofp %select_n3A : vector<1x512xi32> to vector<1x512xf32>
    %eq3A_31 = vector.broadcast %convert_element_type3A_30 : vector<1x512xf32> to vector<1000x512xf32>
    %eq3A_32 = vector.broadcast %get3A_6 : vector<1000x1xf32> to vector<1000x512xf32>
    %eq3A_33 = arith.cmpf oeq, %eq3A_31, %eq3A_32 : vector<1000x512xf32>
    %concatenate3A = tpu.concatenate %get3A_3, %get3A_3, %get3A_3, %get3A_3, %get3A_3, %get3A_3, %get3A_3, %get3A_3 in 1 : vector<1000x64xf32>, vector<1000x64xf32>, vector<1000x64xf32>, vector<1000x64xf32>, vector<1000x64xf32>, vector<1000x64xf32>, vector<1000x64xf32>, vector<1000x64xf32> -> vector<1000x512xf32>
    %jit3A_34 = arith.constant 0.000000e+00 : f32
    %broadcast_in_dim3A = vector.broadcast %jit3A_34 : f32 to vector<1000x512xf32>
    %select_n3A_35 = arith.select %eq3A_33, %concatenate3A, %broadcast_in_dim3A : vector<1000x512xi1>, vector<1000x512xf32>
    %get3A_36 = arith.constant 0 : index
    %get3A_37 = arith.constant 0 : index
    %get3A_38 = vector.load %arg6[%get3A_36, %get3A_37] : memref<512x512xf32, #tpu.memory_space<vmem>>, vector<512x512xf32>
    %dot_general3A = arith.constant dense<0.000000e+00> : vector<512x512xf32>
    %dot_general3A_39 = tpu.matmul %select_n3A_35, %select_n3A_35, %dot_general3A {dimension_numbers = #tpu.dot_dimension_numbers<[0], [0], [1], [1], [0, 1, 1, 1], [], []>, transpose_lhs_hint = false} : vector<1000x512xf32>, vector<1000x512xf32>, vector<512x512xf32> -> vector<512x512xf32>
    %add3A = arith.addf %get3A_38, %dot_general3A_39 : vector<512x512xf32>
    %swap3A = arith.constant 0 : index
    %swap3A_40 = arith.constant 0 : index
    %swap3A_41 = vector.load %arg6[%swap3A, %swap3A_40] : memref<512x512xf32, #tpu.memory_space<vmem>>, vector<512x512xf32>
    tpu.vector_store %arg6[%swap3A, %swap3A_40], %add3A {strides = array<i32>} : memref<512x512xf32, #tpu.memory_space<vmem>>, vector<512x512xf32>,
    %get3A_42 = arith.constant 0 : index
    %get3A_43 = arith.constant 0 : index
    %get3A_44 = vector.load %arg7[%get3A_42, %get3A_43] : memref<512x128xf32, #tpu.memory_space<vmem>>, vector<512x128xf32>
    %get3A_45 = arith.constant 0 : index
    %get3A_46 = arith.constant 0 : index
    %get3A_47 = vector.load %arg2[%get3A_45, %get3A_46] : memref<1000x128xf32, #tpu.memory_space<vmem>>, vector<1000x128xf32>
    %dot_general3A_48 = arith.constant dense<0.000000e+00> : vector<512x128xf32>
    %dot_general3A_49 = tpu.matmul %select_n3A_35, %get3A_47, %dot_general3A_48 {dimension_numbers = #tpu.dot_dimension_numbers<[0], [0], [1], [1], [0, 1, 1, 1], [], []>, transpose_lhs_hint = false} : vector<1000x512xf32>, vector<1000x128xf32>, vector<512x128xf32> -> vector<512x128xf32>
    %add3A_50 = arith.addf %get3A_44, %dot_general3A_49 : vector<512x128xf32>
    %swap3A_51 = arith.constant 0 : index
    %swap3A_52 = arith.constant 0 : index
    %swap3A_53 = vector.load %arg7[%swap3A_51, %swap3A_52] : memref<512x128xf32, #tpu.memory_space<vmem>>, vector<512x128xf32>
    tpu.vector_store %arg7[%swap3A_51, %swap3A_52], %add3A_50 {strides = array<i32>} : memref<512x128xf32, #tpu.memory_space<vmem>>, vector<512x128xf32>,
    %eq3A_54 = arith.constant 9 : i32
    %eq3A_55 = arith.cmpi eq, %arg0, %eq3A_54 : i32
    %convert_element_type3A_56 = arith.extui %eq3A_55 : i1 to i32
    %cond3A_57 = arith.constant 0 : i32
    %cond3A_58 = arith.cmpi ne, %convert_element_type3A_56, %cond3A_57 : i32
    scf.if %cond3A_58 {
      %iota3A_59 = tpu.iota {dimensions = array<i32: 0>} : vector<512x512xi32>
      %iota3A_60 = tpu.iota {dimensions = array<i32: 1>} : vector<512x512xi32>
      %eq3A_61 = arith.cmpi eq, %iota3A_59, %iota3A_60 : vector<512x512xi32>
      %jit3A_62 = arith.constant 1.000000e+00 : f32
      %jit3A_63 = arith.constant 0.000000e+00 : f32
      %broadcast_in_dim3A_64 = vector.broadcast %jit3A_62 : f32 to vector<512x512xf32>
      %broadcast_in_dim3A_65 = vector.broadcast %jit3A_63 : f32 to vector<512x512xf32>
      %select_n3A_66 = arith.select %eq3A_61, %broadcast_in_dim3A_64, %broadcast_in_dim3A_65 : vector<512x512xi1>, vector<512x512xf32>
      %get3A_67 = arith.constant 0 : index
      %get3A_68 = arith.constant 0 : index
      %get3A_69 = vector.load %arg6[%get3A_67, %get3A_68] : memref<512x512xf32, #tpu.memory_space<vmem>>, vector<512x512xf32>
      %iota3A_70 = tpu.iota {dimensions = array<i32: 0>} : vector<8x512xi32>
      %iota3A_71 = tpu.iota {dimensions = array<i32: 1>} : vector<8x512xi32>
      %jit3A_72 = arith.constant 64 : i32
      %div3A_73 = vector.broadcast %jit3A_72 : i32 to vector<8x512xi32>
      %div3A_74 = arith.divsi %iota3A_71, %div3A_73 : vector<8x512xi32>
      %sign3A_75 = arith.constant 0 : i32
      %sign3A_76 = vector.broadcast %sign3A_75 : i32 to vector<8x512xi32>
      %sign3A_77 = arith.cmpi sgt, %iota3A_71, %sign3A_76 : vector<8x512xi32>
      %sign3A_78 = arith.extui %sign3A_77 : vector<8x512xi1> to vector<8x512xi32>
      %sign3A_79 = arith.constant 0 : i32
      %sign3A_80 = vector.broadcast %sign3A_79 : i32 to vector<8x512xi32>
      %sign3A_81 = arith.cmpi slt, %iota3A_71, %sign3A_80 : vector<8x512xi32>
      %sign3A_82 = arith.extui %sign3A_81 : vector<8x512xi1> to vector<8x512xi32>
      %sign3A_83 = arith.subi %sign3A_78, %sign3A_82 : vector<8x512xi32>
      %sign3A_84 = arith.constant 0 : i32
      %sign3A_85 = arith.cmpi sgt, %jit3A_72, %sign3A_84 : i32
      %sign3A_86 = arith.extui %sign3A_85 : i1 to i32
      %sign3A_87 = arith.constant 0 : i32
      %sign3A_88 = arith.cmpi slt, %jit3A_72, %sign3A_87 : i32
      %sign3A_89 = arith.extui %sign3A_88 : i1 to i32
      %sign3A_90 = arith.subi %sign3A_86, %sign3A_89 : i32
      %ne3A_91 = vector.broadcast %sign3A_90 : i32 to vector<8x512xi32>
      %ne3A_92 = arith.cmpi ne, %sign3A_83, %ne3A_91 : vector<8x512xi32>
      %rem3A_93 = vector.broadcast %jit3A_72 : i32 to vector<8x512xi32>
      %rem3A_94 = arith.remsi %iota3A_71, %rem3A_93 : vector<8x512xi32>
      %ne3A_95 = arith.constant 0 : i32
      %ne3A_96 = vector.broadcast %ne3A_95 : i32 to vector<8x512xi32>
      %ne3A_97 = arith.cmpi ne, %rem3A_94, %ne3A_96 : vector<8x512xi32>
      %and3A_98 = arith.andi %ne3A_92, %ne3A_97 : vector<8x512xi1>
      %sub3A_99 = arith.constant 1 : i32
      %sub3A_100 = vector.broadcast %sub3A_99 : i32 to vector<8x512xi32>
      %sub3A_101 = arith.subi %div3A_74, %sub3A_100 : vector<8x512xi32>
      %select_n3A_102 = arith.select %and3A_98, %sub3A_101, %div3A_74 : vector<8x512xi1>, vector<8x512xi32>
      %eq3A_103 = arith.cmpi eq, %iota3A_70, %select_n3A_102 : vector<8x512xi32>
      %jit3A_104 = arith.constant 1.000000e+00 : f32
      %jit3A_105 = arith.constant 0.000000e+00 : f32
      %broadcast_in_dim3A_106 = vector.broadcast %jit3A_104 : f32 to vector<8x512xf32>
      %broadcast_in_dim3A_107 = vector.broadcast %jit3A_105 : f32 to vector<8x512xf32>
      %select_n3A_108 = arith.select %eq3A_103, %broadcast_in_dim3A_106, %broadcast_in_dim3A_107 : vector<8x512xi1>, vector<8x512xf32>
      %mul3A = arith.mulf %get3A_69, %get3A_69 : vector<512x512xf32>
      %reduce_sum3A = arith.constant dense<0.000000e+00> : vector<512xf32>
      %reduce_sum3A_109 = vector.multi_reduction <add>, %mul3A, %reduce_sum3A [1] : vector<512x512xf32> to vector<512xf32>
      %broadcast_in_dim3A_110 = vector.shape_cast %reduce_sum3A_109 : vector<512xf32> to vector<512x1xf32>
      %dot_general3A_111 = arith.constant dense<0.000000e+00> : vector<8x1xf32>
      %dot_general3A_112 = tpu.matmul %select_n3A_108, %broadcast_in_dim3A_110, %dot_general3A_111 {dimension_numbers = #tpu.dot_dimension_numbers<[1], [0], [0], [1], [0, 0, 1, 1], [], []>, transpose_lhs_hint = false} : vector<8x512xf32>, vector<512x1xf32>, vector<8x1xf32> -> vector<8x1xf32>
      %sqrt3A = math.sqrt %dot_general3A_112 : vector<8x1xf32>
      %div3A_113 = arith.constant 1.000000e+00 : f32
      %div3A_114 = vector.broadcast %div3A_113 : f32 to vector<8x1xf32>
      %div3A_115 = arith.divf %div3A_114, %sqrt3A : vector<8x1xf32>
      %mul3A_116 = vector.broadcast %div3A_115 : vector<8x1xf32> to vector<8x512xf32>
      %mul3A_117 = arith.mulf %select_n3A_108, %mul3A_116 : vector<8x512xf32>
      %reduce_sum3A_118 = arith.constant dense<0.000000e+00> : vector<512xf32>
      %reduce_sum3A_119 = vector.multi_reduction <add>, %mul3A_117, %reduce_sum3A_118 [0] : vector<8x512xf32> to vector<512xf32>
      %broadcast_in_dim3A_120 = vector.shape_cast %reduce_sum3A_119 : vector<512xf32> to vector<1x512xf32>
      %mul3A_121 = vector.broadcast %broadcast_in_dim3A_120 : vector<1x512xf32> to vector<512x512xf32>
      %mul3A_122 = arith.mulf %get3A_69, %mul3A_121 : vector<512x512xf32>
      %sqrt3A_123 = arith.constant 6.400000e+01 : f32
      %sqrt3A_124 = math.sqrt %sqrt3A_123 : f32
      %div3A_125 = vector.broadcast %sqrt3A_124 : f32 to vector<512x512xf32>
      %div3A_126 = arith.divf %select_n3A_66, %div3A_125 : vector<512x512xf32>
      %sub3A_127 = arith.subf %mul3A_122, %div3A_126 : vector<512x512xf32>
      %mul3A_128 = arith.mulf %sub3A_127, %sub3A_127 : vector<512x512xf32>
      %reduce_sum3A_129 = arith.constant dense<0.000000e+00> : vector<512xf32>
      %reduce_sum3A_130 = vector.multi_reduction <add>, %mul3A_128, %reduce_sum3A_129 [1] : vector<512x512xf32> to vector<512xf32>
      %broadcast_in_dim3A_131 = vector.shape_cast %reduce_sum3A_130 : vector<512xf32> to vector<512x1xf32>
      %dot_general3A_132 = arith.constant dense<0.000000e+00> : vector<8x1xf32>
      %dot_general3A_133 = tpu.matmul %select_n3A_108, %broadcast_in_dim3A_131, %dot_general3A_132 {dimension_numbers = #tpu.dot_dimension_numbers<[1], [0], [0], [1], [0, 0, 1, 1], [], []>, transpose_lhs_hint = false} : vector<8x512xf32>, vector<512x1xf32>, vector<8x1xf32> -> vector<8x1xf32>
      %sqrt3A_134 = math.sqrt %dot_general3A_133 : vector<8x1xf32>
      %reduce_sum3A_135 = vector.shape_cast %sqrt3A_134 : vector<8x1xf32> to vector<1x8x1xf32>
      %reduce_sum3A_136 = arith.constant dense<0.000000e+00> : vector<1xf32>
      %reduce_sum3A_137 = vector.multi_reduction <add>, %reduce_sum3A_135, %reduce_sum3A_136 [1, 2] : vector<1x8x1xf32> to vector<1xf32>
      %reduce_sum3A_138 = vector.shape_cast %reduce_sum3A_137 : vector<1xf32> to vector<1x1x1xf32>
      %reduce_sum3A_139 = vector.extract %reduce_sum3A_138[0, 0, 0] : f32 from vector<1x1x1xf32>
      %div3A_140 = arith.constant 8.000000e+00 : f32
      %div3A_141 = arith.divf %reduce_sum3A_139, %div3A_140 : f32
      %iota3A_142 = tpu.iota {dimensions = array<i32: 0>} : vector<8x128xi32>
      %iota3A_143 = tpu.iota {dimensions = array<i32: 1>} : vector<8x128xi32>
      %eq3A_144 = arith.constant 0 : i32
      %eq3A_145 = vector.broadcast %eq3A_144 : i32 to vector<8x128xi32>
      %eq3A_146 = arith.cmpi eq, %iota3A_142, %eq3A_145 : vector<8x128xi32>
      %eq3A_147 = arith.constant 0 : i32
      %eq3A_148 = vector.broadcast %eq3A_147 : i32 to vector<8x128xi32>
      %eq3A_149 = arith.cmpi eq, %iota3A_143, %eq3A_148 : vector<8x128xi32>
      %and3A_150 = arith.andi %eq3A_146, %eq3A_149 : vector<8x128xi1>
      %jit3A_151 = arith.constant 0.000000e+00 : f32
      %broadcast_in_dim3A_152 = vector.broadcast %div3A_141 : f32 to vector<8x128xf32>
      %broadcast_in_dim3A_153 = vector.broadcast %jit3A_151 : f32 to vector<8x128xf32>
      %select_n3A_154 = arith.select %and3A_150, %broadcast_in_dim3A_152, %broadcast_in_dim3A_153 : vector<8x128xi1>, vector<8x128xf32>
      %swap3A_155 = arith.constant 0 : index
      %swap3A_156 = arith.constant 0 : index
      %swap3A_157 = vector.load %arg5[%swap3A_155, %swap3A_156] : memref<8x128xf32, #tpu.memory_space<vmem>>, vector<8x128xf32>
      tpu.vector_store %arg5[%swap3A_155, %swap3A_156], %select_n3A_154 {strides = array<i32>} : memref<8x128xf32, #tpu.memory_space<vmem>>, vector<8x128xf32>,
      %get3A_158 = arith.constant 0 : index
      %get3A_159 = arith.constant 0 : index
      %get3A_160 = vector.load %arg7[%get3A_158, %get3A_159] : memref<512x128xf32, #tpu.memory_space<vmem>>, vector<512x128xf32>
      %gt3A = arith.constant 0.000000e+00 : f32
      %gt3A_161 = vector.broadcast %gt3A : f32 to vector<512x128xf32>
      %gt3A_162 = arith.cmpf ogt, %get3A_160, %gt3A_161 : vector<512x128xf32>
      %exp3A = math.exp %get3A_160 : vector<512x128xf32>
      %sub3A_163 = arith.constant 1.000000e+00 : f32
      %sub3A_164 = vector.broadcast %sub3A_163 : f32 to vector<512x128xf32>
      %sub3A_165 = arith.subf %exp3A, %sub3A_164 : vector<512x128xf32>
      %mul3A_166 = arith.constant 1.67326319 : f32
      %mul3A_167 = vector.broadcast %mul3A_166 : f32 to vector<512x128xf32>
      %mul3A_168 = arith.mulf %mul3A_167, %sub3A_165 : vector<512x128xf32>
      %select_n3A_169 = arith.select %gt3A_162, %get3A_160, %mul3A_168 : vector<512x128xi1>, vector<512x128xf32>
      %mul3A_170 = arith.constant 1.05070102 : f32
      %mul3A_171 = vector.broadcast %mul3A_170 : f32 to vector<512x128xf32>
      %mul3A_172 = arith.mulf %mul3A_171, %select_n3A_169 : vector<512x128xf32>
      %swap3A_173 = arith.constant 0 : index
      %swap3A_174 = arith.constant 0 : index
      %swap3A_175 = vector.load %arg4[%swap3A_173, %swap3A_174] : memref<512x128xf32, #tpu.memory_space<vmem>>, vector<512x128xf32>
      tpu.vector_store %arg4[%swap3A_173, %swap3A_174], %mul3A_172 {strides = array<i32>} : memref<512x128xf32, #tpu.memory_space<vmem>>, vector<512x128xf32>,
    } else {
    }
    return
  }
  func.func @transform_0(%arg0: i32) -> (i32, i32) {
    %c0_i32 = arith.constant 0 : i32
    %c0_i32_0 = arith.constant 0 : i32
    return %arg0, %c0_i32 : i32, i32
  }
  func.func @transform_1(%arg0: i32) -> (i32, i32) {
    %c0_i32 = arith.constant 0 : i32
    %c0_i32_0 = arith.constant 0 : i32
    return %arg0, %c0_i32 : i32, i32
  }
  func.func @transform_2(%arg0: i32) -> (i32, i32) {
    %c0_i32 = arith.constant 0 : i32
    %c0_i32_0 = arith.constant 0 : i32
    return %arg0, %c0_i32 : i32, i32
  }
  func.func @transform_3(%arg0: i32) -> (i32, i32) {
    %c0_i32 = arith.constant 0 : i32
    %c0_i32_0 = arith.constant 0 : i32
    %c0_i32_1 = arith.constant 0 : i32
    return %c0_i32, %c0_i32_0 : i32, i32
  }
  func.func @transform_4(%arg0: i32) -> (i32, i32) {
    %c0_i32 = arith.constant 0 : i32
    %c0_i32_0 = arith.constant 0 : i32
    %c0_i32_1 = arith.constant 0 : i32
    return %c0_i32, %c0_i32_0 : i32, i32
  }
}

module attributes {stable_mosaic.version = 14 : i64} {
  func.func @_s_body(%arg0: i32, %arg1: memref<1000x128xf32, #tpu.memory_space<vmem>>, %arg2: memref<128x64xf32, #tpu.memory_space<vmem>>, %arg3: memref<1x64xf32, #tpu.memory_space<vmem>>, %arg4: memref<1000x1xf32, #tpu.memory_space<vmem>>, %arg5: memref<1000x128xf32, #tpu.memory_space<vmem>>) attributes {dimension_semantics = [#tpu.dimension_semantics<arbitrary>], iteration_bounds = array<i64: 10>, scalar_prefetch = 0 : i64, scratch_operands = 0 : i64, tpu.core_type = #tpu.core_type<tc>, window_params = [{transform_indices = @transform_0, window_bounds = array<i64: 1000, 128>}, {pipeline_mode = #tpu.pipeline_mode<synchronous>, transform_indices = @transform_1, window_bounds = array<i64: 128, 64>}, {pipeline_mode = #tpu.pipeline_mode<synchronous>, transform_indices = @transform_2, window_bounds = array<i64: 1, 64>}, {transform_indices = @transform_3, window_bounds = array<i64: 1000, 1>}, {transform_indices = @transform_4, window_bounds = array<i64: 1000, 128>}]} {
    %get3A = arith.constant 0 : index
    %get3A_0 = arith.constant 0 : index
    %get3A_1 = vector.load %arg1[%get3A, %get3A_0] : memref<1000x128xf32, #tpu.memory_space<vmem>>, vector<1000x128xf32>
    %get3A_2 = arith.constant 0 : index
    %get3A_3 = arith.constant 0 : index
    %get3A_4 = vector.load %arg2[%get3A_2, %get3A_3] : memref<128x64xf32, #tpu.memory_space<vmem>>, vector<128x64xf32>
    %dot_general3A = arith.constant dense<0.000000e+00> : vector<1000x64xf32>
    %dot_general3A_5 = tpu.matmul %get3A_1, %get3A_4, %dot_general3A {dimension_numbers = #tpu.dot_dimension_numbers<[1], [0], [0], [1], [0, 0, 1, 1], [], []>, transpose_lhs_hint = false} : vector<1000x128xf32>, vector<128x64xf32>, vector<1000x64xf32> -> vector<1000x64xf32>
    %get3A_6 = arith.constant 0 : index
    %get3A_7 = arith.constant 0 : index
    %get3A_8 = vector.load %arg3[%get3A_6, %get3A_7] : memref<1x64xf32, #tpu.memory_space<vmem>>, vector<1x64xf32>
    %add3A = vector.broadcast %get3A_8 : vector<1x64xf32> to vector<1000x64xf32>
    %add3A_9 = arith.addf %dot_general3A_5, %add3A : vector<1000x64xf32>
    %reduce_max3A = arith.constant dense<0xFF800000> : vector<1000xf32>
    %reduce_max3A_10 = vector.multi_reduction <maximumf>, %add3A_9, %reduce_max3A [1] : vector<1000x64xf32> to vector<1000xf32>
    %broadcast_in_dim3A = vector.shape_cast %reduce_max3A_10 : vector<1000xf32> to vector<1000x1xf32>
    %sub3A = vector.broadcast %broadcast_in_dim3A : vector<1000x1xf32> to vector<1000x64xf32>
    %sub3A_11 = arith.subf %add3A_9, %sub3A : vector<1000x64xf32>
    %exp3A = math.exp %sub3A_11 : vector<1000x64xf32>
    %reduce_sum3A = arith.constant dense<0.000000e+00> : vector<1000xf32>
    %reduce_sum3A_12 = vector.multi_reduction <add>, %exp3A, %reduce_sum3A [1] : vector<1000x64xf32> to vector<1000xf32>
    %broadcast_in_dim3A_13 = vector.shape_cast %reduce_sum3A_12 : vector<1000xf32> to vector<1000x1xf32>
    %div3A = vector.broadcast %broadcast_in_dim3A_13 : vector<1000x1xf32> to vector<1000x64xf32>
    %div3A_14 = arith.divf %exp3A, %div3A : vector<1000x64xf32>
    %reduce_max3A_15 = arith.constant dense<0xFF800000> : vector<1000xf32>
    %reduce_max3A_16 = vector.multi_reduction <maximumf>, %div3A_14, %reduce_max3A_15 [1] : vector<1000x64xf32> to vector<1000xf32>
    %broadcast_in_dim3A_17 = vector.shape_cast %reduce_max3A_16 : vector<1000xf32> to vector<1000x1xf32>
    %sub3A_18 = vector.broadcast %broadcast_in_dim3A_17 : vector<1000x1xf32> to vector<1000x64xf32>
    %sub3A_19 = arith.subf %div3A_14, %sub3A_18 : vector<1000x64xf32>
    %exp3A_20 = math.exp %sub3A_19 : vector<1000x64xf32>
    %reduce_sum3A_21 = arith.constant dense<0.000000e+00> : vector<1000xf32>
    %reduce_sum3A_22 = vector.multi_reduction <add>, %exp3A_20, %reduce_sum3A_21 [1] : vector<1000x64xf32> to vector<1000xf32>
    %broadcast_in_dim3A_23 = vector.shape_cast %reduce_sum3A_22 : vector<1000xf32> to vector<1000x1xf32>
    %div3A_24 = vector.broadcast %broadcast_in_dim3A_23 : vector<1000x1xf32> to vector<1000x64xf32>
    %div3A_25 = arith.divf %exp3A_20, %div3A_24 : vector<1000x64xf32>
    %broadcast_in_dim3A_26 = arith.constant 0.000000e+00 : f32
    %broadcast_in_dim3A_27 = vector.broadcast %broadcast_in_dim3A_26 : f32 to vector<1000x63xf32>
    %get3A_28 = arith.constant 0 : index
    %get3A_29 = arith.constant 0 : index
    %get3A_30 = vector.load %arg4[%get3A_28, %get3A_29] : memref<1000x1xf32, #tpu.memory_space<vmem>>, vector<1000x1xf32>
    %concatenate3A = tpu.concatenate %div3A_25, %get3A_30, %broadcast_in_dim3A_27 in 1 : vector<1000x64xf32>, vector<1000x1xf32>, vector<1000x63xf32> -> vector<1000x128xf32>
    %swap3A = arith.constant 0 : index
    %swap3A_31 = arith.constant 0 : index
    %swap3A_32 = vector.load %arg5[%swap3A, %swap3A_31] : memref<1000x128xf32, #tpu.memory_space<vmem>>, vector<1000x128xf32>
    tpu.vector_store %arg5[%swap3A, %swap3A_31], %concatenate3A {strides = array<i32>} : memref<1000x128xf32, #tpu.memory_space<vmem>>, vector<1000x128xf32>,
    return
  }
  func.func @transform_0(%arg0: i32) -> (i32, i32) {
    %c0_i32 = arith.constant 0 : i32
    %c0_i32_0 = arith.constant 0 : i32
    return %arg0, %c0_i32 : i32, i32
  }
  func.func @transform_1(%arg0: i32) -> (i32, i32) {
    %c0_i32 = arith.constant 0 : i32
    %c0_i32_0 = arith.constant 0 : i32
    %c0_i32_1 = arith.constant 0 : i32
    return %c0_i32, %c0_i32_0 : i32, i32
  }
  func.func @transform_2(%arg0: i32) -> (i32, i32) {
    %c0_i32 = arith.constant 0 : i32
    %c0_i32_0 = arith.constant 0 : i32
    %c0_i32_1 = arith.constant 0 : i32
    return %c0_i32, %c0_i32_0 : i32, i32
  }
  func.func @transform_3(%arg0: i32) -> (i32, i32) {
    %c0_i32 = arith.constant 0 : i32
    %c0_i32_0 = arith.constant 0 : i32
    return %arg0, %c0_i32 : i32, i32
  }
  func.func @transform_4(%arg0: i32) -> (i32, i32) {
    %c0_i32 = arith.constant 0 : i32
    %c0_i32_0 = arith.constant 0 : i32
    return %arg0, %c0_i32 : i32, i32
  }
}

module attributes {stable_mosaic.version = 14 : i64} {
  func.func @_edge_body(%arg0: i32, %arg1: memref<2000x128xf32, #tpu.memory_space<vmem>>, %arg2: memref<2000x128xf32, #tpu.memory_space<vmem>>, %arg3: memref<2000x1xf32, #tpu.memory_space<vmem>>, %arg4: memref<512x512xf32, #tpu.memory_space<vmem>>, %arg5: memref<8x128xf32, #tpu.memory_space<vmem>>, %arg6: memref<512x512xf32, #tpu.memory_space<vmem>>, %arg7: memref<1x1xf32, #tpu.memory_space<smem>>) attributes {dimension_semantics = [#tpu.dimension_semantics<arbitrary>], iteration_bounds = array<i64: 160>, scalar_prefetch = 0 : i64, scratch_operands = 2 : i64, tpu.core_type = #tpu.core_type<tc>, window_params = [{transform_indices = @transform_0, window_bounds = array<i64: 2000, 128>}, {transform_indices = @transform_1, window_bounds = array<i64: 2000, 128>}, {transform_indices = @transform_2, window_bounds = array<i64: 2000, 1>}, {pipeline_mode = #tpu.pipeline_mode<synchronous>, transform_indices = @transform_3, window_bounds = array<i64: 512, 512>}, {pipeline_mode = #tpu.pipeline_mode<synchronous>, transform_indices = @transform_4, window_bounds = array<i64: 8, 128>}]} {
    %eq3A = arith.constant 0 : i32
    %eq3A_0 = arith.cmpi eq, %arg0, %eq3A : i32
    %convert_element_type3A = arith.extui %eq3A_0 : i1 to i32
    %cond3A = arith.constant 0 : i32
    %cond3A_1 = arith.cmpi ne, %convert_element_type3A, %cond3A : i32
    scf.if %cond3A_1 {
      %broadcast_in_dim3A_79 = arith.constant 0.000000e+00 : f32
      %broadcast_in_dim3A_80 = vector.broadcast %broadcast_in_dim3A_79 : f32 to vector<512x512xf32>
      %swap3A_81 = arith.constant 0 : index
      %swap3A_82 = arith.constant 0 : index
      %swap3A_83 = vector.load %arg6[%swap3A_81, %swap3A_82] : memref<512x512xf32, #tpu.memory_space<vmem>>, vector<512x512xf32>
      tpu.vector_store %arg6[%swap3A_81, %swap3A_82], %broadcast_in_dim3A_80 {strides = array<i32>} : memref<512x512xf32, #tpu.memory_space<vmem>>, vector<512x512xf32>,
      %swap3A_84 = arith.constant 0.000000e+00 : f32
      %swap3A_85 = arith.constant 0 : index
      %swap3A_86 = arith.constant 0 : index
      %swap3A_87 = memref.load %arg7[%swap3A_85, %swap3A_86] : memref<1x1xf32, #tpu.memory_space<smem>>
      memref.store %swap3A_84, %arg7[%swap3A_85, %swap3A_86] : memref<1x1xf32, #tpu.memory_space<smem>>
    } else {
    }
    %get3A = arith.constant 0 : index
    %get3A_2 = arith.constant 0 : index
    %get3A_3 = vector.load %arg1[%get3A, %get3A_2] : memref<2000x128xf32, #tpu.memory_space<vmem>>, vector<2000x128xf32>
    %get3A_4 = arith.constant 0 : index
    %get3A_5 = arith.constant 0 : index
    %get3A_6 = vector.load %arg2[%get3A_4, %get3A_5] : memref<2000x128xf32, #tpu.memory_space<vmem>>, vector<2000x128xf32>
    %get3A_7 = arith.constant 0 : index
    %get3A_8 = arith.constant 0 : index
    %get3A_9 = vector.load %arg3[%get3A_7, %get3A_8] : memref<2000x1xf32, #tpu.memory_space<vmem>>, vector<2000x1xf32>
    %slice3A = vector.extract_strided_slice %get3A_3 {offsets = [0, 0], sizes = [2000, 64], strides = [1, 1]} : vector<2000x128xf32> to vector<2000x64xf32>
    %slice3A_10 = vector.extract_strided_slice %get3A_6 {offsets = [0, 0], sizes = [2000, 64], strides = [1, 1]} : vector<2000x128xf32> to vector<2000x64xf32>
    %slice3A_11 = vector.extract_strided_slice %get3A_3 {offsets = [0, 64], sizes = [2000, 1], strides = [1, 1]} : vector<2000x128xf32> to vector<2000x1xf32>
    %slice3A_12 = vector.extract_strided_slice %get3A_6 {offsets = [0, 64], sizes = [2000, 1], strides = [1, 1]} : vector<2000x128xf32> to vector<2000x1xf32>
    %iota3A = tpu.iota {dimensions = array<i32: 1>} : vector<1x512xi32>
    %jit3A = arith.constant 64 : i32
    %div3A = vector.broadcast %jit3A : i32 to vector<1x512xi32>
    %div3A_13 = arith.divsi %iota3A, %div3A : vector<1x512xi32>
    %sign3A = arith.constant 0 : i32
    %sign3A_14 = vector.broadcast %sign3A : i32 to vector<1x512xi32>
    %sign3A_15 = arith.cmpi sgt, %iota3A, %sign3A_14 : vector<1x512xi32>
    %sign3A_16 = arith.extui %sign3A_15 : vector<1x512xi1> to vector<1x512xi32>
    %sign3A_17 = arith.constant 0 : i32
    %sign3A_18 = vector.broadcast %sign3A_17 : i32 to vector<1x512xi32>
    %sign3A_19 = arith.cmpi slt, %iota3A, %sign3A_18 : vector<1x512xi32>
    %sign3A_20 = arith.extui %sign3A_19 : vector<1x512xi1> to vector<1x512xi32>
    %sign3A_21 = arith.subi %sign3A_16, %sign3A_20 : vector<1x512xi32>
    %sign3A_22 = arith.constant 0 : i32
    %sign3A_23 = arith.cmpi sgt, %jit3A, %sign3A_22 : i32
    %sign3A_24 = arith.extui %sign3A_23 : i1 to i32
    %sign3A_25 = arith.constant 0 : i32
    %sign3A_26 = arith.cmpi slt, %jit3A, %sign3A_25 : i32
    %sign3A_27 = arith.extui %sign3A_26 : i1 to i32
    %sign3A_28 = arith.subi %sign3A_24, %sign3A_27 : i32
    %ne3A = vector.broadcast %sign3A_28 : i32 to vector<1x512xi32>
    %ne3A_29 = arith.cmpi ne, %sign3A_21, %ne3A : vector<1x512xi32>
    %rem3A = vector.broadcast %jit3A : i32 to vector<1x512xi32>
    %rem3A_30 = arith.remsi %iota3A, %rem3A : vector<1x512xi32>
    %ne3A_31 = arith.constant 0 : i32
    %ne3A_32 = vector.broadcast %ne3A_31 : i32 to vector<1x512xi32>
    %ne3A_33 = arith.cmpi ne, %rem3A_30, %ne3A_32 : vector<1x512xi32>
    %and3A = arith.andi %ne3A_29, %ne3A_33 : vector<1x512xi1>
    %sub3A = arith.constant 1 : i32
    %sub3A_34 = vector.broadcast %sub3A : i32 to vector<1x512xi32>
    %sub3A_35 = arith.subi %div3A_13, %sub3A_34 : vector<1x512xi32>
    %select_n3A = arith.select %and3A, %sub3A_35, %div3A_13 : vector<1x512xi1>, vector<1x512xi32>
    %convert_element_type3A_36 = arith.sitofp %select_n3A : vector<1x512xi32> to vector<1x512xf32>
    %concatenate3A = tpu.concatenate %slice3A, %slice3A, %slice3A, %slice3A, %slice3A, %slice3A, %slice3A, %slice3A in 1 : vector<2000x64xf32>, vector<2000x64xf32>, vector<2000x64xf32>, vector<2000x64xf32>, vector<2000x64xf32>, vector<2000x64xf32>, vector<2000x64xf32>, vector<2000x64xf32> -> vector<2000x512xf32>
    %concatenate3A_37 = tpu.concatenate %slice3A_10, %slice3A_10, %slice3A_10, %slice3A_10, %slice3A_10, %slice3A_10, %slice3A_10, %slice3A_10 in 1 : vector<2000x64xf32>, vector<2000x64xf32>, vector<2000x64xf32>, vector<2000x64xf32>, vector<2000x64xf32>, vector<2000x64xf32>, vector<2000x64xf32>, vector<2000x64xf32> -> vector<2000x512xf32>
    %eq3A_38 = vector.broadcast %convert_element_type3A_36 : vector<1x512xf32> to vector<2000x512xf32>
    %eq3A_39 = vector.broadcast %slice3A_11 : vector<2000x1xf32> to vector<2000x512xf32>
    %eq3A_40 = arith.cmpf oeq, %eq3A_38, %eq3A_39 : vector<2000x512xf32>
    %jit3A_41 = arith.constant 0.000000e+00 : f32
    %broadcast_in_dim3A = vector.broadcast %jit3A_41 : f32 to vector<2000x512xf32>
    %select_n3A_42 = arith.select %eq3A_40, %concatenate3A, %broadcast_in_dim3A : vector<2000x512xi1>, vector<2000x512xf32>
    %convert_element_type3A_43 = arith.truncf %select_n3A_42 : vector<2000x512xf32> to vector<2000x512xbf16>
    %eq3A_44 = vector.broadcast %convert_element_type3A_36 : vector<1x512xf32> to vector<2000x512xf32>
    %eq3A_45 = vector.broadcast %slice3A_12 : vector<2000x1xf32> to vector<2000x512xf32>
    %eq3A_46 = arith.cmpf oeq, %eq3A_44, %eq3A_45 : vector<2000x512xf32>
    %mul3A = vector.broadcast %get3A_9 : vector<2000x1xf32> to vector<2000x512xf32>
    %mul3A_47 = arith.mulf %concatenate3A_37, %mul3A : vector<2000x512xf32>
    %jit3A_48 = arith.constant 0.000000e+00 : f32
    %broadcast_in_dim3A_49 = vector.broadcast %jit3A_48 : f32 to vector<2000x512xf32>
    %select_n3A_50 = arith.select %eq3A_46, %mul3A_47, %broadcast_in_dim3A_49 : vector<2000x512xi1>, vector<2000x512xf32>
    %convert_element_type3A_51 = arith.truncf %select_n3A_50 : vector<2000x512xf32> to vector<2000x512xbf16>
    %get3A_52 = arith.constant 0 : index
    %get3A_53 = arith.constant 0 : index
    %get3A_54 = vector.load %arg6[%get3A_52, %get3A_53] : memref<512x512xf32, #tpu.memory_space<vmem>>, vector<512x512xf32>
    %dot_general3A = arith.constant dense<0.000000e+00> : vector<512x512xf32>
    %dot_general3A_55 = tpu.matmul %convert_element_type3A_43, %convert_element_type3A_51, %dot_general3A {dimension_numbers = #tpu.dot_dimension_numbers<[0], [0], [1], [1], [0, 1, 1, 1], [], []>, transpose_lhs_hint = false} : vector<2000x512xbf16>, vector<2000x512xbf16>, vector<512x512xf32> -> vector<512x512xf32>
    %add3A = arith.addf %get3A_54, %dot_general3A_55 : vector<512x512xf32>
    %swap3A = arith.constant 0 : index
    %swap3A_56 = arith.constant 0 : index
    %swap3A_57 = vector.load %arg6[%swap3A, %swap3A_56] : memref<512x512xf32, #tpu.memory_space<vmem>>, vector<512x512xf32>
    tpu.vector_store %arg6[%swap3A, %swap3A_56], %add3A {strides = array<i32>} : memref<512x512xf32, #tpu.memory_space<vmem>>, vector<512x512xf32>,
    %get3A_58 = arith.constant 0 : index
    %get3A_59 = arith.constant 0 : index
    %get3A_60 = memref.load %arg7[%get3A_58, %get3A_59] : memref<1x1xf32, #tpu.memory_space<smem>>
    %mul3A_61 = arith.mulf %slice3A_10, %slice3A_10 : vector<2000x64xf32>
    %reduce_sum3A = arith.constant dense<0.000000e+00> : vector<2000xf32>
    %reduce_sum3A_62 = vector.multi_reduction <add>, %mul3A_61, %reduce_sum3A [1] : vector<2000x64xf32> to vector<2000xf32>
    %broadcast_in_dim3A_63 = vector.shape_cast %reduce_sum3A_62 : vector<2000xf32> to vector<2000x1xf32>
    %mul3A_64 = arith.mulf %get3A_9, %broadcast_in_dim3A_63 : vector<2000x1xf32>
    %reduce_sum3A_65 = vector.shape_cast %mul3A_64 : vector<2000x1xf32> to vector<1x2000x1xf32>
    %reduce_sum3A_66 = arith.constant dense<0.000000e+00> : vector<1xf32>
    %reduce_sum3A_67 = vector.multi_reduction <add>, %reduce_sum3A_65, %reduce_sum3A_66 [1, 2] : vector<1x2000x1xf32> to vector<1xf32>
    %reduce_sum3A_68 = vector.shape_cast %reduce_sum3A_67 : vector<1xf32> to vector<1x1x1xf32>
    %reduce_sum3A_69 = vector.extract %reduce_sum3A_68[0, 0, 0] : f32 from vector<1x1x1xf32>
    %add3A_70 = arith.addf %get3A_60, %reduce_sum3A_69 : f32
    %swap3A_71 = arith.constant 0 : index
    %swap3A_72 = arith.constant 0 : index
    %swap3A_73 = memref.load %arg7[%swap3A_71, %swap3A_72] : memref<1x1xf32, #tpu.memory_space<smem>>
    memref.store %add3A_70, %arg7[%swap3A_71, %swap3A_72] : memref<1x1xf32, #tpu.memory_space<smem>>
    %eq3A_74 = arith.constant 159 : i32
    %eq3A_75 = arith.cmpi eq, %arg0, %eq3A_74 : i32
    %convert_element_type3A_76 = arith.extui %eq3A_75 : i1 to i32
    %cond3A_77 = arith.constant 0 : i32
    %cond3A_78 = arith.cmpi ne, %convert_element_type3A_76, %cond3A_77 : i32
    scf.if %cond3A_78 {
      %iota3A_79 = tpu.iota {dimensions = array<i32: 0>} : vector<512x512xi32>
      %iota3A_80 = tpu.iota {dimensions = array<i32: 1>} : vector<512x512xi32>
      %eq3A_81 = arith.cmpi eq, %iota3A_79, %iota3A_80 : vector<512x512xi32>
      %jit3A_82 = arith.constant 1.000000e+00 : f32
      %jit3A_83 = arith.constant 0.000000e+00 : f32
      %broadcast_in_dim3A_84 = vector.broadcast %jit3A_82 : f32 to vector<512x512xf32>
      %broadcast_in_dim3A_85 = vector.broadcast %jit3A_83 : f32 to vector<512x512xf32>
      %select_n3A_86 = arith.select %eq3A_81, %broadcast_in_dim3A_84, %broadcast_in_dim3A_85 : vector<512x512xi1>, vector<512x512xf32>
      %get3A_87 = arith.constant 0 : index
      %get3A_88 = arith.constant 0 : index
      %get3A_89 = vector.load %arg6[%get3A_87, %get3A_88] : memref<512x512xf32, #tpu.memory_space<vmem>>, vector<512x512xf32>
      %mul3A_90 = arith.mulf %get3A_89, %select_n3A_86 : vector<512x512xf32>
      %reduce_sum3A_91 = vector.shape_cast %mul3A_90 : vector<512x512xf32> to vector<1x512x512xf32>
      %reduce_sum3A_92 = arith.constant dense<0.000000e+00> : vector<1xf32>
      %reduce_sum3A_93 = vector.multi_reduction <add>, %reduce_sum3A_91, %reduce_sum3A_92 [1, 2] : vector<1x512x512xf32> to vector<1xf32>
      %reduce_sum3A_94 = vector.shape_cast %reduce_sum3A_93 : vector<1xf32> to vector<1x1x1xf32>
      %reduce_sum3A_95 = vector.extract %reduce_sum3A_94[0, 0, 0] : f32 from vector<1x1x1xf32>
      %sub3A_96 = arith.constant 1.000000e+00 : f32
      %sub3A_97 = vector.broadcast %sub3A_96 : f32 to vector<512x512xf32>
      %sub3A_98 = arith.subf %sub3A_97, %select_n3A_86 : vector<512x512xf32>
      %mul3A_99 = arith.mulf %get3A_89, %sub3A_98 : vector<512x512xf32>
      %reduce_sum3A_100 = arith.constant dense<0.000000e+00> : vector<512xf32>
      %reduce_sum3A_101 = vector.multi_reduction <add>, %mul3A_99, %reduce_sum3A_100 [1] : vector<512x512xf32> to vector<512xf32>
      %broadcast_in_dim3A_102 = vector.shape_cast %reduce_sum3A_101 : vector<512xf32> to vector<512x1xf32>
      %sqrt3A = math.sqrt %broadcast_in_dim3A_102 : vector<512x1xf32>
      %add3A_103 = arith.constant 9.99999996E-13 : f32
      %add3A_104 = vector.broadcast %add3A_103 : f32 to vector<512x1xf32>
      %add3A_105 = arith.addf %sqrt3A, %add3A_104 : vector<512x1xf32>
      %div3A_106 = arith.constant 1.000000e+00 : f32
      %div3A_107 = vector.broadcast %div3A_106 : f32 to vector<512x1xf32>
      %div3A_108 = arith.divf %div3A_107, %add3A_105 : vector<512x1xf32>
      %mul3A_109 = vector.broadcast %div3A_108 : vector<512x1xf32> to vector<512x512xf32>
      %mul3A_110 = arith.mulf %select_n3A_86, %mul3A_109 : vector<512x512xf32>
      %reduce_sum3A_111 = arith.constant dense<0.000000e+00> : vector<512xf32>
      %reduce_sum3A_112 = vector.multi_reduction <add>, %mul3A_110, %reduce_sum3A_111 [0] : vector<512x512xf32> to vector<512xf32>
      %broadcast_in_dim3A_113 = vector.shape_cast %reduce_sum3A_112 : vector<512xf32> to vector<1x512xf32>
      %mul3A_114 = vector.broadcast %div3A_108 : vector<512x1xf32> to vector<512x512xf32>
      %mul3A_115 = arith.mulf %mul3A_99, %mul3A_114 : vector<512x512xf32>
      %mul3A_116 = vector.broadcast %broadcast_in_dim3A_113 : vector<1x512xf32> to vector<512x512xf32>
      %mul3A_117 = arith.mulf %mul3A_115, %mul3A_116 : vector<512x512xf32>
      %swap3A_118 = arith.constant 0 : index
      %swap3A_119 = arith.constant 0 : index
      %swap3A_120 = vector.load %arg4[%swap3A_118, %swap3A_119] : memref<512x512xf32, #tpu.memory_space<vmem>>, vector<512x512xf32>
      tpu.vector_store %arg4[%swap3A_118, %swap3A_119], %mul3A_117 {strides = array<i32>} : memref<512x512xf32, #tpu.memory_space<vmem>>, vector<512x512xf32>,
      %iota3A_121 = tpu.iota {dimensions = array<i32: 0>} : vector<8x128xi32>
      %iota3A_122 = tpu.iota {dimensions = array<i32: 1>} : vector<8x128xi32>
      %eq3A_123 = arith.constant 0 : i32
      %eq3A_124 = vector.broadcast %eq3A_123 : i32 to vector<8x128xi32>
      %eq3A_125 = arith.cmpi eq, %iota3A_121, %eq3A_124 : vector<8x128xi32>
      %eq3A_126 = arith.constant 0 : i32
      %eq3A_127 = vector.broadcast %eq3A_126 : i32 to vector<8x128xi32>
      %eq3A_128 = arith.cmpi eq, %iota3A_122, %eq3A_127 : vector<8x128xi32>
      %and3A_129 = arith.andi %eq3A_125, %eq3A_128 : vector<8x128xi1>
      %jit3A_130 = arith.constant 0.000000e+00 : f32
      %broadcast_in_dim3A_131 = vector.broadcast %reduce_sum3A_95 : f32 to vector<8x128xf32>
      %broadcast_in_dim3A_132 = vector.broadcast %jit3A_130 : f32 to vector<8x128xf32>
      %select_n3A_133 = arith.select %and3A_129, %broadcast_in_dim3A_131, %broadcast_in_dim3A_132 : vector<8x128xi1>, vector<8x128xf32>
      %eq3A_134 = arith.constant 0 : i32
      %eq3A_135 = vector.broadcast %eq3A_134 : i32 to vector<8x128xi32>
      %eq3A_136 = arith.cmpi eq, %iota3A_121, %eq3A_135 : vector<8x128xi32>
      %eq3A_137 = arith.constant 1 : i32
      %eq3A_138 = vector.broadcast %eq3A_137 : i32 to vector<8x128xi32>
      %eq3A_139 = arith.cmpi eq, %iota3A_122, %eq3A_138 : vector<8x128xi32>
      %and3A_140 = arith.andi %eq3A_136, %eq3A_139 : vector<8x128xi1>
      %get3A_141 = arith.constant 0 : index
      %get3A_142 = arith.constant 0 : index
      %get3A_143 = memref.load %arg7[%get3A_141, %get3A_142] : memref<1x1xf32, #tpu.memory_space<smem>>
      %jit3A_144 = arith.constant 0.000000e+00 : f32
      %broadcast_in_dim3A_145 = vector.broadcast %get3A_143 : f32 to vector<8x128xf32>
      %broadcast_in_dim3A_146 = vector.broadcast %jit3A_144 : f32 to vector<8x128xf32>
      %select_n3A_147 = arith.select %and3A_140, %broadcast_in_dim3A_145, %broadcast_in_dim3A_146 : vector<8x128xi1>, vector<8x128xf32>
      %add3A_148 = arith.addf %select_n3A_133, %select_n3A_147 : vector<8x128xf32>
      %swap3A_149 = arith.constant 0 : index
      %swap3A_150 = arith.constant 0 : index
      %swap3A_151 = vector.load %arg5[%swap3A_149, %swap3A_150] : memref<8x128xf32, #tpu.memory_space<vmem>>, vector<8x128xf32>
      tpu.vector_store %arg5[%swap3A_149, %swap3A_150], %add3A_148 {strides = array<i32>} : memref<8x128xf32, #tpu.memory_space<vmem>>, vector<8x128xf32>,
    } else {
    }
    return
  }
  func.func @transform_0(%arg0: i32) -> (i32, i32) {
    %c0_i32 = arith.constant 0 : i32
    %c0_i32_0 = arith.constant 0 : i32
    return %arg0, %c0_i32 : i32, i32
  }
  func.func @transform_1(%arg0: i32) -> (i32, i32) {
    %c0_i32 = arith.constant 0 : i32
    %c0_i32_0 = arith.constant 0 : i32
    return %arg0, %c0_i32 : i32, i32
  }
  func.func @transform_2(%arg0: i32) -> (i32, i32) {
    %c0_i32 = arith.constant 0 : i32
    %c0_i32_0 = arith.constant 0 : i32
    return %arg0, %c0_i32 : i32, i32
  }
  func.func @transform_3(%arg0: i32) -> (i32, i32) {
    %c0_i32 = arith.constant 0 : i32
    %c0_i32_0 = arith.constant 0 : i32
    %c0_i32_1 = arith.constant 0 : i32
    return %c0_i32, %c0_i32_0 : i32, i32
  }
  func.func @transform_4(%arg0: i32) -> (i32, i32) {
    %c0_i32 = arith.constant 0 : i32
    %c0_i32_0 = arith.constant 0 : i32
    %c0_i32_1 = arith.constant 0 : i32
    return %c0_i32, %c0_i32_0 : i32, i32
  }
}

</mosaic_0001>

<sc_bundles>
// kernel: kernel.6.cloned.1.call-start
scs
__scs_entry_jumppad:
0x0: {  	(pc) =	sbr.rel $0x88, $3  }
0x1: {  	(tag) =	ssettag $0x0;
	lr =	simm.s32 $0x1  }
0x2: {  	[smem:$0x3F9B] =	sst lr;
	_ =	strace $0xD0000000  }
0x3: {  	_ = 	snop  }
0x4: {  	_ = 	snop  }
0x5: {  	_ = 	snop  }
0x6: {  	_ = 	snop  }
0x7: {  	_ = 	snop  }
__scs_overlays_trampoline_lowered:
0x8: {  	[smem:$0x3FAA] =	sst s0  }
0x9: {  	[smem:$0x3FAB] =	sst s1  }
0xa: {  	[smem:$0x3FAC] =	sst s2  }
0xb: {  	[smem:$0x3FAD] =	sst s3  }
0xc: {  	[smem:$0x3FAE] =	sst s4  }
0xd: {  	[smem:$0x3FAF] =	sst s5  }
0xe: {  	[smem:$0x3FB0] =	sst s6  }
0xf: {  	[smem:$0x3FB1] =	sst s7  }
0x10: {  	[smem:$0x3FB2] =	sst s8  }
0x11: {  	[smem:$0x3FB3] =	sst s9;
	s0 =	simm.s32 @!p0 $0x0  }
0x12: {  	s1 =	sld [smem:$0x3F99];
	s0 =	simm.s32 @p0 $0x1  }
0x13: {  	[smem:$0x3FB4] =	sst s0;
	s0 =	simm.s32 @!p1 $0x0  }
0x14: {  	s2 =	sld [smem:$0x3F98];
	s0 =	simm.s32 @p1 $0x1  }
0x15: {  	[smem:$0x3FB5] =	sst s0;
	s0 =	simm.s32 @!p2 $0x0  }
0x16: {  	s3 =	sld [smem:$0x3FDB];
	s0 =	simm.s32 @p2 $0x1  }
0x17: {  	s4 =	simm.s32 $0x1BF5;
	[smem:$0x3FB7] =	sst s0  }
0x18: {  	s0 =	sld [smem:$0x3F9A];
	_ =	swait.ge [sflag:s4], $0x0  }
0x19: {  	s7 =	sld [smem:$0x3F9B]  }
0x1a: {  	s8 =	sadd.s32 $0xFFFFE003, lr  }
0x1b: {  	s9 =	sadd.s32 $0xFFFFFEF7, lr;
	s5 =	simm.s32 $0xFFFFFFFF;
	p2 =	slt.u32 s8, $0xFFFFF086  }
0x1c: {  	p1 =	slt.u32 s9, $0xF7A;
	s5 =	simm.s32 @!p2 $0x0  }
0x1d: {  	s5 =	simm.s32 @p1 $0x1;
	p0 =	seq.s32 s7, s2  }
0x1e: {  	s7 =	smul.u32 @!p0 $0xF7A, s2;
	p2 =	seq.s32 @!p0 s5, $0x0  }
0x1f: {  	s9 =	smul.u32 $0xF7A, s1;
	s8 =	simm.s32 @!p0 $0x1BF5;
	p2 =	por !p2, p0  }
0x20: {  	[sflag:s8] =	ssyncset.s32 @!p0 $0xFFFFF086;
	s6 =	sadd.s32 @!p0 s3, s7;
	s7 =	simm.s32 @!p0 $0x108  }
0x21: {  	s3 =	sadd.s32 s3, s9;
	s6 =	sadd.s32 @!p0 $0x88, s6;
	s7 =	simm.s32 @p2 $0x1082  }
0x22: {  	[simem:s7], [sflag:s8] =	dma.local @!p0 [hbm:s6], $0xF7A  }
0x23: {  	s9 =	sor.u32 $0xD0000000, s2;
	s6 =	simm.s32 $0x108;
	_ =	swait.ge @!p0 [sflag:s8], $0x0  }
0x24: {  	s3 =	sadd.s32 $0x88, s3;
	s6 =	simm.s32 @!p1 $0x1082;
	[sflag:s4] =	ssyncset.s32 $0xFFFFF086  }
0x25: {  	[simem:s6], [sflag:s4] =	dma.local [hbm:s3], $0xF7A  }
0x26: {  	[smem:$0x3F9B] =	sst s1;
	(tag) =	ssettag s2;
	_ =	strace s9  }
0x27: {  	s1 =	sld [smem:$0x3FAB]  }
0x28: {  	s2 =	sld [smem:$0x3FAC]  }
0x29: {  	s4 =	sld [smem:$0x3FAE]  }
0x2a: {  	p0 =	seq.s32 s5, $0x0;
	s5 =	sld [smem:$0x3FAF]  }
0x2b: {  	s6 =	sld [smem:$0x3FB0]  }
0x2c: {  	s7 =	sld [smem:$0x3FB1]  }
0x2d: {  	s3 =	simm.s32 $0x108;
	s8 =	sld [smem:$0x3FB2]  }
0x2e: {  	s3 =	simm.s32 @!p0 $0x1082;
	s9 =	sld [smem:$0x3FB3]  }
0x2f: {  	lr =	sadd.s32 s0, s3;
	s0 =	sld [smem:$0x3FAA]  }
0x30: {  	s3 =	sld [smem:$0x3FAD]  }
0x31: {  	[smem:$0x3FB6] =	sst s10  }
0x32: {  	s10 =	sld [smem:$0x3FB4];
	_ =	sdelay $0x3  }
0x33: {  	p0 =	seq.s32 s10, $0x1;
	s10 =	sld [smem:$0x3FB6];
	_ =	sdelay $0x3  }
0x34: {  	[smem:$0x3FB6] =	sst s10  }
0x35: {  	s10 =	sld [smem:$0x3FB5];
	_ =	sdelay $0x3  }
0x36: {  	p1 =	seq.s32 s10, $0x1;
	s10 =	sld [smem:$0x3FB6];
	_ =	sdelay $0x3  }
0x37: {  	[smem:$0x3FB6] =	sst s10  }
0x38: {  	s10 =	sld [smem:$0x3FB7]  }
0x39: {  	_ = 	snop;
	(pc) =	sbr.ind lr, $3  }
0x3a: {  	_ = 	snop  }
0x3b: {  	_ = 	snop  }
0x3c: {  	p2 =	seq.s32 s10, $0x1;
	s10 =	sld [smem:$0x3FB6]  }
0x3d: {  	_ =	shalt  }
0x3e: {  	_ =	shalt  }
0x3f: {  	_ =	shalt  }
0x40: {  	_ =	shalt  }
0x41: {  	_ =	shalt  }
0x42: {  	_ =	shalt  }
0x43: {  	_ =	shalt  }
0x44: {  	_ =	shalt  }
0x45: {  	_ =	shalt  }
0x46: {  	_ =	shalt  }
0x47: {  	_ =	shalt  }
0x48: {  	_ =	shalt  }
0x49: {  	_ =	shalt  }
0x4a: {  	_ =	shalt  }
0x4b: {  	_ =	shalt  }
0x4c: {  	_ =	shalt  }
0x4d: {  	_ =	shalt  }
0x4e: {  	_ =	shalt  }
0x4f: {  	_ =	shalt  }
0x50: {  	_ =	shalt  }
0x51: {  	_ =	shalt  }
0x52: {  	_ =	shalt  }
0x53: {  	_ =	shalt  }
0x54: {  	_ =	shalt  }
0x55: {  	_ =	shalt  }
0x56: {  	_ =	shalt  }
0x57: {  	_ =	shalt  }
0x58: {  	_ =	shalt  }
0x59: {  	_ =	shalt  }
0x5a: {  	_ =	shalt  }
0x5b: {  	_ =	shalt  }
0x5c: {  	_ =	shalt  }
0x5d: {  	_ =	shalt  }
0x5e: {  	_ =	shalt  }
0x5f: {  	_ =	shalt  }
0x60: {  	_ =	shalt  }
0x61: {  	_ =	shalt  }
0x62: {  	_ =	shalt  }
0x63: {  	_ =	shalt  }
0x64: {  	_ =	shalt  }
0x65: {  	_ =	shalt  }
0x66: {  	_ =	shalt  }
0x67: {  	_ =	shalt  }
0x68: {  	_ =	shalt  }
0x69: {  	_ =	shalt  }
0x6a: {  	_ =	shalt  }
0x6b: {  	_ =	shalt  }
0x6c: {  	_ =	shalt  }
0x6d: {  	_ =	shalt  }
0x6e: {  	_ =	shalt  }
0x6f: {  	_ =	shalt  }
0x70: {  	_ =	shalt  }
0x71: {  	_ =	shalt  }
0x72: {  	_ =	shalt  }
0x73: {  	_ =	shalt  }
0x74: {  	_ =	shalt  }
0x75: {  	_ =	shalt  }
0x76: {  	_ =	shalt  }
0x77: {  	_ =	shalt  }
0x78: {  	_ =	shalt  }
0x79: {  	_ =	shalt  }
0x7a: {  	_ =	shalt  }
0x7b: {  	_ =	shalt  }
0x7c: {  	_ =	shalt  }
0x7d: {  	_ =	shalt  }
0x7e: {  	_ =	shalt  }
0x7f: {  	_ =	shalt  }
0x80: {  	_ =	shalt  }
0x81: {  	_ =	shalt  }
0x82: {  	_ =	shalt  }
0x83: {  	_ =	shalt  }
0x84: {  	_ =	shalt  }
0x85: {  	_ =	shalt  }
0x86: {  	_ =	shalt  }
0x87: {  	_ =	shalt  }
.Lfunc_end0:
.L_simem_size_0:
called_computation_lowered:
.L_overlay_start_0:
0x88: {  	s2 =	sld [smem:$0x3FD9]  }
0x89: {  	s3 =	sld [smem:$0x3FFE];
	_ =	sdelay $0x1  }
0x8a: {  	s1 =	srdreg.scid  }
0x8b: {  	s0 =	sand.u32 $0x1, s1  }
0x8c: {  	s16 =	sshll.u32 s0, $0xA;
	s2 =	sadd.s32 s3, s2  }
0x8d: {  	s2 =	sadd.s32 s2, s16  }
0x8e: {  	[smem:$0x3FC2] =	sst s2  }
0x8f: {  	_ = 	snop  }
0x90: {  	(tm) =	ssettm $0x1  }
0x91: {  	s17 =	sld [smem:$0x3FFB];
	_ =	sdelay $0x3  }
0x92: {  	_ =	strace s17  }
0x93: {  	s2 =	sld [smem:$0x3FFC];
	_ =	sdelay $0x3  }
0x94: {  	_ =	strace s2  }
0x95: {  	s2 =	sld [smem:$0x3FFD];
	_ =	sdelay $0x3  }
0x96: {  	_ =	strace s2  }
0x97: {  	_ =	strace $0x8FFFFFFF  }
0x98: {  	s18 =	sld [smem:$0x3FDB];
	_ =	sdelay $0x1  }
0x99: {  	s19 =	simm.s32 $_scs_section_size  }
0x9a: {  	s4 =	simm.s32 $_size__tile_overlayer_lowered;
	s5 =	simm.s32 $_tile_overlayer_lowered  }
0x9b: {  	s22 =	simm.s32 $0x1BFF;
	s21 =	sshll.u32 s5, $0x1;
	s2 =	sadd.s32 s19, s18  }
0x9c: {  	s6 =	simm.s32 $0x0;
	s20 =	sshll.u32 s4, $0x1;
	s4 =	sadd.s32 s21, s2  }
0x9d: {  	[timem:s6], [sflag:s22] =	dma.local [hbm:s4], s20  }
0x9e: {  	_ =	swait.ge [sflag:s22], s20  }
0x9f: {  	s3 =	ssub.s32 $0x0, s20;
	[sflag:s22] =	ssyncset.done $0x0  }
0xa0: {  	[sflag:s22] =	ssyncadd.s32 s3;
	_ =	sdelay $0x1  }
0xa1: {  	s23 =	simm.s32 $0x1B8B  }
0xa2: {  	_ =	swait.ge [sflag:s23], $0x1  }
0xa3: {  	[sflag:s23] =	ssyncset.done $0x0  }
0xa4: {  	s25 =	simm.s32 $0x1B8E;
	s24 =	sld [smem:$0x3FFE];
	[sflag:s23] =	ssyncadd.s32 $0xFFFFFFFF  }
0xa5: {  	s26 =	simm.s32 $execute0_lowered;
	[smem:$0x3FD2] =	sst s25  }
0xa6: {  	s4 =	sshll.u32 s26, $0x1;
	_ =	strace $0x80000046;
	[dreg:$0x1] =	wrdreg $0xFFFFFFFF  }
0xa7: {  	s28 =	simm.s32 $_size_execute0_lowered;
	s2 =	sadd.s32 s2, s4;
	[dreg:$0x0] =	wrdreg $0x0  }
0xa8: {  	s4 =	sshll.u32 s28, $0x1;
	[dreg:$0x2] =	wrdreg s2  }
0xa9: {  	[dreg:$0x3] =	wrdreg s4  }
0xaa: {  	[dreg:$0x4] =	wrdreg $0xC0  }
0xab: {  	_ =	task [dreg:s6], $0x5FFFF  }
0xac: {  	[dreg:$0x1] =	wrdreg $0xFFFFFFFF  }
0xad: {  	[dreg:$0x0] =	wrdreg $0x60  }
0xae: {  	[dreg:$0x2] =	wrdreg s24  }
0xaf: {  	[dreg:$0x3] =	wrdreg $0x9  }
0xb0: {  	_ =	task.clear_ibuf [dreg:s6], $0x4FFFF;
	_ =	strace $0x90000046  }
0xb1: {  	s29 =	simm.s32 $0x9;
	_ =	strace $0x80000048  }
0xb2: {  	_ =	swait.ge [sflag:s29], $0x1  }
0xb3: {  	[sflag:s29] =	ssyncadd.s32 $0xFFFFFFFF  }
0xb4: {  	_ =	strace $0x90000048  }
0xb5: {  	_ =	sfence  }
0xb6: {  	s30 =	sld [smem:$0x0];
	_ =	sdelay $0x2  }
0xb7: {  	s31 =	sshll.u32 s1, $0xD;
	s1 =	sshrl.u32 s1, $0x2  }
0xb8: {  	s3 =	sand.u32 $0x4000, s31;
	s1 =	sadd.s32 s1, s30  }
0xb9: {  	s0 =	sor.u32 s3, s0;
	s1 =	sshll.u32 s1, $0x11  }
0xba: {  	s0 =	sor.u32 s1, s0  }
0xbb: {  	s0 =	sadd.s32 $0x8F2B, s0  }
0xbc: {  	[sflag:s0] =	ssyncadd.remote.s32 $0x1  }
0xbd: {  	_ =	sfence.sel $0xFFFF  }
0xbe: {  	[dreg:$0x0] =	wrdreg $0xFFFFFFFF;
	(pc) =	sbr.abs _section_cstart, $3  }
0xbf: {  	[dreg:$0x1] =	wrdreg $0xFFFFFFFF  }
0xc0: {  	_ =	task.clear_ibuf [dreg:s6], $0x2FFFF;
	_ =	strace $0x9FFFFFFF  }
0xc1: {  	(tm) =	ssettm $0x7FFFFFFF  }
tec
execute0_lowered:
.L_overlay_start_1:
0x0: {  	(tag) =	ssettag $0x1  }
0x1: {  	s0 =	srdreg.scid;
	s1 =	stileid.u32  }
0x2: {  	s4 =	sand.u32 $0x1, s0;
	s20 =	sshll.u32 s1, $0x1  }
0x3: {  	s0 =	sor.u32 s4, s20  }
0x4: {  	s3 =	rddreg [dreg:$0x0];
	s2 =	simm.s32 $0x0;
	s15 =	smul.u32 $0x2710, s0  }
0x5: {  	[smem:$0x7FF] =	sst s2;
	s5 =	smul.u32 $0x27100, s0  }
0x6: {  	[smem:$0x7F9] =	sst s4;
	s4 =	sadd.s32 $0x3C600, s3  }
0x7: {  	_ =	strace $0x80000047;
	s21 =	sshrl.u32 s15, $0x3;
	[smem:$0x7C8] =	sst s5  }
0x8: {  	s22 =	sadd.s32 $0x190, s15;
	s25 =	sadd.s32 s4, s5;
	[smem:$0x7C3] =	sst s21  }
0x9: {  	s10 =	sadd.s32 $0xB600, s3;
	s6 =	sshrl.u32 s22, $0x3;
	[dreg:$0x4] =	wrdreg s25  }
0xa: {  	s24 =	sadd.s32 $0x320, s15;
	s3 =	sadd.s32 s10, s21;
	[smem:$0x7C6] =	sst s6  }
0xb: {  	s26 =	sshrl.u32 s24, $0x3;
	[dreg:$0x2] =	wrdreg s3  }
0xc: {  	s8 =	sadd.s32 $0x4B0, s15;
	s1 =	sshll.u32 s22, $0x4;
	[smem:$0x7CA] =	sst s26  }
0xd: {  	s9 =	sshrl.u32 s8, $0x3;
	[smem:$0x7CC] =	sst s1  }
0xe: {  	s12 =	sadd.s32 $0x640, s15;
	s11 =	sshll.u32 s24, $0x4;
	[smem:$0x7CE] =	sst s9  }
0xf: {  	s18 =	sadd.s32 $0x7D0, s15;
	s14 =	sshrl.u32 s12, $0x3;
	[smem:$0x7D0] =	sst s11  }
0x10: {  	s19 =	sshrl.u32 s18, $0x3;
	[smem:$0x7D2] =	sst s14  }
0x11: {  	s20 =	sshll.u32 s12, $0x4;
	[smem:$0x7D6] =	sst s19  }
0x12: {  	s23 =	sadd.s32 s10, s6;
	[smem:$0x7D8] =	sst s20  }
0x13: {  	s6 =	sadd.s32 s10, s26;
	[dreg:$0x3] =	wrdreg s23  }
0x14: {  	s7 =	sadd.s32 s4, s1;
	[dreg:$0x5] =	wrdreg s6  }
0x15: {  	s0 =	sadd.s32 s10, s9;
	[dreg:$0x6] =	wrdreg s7  }
0x16: {  	s13 =	sadd.s32 s4, s11;
	[dreg:$0x7] =	wrdreg s0  }
0x17: {  	s1 =	sshll.u32 s8, $0x4;
	[dreg:$0x8] =	wrdreg s13  }
0x18: {  	s16 =	sadd.s32 s10, s14;
	[smem:$0x7D4] =	sst s1  }
0x19: {  	s22 =	sadd.s32 s4, s20;
	[dreg:$0x9] =	wrdreg s16  }
0x1a: {  	s17 =	sadd.s32 s4, s1;
	[dreg:$0xc] =	wrdreg s22  }
0x1b: {  	s21 =	sadd.s32 $0x960, s15;
	s0 =	sadd.s32 s10, s19;
	[dreg:$0xa] =	wrdreg s17  }
0x1c: {  	s23 =	sshrl.u32 s21, $0x3;
	[dreg:$0xb] =	wrdreg s0  }
0x1d: {  	s26 =	sadd.s32 $0xAF0, s15;
	s1 =	sshll.u32 s18, $0x4;
	[smem:$0x7DA] =	sst s23  }
0x1e: {  	s6 =	sshrl.u32 s26, $0x3;
	[smem:$0x7DC] =	sst s1  }
0x1f: {  	s8 =	sadd.s32 $0xC80, s15;
	s7 =	sshll.u32 s21, $0x4;
	[smem:$0x7DE] =	sst s6  }
0x20: {  	s14 =	sadd.s32 $0xE10, s15;
	s11 =	sshrl.u32 s8, $0x3;
	[smem:$0x7E0] =	sst s7  }
0x21: {  	s16 =	sshrl.u32 s14, $0x3;
	[smem:$0x7E2] =	sst s11  }
0x22: {  	s24 =	sadd.s32 s10, s23;
	[smem:$0x7E6] =	sst s16  }
0x23: {  	s25 =	sadd.s32 s4, s1;
	[dreg:$0xd] =	wrdreg s24  }
0x24: {  	s0 =	sadd.s32 s10, s6;
	[dreg:$0xe] =	wrdreg s25  }
0x25: {  	s9 =	sadd.s32 s4, s7;
	[dreg:$0xf] =	wrdreg s0  }
0x26: {  	s1 =	sshll.u32 s26, $0x4;
	[dreg:$0x10] =	wrdreg s9  }
0x27: {  	s12 =	sadd.s32 s10, s11;
	[smem:$0x7E4] =	sst s1  }
0x28: {  	s18 =	sadd.s32 $0xFA0, s15;
	s17 =	sshll.u32 s8, $0x4;
	[dreg:$0x11] =	wrdreg s12  }
0x29: {  	s20 =	sshrl.u32 s18, $0x3;
	[smem:$0x7E8] =	sst s17  }
0x2a: {  	s13 =	sadd.s32 s4, s1;
	[smem:$0x7EA] =	sst s20  }
0x2b: {  	s0 =	sadd.s32 s10, s16;
	[dreg:$0x12] =	wrdreg s13  }
0x2c: {  	s3 =	sadd.s32 $0x1A90, s15;
	s19 =	sadd.s32 s4, s17;
	[dreg:$0x13] =	wrdreg s0  }
0x2d: {  	s23 =	sadd.s32 $0x1130, s15;
	s1 =	sshll.u32 s14, $0x4;
	[dreg:$0x14] =	wrdreg s19  }
0x2e: {  	s26 =	sadd.s32 $0x12C0, s15;
	s21 =	sadd.s32 s10, s20;
	[smem:$0x7EC] =	sst s1  }
0x2f: {  	s11 =	sadd.s32 $0x1450, s15;
	s24 =	sshrl.u32 s23, $0x3;
	[dreg:$0x15] =	wrdreg s21  }
0x30: {  	s25 =	sshll.u32 s18, $0x4;
	s7 =	sshrl.u32 s26, $0x3;
	[smem:$0x7EE] =	sst s24  }
0x31: {  	s30 =	sshrl.u32 s11, $0x3;
	s31 =	sshll.u32 s26, $0x4;
	[smem:$0x7F0] =	sst s25  }
0x32: {  	s29 =	sshll.u32 s11, $0x4;
	s22 =	sadd.s32 s4, s1;
	[smem:$0x7F2] =	sst s7  }
0x33: {  	s18 =	sadd.s32 $0x1770, s15;
	s0 =	sadd.s32 s10, s24;
	[dreg:$0x16] =	wrdreg s22  }
0x34: {  	s20 =	sadd.s32 $0x1900, s15;
	s6 =	sadd.s32 s4, s25;
	[dreg:$0x17] =	wrdreg s0  }
0x35: {  	s11 =	sadd.s32 $0x1DB0, s15;
	s1 =	sshll.u32 s23, $0x4;
	[dreg:$0x18] =	wrdreg s6  }
0x36: {  	s8 =	sadd.s32 s10, s7;
	s12 =	sadd.s32 s10, s30;
	[smem:$0x7F4] =	sst s1  }
0x37: {  	s13 =	sadd.s32 $0x15E0, s15;
	s14 =	sadd.s32 s4, s31;
	[dreg:$0x19] =	wrdreg s8  }
0x38: {  	s17 =	sadd.s32 s4, s29;
	s21 =	sshrl.u32 s18, $0x3;
	[dreg:$0x1b] =	wrdreg s12  }
0x39: {  	s26 =	sshrl.u32 s20, $0x3;
	s25 =	sshll.u32 s18, $0x4;
	[dreg:$0x1c] =	wrdreg s14  }
0x3a: {  	s9 =	sadd.s32 s4, s1;
	s24 =	sshrl.u32 s13, $0x3;
	[dreg:$0x1e] =	wrdreg s17  }
0x3b: {  	s28 =	sshll.u32 s13, $0x4;
	s19 =	sadd.s32 s10, s21;
	s23 =	sadd.s32 s10, s26  }
0x3c: {  	s1 =	sadd.s32 s4, s25;
	s6 =	sadd.s32 $0x1C20, s15;
	[dreg:$0x1a] =	wrdreg s9  }
0x3d: {  	s17 =	sshrl.u32 s11, $0x3;
	s13 =	sadd.s32 $0x1F40, s15;
	[dreg:$0x1f] =	wrdreg s19  }
0x3e: {  	s16 =	sadd.s32 s10, s24;
	s22 =	sadd.s32 s4, s28;
	[smem:$0x7B1] =	sst s23  }
0x3f: {  	[smem:$0x7B2] =	sst s1;
	s23 =	sshll.u32 s20, $0x4;
	s20 =	sshrl.u32 s6, $0x3  }
0x40: {  	s19 =	sshll.u32 s3, $0x4;
	s18 =	sshll.u32 s6, $0x4;
	[dreg:$0x1d] =	wrdreg s16  }
0x41: {  	s12 =	sadd.s32 s10, s17;
	s6 =	sadd.s32 $0x20D0, s15;
	[smem:$0x7B0] =	sst s22  }
0x42: {  	s22 =	sshrl.u32 s3, $0x3;
	s7 =	sadd.s32 s4, s23;
	[smem:$0x7B7] =	sst s12  }
0x43: {  	s8 =	sadd.s32 s10, s20;
	s9 =	sadd.s32 s4, s19;
	[smem:$0x7B4] =	sst s7  }
0x44: {  	s14 =	sadd.s32 s4, s18;
	s16 =	sshrl.u32 s13, $0x3;
	[smem:$0x7B5] =	sst s8  }
0x45: {  	s12 =	sshrl.u32 s6, $0x3;
	s13 =	sshll.u32 s13, $0x4;
	[smem:$0x7B6] =	sst s9  }
0x46: {  	s5 =	sadd.s32 s10, s22;
	[smem:$0x7B8] =	sst s14;
	s14 =	sshll.u32 s11, $0x4  }
0x47: {  	s1 =	sadd.s32 s10, s16;
	s8 =	sadd.s32 $0x2260, s15;
	[smem:$0x7B3] =	sst s5  }
0x48: {  	s7 =	sadd.s32 s10, s12;
	[smem:$0x7B9] =	sst s1;
	s11 =	sshrl.u32 s8, $0x3  }
0x49: {  	s9 =	sadd.s32 s4, s13;
	[smem:$0x7BB] =	sst s7;
	s1 =	sadd.s32 s10, s11  }
0x4a: {  	s3 =	sadd.s32 s4, s14;
	[smem:$0x7BD] =	sst s1;
	s1 =	sadd.s32 $0x23F0, s15  }
0x4b: {  	[smem:$0x7BC] =	sst s9;
	s9 =	sshll.u32 s6, $0x4;
	s7 =	sshrl.u32 s1, $0x3  }
0x4c: {  	s8 =	sshll.u32 s8, $0x4;
	[smem:$0x7BA] =	sst s3;
	s5 =	sadd.s32 s10, s7  }
0x4d: {  	s6 =	sadd.s32 s4, s8;
	[smem:$0x7BF] =	sst s5;
	s5 =	sshll.u32 s1, $0x4  }
0x4e: {  	[smem:$0x7C0] =	sst s6;
	s6 =	sadd.s32 s4, s5  }
0x4f: {  	s0 =	sadd.s32 $0x2580, s15;
	[smem:$0x7C2] =	sst s6  }
0x50: {  	s15 =	sshrl.u32 s0, $0x3;
	s6 =	sld [smem:$0x7C3]  }
0x51: {  	s10 =	sadd.s32 s10, s15;
	s1 =	rddreg [dreg:$0x0]  }
0x52: {  	s3 =	sadd.s32 s4, s9;
	[smem:$0x7C1] =	sst s10;
	s10 =	sadd.s32 $0x1800, s1  }
0x53: {  	[smem:$0x7BE] =	sst s3;
	s3 =	sadd.s32 s10, s6;
	s6 =	sshll.u32 s0, $0x4  }
0x54: {  	s0 =	sadd.s32 s4, s6;
	s4 =	sld [smem:$0x7C6]  }
0x55: {  	[smem:$0x7C4] =	sst s3  }
0x56: {  	s3 =	sld [smem:$0x7C8]  }
0x57: {  	[smem:$0x7C5] =	sst s0;
	s0 =	sadd.s32 s10, s4  }
0x58: {  	s4 =	sadd.s32 $0x51E600, s1;
	[smem:$0x7C7] =	sst s0  }
0x59: {  	s0 =	sadd.s32 s4, s3;
	s3 =	sld [smem:$0x7CA];
	_ =	sdelay $0x1  }
0x5a: {  	[smem:$0x7C9] =	sst s0  }
0x5b: {  	s0 =	sadd.s32 s10, s3;
	s3 =	sld [smem:$0x7CC];
	_ =	sdelay $0x1  }
0x5c: {  	[smem:$0x7CB] =	sst s0  }
0x5d: {  	s0 =	sadd.s32 s4, s3;
	s3 =	sld [smem:$0x7CE];
	_ =	sdelay $0x1  }
0x5e: {  	[smem:$0x7CD] =	sst s0  }
0x5f: {  	s0 =	sadd.s32 s10, s3;
	s3 =	sld [smem:$0x7D0];
	_ =	sdelay $0x1  }
0x60: {  	[smem:$0x7CF] =	sst s0  }
0x61: {  	s0 =	sadd.s32 s4, s3;
	s3 =	sld [smem:$0x7D2];
	_ =	sdelay $0x1  }
0x62: {  	[smem:$0x7D1] =	sst s0  }
0x63: {  	s0 =	sadd.s32 s10, s3;
	s3 =	sld [smem:$0x7D4];
	_ =	sdelay $0x1  }
0x64: {  	[smem:$0x7D3] =	sst s0  }
0x65: {  	s0 =	sadd.s32 s4, s3;
	s3 =	sld [smem:$0x7D6];
	_ =	sdelay $0x1  }
0x66: {  	[smem:$0x7D5] =	sst s0  }
0x67: {  	s0 =	sadd.s32 s10, s3;
	s3 =	sld [smem:$0x7D8];
	_ =	sdelay $0x1  }
0x68: {  	[smem:$0x7D7] =	sst s0  }
0x69: {  	s0 =	sadd.s32 s4, s3;
	s3 =	sld [smem:$0x7DA];
	_ =	sdelay $0x1  }
0x6a: {  	[smem:$0x7D9] =	sst s0  }
0x6b: {  	s0 =	sadd.s32 s10, s3;
	s3 =	sld [smem:$0x7DC];
	_ =	sdelay $0x1  }
0x6c: {  	[smem:$0x7DB] =	sst s0  }
0x6d: {  	s0 =	sadd.s32 s4, s3;
	s3 =	sld [smem:$0x7DE];
	_ =	sdelay $0x1  }
0x6e: {  	[smem:$0x7DD] =	sst s0  }
0x6f: {  	s0 =	sadd.s32 s10, s3;
	s3 =	sld [smem:$0x7E0];
	_ =	sdelay $0x1  }
0x70: {  	[smem:$0x7DF] =	sst s0  }
0x71: {  	s0 =	sadd.s32 s4, s3;
	s3 =	sld [smem:$0x7E2];
	_ =	sdelay $0x1  }
0x72: {  	[smem:$0x7E1] =	sst s0  }
0x73: {  	s0 =	sadd.s32 s10, s3;
	s3 =	sld [smem:$0x7E4];
	_ =	sdelay $0x1  }
0x74: {  	[smem:$0x7E3] =	sst s0  }
0x75: {  	s0 =	sadd.s32 s4, s3;
	s3 =	sld [smem:$0x7E6];
	_ =	sdelay $0x1  }
0x76: {  	[smem:$0x7E5] =	sst s0  }
0x77: {  	s0 =	sadd.s32 s10, s3;
	s3 =	sld [smem:$0x7E8];
	_ =	sdelay $0x1  }
0x78: {  	[smem:$0x7E7] =	sst s0  }
0x79: {  	s0 =	sadd.s32 s4, s3;
	s3 =	sld [smem:$0x7EA];
	_ =	sdelay $0x1  }
0x7a: {  	[smem:$0x7E9] =	sst s0  }
0x7b: {  	s0 =	sadd.s32 s10, s3;
	s3 =	sld [smem:$0x7EC];
	_ =	sdelay $0x1  }
0x7c: {  	[smem:$0x7EB] =	sst s0  }
0x7d: {  	s0 =	sadd.s32 s4, s3;
	s3 =	sld [smem:$0x7EE];
	_ =	sdelay $0x1  }
0x7e: {  	[smem:$0x7ED] =	sst s0  }
0x7f: {  	s0 =	sadd.s32 s10, s3;
	s3 =	sld [smem:$0x7F0];
	_ =	sdelay $0x1  }
0x80: {  	[smem:$0x7EF] =	sst s0  }
0x81: {  	s0 =	sadd.s32 s4, s3;
	s3 =	sld [smem:$0x7F2];
	_ =	sdelay $0x1  }
0x82: {  	[smem:$0x7F1] =	sst s0  }
0x83: {  	s21 =	sadd.s32 s10, s21;
	s0 =	sadd.s32 s10, s3;
	s3 =	sld [smem:$0x7F4]  }
0x84: {  	s26 =	sadd.s32 s10, s26;
	[smem:$0x7FB] =	sst s21  }
0x85: {  	[smem:$0x7FD] =	sst s26  }
0x86: {  	p0 =	por $0x0, $0x0;
	[smem:$0x7F3] =	sst s0;
	s0 =	sadd.s32 s4, s3  }
0x87: {  	s21 =	sadd.s32 s10, s12;
	[smem:$0x7F5] =	sst s0;
	s0 =	sadd.s32 s10, s30  }
0x88: {  	s12 =	simm.s32 $0x190;
	[smem:$0x7F6] =	sst s0;
	s0 =	sadd.s32 s4, s31  }
0x89: {  	s26 =	sadd.s32 s4, s19;
	s19 =	sadd.s32 s10, s11;
	[smem:$0x7F7] =	sst s0  }
0x8a: {  	s5 =	sadd.s32 s4, s5;
	s0 =	sadd.s32 s10, s24;
	s24 =	sld [smem:$0x7F9]  }
0x8b: {  	s11 =	simm.s32 $0x5;
	s30 =	sadd.s32 s10, s22;
	s22 =	sadd.s32 s4, s14  }
0x8c: {  	s14 =	simm.s32 $0x2;
	s31 =	sadd.s32 s4, s25;
	s25 =	sadd.s32 s10, s17  }
0x8d: {  	[smem:$0x7F8] =	sst s0;
	s0 =	sadd.s32 s4, s29;
	s3 =	ssub.s32 $0x2, s24  }
0x8e: {  	s17 =	sadd.s32 s10, s7;
	[smem:$0x7FA] =	sst s0;
	s0 =	sshrl.u32 s3, $0x1  }
0x8f: {  	s7 =	simm.s32 $0x400;
	s29 =	sadd.s32 s4, s23;
	s0 =	ssub.s32 s3, s0  }
0x90: {  	s23 =	sadd.s32 s10, s16;
	s16 =	simm.s32 $0x200;
	s0 =	smax.u32 s0, $0x1  }
0x91: {  	s24 =	sadd.s32 s4, s28;
	s28 =	sadd.s32 s10, s20;
	p1 =	sne.s32 s0, $0x1  }
.Ltmp0:
0x92: {  	s20 =	sadd.s32 s4, s13;
	s13 =	sadd.s32 s4, s8;
	(pc) =	sbr.rel @!p1 .LBB2_3-.Ltmp0, $4  }
0x93: {  	s10 =	sadd.s32 s10, s15;
	s15 =	simm.s32 $0x1;
	s8 =	simm.s32 $0x3  }
0x94: {  	[smem:$0x7FC] =	sst s24;
	s24 =	sadd.s32 s4, s18;
	s18 =	sadd.s32 s4, s9  }
0x95: {  	s4 =	sadd.s32 s4, s6;
	s9 =	simm.s32 $0xCC00;
	s6 =	simm.s32 $0x4  }
0x96: {  	s3 =	sadd.s32 $0x15400, s1;
	s1 =	sadd.s32 $0xFFFFFFFF, s0;
	s0 =	rddreg [dreg:$0x2]  }
0x97: {  	[tilespmem:s2], [sflag:$0x5] =	stream.linear.gather [hbm4b:s0+s2], $0x190, $0x38;
	[tilespmem:$0x19400] =	vst v63  }
0x98: {  	_ =	swait.ge [sflag:s11], $0x190  }
0x99: {  	[sflag:s11] =	ssyncset.done $0x0  }
0x9a: {  	[sflag:s11] =	ssyncadd.s32 $0xFFFFFE70  }
0x9b: {  	[tilespmem:s7], [sflag:$0x1] =	stream.indirect.gather [hbm4b:s3+s12], $0x80, s2, s12, $0xb8;
	[tilespmem:$0x19400] =	vst v63  }
0x9c: {  	s0 =	rddreg [dreg:$0x3]  }
0x9d: {  	[tilespmem:s16], [sflag:$0x5] =	stream.linear.gather [hbm4b:s0+s2], $0x190, $0x38;
	[tilespmem:$0x19400] =	vst v63  }
0x9e: {  	_ =	swait.ge [sflag:s11], $0x190  }
0x9f: {  	[sflag:s11] =	ssyncset.done $0x0  }
0xa0: {  	[sflag:s11] =	ssyncadd.s32 $0xFFFFFE70  }
0xa1: {  	[tilespmem:s9], [sflag:$0x2] =	stream.indirect.gather [hbm4b:s3+s12], $0x80, s16, s12, $0xb8;
	[tilespmem:$0x19400] =	vst v63  }
0xa2: {  	_ =	swait.ge [sflag:s15], $0xC800  }
0xa3: {  	[sflag:s15] =	ssyncset.done $0x0  }
0xa4: {  	s0 =	rddreg [dreg:$0x4];
	[sflag:s15] =	ssyncadd.s32 $0xFFFF3800  }
0xa5: {  	[hbm4b:s0+s2] =	stream.linear.scatter [tilespmem:s7], [sflag:$0x3], $0xC800, $0x38;
	[tilespmem:$0x19400] =	vst v63  }
0xa6: {  	_ =	swait.ge [sflag:s8], $0xC800  }
0xa7: {  	[sflag:s8] =	ssyncset.done $0x0  }
0xa8: {  	s0 =	rddreg [dreg:$0x5];
	[sflag:s8] =	ssyncadd.s32 $0xFFFF3800  }
0xa9: {  	[tilespmem:s2], [sflag:$0x5] =	stream.linear.gather [hbm4b:s0+s2], $0x190, $0x38;
	[tilespmem:$0x19400] =	vst v63  }
0xaa: {  	_ =	swait.ge [sflag:s11], $0x190  }
0xab: {  	[sflag:s11] =	ssyncset.done $0x0  }
0xac: {  	[sflag:s11] =	ssyncadd.s32 $0xFFFFFE70  }
0xad: {  	[tilespmem:s7], [sflag:$0x1] =	stream.indirect.gather [hbm4b:s3+s12], $0x80, s2, s12, $0xb8;
	[tilespmem:$0x19400] =	vst v63  }
0xae: {  	_ =	swait.ge [sflag:s14], $0xC800  }
0xaf: {  	[sflag:s14] =	ssyncset.done $0x0  }
0xb0: {  	s0 =	rddreg [dreg:$0x6];
	[sflag:s14] =	ssyncadd.s32 $0xFFFF3800  }
0xb1: {  	[hbm4b:s0+s2] =	stream.linear.scatter [tilespmem:s9], [sflag:$0x4], $0xC800, $0x38;
	[tilespmem:$0x19400] =	vst v63  }
0xb2: {  	_ =	swait.ge [sflag:s6], $0xC800  }
0xb3: {  	[sflag:s6] =	ssyncset.done $0x0  }
0xb4: {  	s0 =	rddreg [dreg:$0x7];
	[sflag:s6] =	ssyncadd.s32 $0xFFFF3800  }
0xb5: {  	[tilespmem:s16], [sflag:$0x5] =	stream.linear.gather [hbm4b:s0+s2], $0x190, $0x38;
	[tilespmem:$0x19400] =	vst v63  }
0xb6: {  	_ =	swait.ge [sflag:s11], $0x190  }
0xb7: {  	[sflag:s11] =	ssyncset.done $0x0  }
0xb8: {  	[sflag:s11] =	ssyncadd.s32 $0xFFFFFE70  }
0xb9: {  	[tilespmem:s9], [sflag:$0x2] =	stream.indirect.gather [hbm4b:s3+s12], $0x80, s16, s12, $0xb8;
	[tilespmem:$0x19400] =	vst v63  }
0xba: {  	_ =	swait.ge [sflag:s15], $0xC800  }
0xbb: {  	[sflag:s15] =	ssyncset.done $0x0  }
0xbc: {  	s0 =	rddreg [dreg:$0x8];
	[sflag:s15] =	ssyncadd.s32 $0xFFFF3800  }
0xbd: {  	[hbm4b:s0+s2] =	stream.linear.scatter [tilespmem:s7], [sflag:$0x3], $0xC800, $0x38;
	[tilespmem:$0x19400] =	vst v63  }
0xbe: {  	_ =	swait.ge [sflag:s8], $0xC800  }
0xbf: {  	[sflag:s8] =	ssyncset.done $0x0  }
0xc0: {  	s0 =	rddreg [dreg:$0x9];
	[sflag:s8] =	ssyncadd.s32 $0xFFFF3800  }
0xc1: {  	[tilespmem:s2], [sflag:$0x5] =	stream.linear.gather [hbm4b:s0+s2], $0x190, $0x38;
	[tilespmem:$0x19400] =	vst v63  }
0xc2: {  	_ =	swait.ge [sflag:s11], $0x190  }
0xc3: {  	[sflag:s11] =	ssyncset.done $0x0  }
0xc4: {  	[sflag:s11] =	ssyncadd.s32 $0xFFFFFE70  }
0xc5: {  	[tilespmem:s7], [sflag:$0x1] =	stream.indirect.gather [hbm4b:s3+s12], $0x80, s2, s12, $0xb8;
	[tilespmem:$0x19400] =	vst v63  }
0xc6: {  	_ =	swait.ge [sflag:s14], $0xC800  }
0xc7: {  	[sflag:s14] =	ssyncset.done $0x0  }
0xc8: {  	s0 =	rddreg [dreg:$0xa];
	[sflag:s14] =	ssyncadd.s32 $0xFFFF3800  }
0xc9: {  	[hbm4b:s0+s2] =	stream.linear.scatter [tilespmem:s9], [sflag:$0x4], $0xC800, $0x38;
	[tilespmem:$0x19400] =	vst v63  }
0xca: {  	_ =	swait.ge [sflag:s6], $0xC800  }
0xcb: {  	[sflag:s6] =	ssyncset.done $0x0  }
0xcc: {  	s0 =	rddreg [dreg:$0xb];
	[sflag:s6] =	ssyncadd.s32 $0xFFFF3800  }
0xcd: {  	[tilespmem:s16], [sflag:$0x5] =	stream.linear.gather [hbm4b:s0+s2], $0x190, $0x38;
	[tilespmem:$0x19400] =	vst v63  }
0xce: {  	_ =	swait.ge [sflag:s11], $0x190  }
0xcf: {  	[sflag:s11] =	ssyncset.done $0x0  }
0xd0: {  	[sflag:s11] =	ssyncadd.s32 $0xFFFFFE70  }
0xd1: {  	[tilespmem:s9], [sflag:$0x2] =	stream.indirect.gather [hbm4b:s3+s12], $0x80, s16, s12, $0xb8;
	[tilespmem:$0x19400] =	vst v63  }
0xd2: {  	_ =	swait.ge [sflag:s15], $0xC800  }
0xd3: {  	[sflag:s15] =	ssyncset.done $0x0  }
0xd4: {  	s0 =	rddreg [dreg:$0xc];
	[sflag:s15] =	ssyncadd.s32 $0xFFFF3800  }
0xd5: {  	[hbm4b:s0+s2] =	stream.linear.scatter [tilespmem:s7], [sflag:$0x3], $0xC800, $0x38;
	[tilespmem:$0x19400] =	vst v63  }
0xd6: {  	_ =	swait.ge [sflag:s8], $0xC800  }
0xd7: {  	[sflag:s8] =	ssyncset.done $0x0  }
0xd8: {  	s0 =	rddreg [dreg:$0xd];
	[sflag:s8] =	ssyncadd.s32 $0xFFFF3800  }
0xd9: {  	[tilespmem:s2], [sflag:$0x5] =	stream.linear.gather [hbm4b:s0+s2], $0x190, $0x38;
	[tilespmem:$0x19400] =	vst v63  }
0xda: {  	_ =	swait.ge [sflag:s11], $0x190  }
0xdb: {  	[sflag:s11] =	ssyncset.done $0x0  }
0xdc: {  	[sflag:s11] =	ssyncadd.s32 $0xFFFFFE70  }
0xdd: {  	[tilespmem:s7], [sflag:$0x1] =	stream.indirect.gather [hbm4b:s3+s12], $0x80, s2, s12, $0xb8;
	[tilespmem:$0x19400] =	vst v63  }
0xde: {  	_ =	swait.ge [sflag:s14], $0xC800  }
0xdf: {  	[sflag:s14] =	ssyncset.done $0x0  }
0xe0: {  	s0 =	rddreg [dreg:$0xe];
	[sflag:s14] =	ssyncadd.s32 $0xFFFF3800  }
0xe1: {  	[hbm4b:s0+s2] =	stream.linear.scatter [tilespmem:s9], [sflag:$0x4], $0xC800, $0x38;
	[tilespmem:$0x19400] =	vst v63  }
0xe2: {  	_ =	swait.ge [sflag:s6], $0xC800  }
0xe3: {  	[sflag:s6] =	ssyncset.done $0x0  }
0xe4: {  	s0 =	rddreg [dreg:$0xf];
	[sflag:s6] =	ssyncadd.s32 $0xFFFF3800  }
0xe5: {  	[tilespmem:s16], [sflag:$0x5] =	stream.linear.gather [hbm4b:s0+s2], $0x190, $0x38;
	[tilespmem:$0x19400] =	vst v63  }
0xe6: {  	_ =	swait.ge [sflag:s11], $0x190  }
0xe7: {  	[sflag:s11] =	ssyncset.done $0x0  }
0xe8: {  	[sflag:s11] =	ssyncadd.s32 $0xFFFFFE70  }
0xe9: {  	[tilespmem:s9], [sflag:$0x2] =	stream.indirect.gather [hbm4b:s3+s12], $0x80, s16, s12, $0xb8;
	[tilespmem:$0x19400] =	vst v63  }
0xea: {  	_ =	swait.ge [sflag:s15], $0xC800  }
0xeb: {  	[sflag:s15] =	ssyncset.done $0x0  }
0xec: {  	s0 =	rddreg [dreg:$0x10];
	[sflag:s15] =	ssyncadd.s32 $0xFFFF3800  }
0xed: {  	[hbm4b:s0+s2] =	stream.linear.scatter [tilespmem:s7], [sflag:$0x3], $0xC800, $0x38;
	[tilespmem:$0x19400] =	vst v63  }
0xee: {  	_ =	swait.ge [sflag:s8], $0xC800  }
0xef: {  	[sflag:s8] =	ssyncset.done $0x0  }
0xf0: {  	s0 =	rddreg [dreg:$0x11];
	[sflag:s8] =	ssyncadd.s32 $0xFFFF3800  }
0xf1: {  	[tilespmem:s2], [sflag:$0x5] =	stream.linear.gather [hbm4b:s0+s2], $0x190, $0x38;
	[tilespmem:$0x19400] =	vst v63  }
0xf2: {  	_ =	swait.ge [sflag:s11], $0x190  }
0xf3: {  	[sflag:s11] =	ssyncset.done $0x0  }
0xf4: {  	[sflag:s11] =	ssyncadd.s32 $0xFFFFFE70  }
0xf5: {  	[tilespmem:s7], [sflag:$0x1] =	stream.indirect.gather [hbm4b:s3+s12], $0x80, s2, s12, $0xb8;
	[tilespmem:$0x19400] =	vst v63  }
0xf6: {  	_ =	swait.ge [sflag:s14], $0xC800  }
0xf7: {  	[sflag:s14] =	ssyncset.done $0x0  }
0xf8: {  	s0 =	rddreg [dreg:$0x12];
	[sflag:s14] =	ssyncadd.s32 $0xFFFF3800  }
0xf9: {  	[hbm4b:s0+s2] =	stream.linear.scatter [tilespmem:s9], [sflag:$0x4], $0xC800, $0x38;
	[tilespmem:$0x19400] =	vst v63  }
0xfa: {  	_ =	swait.ge [sflag:s6], $0xC800  }
0xfb: {  	[sflag:s6] =	ssyncset.done $0x0  }
0xfc: {  	s0 =	rddreg [dreg:$0x13];
	[sflag:s6] =	ssyncadd.s32 $0xFFFF3800  }
0xfd: {  	[tilespmem:s16], [sflag:$0x5] =	stream.linear.gather [hbm4b:s0+s2], $0x190, $0x38;
	[tilespmem:$0x19400] =	vst v63  }
0xfe: {  	_ =	swait.ge [sflag:s11], $0x190  }
0xff: {  	[sflag:s11] =	ssyncset.done $0x0  }
0x100: {  	[sflag:s11] =	ssyncadd.s32 $0xFFFFFE70  }
0x101: {  	[tilespmem:s9], [sflag:$0x2] =	stream.indirect.gather [hbm4b:s3+s12], $0x80, s16, s12, $0xb8;
	[tilespmem:$0x19400] =	vst v63  }
0x102: {  	_ =	swait.ge [sflag:s15], $0xC800  }
0x103: {  	[sflag:s15] =	ssyncset.done $0x0  }
0x104: {  	s0 =	rddreg [dreg:$0x14];
	[sflag:s15] =	ssyncadd.s32 $0xFFFF3800  }
0x105: {  	[hbm4b:s0+s2] =	stream.linear.scatter [tilespmem:s7], [sflag:$0x3], $0xC800, $0x38;
	[tilespmem:$0x19400] =	vst v63  }
0x106: {  	_ =	swait.ge [sflag:s8], $0xC800  }
0x107: {  	[sflag:s8] =	ssyncset.done $0x0  }
0x108: {  	s0 =	rddreg [dreg:$0x15];
	[sflag:s8] =	ssyncadd.s32 $0xFFFF3800  }
0x109: {  	[tilespmem:s2], [sflag:$0x5] =	stream.linear.gather [hbm4b:s0+s2], $0x190, $0x38;
	[tilespmem:$0x19400] =	vst v63  }
0x10a: {  	_ =	swait.ge [sflag:s11], $0x190  }
0x10b: {  	[sflag:s11] =	ssyncset.done $0x0  }
0x10c: {  	[sflag:s11] =	ssyncadd.s32 $0xFFFFFE70  }
0x10d: {  	[tilespmem:s7], [sflag:$0x1] =	stream.indirect.gather [hbm4b:s3+s12], $0x80, s2, s12, $0xb8;
	[tilespmem:$0x19400] =	vst v63  }
0x10e: {  	_ =	swait.ge [sflag:s14], $0xC800  }
0x10f: {  	[sflag:s14] =	ssyncset.done $0x0  }
0x110: {  	s0 =	rddreg [dreg:$0x16];
	[sflag:s14] =	ssyncadd.s32 $0xFFFF3800  }
0x111: {  	[hbm4b:s0+s2] =	stream.linear.scatter [tilespmem:s9], [sflag:$0x4], $0xC800, $0x38;
	[tilespmem:$0x19400] =	vst v63  }
0x112: {  	_ =	swait.ge [sflag:s6], $0xC800  }
0x113: {  	[sflag:s6] =	ssyncset.done $0x0  }
0x114: {  	s0 =	rddreg [dreg:$0x17];
	[sflag:s6] =	ssyncadd.s32 $0xFFFF3800  }
0x115: {  	[tilespmem:s16], [sflag:$0x5] =	stream.linear.gather [hbm4b:s0+s2], $0x190, $0x38;
	[tilespmem:$0x19400] =	vst v63  }
0x116: {  	_ =	swait.ge [sflag:s11], $0x190  }
0x117: {  	[sflag:s11] =	ssyncset.done $0x0  }
0x118: {  	[sflag:s11] =	ssyncadd.s32 $0xFFFFFE70  }
0x119: {  	[tilespmem:s9], [sflag:$0x2] =	stream.indirect.gather [hbm4b:s3+s12], $0x80, s16, s12, $0xb8;
	[tilespmem:$0x19400] =	vst v63  }
0x11a: {  	_ =	swait.ge [sflag:s15], $0xC800  }
0x11b: {  	[sflag:s15] =	ssyncset.done $0x0  }
0x11c: {  	s0 =	rddreg [dreg:$0x18];
	[sflag:s15] =	ssyncadd.s32 $0xFFFF3800  }
0x11d: {  	[hbm4b:s0+s2] =	stream.linear.scatter [tilespmem:s7], [sflag:$0x3], $0xC800, $0x38;
	[tilespmem:$0x19400] =	vst v63  }
0x11e: {  	_ =	swait.ge [sflag:s8], $0xC800  }
0x11f: {  	[sflag:s8] =	ssyncset.done $0x0  }
0x120: {  	s0 =	rddreg [dreg:$0x19];
	[sflag:s8] =	ssyncadd.s32 $0xFFFF3800  }
0x121: {  	[tilespmem:s2], [sflag:$0x5] =	stream.linear.gather [hbm4b:s0+s2], $0x190, $0x38;
	[tilespmem:$0x19400] =	vst v63  }
0x122: {  	_ =	swait.ge [sflag:s11], $0x190  }
0x123: {  	[sflag:s11] =	ssyncset.done $0x0  }
0x124: {  	[sflag:s11] =	ssyncadd.s32 $0xFFFFFE70  }
0x125: {  	[tilespmem:s7], [sflag:$0x1] =	stream.indirect.gather [hbm4b:s3+s12], $0x80, s2, s12, $0xb8;
	[tilespmem:$0x19400] =	vst v63  }
0x126: {  	_ =	swait.ge [sflag:s14], $0xC800  }
0x127: {  	[sflag:s14] =	ssyncset.done $0x0  }
0x128: {  	s0 =	rddreg [dreg:$0x1a];
	[sflag:s14] =	ssyncadd.s32 $0xFFFF3800  }
0x129: {  	[hbm4b:s0+s2] =	stream.linear.scatter [tilespmem:s9], [sflag:$0x4], $0xC800, $0x38;
	[tilespmem:$0x19400] =	vst v63  }
0x12a: {  	_ =	swait.ge [sflag:s6], $0xC800  }
0x12b: {  	[sflag:s6] =	ssyncset.done $0x0  }
0x12c: {  	s0 =	rddreg [dreg:$0x1b];
	[sflag:s6] =	ssyncadd.s32 $0xFFFF3800  }
0x12d: {  	[tilespmem:s16], [sflag:$0x5] =	stream.linear.gather [hbm4b:s0+s2], $0x190, $0x38;
	[tilespmem:$0x19400] =	vst v63  }
0x12e: {  	_ =	swait.ge [sflag:s11], $0x190  }
0x12f: {  	[sflag:s11] =	ssyncset.done $0x0  }
0x130: {  	[sflag:s11] =	ssyncadd.s32 $0xFFFFFE70  }
0x131: {  	[tilespmem:s9], [sflag:$0x2] =	stream.indirect.gather [hbm4b:s3+s12], $0x80, s16, s12, $0xb8;
	[tilespmem:$0x19400] =	vst v63  }
0x132: {  	_ =	swait.ge [sflag:s15], $0xC800  }
0x133: {  	[sflag:s15] =	ssyncset.done $0x0  }
0x134: {  	s0 =	rddreg [dreg:$0x1c];
	[sflag:s15] =	ssyncadd.s32 $0xFFFF3800  }
0x135: {  	[hbm4b:s0+s2] =	stream.linear.scatter [tilespmem:s7], [sflag:$0x3], $0xC800, $0x38;
	[tilespmem:$0x19400] =	vst v63  }
0x136: {  	_ =	swait.ge [sflag:s8], $0xC800  }
0x137: {  	[sflag:s8] =	ssyncset.done $0x0  }
0x138: {  	s0 =	rddreg [dreg:$0x1d];
	[sflag:s8] =	ssyncadd.s32 $0xFFFF3800  }
0x139: {  	[tilespmem:s2], [sflag:$0x5] =	stream.linear.gather [hbm4b:s0+s2], $0x190, $0x38;
	[tilespmem:$0x19400] =	vst v63  }
0x13a: {  	_ =	swait.ge [sflag:s11], $0x190  }
0x13b: {  	[sflag:s11] =	ssyncset.done $0x0  }
0x13c: {  	[sflag:s11] =	ssyncadd.s32 $0xFFFFFE70  }
0x13d: {  	[tilespmem:s7], [sflag:$0x1] =	stream.indirect.gather [hbm4b:s3+s12], $0x80, s2, s12, $0xb8;
	[tilespmem:$0x19400] =	vst v63  }
0x13e: {  	_ =	swait.ge [sflag:s14], $0xC800  }
0x13f: {  	[sflag:s14] =	ssyncset.done $0x0  }
0x140: {  	s0 =	rddreg [dreg:$0x1e];
	[sflag:s14] =	ssyncadd.s32 $0xFFFF3800  }
0x141: {  	[hbm4b:s0+s2] =	stream.linear.scatter [tilespmem:s9], [sflag:$0x4], $0xC800, $0x38;
	[tilespmem:$0x19400] =	vst v63  }
0x142: {  	_ =	swait.ge [sflag:s6], $0xC800  }
0x143: {  	[sflag:s6] =	ssyncset.done $0x0  }
0x144: {  	s0 =	rddreg [dreg:$0x1f];
	[sflag:s6] =	ssyncadd.s32 $0xFFFF3800  }
0x145: {  	[tilespmem:s16], [sflag:$0x5] =	stream.linear.gather [hbm4b:s0+s2], $0x190, $0x38;
	[tilespmem:$0x19400] =	vst v63  }
0x146: {  	_ =	swait.ge [sflag:s11], $0x190  }
0x147: {  	[sflag:s11] =	ssyncset.done $0x0  }
0x148: {  	[sflag:s11] =	ssyncadd.s32 $0xFFFFFE70  }
0x149: {  	[tilespmem:s9], [sflag:$0x2] =	stream.indirect.gather [hbm4b:s3+s12], $0x80, s16, s12, $0xb8;
	[tilespmem:$0x19400] =	vst v63  }
0x14a: {  	_ =	swait.ge [sflag:s15], $0xC800  }
0x14b: {  	s0 =	sld [smem:$0x7B0]  }
0x14c: {  	[sflag:s15] =	ssyncset.done $0x0  }
0x14d: {  	[sflag:s15] =	ssyncadd.s32 $0xFFFF3800  }
0x14e: {  	[hbm4b:s0+s2] =	stream.linear.scatter [tilespmem:s7], [sflag:$0x3], $0xC800, $0x38;
	[tilespmem:$0x19400] =	vst v63  }
0x14f: {  	_ =	swait.ge [sflag:s8], $0xC800  }
0x150: {  	s0 =	sld [smem:$0x7B1]  }
0x151: {  	[sflag:s8] =	ssyncset.done $0x0  }
0x152: {  	[sflag:s8] =	ssyncadd.s32 $0xFFFF3800  }
0x153: {  	[tilespmem:s2], [sflag:$0x5] =	stream.linear.gather [hbm4b:s0+s2], $0x190, $0x38;
	[tilespmem:$0x19400] =	vst v63  }
0x154: {  	_ =	swait.ge [sflag:s11], $0x190  }
0x155: {  	[sflag:s11] =	ssyncset.done $0x0  }
0x156: {  	[sflag:s11] =	ssyncadd.s32 $0xFFFFFE70  }
0x157: {  	[tilespmem:s7], [sflag:$0x1] =	stream.indirect.gather [hbm4b:s3+s12], $0x80, s2, s12, $0xb8;
	[tilespmem:$0x19400] =	vst v63  }
0x158: {  	_ =	swait.ge [sflag:s14], $0xC800  }
0x159: {  	s0 =	sld [smem:$0x7B2]  }
0x15a: {  	[sflag:s14] =	ssyncset.done $0x0  }
0x15b: {  	[sflag:s14] =	ssyncadd.s32 $0xFFFF3800  }
0x15c: {  	[hbm4b:s0+s2] =	stream.linear.scatter [tilespmem:s9], [sflag:$0x4], $0xC800, $0x38;
	[tilespmem:$0x19400] =	vst v63  }
0x15d: {  	_ =	swait.ge [sflag:s6], $0xC800  }
0x15e: {  	s0 =	sld [smem:$0x7B3]  }
0x15f: {  	[sflag:s6] =	ssyncset.done $0x0  }
0x160: {  	[sflag:s6] =	ssyncadd.s32 $0xFFFF3800  }
0x161: {  	[tilespmem:s16], [sflag:$0x5] =	stream.linear.gather [hbm4b:s0+s2], $0x190, $0x38;
	[tilespmem:$0x19400] =	vst v63  }
0x162: {  	_ =	swait.ge [sflag:s11], $0x190  }
0x163: {  	[sflag:s11] =	ssyncset.done $0x0  }
0x164: {  	[sflag:s11] =	ssyncadd.s32 $0xFFFFFE70  }
0x165: {  	[tilespmem:s9], [sflag:$0x2] =	stream.indirect.gather [hbm4b:s3+s12], $0x80, s16, s12, $0xb8;
	[tilespmem:$0x19400] =	vst v63  }
0x166: {  	_ =	swait.ge [sflag:s15], $0xC800  }
0x167: {  	s0 =	sld [smem:$0x7B4]  }
0x168: {  	[sflag:s15] =	ssyncset.done $0x0  }
0x169: {  	[sflag:s15] =	ssyncadd.s32 $0xFFFF3800  }
0x16a: {  	[hbm4b:s0+s2] =	stream.linear.scatter [tilespmem:s7], [sflag:$0x3], $0xC800, $0x38;
	[tilespmem:$0x19400] =	vst v63  }
0x16b: {  	_ =	swait.ge [sflag:s8], $0xC800  }
0x16c: {  	s0 =	sld [smem:$0x7B5]  }
0x16d: {  	[sflag:s8] =	ssyncset.done $0x0  }
0x16e: {  	[sflag:s8] =	ssyncadd.s32 $0xFFFF3800  }
0x16f: {  	[tilespmem:s2], [sflag:$0x5] =	stream.linear.gather [hbm4b:s0+s2], $0x190, $0x38;
	[tilespmem:$0x19400] =	vst v63  }
0x170: {  	_ =	swait.ge [sflag:s11], $0x190  }
0x171: {  	[sflag:s11] =	ssyncset.done $0x0  }
0x172: {  	[sflag:s11] =	ssyncadd.s32 $0xFFFFFE70  }
0x173: {  	[tilespmem:s7], [sflag:$0x1] =	stream.indirect.gather [hbm4b:s3+s12], $0x80, s2, s12, $0xb8;
	[tilespmem:$0x19400] =	vst v63  }
0x174: {  	_ =	swait.ge [sflag:s14], $0xC800  }
0x175: {  	s0 =	sld [smem:$0x7B6]  }
0x176: {  	[sflag:s14] =	ssyncset.done $0x0  }
0x177: {  	[sflag:s14] =	ssyncadd.s32 $0xFFFF3800  }
0x178: {  	[hbm4b:s0+s2] =	stream.linear.scatter [tilespmem:s9], [sflag:$0x4], $0xC800, $0x38;
	[tilespmem:$0x19400] =	vst v63  }
0x179: {  	_ =	swait.ge [sflag:s6], $0xC800  }
0x17a: {  	s0 =	sld [smem:$0x7B7]  }
0x17b: {  	[sflag:s6] =	ssyncset.done $0x0  }
0x17c: {  	[sflag:s6] =	ssyncadd.s32 $0xFFFF3800  }
0x17d: {  	[tilespmem:s16], [sflag:$0x5] =	stream.linear.gather [hbm4b:s0+s2], $0x190, $0x38;
	[tilespmem:$0x19400] =	vst v63  }
0x17e: {  	_ =	swait.ge [sflag:s11], $0x190  }
0x17f: {  	[sflag:s11] =	ssyncset.done $0x0  }
0x180: {  	[sflag:s11] =	ssyncadd.s32 $0xFFFFFE70  }
0x181: {  	[tilespmem:s9], [sflag:$0x2] =	stream.indirect.gather [hbm4b:s3+s12], $0x80, s16, s12, $0xb8;
	[tilespmem:$0x19400] =	vst v63  }
0x182: {  	_ =	swait.ge [sflag:s15], $0xC800  }
0x183: {  	s0 =	sld [smem:$0x7B8]  }
0x184: {  	[sflag:s15] =	ssyncset.done $0x0  }
0x185: {  	[sflag:s15] =	ssyncadd.s32 $0xFFFF3800  }
0x186: {  	[hbm4b:s0+s2] =	stream.linear.scatter [tilespmem:s7], [sflag:$0x3], $0xC800, $0x38;
	[tilespmem:$0x19400] =	vst v63  }
0x187: {  	_ =	swait.ge [sflag:s8], $0xC800  }
0x188: {  	s0 =	sld [smem:$0x7B9]  }
0x189: {  	[sflag:s8] =	ssyncset.done $0x0  }
0x18a: {  	[sflag:s8] =	ssyncadd.s32 $0xFFFF3800  }
0x18b: {  	[tilespmem:s2], [sflag:$0x5] =	stream.linear.gather [hbm4b:s0+s2], $0x190, $0x38;
	[tilespmem:$0x19400] =	vst v63  }
0x18c: {  	_ =	swait.ge [sflag:s11], $0x190  }
0x18d: {  	[sflag:s11] =	ssyncset.done $0x0  }
0x18e: {  	[sflag:s11] =	ssyncadd.s32 $0xFFFFFE70  }
0x18f: {  	[tilespmem:s7], [sflag:$0x1] =	stream.indirect.gather [hbm4b:s3+s12], $0x80, s2, s12, $0xb8;
	[tilespmem:$0x19400] =	vst v63  }
0x190: {  	_ =	swait.ge [sflag:s14], $0xC800  }
0x191: {  	s0 =	sld [smem:$0x7BA]  }
0x192: {  	[sflag:s14] =	ssyncset.done $0x0  }
0x193: {  	[sflag:s14] =	ssyncadd.s32 $0xFFFF3800  }
0x194: {  	[hbm4b:s0+s2] =	stream.linear.scatter [tilespmem:s9], [sflag:$0x4], $0xC800, $0x38;
	[tilespmem:$0x19400] =	vst v63  }
0x195: {  	_ =	swait.ge [sflag:s6], $0xC800  }
0x196: {  	s0 =	sld [smem:$0x7BB]  }
0x197: {  	[sflag:s6] =	ssyncset.done $0x0  }
0x198: {  	[sflag:s6] =	ssyncadd.s32 $0xFFFF3800  }
0x199: {  	[tilespmem:s16], [sflag:$0x5] =	stream.linear.gather [hbm4b:s0+s2], $0x190, $0x38;
	[tilespmem:$0x19400] =	vst v63  }
0x19a: {  	_ =	swait.ge [sflag:s11], $0x190  }
0x19b: {  	[sflag:s11] =	ssyncset.done $0x0  }
0x19c: {  	[sflag:s11] =	ssyncadd.s32 $0xFFFFFE70  }
0x19d: {  	[tilespmem:s9], [sflag:$0x2] =	stream.indirect.gather [hbm4b:s3+s12], $0x80, s16, s12, $0xb8;
	[tilespmem:$0x19400] =	vst v63  }
0x19e: {  	_ =	swait.ge [sflag:s15], $0xC800  }
0x19f: {  	s0 =	sld [smem:$0x7BC]  }
0x1a0: {  	[sflag:s15] =	ssyncset.done $0x0  }
0x1a1: {  	[sflag:s15] =	ssyncadd.s32 $0xFFFF3800  }
0x1a2: {  	[hbm4b:s0+s2] =	stream.linear.scatter [tilespmem:s7], [sflag:$0x3], $0xC800, $0x38;
	[tilespmem:$0x19400] =	vst v63  }
0x1a3: {  	_ =	swait.ge [sflag:s8], $0xC800  }
0x1a4: {  	s0 =	sld [smem:$0x7BD]  }
0x1a5: {  	[sflag:s8] =	ssyncset.done $0x0  }
0x1a6: {  	[sflag:s8] =	ssyncadd.s32 $0xFFFF3800  }
0x1a7: {  	[tilespmem:s2], [sflag:$0x5] =	stream.linear.gather [hbm4b:s0+s2], $0x190, $0x38;
	[tilespmem:$0x19400] =	vst v63  }
0x1a8: {  	_ =	swait.ge [sflag:s11], $0x190  }
0x1a9: {  	[sflag:s11] =	ssyncset.done $0x0  }
0x1aa: {  	[sflag:s11] =	ssyncadd.s32 $0xFFFFFE70  }
0x1ab: {  	[tilespmem:s7], [sflag:$0x1] =	stream.indirect.gather [hbm4b:s3+s12], $0x80, s2, s12, $0xb8;
	[tilespmem:$0x19400] =	vst v63  }
0x1ac: {  	_ =	swait.ge [sflag:s14], $0xC800  }
0x1ad: {  	s0 =	sld [smem:$0x7BE]  }
0x1ae: {  	[sflag:s14] =	ssyncset.done $0x0  }
0x1af: {  	[sflag:s14] =	ssyncadd.s32 $0xFFFF3800  }
0x1b0: {  	[hbm4b:s0+s2] =	stream.linear.scatter [tilespmem:s9], [sflag:$0x4], $0xC800, $0x38;
	[tilespmem:$0x19400] =	vst v63  }
0x1b1: {  	_ =	swait.ge [sflag:s6], $0xC800  }
0x1b2: {  	s0 =	sld [smem:$0x7BF]  }
0x1b3: {  	[sflag:s6] =	ssyncset.done $0x0  }
0x1b4: {  	[sflag:s6] =	ssyncadd.s32 $0xFFFF3800  }
0x1b5: {  	[tilespmem:s16], [sflag:$0x5] =	stream.linear.gather [hbm4b:s0+s2], $0x190, $0x38;
	[tilespmem:$0x19400] =	vst v63  }
0x1b6: {  	_ =	swait.ge [sflag:s11], $0x190  }
0x1b7: {  	[sflag:s11] =	ssyncset.done $0x0  }
0x1b8: {  	[sflag:s11] =	ssyncadd.s32 $0xFFFFFE70  }
0x1b9: {  	[tilespmem:s9], [sflag:$0x2] =	stream.indirect.gather [hbm4b:s3+s12], $0x80, s16, s12, $0xb8;
	[tilespmem:$0x19400] =	vst v63  }
0x1ba: {  	_ =	swait.ge [sflag:s15], $0xC800  }
0x1bb: {  	s0 =	sld [smem:$0x7C0]  }
0x1bc: {  	[sflag:s15] =	ssyncset.done $0x0  }
0x1bd: {  	[sflag:s15] =	ssyncadd.s32 $0xFFFF3800  }
0x1be: {  	[hbm4b:s0+s2] =	stream.linear.scatter [tilespmem:s7], [sflag:$0x3], $0xC800, $0x38;
	[tilespmem:$0x19400] =	vst v63  }
0x1bf: {  	_ =	swait.ge [sflag:s8], $0xC800  }
0x1c0: {  	s0 =	sld [smem:$0x7C1]  }
0x1c1: {  	[sflag:s8] =	ssyncset.done $0x0  }
0x1c2: {  	[sflag:s8] =	ssyncadd.s32 $0xFFFF3800  }
0x1c3: {  	[tilespmem:s2], [sflag:$0x5] =	stream.linear.gather [hbm4b:s0+s2], $0x190, $0x38;
	[tilespmem:$0x19400] =	vst v63  }
0x1c4: {  	_ =	swait.ge [sflag:s11], $0x190  }
0x1c5: {  	[sflag:s11] =	ssyncset.done $0x0  }
0x1c6: {  	[sflag:s11] =	ssyncadd.s32 $0xFFFFFE70  }
0x1c7: {  	[tilespmem:s7], [sflag:$0x1] =	stream.indirect.gather [hbm4b:s3+s12], $0x80, s2, s12, $0xb8;
	[tilespmem:$0x19400] =	vst v63  }
0x1c8: {  	_ =	swait.ge [sflag:s14], $0xC800  }
0x1c9: {  	s0 =	sld [smem:$0x7C2]  }
0x1ca: {  	[sflag:s14] =	ssyncset.done $0x0  }
0x1cb: {  	[sflag:s14] =	ssyncadd.s32 $0xFFFF3800  }
0x1cc: {  	[hbm4b:s0+s2] =	stream.linear.scatter [tilespmem:s9], [sflag:$0x4], $0xC800, $0x38;
	[tilespmem:$0x19400] =	vst v63  }
0x1cd: {  	_ =	swait.ge [sflag:s6], $0xC800  }
0x1ce: {  	s0 =	sld [smem:$0x7C4]  }
0x1cf: {  	[sflag:s6] =	ssyncset.done $0x0  }
0x1d0: {  	[sflag:s6] =	ssyncadd.s32 $0xFFFF3800  }
0x1d1: {  	[tilespmem:s16], [sflag:$0x5] =	stream.linear.gather [hbm4b:s0+s2], $0x190, $0x38;
	[tilespmem:$0x19400] =	vst v63  }
0x1d2: {  	_ =	swait.ge [sflag:s11], $0x190  }
0x1d3: {  	[sflag:s11] =	ssyncset.done $0x0  }
0x1d4: {  	[sflag:s11] =	ssyncadd.s32 $0xFFFFFE70  }
0x1d5: {  	[tilespmem:s9], [sflag:$0x2] =	stream.indirect.gather [hbm4b:s3+s12], $0x80, s16, s12, $0xb8;
	[tilespmem:$0x19400] =	vst v63  }
0x1d6: {  	_ =	swait.ge [sflag:s15], $0xC800  }
0x1d7: {  	s0 =	sld [smem:$0x7C5]  }
0x1d8: {  	[sflag:s15] =	ssyncset.done $0x0  }
0x1d9: {  	[sflag:s15] =	ssyncadd.s32 $0xFFFF3800  }
0x1da: {  	[hbm4b:s0+s2] =	stream.linear.scatter [tilespmem:s7], [sflag:$0x3], $0xC800, $0x38;
	[tilespmem:$0x19400] =	vst v63  }
0x1db: {  	_ =	swait.ge [sflag:s8], $0xC800  }
0x1dc: {  	s0 =	sld [smem:$0x7C7]  }
0x1dd: {  	[sflag:s8] =	ssyncset.done $0x0  }
0x1de: {  	[sflag:s8] =	ssyncadd.s32 $0xFFFF3800  }
0x1df: {  	[tilespmem:s2], [sflag:$0x5] =	stream.linear.gather [hbm4b:s0+s2], $0x190, $0x38;
	[tilespmem:$0x19400] =	vst v63  }
0x1e0: {  	_ =	swait.ge [sflag:s11], $0x190  }
0x1e1: {  	[sflag:s11] =	ssyncset.done $0x0  }
0x1e2: {  	[sflag:s11] =	ssyncadd.s32 $0xFFFFFE70  }
0x1e3: {  	[tilespmem:s7], [sflag:$0x1] =	stream.indirect.gather [hbm4b:s3+s12], $0x80, s2, s12, $0xb8;
	[tilespmem:$0x19400] =	vst v63  }
0x1e4: {  	_ =	swait.ge [sflag:s14], $0xC800  }
0x1e5: {  	s0 =	sld [smem:$0x7C9]  }
0x1e6: {  	[sflag:s14] =	ssyncset.done $0x0  }
0x1e7: {  	[sflag:s14] =	ssyncadd.s32 $0xFFFF3800  }
0x1e8: {  	[hbm4b:s0+s2] =	stream.linear.scatter [tilespmem:s9], [sflag:$0x4], $0xC800, $0x38;
	[tilespmem:$0x19400] =	vst v63  }
0x1e9: {  	_ =	swait.ge [sflag:s6], $0xC800  }
0x1ea: {  	s0 =	sld [smem:$0x7CB]  }
0x1eb: {  	[sflag:s6] =	ssyncset.done $0x0  }
0x1ec: {  	[sflag:s6] =	ssyncadd.s32 $0xFFFF3800  }
0x1ed: {  	[tilespmem:s16], [sflag:$0x5] =	stream.linear.gather [hbm4b:s0+s2], $0x190, $0x38;
	[tilespmem:$0x19400] =	vst v63  }
0x1ee: {  	_ =	swait.ge [sflag:s11], $0x190  }
0x1ef: {  	[sflag:s11] =	ssyncset.done $0x0  }
0x1f0: {  	[sflag:s11] =	ssyncadd.s32 $0xFFFFFE70  }
0x1f1: {  	[tilespmem:s9], [sflag:$0x2] =	stream.indirect.gather [hbm4b:s3+s12], $0x80, s16, s12, $0xb8;
	[tilespmem:$0x19400] =	vst v63  }
0x1f2: {  	_ =	swait.ge [sflag:s15], $0xC800  }
0x1f3: {  	s0 =	sld [smem:$0x7CD]  }
0x1f4: {  	[sflag:s15] =	ssyncset.done $0x0  }
0x1f5: {  	[sflag:s15] =	ssyncadd.s32 $0xFFFF3800  }
0x1f6: {  	[hbm4b:s0+s2] =	stream.linear.scatter [tilespmem:s7], [sflag:$0x3], $0xC800, $0x38;
	[tilespmem:$0x19400] =	vst v63  }
0x1f7: {  	_ =	swait.ge [sflag:s8], $0xC800  }
0x1f8: {  	s0 =	sld [smem:$0x7CF]  }
0x1f9: {  	[sflag:s8] =	ssyncset.done $0x0  }
0x1fa: {  	[sflag:s8] =	ssyncadd.s32 $0xFFFF3800  }
0x1fb: {  	[tilespmem:s2], [sflag:$0x5] =	stream.linear.gather [hbm4b:s0+s2], $0x190, $0x38;
	[tilespmem:$0x19400] =	vst v63  }
0x1fc: {  	_ =	swait.ge [sflag:s11], $0x190  }
0x1fd: {  	[sflag:s11] =	ssyncset.done $0x0  }
0x1fe: {  	[sflag:s11] =	ssyncadd.s32 $0xFFFFFE70  }
0x1ff: {  	[tilespmem:s7], [sflag:$0x1] =	stream.indirect.gather [hbm4b:s3+s12], $0x80, s2, s12, $0xb8;
	[tilespmem:$0x19400] =	vst v63  }
0x200: {  	_ =	swait.ge [sflag:s14], $0xC800  }
0x201: {  	s0 =	sld [smem:$0x7D1]  }
0x202: {  	[sflag:s14] =	ssyncset.done $0x0  }
0x203: {  	[sflag:s14] =	ssyncadd.s32 $0xFFFF3800  }
0x204: {  	[hbm4b:s0+s2] =	stream.linear.scatter [tilespmem:s9], [sflag:$0x4], $0xC800, $0x38;
	[tilespmem:$0x19400] =	vst v63  }
0x205: {  	_ =	swait.ge [sflag:s6], $0xC800  }
0x206: {  	s0 =	sld [smem:$0x7D3]  }
0x207: {  	[sflag:s6] =	ssyncset.done $0x0  }
0x208: {  	[sflag:s6] =	ssyncadd.s32 $0xFFFF3800  }
0x209: {  	[tilespmem:s16], [sflag:$0x5] =	stream.linear.gather [hbm4b:s0+s2], $0x190, $0x38;
	[tilespmem:$0x19400] =	vst v63  }
0x20a: {  	_ =	swait.ge [sflag:s11], $0x190  }
0x20b: {  	[sflag:s11] =	ssyncset.done $0x0  }
0x20c: {  	[sflag:s11] =	ssyncadd.s32 $0xFFFFFE70  }
0x20d: {  	[tilespmem:s9], [sflag:$0x2] =	stream.indirect.gather [hbm4b:s3+s12], $0x80, s16, s12, $0xb8;
	[tilespmem:$0x19400] =	vst v63  }
0x20e: {  	_ =	swait.ge [sflag:s15], $0xC800  }
0x20f: {  	s0 =	sld [smem:$0x7D5]  }
0x210: {  	[sflag:s15] =	ssyncset.done $0x0  }
0x211: {  	[sflag:s15] =	ssyncadd.s32 $0xFFFF3800  }
0x212: {  	[hbm4b:s0+s2] =	stream.linear.scatter [tilespmem:s7], [sflag:$0x3], $0xC800, $0x38;
	[tilespmem:$0x19400] =	vst v63  }
0x213: {  	_ =	swait.ge [sflag:s8], $0xC800  }
0x214: {  	s0 =	sld [smem:$0x7D7]  }
0x215: {  	[sflag:s8] =	ssyncset.done $0x0  }
0x216: {  	[sflag:s8] =	ssyncadd.s32 $0xFFFF3800  }
0x217: {  	[tilespmem:s2], [sflag:$0x5] =	stream.linear.gather [hbm4b:s0+s2], $0x190, $0x38;
	[tilespmem:$0x19400] =	vst v63  }
0x218: {  	_ =	swait.ge [sflag:s11], $0x190  }
0x219: {  	[sflag:s11] =	ssyncset.done $0x0  }
0x21a: {  	[sflag:s11] =	ssyncadd.s32 $0xFFFFFE70  }
0x21b: {  	[tilespmem:s7], [sflag:$0x1] =	stream.indirect.gather [hbm4b:s3+s12], $0x80, s2, s12, $0xb8;
	[tilespmem:$0x19400] =	vst v63  }
0x21c: {  	_ =	swait.ge [sflag:s14], $0xC800  }
0x21d: {  	s0 =	sld [smem:$0x7D9]  }
0x21e: {  	[sflag:s14] =	ssyncset.done $0x0  }
0x21f: {  	[sflag:s14] =	ssyncadd.s32 $0xFFFF3800  }
0x220: {  	[hbm4b:s0+s2] =	stream.linear.scatter [tilespmem:s9], [sflag:$0x4], $0xC800, $0x38;
	[tilespmem:$0x19400] =	vst v63  }
0x221: {  	_ =	swait.ge [sflag:s6], $0xC800  }
0x222: {  	s0 =	sld [smem:$0x7DB]  }
0x223: {  	[sflag:s6] =	ssyncset.done $0x0  }
0x224: {  	[sflag:s6] =	ssyncadd.s32 $0xFFFF3800  }
0x225: {  	[tilespmem:s16], [sflag:$0x5] =	stream.linear.gather [hbm4b:s0+s2], $0x190, $0x38;
	[tilespmem:$0x19400] =	vst v63  }
0x226: {  	_ =	swait.ge [sflag:s11], $0x190  }
0x227: {  	[sflag:s11] =	ssyncset.done $0x0  }
0x228: {  	[sflag:s11] =	ssyncadd.s32 $0xFFFFFE70  }
0x229: {  	[tilespmem:s9], [sflag:$0x2] =	stream.indirect.gather [hbm4b:s3+s12], $0x80, s16, s12, $0xb8;
	[tilespmem:$0x19400] =	vst v63  }
0x22a: {  	_ =	swait.ge [sflag:s15], $0xC800  }
0x22b: {  	s0 =	sld [smem:$0x7DD]  }
0x22c: {  	[sflag:s15] =	ssyncset.done $0x0  }
0x22d: {  	[sflag:s15] =	ssyncadd.s32 $0xFFFF3800  }
0x22e: {  	[hbm4b:s0+s2] =	stream.linear.scatter [tilespmem:s7], [sflag:$0x3], $0xC800, $0x38;
	[tilespmem:$0x19400] =	vst v63  }
0x22f: {  	_ =	swait.ge [sflag:s8], $0xC800  }
0x230: {  	s0 =	sld [smem:$0x7DF]  }
0x231: {  	[sflag:s8] =	ssyncset.done $0x0  }
0x232: {  	[sflag:s8] =	ssyncadd.s32 $0xFFFF3800  }
0x233: {  	[tilespmem:s2], [sflag:$0x5] =	stream.linear.gather [hbm4b:s0+s2], $0x190, $0x38;
	[tilespmem:$0x19400] =	vst v63  }
0x234: {  	_ =	swait.ge [sflag:s11], $0x190  }
0x235: {  	[sflag:s11] =	ssyncset.done $0x0  }
0x236: {  	[sflag:s11] =	ssyncadd.s32 $0xFFFFFE70  }
0x237: {  	[tilespmem:s7], [sflag:$0x1] =	stream.indirect.gather [hbm4b:s3+s12], $0x80, s2, s12, $0xb8;
	[tilespmem:$0x19400] =	vst v63  }
0x238: {  	_ =	swait.ge [sflag:s14], $0xC800  }
0x239: {  	s0 =	sld [smem:$0x7E1]  }
0x23a: {  	[sflag:s14] =	ssyncset.done $0x0  }
0x23b: {  	[sflag:s14] =	ssyncadd.s32 $0xFFFF3800  }
0x23c: {  	[hbm4b:s0+s2] =	stream.linear.scatter [tilespmem:s9], [sflag:$0x4], $0xC800, $0x38;
	[tilespmem:$0x19400] =	vst v63  }
0x23d: {  	_ =	swait.ge [sflag:s6], $0xC800  }
0x23e: {  	s0 =	sld [smem:$0x7E3]  }
0x23f: {  	[sflag:s6] =	ssyncset.done $0x0  }
0x240: {  	[sflag:s6] =	ssyncadd.s32 $0xFFFF3800  }
0x241: {  	[tilespmem:s16], [sflag:$0x5] =	stream.linear.gather [hbm4b:s0+s2], $0x190, $0x38;
	[tilespmem:$0x19400] =	vst v63  }
0x242: {  	_ =	swait.ge [sflag:s11], $0x190  }
0x243: {  	[sflag:s11] =	ssyncset.done $0x0  }
0x244: {  	[sflag:s11] =	ssyncadd.s32 $0xFFFFFE70  }
0x245: {  	[tilespmem:s9], [sflag:$0x2] =	stream.indirect.gather [hbm4b:s3+s12], $0x80, s16, s12, $0xb8;
	[tilespmem:$0x19400] =	vst v63  }
0x246: {  	_ =	swait.ge [sflag:s15], $0xC800  }
0x247: {  	s0 =	sld [smem:$0x7E5]  }
0x248: {  	[sflag:s15] =	ssyncset.done $0x0  }
0x249: {  	[sflag:s15] =	ssyncadd.s32 $0xFFFF3800  }
0x24a: {  	[hbm4b:s0+s2] =	stream.linear.scatter [tilespmem:s7], [sflag:$0x3], $0xC800, $0x38;
	[tilespmem:$0x19400] =	vst v63  }
0x24b: {  	_ =	swait.ge [sflag:s8], $0xC800  }
0x24c: {  	s0 =	sld [smem:$0x7E7]  }
0x24d: {  	[sflag:s8] =	ssyncset.done $0x0  }
0x24e: {  	[sflag:s8] =	ssyncadd.s32 $0xFFFF3800  }
0x24f: {  	[tilespmem:s2], [sflag:$0x5] =	stream.linear.gather [hbm4b:s0+s2], $0x190, $0x38;
	[tilespmem:$0x19400] =	vst v63  }
0x250: {  	_ =	swait.ge [sflag:s11], $0x190  }
0x251: {  	[sflag:s11] =	ssyncset.done $0x0  }
0x252: {  	[sflag:s11] =	ssyncadd.s32 $0xFFFFFE70  }
0x253: {  	[tilespmem:s7], [sflag:$0x1] =	stream.indirect.gather [hbm4b:s3+s12], $0x80, s2, s12, $0xb8;
	[tilespmem:$0x19400] =	vst v63  }
0x254: {  	_ =	swait.ge [sflag:s14], $0xC800  }
0x255: {  	s0 =	sld [smem:$0x7E9]  }
0x256: {  	[sflag:s14] =	ssyncset.done $0x0  }
0x257: {  	[sflag:s14] =	ssyncadd.s32 $0xFFFF3800  }
0x258: {  	[hbm4b:s0+s2] =	stream.linear.scatter [tilespmem:s9], [sflag:$0x4], $0xC800, $0x38;
	[tilespmem:$0x19400] =	vst v63  }
0x259: {  	_ =	swait.ge [sflag:s6], $0xC800  }
0x25a: {  	s0 =	sld [smem:$0x7EB]  }
0x25b: {  	[sflag:s6] =	ssyncset.done $0x0  }
0x25c: {  	[sflag:s6] =	ssyncadd.s32 $0xFFFF3800  }
0x25d: {  	[tilespmem:s16], [sflag:$0x5] =	stream.linear.gather [hbm4b:s0+s2], $0x190, $0x38;
	[tilespmem:$0x19400] =	vst v63  }
0x25e: {  	_ =	swait.ge [sflag:s11], $0x190  }
0x25f: {  	[sflag:s11] =	ssyncset.done $0x0  }
0x260: {  	[sflag:s11] =	ssyncadd.s32 $0xFFFFFE70  }
0x261: {  	[tilespmem:s9], [sflag:$0x2] =	stream.indirect.gather [hbm4b:s3+s12], $0x80, s16, s12, $0xb8;
	[tilespmem:$0x19400] =	vst v63  }
0x262: {  	_ =	swait.ge [sflag:s15], $0xC800  }
0x263: {  	s0 =	sld [smem:$0x7ED]  }
0x264: {  	[sflag:s15] =	ssyncset.done $0x0  }
0x265: {  	[sflag:s15] =	ssyncadd.s32 $0xFFFF3800  }
0x266: {  	[hbm4b:s0+s2] =	stream.linear.scatter [tilespmem:s7], [sflag:$0x3], $0xC800, $0x38;
	[tilespmem:$0x19400] =	vst v63  }
0x267: {  	_ =	swait.ge [sflag:s8], $0xC800  }
0x268: {  	s0 =	sld [smem:$0x7EF]  }
0x269: {  	[sflag:s8] =	ssyncset.done $0x0  }
0x26a: {  	[sflag:s8] =	ssyncadd.s32 $0xFFFF3800  }
0x26b: {  	[tilespmem:s2], [sflag:$0x5] =	stream.linear.gather [hbm4b:s0+s2], $0x190, $0x38;
	[tilespmem:$0x19400] =	vst v63  }
0x26c: {  	_ =	swait.ge [sflag:s11], $0x190  }
0x26d: {  	[sflag:s11] =	ssyncset.done $0x0  }
0x26e: {  	[sflag:s11] =	ssyncadd.s32 $0xFFFFFE70  }
0x26f: {  	[tilespmem:s7], [sflag:$0x1] =	stream.indirect.gather [hbm4b:s3+s12], $0x80, s2, s12, $0xb8;
	[tilespmem:$0x19400] =	vst v63  }
0x270: {  	_ =	swait.ge [sflag:s14], $0xC800  }
0x271: {  	s0 =	sld [smem:$0x7F1]  }
0x272: {  	[sflag:s14] =	ssyncset.done $0x0  }
0x273: {  	[sflag:s14] =	ssyncadd.s32 $0xFFFF3800  }
0x274: {  	[hbm4b:s0+s2] =	stream.linear.scatter [tilespmem:s9], [sflag:$0x4], $0xC800, $0x38;
	[tilespmem:$0x19400] =	vst v63  }
0x275: {  	_ =	swait.ge [sflag:s6], $0xC800  }
0x276: {  	s0 =	sld [smem:$0x7F3]  }
0x277: {  	[sflag:s6] =	ssyncset.done $0x0  }
0x278: {  	[sflag:s6] =	ssyncadd.s32 $0xFFFF3800  }
0x279: {  	[tilespmem:s16], [sflag:$0x5] =	stream.linear.gather [hbm4b:s0+s2], $0x190, $0x38;
	[tilespmem:$0x19400] =	vst v63  }
0x27a: {  	_ =	swait.ge [sflag:s11], $0x190  }
0x27b: {  	[sflag:s11] =	ssyncset.done $0x0  }
0x27c: {  	[sflag:s11] =	ssyncadd.s32 $0xFFFFFE70  }
0x27d: {  	[tilespmem:s9], [sflag:$0x2] =	stream.indirect.gather [hbm4b:s3+s12], $0x80, s16, s12, $0xb8;
	[tilespmem:$0x19400] =	vst v63  }
0x27e: {  	_ =	swait.ge [sflag:s15], $0xC800  }
0x27f: {  	s0 =	sld [smem:$0x7F5]  }
0x280: {  	[sflag:s15] =	ssyncset.done $0x0  }
0x281: {  	[sflag:s15] =	ssyncadd.s32 $0xFFFF3800  }
0x282: {  	[hbm4b:s0+s2] =	stream.linear.scatter [tilespmem:s7], [sflag:$0x3], $0xC800, $0x38;
	[tilespmem:$0x19400] =	vst v63  }
0x283: {  	_ =	swait.ge [sflag:s8], $0xC800  }
0x284: {  	s0 =	sld [smem:$0x7F6]  }
0x285: {  	[sflag:s8] =	ssyncset.done $0x0  }
0x286: {  	[sflag:s8] =	ssyncadd.s32 $0xFFFF3800  }
0x287: {  	[tilespmem:s2], [sflag:$0x5] =	stream.linear.gather [hbm4b:s0+s2], $0x190, $0x38;
	[tilespmem:$0x19400] =	vst v63  }
0x288: {  	_ =	swait.ge [sflag:s11], $0x190  }
0x289: {  	[sflag:s11] =	ssyncset.done $0x0  }
0x28a: {  	[sflag:s11] =	ssyncadd.s32 $0xFFFFFE70  }
0x28b: {  	[tilespmem:s7], [sflag:$0x1] =	stream.indirect.gather [hbm4b:s3+s12], $0x80, s2, s12, $0xb8;
	[tilespmem:$0x19400] =	vst v63  }
0x28c: {  	_ =	swait.ge [sflag:s14], $0xC800  }
0x28d: {  	s0 =	sld [smem:$0x7F7]  }
0x28e: {  	[sflag:s14] =	ssyncset.done $0x0  }
0x28f: {  	[sflag:s14] =	ssyncadd.s32 $0xFFFF3800  }
0x290: {  	[hbm4b:s0+s2] =	stream.linear.scatter [tilespmem:s9], [sflag:$0x4], $0xC800, $0x38;
	[tilespmem:$0x19400] =	vst v63  }
0x291: {  	_ =	swait.ge [sflag:s6], $0xC800  }
0x292: {  	s0 =	sld [smem:$0x7F8]  }
0x293: {  	[sflag:s6] =	ssyncset.done $0x0  }
0x294: {  	[sflag:s6] =	ssyncadd.s32 $0xFFFF3800  }
0x295: {  	[tilespmem:s16], [sflag:$0x5] =	stream.linear.gather [hbm4b:s0+s2], $0x190, $0x38;
	[tilespmem:$0x19400] =	vst v63  }
0x296: {  	_ =	swait.ge [sflag:s11], $0x190  }
0x297: {  	[sflag:s11] =	ssyncset.done $0x0  }
0x298: {  	[sflag:s11] =	ssyncadd.s32 $0xFFFFFE70  }
0x299: {  	[tilespmem:s9], [sflag:$0x2] =	stream.indirect.gather [hbm4b:s3+s12], $0x80, s16, s12, $0xb8;
	[tilespmem:$0x19400] =	vst v63  }
0x29a: {  	_ =	swait.ge [sflag:s15], $0xC800  }
0x29b: {  	s0 =	sld [smem:$0x7FA]  }
0x29c: {  	[sflag:s15] =	ssyncset.done $0x0  }
0x29d: {  	[sflag:s15] =	ssyncadd.s32 $0xFFFF3800  }
0x29e: {  	[hbm4b:s0+s2] =	stream.linear.scatter [tilespmem:s7], [sflag:$0x3], $0xC800, $0x38;
	[tilespmem:$0x19400] =	vst v63  }
0x29f: {  	_ =	swait.ge [sflag:s8], $0xC800  }
0x2a0: {  	s0 =	sld [smem:$0x7FB]  }
0x2a1: {  	[sflag:s8] =	ssyncset.done $0x0  }
0x2a2: {  	[sflag:s8] =	ssyncadd.s32 $0xFFFF3800  }
0x2a3: {  	[tilespmem:s2], [sflag:$0x5] =	stream.linear.gather [hbm4b:s0+s2], $0x190, $0x38;
	[tilespmem:$0x19400] =	vst v63  }
0x2a4: {  	_ =	swait.ge [sflag:s11], $0x190  }
0x2a5: {  	[sflag:s11] =	ssyncset.done $0x0  }
0x2a6: {  	[sflag:s11] =	ssyncadd.s32 $0xFFFFFE70  }
0x2a7: {  	[tilespmem:s7], [sflag:$0x1] =	stream.indirect.gather [hbm4b:s3+s12], $0x80, s2, s12, $0xb8;
	[tilespmem:$0x19400] =	vst v63  }
0x2a8: {  	_ =	swait.ge [sflag:s14], $0xC800  }
0x2a9: {  	s0 =	sld [smem:$0x7FC]  }
0x2aa: {  	[sflag:s14] =	ssyncset.done $0x0  }
0x2ab: {  	[sflag:s14] =	ssyncadd.s32 $0xFFFF3800  }
0x2ac: {  	[hbm4b:s0+s2] =	stream.linear.scatter [tilespmem:s9], [sflag:$0x4], $0xC800, $0x38;
	[tilespmem:$0x19400] =	vst v63  }
0x2ad: {  	_ =	swait.ge [sflag:s6], $0xC800  }
0x2ae: {  	s0 =	sld [smem:$0x7FD]  }
0x2af: {  	[sflag:s6] =	ssyncset.done $0x0  }
0x2b0: {  	[sflag:s6] =	ssyncadd.s32 $0xFFFF3800  }
0x2b1: {  	[tilespmem:s16], [sflag:$0x5] =	stream.linear.gather [hbm4b:s0+s2], $0x190, $0x38;
	[tilespmem:$0x19400] =	vst v63  }
0x2b2: {  	_ =	swait.ge [sflag:s11], $0x190  }
0x2b3: {  	[sflag:s11] =	ssyncset.done $0x0  }
0x2b4: {  	[sflag:s11] =	ssyncadd.s32 $0xFFFFFE70  }
0x2b5: {  	[tilespmem:s9], [sflag:$0x2] =	stream.indirect.gather [hbm4b:s3+s12], $0x80, s16, s12, $0xb8;
	[tilespmem:$0x19400] =	vst v63  }
0x2b6: {  	_ =	swait.ge [sflag:s15], $0xC800  }
0x2b7: {  	[sflag:s15] =	ssyncset.done $0x0  }
0x2b8: {  	[sflag:s15] =	ssyncadd.s32 $0xFFFF3800  }
0x2b9: {  	[hbm4b:s31+s2] =	stream.linear.scatter [tilespmem:s7], [sflag:$0x3], $0xC800, $0x38;
	[tilespmem:$0x19400] =	vst v63  }
0x2ba: {  	_ =	swait.ge [sflag:s8], $0xC800  }
0x2bb: {  	[sflag:s8] =	ssyncset.done $0x0  }
0x2bc: {  	[sflag:s8] =	ssyncadd.s32 $0xFFFF3800  }
0x2bd: {  	[tilespmem:s2], [sflag:$0x5] =	stream.linear.gather [hbm4b:s30+s2], $0x190, $0x38;
	[tilespmem:$0x19400] =	vst v63  }
0x2be: {  	_ =	swait.ge [sflag:s11], $0x190  }
0x2bf: {  	[sflag:s11] =	ssyncset.done $0x0  }
0x2c0: {  	[sflag:s11] =	ssyncadd.s32 $0xFFFFFE70  }
0x2c1: {  	[tilespmem:s7], [sflag:$0x1] =	stream.indirect.gather [hbm4b:s3+s12], $0x80, s2, s12, $0xb8;
	[tilespmem:$0x19400] =	vst v63  }
0x2c2: {  	_ =	swait.ge [sflag:s14], $0xC800  }
0x2c3: {  	[sflag:s14] =	ssyncset.done $0x0  }
0x2c4: {  	[sflag:s14] =	ssyncadd.s32 $0xFFFF3800  }
0x2c5: {  	[hbm4b:s29+s2] =	stream.linear.scatter [tilespmem:s9], [sflag:$0x4], $0xC800, $0x38;
	[tilespmem:$0x19400] =	vst v63  }
0x2c6: {  	_ =	swait.ge [sflag:s6], $0xC800  }
0x2c7: {  	[sflag:s6] =	ssyncset.done $0x0  }
0x2c8: {  	[sflag:s6] =	ssyncadd.s32 $0xFFFF3800  }
0x2c9: {  	[tilespmem:s16], [sflag:$0x5] =	stream.linear.gather [hbm4b:s28+s2], $0x190, $0x38;
	[tilespmem:$0x19400] =	vst v63  }
0x2ca: {  	_ =	swait.ge [sflag:s11], $0x190  }
0x2cb: {  	[sflag:s11] =	ssyncset.done $0x0  }
0x2cc: {  	[sflag:s11] =	ssyncadd.s32 $0xFFFFFE70  }
0x2cd: {  	[tilespmem:s9], [sflag:$0x2] =	stream.indirect.gather [hbm4b:s3+s12], $0x80, s16, s12, $0xb8;
	[tilespmem:$0x19400] =	vst v63  }
0x2ce: {  	_ =	swait.ge [sflag:s15], $0xC800  }
0x2cf: {  	[sflag:s15] =	ssyncset.done $0x0  }
0x2d0: {  	[sflag:s15] =	ssyncadd.s32 $0xFFFF3800  }
0x2d1: {  	[hbm4b:s26+s2] =	stream.linear.scatter [tilespmem:s7], [sflag:$0x3], $0xC800, $0x38;
	[tilespmem:$0x19400] =	vst v63  }
0x2d2: {  	_ =	swait.ge [sflag:s8], $0xC800  }
0x2d3: {  	[sflag:s8] =	ssyncset.done $0x0  }
0x2d4: {  	[sflag:s8] =	ssyncadd.s32 $0xFFFF3800  }
0x2d5: {  	[tilespmem:s2], [sflag:$0x5] =	stream.linear.gather [hbm4b:s25+s2], $0x190, $0x38;
	[tilespmem:$0x19400] =	vst v63  }
0x2d6: {  	_ =	swait.ge [sflag:s11], $0x190  }
0x2d7: {  	[sflag:s11] =	ssyncset.done $0x0  }
0x2d8: {  	[sflag:s11] =	ssyncadd.s32 $0xFFFFFE70  }
0x2d9: {  	[tilespmem:s7], [sflag:$0x1] =	stream.indirect.gather [hbm4b:s3+s12], $0x80, s2, s12, $0xb8;
	[tilespmem:$0x19400] =	vst v63  }
0x2da: {  	_ =	swait.ge [sflag:s14], $0xC800  }
0x2db: {  	[sflag:s14] =	ssyncset.done $0x0  }
0x2dc: {  	[sflag:s14] =	ssyncadd.s32 $0xFFFF3800  }
0x2dd: {  	[hbm4b:s24+s2] =	stream.linear.scatter [tilespmem:s9], [sflag:$0x4], $0xC800, $0x38;
	[tilespmem:$0x19400] =	vst v63  }
0x2de: {  	_ =	swait.ge [sflag:s6], $0xC800  }
0x2df: {  	[sflag:s6] =	ssyncset.done $0x0  }
0x2e0: {  	[sflag:s6] =	ssyncadd.s32 $0xFFFF3800  }
0x2e1: {  	[tilespmem:s16], [sflag:$0x5] =	stream.linear.gather [hbm4b:s23+s2], $0x190, $0x38;
	[tilespmem:$0x19400] =	vst v63  }
0x2e2: {  	_ =	swait.ge [sflag:s11], $0x190  }
0x2e3: {  	[sflag:s11] =	ssyncset.done $0x0  }
0x2e4: {  	[sflag:s11] =	ssyncadd.s32 $0xFFFFFE70  }
0x2e5: {  	[tilespmem:s9], [sflag:$0x2] =	stream.indirect.gather [hbm4b:s3+s12], $0x80, s16, s12, $0xb8;
	[tilespmem:$0x19400] =	vst v63  }
0x2e6: {  	_ =	swait.ge [sflag:s15], $0xC800  }
0x2e7: {  	[sflag:s15] =	ssyncset.done $0x0  }
0x2e8: {  	[sflag:s15] =	ssyncadd.s32 $0xFFFF3800  }
0x2e9: {  	[hbm4b:s22+s2] =	stream.linear.scatter [tilespmem:s7], [sflag:$0x3], $0xC800, $0x38;
	[tilespmem:$0x19400] =	vst v63  }
0x2ea: {  	_ =	swait.ge [sflag:s8], $0xC800  }
0x2eb: {  	[sflag:s8] =	ssyncset.done $0x0  }
0x2ec: {  	[sflag:s8] =	ssyncadd.s32 $0xFFFF3800  }
0x2ed: {  	[tilespmem:s2], [sflag:$0x5] =	stream.linear.gather [hbm4b:s21+s2], $0x190, $0x38;
	[tilespmem:$0x19400] =	vst v63  }
0x2ee: {  	_ =	swait.ge [sflag:s11], $0x190  }
0x2ef: {  	[sflag:s11] =	ssyncset.done $0x0  }
0x2f0: {  	[sflag:s11] =	ssyncadd.s32 $0xFFFFFE70  }
0x2f1: {  	[tilespmem:s7], [sflag:$0x1] =	stream.indirect.gather [hbm4b:s3+s12], $0x80, s2, s12, $0xb8;
	[tilespmem:$0x19400] =	vst v63  }
0x2f2: {  	_ =	swait.ge [sflag:s14], $0xC800  }
0x2f3: {  	[sflag:s14] =	ssyncset.done $0x0  }
0x2f4: {  	[sflag:s14] =	ssyncadd.s32 $0xFFFF3800  }
0x2f5: {  	[hbm4b:s20+s2] =	stream.linear.scatter [tilespmem:s9], [sflag:$0x4], $0xC800, $0x38;
	[tilespmem:$0x19400] =	vst v63  }
0x2f6: {  	_ =	swait.ge [sflag:s6], $0xC800  }
0x2f7: {  	[sflag:s6] =	ssyncset.done $0x0  }
0x2f8: {  	[sflag:s6] =	ssyncadd.s32 $0xFFFF3800  }
0x2f9: {  	[tilespmem:s16], [sflag:$0x5] =	stream.linear.gather [hbm4b:s19+s2], $0x190, $0x38;
	[tilespmem:$0x19400] =	vst v63  }
0x2fa: {  	_ =	swait.ge [sflag:s11], $0x190  }
0x2fb: {  	[sflag:s11] =	ssyncset.done $0x0  }
0x2fc: {  	[sflag:s11] =	ssyncadd.s32 $0xFFFFFE70  }
0x2fd: {  	[tilespmem:s9], [sflag:$0x2] =	stream.indirect.gather [hbm4b:s3+s12], $0x80, s16, s12, $0xb8;
	[tilespmem:$0x19400] =	vst v63  }
0x2fe: {  	_ =	swait.ge [sflag:s15], $0xC800  }
0x2ff: {  	[sflag:s15] =	ssyncset.done $0x0  }
0x300: {  	[sflag:s15] =	ssyncadd.s32 $0xFFFF3800  }
0x301: {  	[hbm4b:s18+s2] =	stream.linear.scatter [tilespmem:s7], [sflag:$0x3], $0xC800, $0x38;
	[tilespmem:$0x19400] =	vst v63  }
0x302: {  	_ =	swait.ge [sflag:s8], $0xC800  }
0x303: {  	[sflag:s8] =	ssyncset.done $0x0  }
0x304: {  	[sflag:s8] =	ssyncadd.s32 $0xFFFF3800  }
0x305: {  	[tilespmem:s2], [sflag:$0x5] =	stream.linear.gather [hbm4b:s17+s2], $0x190, $0x38;
	[tilespmem:$0x19400] =	vst v63  }
0x306: {  	_ =	swait.ge [sflag:s11], $0x190  }
0x307: {  	[sflag:s11] =	ssyncset.done $0x0  }
0x308: {  	[sflag:s11] =	ssyncadd.s32 $0xFFFFFE70  }
0x309: {  	[tilespmem:s7], [sflag:$0x1] =	stream.indirect.gather [hbm4b:s3+s12], $0x80, s2, s12, $0xb8;
	[tilespmem:$0x19400] =	vst v63  }
0x30a: {  	_ =	swait.ge [sflag:s14], $0xC800  }
0x30b: {  	[sflag:s14] =	ssyncset.done $0x0  }
0x30c: {  	[sflag:s14] =	ssyncadd.s32 $0xFFFF3800  }
0x30d: {  	[hbm4b:s13+s2] =	stream.linear.scatter [tilespmem:s9], [sflag:$0x4], $0xC800, $0x38;
	[tilespmem:$0x19400] =	vst v63  }
0x30e: {  	_ =	swait.ge [sflag:s6], $0xC800  }
0x30f: {  	[sflag:s6] =	ssyncset.done $0x0  }
0x310: {  	[sflag:s6] =	ssyncadd.s32 $0xFFFF3800  }
0x311: {  	[tilespmem:s16], [sflag:$0x5] =	stream.linear.gather [hbm4b:s10+s2], $0x190, $0x38;
	[tilespmem:$0x19400] =	vst v63  }
0x312: {  	_ =	swait.ge [sflag:s11], $0x190  }
0x313: {  	[sflag:s11] =	ssyncset.done $0x0  }
0x314: {  	[sflag:s11] =	ssyncadd.s32 $0xFFFFFE70  }
0x315: {  	[tilespmem:s9], [sflag:$0x2] =	stream.indirect.gather [hbm4b:s3+s12], $0x80, s16, s12, $0xb8;
	[tilespmem:$0x19400] =	vst v63  }
0x316: {  	_ =	swait.ge [sflag:s15], $0xC800  }
0x317: {  	[sflag:s15] =	ssyncset.done $0x0  }
0x318: {  	[sflag:s15] =	ssyncadd.s32 $0xFFFF3800  }
0x319: {  	[hbm4b:s5+s2] =	stream.linear.scatter [tilespmem:s7], [sflag:$0x3], $0xC800, $0x38;
	[tilespmem:$0x19400] =	vst v63  }
0x31a: {  	_ =	swait.ge [sflag:s14], $0xC800  }
0x31b: {  	[sflag:s14] =	ssyncset.done $0x0  }
0x31c: {  	p1 =	sne.s32 s1, $0x1;
	[sflag:s14] =	ssyncadd.s32 $0xFFFF3800  }
0x31d: {  	[hbm4b:s4+s2] =	stream.linear.scatter [tilespmem:s9], [sflag:$0x4], $0xC800, $0x38;
	[tilespmem:$0x19400] =	vst v63  }
.Ltmp1:
0x31e: {  	_ =	swait.ge [sflag:s8], $0xC800;
	(pc) =	sbr.rel @!p1 .LBB2_3-.Ltmp1, $4  }
0x31f: {  	[sflag:s8] =	ssyncset.done $0x0  }
0x320: {  	[sflag:s8] =	ssyncadd.s32 $0xFFFF3800  }
0x321: {  	s1 =	sadd.s32 $0xFFFFFFFF, s1;
	_ =	swait.ge [sflag:s6], $0xC800  }
0x322: {  	p0 =	por $0x1, $0x1;
	s0 =	rddreg [dreg:$0x2];
	[sflag:s6] =	ssyncset.done $0x0  }
.LBB2_2:
0x323: {  	[sflag:s6] =	ssyncadd.s32 $0xFFFF3800  }
0x324: {  	[tilespmem:s2], [sflag:$0x5] =	stream.linear.gather [hbm4b:s0+s2], $0x190, $0x38;
	[tilespmem:$0x19400] =	vst v63  }
0x325: {  	_ =	swait.ge [sflag:s11], $0x190  }
0x326: {  	[sflag:s11] =	ssyncset.done $0x0  }
0x327: {  	[sflag:s11] =	ssyncadd.s32 $0xFFFFFE70  }
0x328: {  	[tilespmem:s7], [sflag:$0x1] =	stream.indirect.gather [hbm4b:s3+s12], $0x80, s2, s12, $0xb8;
	[tilespmem:$0x19400] =	vst v63  }
0x329: {  	s0 =	rddreg [dreg:$0x3]  }
0x32a: {  	[tilespmem:s16], [sflag:$0x5] =	stream.linear.gather [hbm4b:s0+s2], $0x190, $0x38;
	[tilespmem:$0x19400] =	vst v63  }
0x32b: {  	_ =	swait.ge [sflag:s11], $0x190  }
0x32c: {  	[sflag:s11] =	ssyncset.done $0x0  }
0x32d: {  	[sflag:s11] =	ssyncadd.s32 $0xFFFFFE70  }
0x32e: {  	[tilespmem:s9], [sflag:$0x2] =	stream.indirect.gather [hbm4b:s3+s12], $0x80, s16, s12, $0xb8;
	[tilespmem:$0x19400] =	vst v63  }
0x32f: {  	_ =	swait.ge [sflag:s15], $0xC800  }
0x330: {  	[sflag:s15] =	ssyncset.done $0x0  }
0x331: {  	s0 =	rddreg [dreg:$0x4];
	[sflag:s15] =	ssyncadd.s32 $0xFFFF3800  }
0x332: {  	[hbm4b:s0+s2] =	stream.linear.scatter [tilespmem:s7], [sflag:$0x3], $0xC800, $0x38;
	[tilespmem:$0x19400] =	vst v63  }
0x333: {  	_ =	swait.ge [sflag:s8], $0xC800  }
0x334: {  	[sflag:s8] =	ssyncset.done $0x0  }
0x335: {  	s0 =	rddreg [dreg:$0x5];
	[sflag:s8] =	ssyncadd.s32 $0xFFFF3800  }
0x336: {  	[tilespmem:s2], [sflag:$0x5] =	stream.linear.gather [hbm4b:s0+s2], $0x190, $0x38;
	[tilespmem:$0x19400] =	vst v63  }
0x337: {  	_ =	swait.ge [sflag:s11], $0x190  }
0x338: {  	[sflag:s11] =	ssyncset.done $0x0  }
0x339: {  	[sflag:s11] =	ssyncadd.s32 $0xFFFFFE70  }
0x33a: {  	[tilespmem:s7], [sflag:$0x1] =	stream.indirect.gather [hbm4b:s3+s12], $0x80, s2, s12, $0xb8;
	[tilespmem:$0x19400] =	vst v63  }
0x33b: {  	_ =	swait.ge [sflag:s14], $0xC800  }
0x33c: {  	[sflag:s14] =	ssyncset.done $0x0  }
0x33d: {  	s0 =	rddreg [dreg:$0x6];
	[sflag:s14] =	ssyncadd.s32 $0xFFFF3800  }
0x33e: {  	[hbm4b:s0+s2] =	stream.linear.scatter [tilespmem:s9], [sflag:$0x4], $0xC800, $0x38;
	[tilespmem:$0x19400] =	vst v63  }
0x33f: {  	_ =	swait.ge [sflag:s6], $0xC800  }
0x340: {  	[sflag:s6] =	ssyncset.done $0x0  }
0x341: {  	s0 =	rddreg [dreg:$0x7];
	[sflag:s6] =	ssyncadd.s32 $0xFFFF3800  }
0x342: {  	[tilespmem:s16], [sflag:$0x5] =	stream.linear.gather [hbm4b:s0+s2], $0x190, $0x38;
	[tilespmem:$0x19400] =	vst v63  }
0x343: {  	_ =	swait.ge [sflag:s11], $0x190  }
0x344: {  	[sflag:s11] =	ssyncset.done $0x0  }
0x345: {  	[sflag:s11] =	ssyncadd.s32 $0xFFFFFE70  }
0x346: {  	[tilespmem:s9], [sflag:$0x2] =	stream.indirect.gather [hbm4b:s3+s12], $0x80, s16, s12, $0xb8;
	[tilespmem:$0x19400] =	vst v63  }
0x347: {  	_ =	swait.ge [sflag:s15], $0xC800  }
0x348: {  	[sflag:s15] =	ssyncset.done $0x0  }
0x349: {  	s0 =	rddreg [dreg:$0x8];
	[sflag:s15] =	ssyncadd.s32 $0xFFFF3800  }
0x34a: {  	[hbm4b:s0+s2] =	stream.linear.scatter [tilespmem:s7], [sflag:$0x3], $0xC800, $0x38;
	[tilespmem:$0x19400] =	vst v63  }
0x34b: {  	_ =	swait.ge [sflag:s8], $0xC800  }
0x34c: {  	[sflag:s8] =	ssyncset.done $0x0  }
0x34d: {  	s0 =	rddreg [dreg:$0x9];
	[sflag:s8] =	ssyncadd.s32 $0xFFFF3800  }
0x34e: {  	[tilespmem:s2], [sflag:$0x5] =	stream.linear.gather [hbm4b:s0+s2], $0x190, $0x38;
	[tilespmem:$0x19400] =	vst v63  }
0x34f: {  	_ =	swait.ge [sflag:s11], $0x190  }
0x350: {  	[sflag:s11] =	ssyncset.done $0x0  }
0x351: {  	[sflag:s11] =	ssyncadd.s32 $0xFFFFFE70  }
0x352: {  	[tilespmem:s7], [sflag:$0x1] =	stream.indirect.gather [hbm4b:s3+s12], $0x80, s2, s12, $0xb8;
	[tilespmem:$0x19400] =	vst v63  }
0x353: {  	_ =	swait.ge [sflag:s14], $0xC800  }
0x354: {  	[sflag:s14] =	ssyncset.done $0x0  }
0x355: {  	s0 =	rddreg [dreg:$0xa];
	[sflag:s14] =	ssyncadd.s32 $0xFFFF3800  }
0x356: {  	[hbm4b:s0+s2] =	stream.linear.scatter [tilespmem:s9], [sflag:$0x4], $0xC800, $0x38;
	[tilespmem:$0x19400] =	vst v63  }
0x357: {  	_ =	swait.ge [sflag:s6], $0xC800  }
0x358: {  	[sflag:s6] =	ssyncset.done $0x0  }
0x359: {  	s0 =	rddreg [dreg:$0xb];
	[sflag:s6] =	ssyncadd.s32 $0xFFFF3800  }
0x35a: {  	[tilespmem:s16], [sflag:$0x5] =	stream.linear.gather [hbm4b:s0+s2], $0x190, $0x38;
	[tilespmem:$0x19400] =	vst v63  }
0x35b: {  	_ =	swait.ge [sflag:s11], $0x190  }
0x35c: {  	[sflag:s11] =	ssyncset.done $0x0  }
0x35d: {  	[sflag:s11] =	ssyncadd.s32 $0xFFFFFE70  }
0x35e: {  	[tilespmem:s9], [sflag:$0x2] =	stream.indirect.gather [hbm4b:s3+s12], $0x80, s16, s12, $0xb8;
	[tilespmem:$0x19400] =	vst v63  }
0x35f: {  	_ =	swait.ge [sflag:s15], $0xC800  }
0x360: {  	[sflag:s15] =	ssyncset.done $0x0  }
0x361: {  	s0 =	rddreg [dreg:$0xc];
	[sflag:s15] =	ssyncadd.s32 $0xFFFF3800  }
0x362: {  	[hbm4b:s0+s2] =	stream.linear.scatter [tilespmem:s7], [sflag:$0x3], $0xC800, $0x38;
	[tilespmem:$0x19400] =	vst v63  }
0x363: {  	_ =	swait.ge [sflag:s8], $0xC800  }
0x364: {  	[sflag:s8] =	ssyncset.done $0x0  }
0x365: {  	s0 =	rddreg [dreg:$0xd];
	[sflag:s8] =	ssyncadd.s32 $0xFFFF3800  }
0x366: {  	[tilespmem:s2], [sflag:$0x5] =	stream.linear.gather [hbm4b:s0+s2], $0x190, $0x38;
	[tilespmem:$0x19400] =	vst v63  }
0x367: {  	_ =	swait.ge [sflag:s11], $0x190  }
0x368: {  	[sflag:s11] =	ssyncset.done $0x0  }
0x369: {  	[sflag:s11] =	ssyncadd.s32 $0xFFFFFE70  }
0x36a: {  	[tilespmem:s7], [sflag:$0x1] =	stream.indirect.gather [hbm4b:s3+s12], $0x80, s2, s12, $0xb8;
	[tilespmem:$0x19400] =	vst v63  }
0x36b: {  	_ =	swait.ge [sflag:s14], $0xC800  }
0x36c: {  	[sflag:s14] =	ssyncset.done $0x0  }
0x36d: {  	s0 =	rddreg [dreg:$0xe];
	[sflag:s14] =	ssyncadd.s32 $0xFFFF3800  }
0x36e: {  	[hbm4b:s0+s2] =	stream.linear.scatter [tilespmem:s9], [sflag:$0x4], $0xC800, $0x38;
	[tilespmem:$0x19400] =	vst v63  }
0x36f: {  	_ =	swait.ge [sflag:s6], $0xC800  }
0x370: {  	[sflag:s6] =	ssyncset.done $0x0  }
0x371: {  	s0 =	rddreg [dreg:$0xf];
	[sflag:s6] =	ssyncadd.s32 $0xFFFF3800  }
0x372: {  	[tilespmem:s16], [sflag:$0x5] =	stream.linear.gather [hbm4b:s0+s2], $0x190, $0x38;
	[tilespmem:$0x19400] =	vst v63  }
0x373: {  	_ =	swait.ge [sflag:s11], $0x190  }
0x374: {  	[sflag:s11] =	ssyncset.done $0x0  }
0x375: {  	[sflag:s11] =	ssyncadd.s32 $0xFFFFFE70  }
0x376: {  	[tilespmem:s9], [sflag:$0x2] =	stream.indirect.gather [hbm4b:s3+s12], $0x80, s16, s12, $0xb8;
	[tilespmem:$0x19400] =	vst v63  }
0x377: {  	_ =	swait.ge [sflag:s15], $0xC800  }
0x378: {  	[sflag:s15] =	ssyncset.done $0x0  }
0x379: {  	s0 =	rddreg [dreg:$0x10];
	[sflag:s15] =	ssyncadd.s32 $0xFFFF3800  }
0x37a: {  	[hbm4b:s0+s2] =	stream.linear.scatter [tilespmem:s7], [sflag:$0x3], $0xC800, $0x38;
	[tilespmem:$0x19400] =	vst v63  }
0x37b: {  	_ =	swait.ge [sflag:s8], $0xC800  }
0x37c: {  	[sflag:s8] =	ssyncset.done $0x0  }
0x37d: {  	s0 =	rddreg [dreg:$0x11];
	[sflag:s8] =	ssyncadd.s32 $0xFFFF3800  }
0x37e: {  	[tilespmem:s2], [sflag:$0x5] =	stream.linear.gather [hbm4b:s0+s2], $0x190, $0x38;
	[tilespmem:$0x19400] =	vst v63  }
0x37f: {  	_ =	swait.ge [sflag:s11], $0x190  }
0x380: {  	[sflag:s11] =	ssyncset.done $0x0  }
0x381: {  	[sflag:s11] =	ssyncadd.s32 $0xFFFFFE70  }
0x382: {  	[tilespmem:s7], [sflag:$0x1] =	stream.indirect.gather [hbm4b:s3+s12], $0x80, s2, s12, $0xb8;
	[tilespmem:$0x19400] =	vst v63  }
0x383: {  	_ =	swait.ge [sflag:s14], $0xC800  }
0x384: {  	[sflag:s14] =	ssyncset.done $0x0  }
0x385: {  	s0 =	rddreg [dreg:$0x12];
	[sflag:s14] =	ssyncadd.s32 $0xFFFF3800  }
0x386: {  	[hbm4b:s0+s2] =	stream.linear.scatter [tilespmem:s9], [sflag:$0x4], $0xC800, $0x38;
	[tilespmem:$0x19400] =	vst v63  }
0x387: {  	_ =	swait.ge [sflag:s6], $0xC800  }
0x388: {  	[sflag:s6] =	ssyncset.done $0x0  }
0x389: {  	s0 =	rddreg [dreg:$0x13];
	[sflag:s6] =	ssyncadd.s32 $0xFFFF3800  }
0x38a: {  	[tilespmem:s16], [sflag:$0x5] =	stream.linear.gather [hbm4b:s0+s2], $0x190, $0x38;
	[tilespmem:$0x19400] =	vst v63  }
0x38b: {  	_ =	swait.ge [sflag:s11], $0x190  }
0x38c: {  	[sflag:s11] =	ssyncset.done $0x0  }
0x38d: {  	[sflag:s11] =	ssyncadd.s32 $0xFFFFFE70  }
0x38e: {  	[tilespmem:s9], [sflag:$0x2] =	stream.indirect.gather [hbm4b:s3+s12], $0x80, s16, s12, $0xb8;
	[tilespmem:$0x19400] =	vst v63  }
0x38f: {  	_ =	swait.ge [sflag:s15], $0xC800  }
0x390: {  	[sflag:s15] =	ssyncset.done $0x0  }
0x391: {  	s0 =	rddreg [dreg:$0x14];
	[sflag:s15] =	ssyncadd.s32 $0xFFFF3800  }
0x392: {  	[hbm4b:s0+s2] =	stream.linear.scatter [tilespmem:s7], [sflag:$0x3], $0xC800, $0x38;
	[tilespmem:$0x19400] =	vst v63  }
0x393: {  	_ =	swait.ge [sflag:s8], $0xC800  }
0x394: {  	[sflag:s8] =	ssyncset.done $0x0  }
0x395: {  	s0 =	rddreg [dreg:$0x15];
	[sflag:s8] =	ssyncadd.s32 $0xFFFF3800  }
0x396: {  	[tilespmem:s2], [sflag:$0x5] =	stream.linear.gather [hbm4b:s0+s2], $0x190, $0x38;
	[tilespmem:$0x19400] =	vst v63  }
0x397: {  	_ =	swait.ge [sflag:s11], $0x190  }
0x398: {  	[sflag:s11] =	ssyncset.done $0x0  }
0x399: {  	[sflag:s11] =	ssyncadd.s32 $0xFFFFFE70  }
0x39a: {  	[tilespmem:s7], [sflag:$0x1] =	stream.indirect.gather [hbm4b:s3+s12], $0x80, s2, s12, $0xb8;
	[tilespmem:$0x19400] =	vst v63  }
0x39b: {  	_ =	swait.ge [sflag:s14], $0xC800  }
0x39c: {  	[sflag:s14] =	ssyncset.done $0x0  }
0x39d: {  	s0 =	rddreg [dreg:$0x16];
	[sflag:s14] =	ssyncadd.s32 $0xFFFF3800  }
0x39e: {  	[hbm4b:s0+s2] =	stream.linear.scatter [tilespmem:s9], [sflag:$0x4], $0xC800, $0x38;
	[tilespmem:$0x19400] =	vst v63  }
0x39f: {  	_ =	swait.ge [sflag:s6], $0xC800  }
0x3a0: {  	[sflag:s6] =	ssyncset.done $0x0  }
0x3a1: {  	s0 =	rddreg [dreg:$0x17];
	[sflag:s6] =	ssyncadd.s32 $0xFFFF3800  }
0x3a2: {  	[tilespmem:s16], [sflag:$0x5] =	stream.linear.gather [hbm4b:s0+s2], $0x190, $0x38;
	[tilespmem:$0x19400] =	vst v63  }
0x3a3: {  	_ =	swait.ge [sflag:s11], $0x190  }
0x3a4: {  	[sflag:s11] =	ssyncset.done $0x0  }
0x3a5: {  	[sflag:s11] =	ssyncadd.s32 $0xFFFFFE70  }
0x3a6: {  	[tilespmem:s9], [sflag:$0x2] =	stream.indirect.gather [hbm4b:s3+s12], $0x80, s16, s12, $0xb8;
	[tilespmem:$0x19400] =	vst v63  }
0x3a7: {  	_ =	swait.ge [sflag:s15], $0xC800  }
0x3a8: {  	[sflag:s15] =	ssyncset.done $0x0  }
0x3a9: {  	s0 =	rddreg [dreg:$0x18];
	[sflag:s15] =	ssyncadd.s32 $0xFFFF3800  }
0x3aa: {  	[hbm4b:s0+s2] =	stream.linear.scatter [tilespmem:s7], [sflag:$0x3], $0xC800, $0x38;
	[tilespmem:$0x19400] =	vst v63  }
0x3ab: {  	_ =	swait.ge [sflag:s8], $0xC800  }
0x3ac: {  	[sflag:s8] =	ssyncset.done $0x0  }
0x3ad: {  	s0 =	rddreg [dreg:$0x19];
	[sflag:s8] =	ssyncadd.s32 $0xFFFF3800  }
0x3ae: {  	[tilespmem:s2], [sflag:$0x5] =	stream.linear.gather [hbm4b:s0+s2], $0x190, $0x38;
	[tilespmem:$0x19400] =	vst v63  }
0x3af: {  	_ =	swait.ge [sflag:s11], $0x190  }
0x3b0: {  	[sflag:s11] =	ssyncset.done $0x0  }
0x3b1: {  	[sflag:s11] =	ssyncadd.s32 $0xFFFFFE70  }
0x3b2: {  	[tilespmem:s7], [sflag:$0x1] =	stream.indirect.gather [hbm4b:s3+s12], $0x80, s2, s12, $0xb8;
	[tilespmem:$0x19400] =	vst v63  }
0x3b3: {  	_ =	swait.ge [sflag:s14], $0xC800  }
0x3b4: {  	[sflag:s14] =	ssyncset.done $0x0  }
0x3b5: {  	s0 =	rddreg [dreg:$0x1a];
	[sflag:s14] =	ssyncadd.s32 $0xFFFF3800  }
0x3b6: {  	[hbm4b:s0+s2] =	stream.linear.scatter [tilespmem:s9], [sflag:$0x4], $0xC800, $0x38;
	[tilespmem:$0x19400] =	vst v63  }
0x3b7: {  	_ =	swait.ge [sflag:s6], $0xC800  }
0x3b8: {  	[sflag:s6] =	ssyncset.done $0x0  }
0x3b9: {  	s0 =	rddreg [dreg:$0x1b];
	[sflag:s6] =	ssyncadd.s32 $0xFFFF3800  }
0x3ba: {  	[tilespmem:s16], [sflag:$0x5] =	stream.linear.gather [hbm4b:s0+s2], $0x190, $0x38;
	[tilespmem:$0x19400] =	vst v63  }
0x3bb: {  	_ =	swait.ge [sflag:s11], $0x190  }
0x3bc: {  	[sflag:s11] =	ssyncset.done $0x0  }
0x3bd: {  	[sflag:s11] =	ssyncadd.s32 $0xFFFFFE70  }
0x3be: {  	[tilespmem:s9], [sflag:$0x2] =	stream.indirect.gather [hbm4b:s3+s12], $0x80, s16, s12, $0xb8;
	[tilespmem:$0x19400] =	vst v63  }
0x3bf: {  	_ =	swait.ge [sflag:s15], $0xC800  }
0x3c0: {  	[sflag:s15] =	ssyncset.done $0x0  }
0x3c1: {  	s0 =	rddreg [dreg:$0x1c];
	[sflag:s15] =	ssyncadd.s32 $0xFFFF3800  }
0x3c2: {  	[hbm4b:s0+s2] =	stream.linear.scatter [tilespmem:s7], [sflag:$0x3], $0xC800, $0x38;
	[tilespmem:$0x19400] =	vst v63  }
0x3c3: {  	_ =	swait.ge [sflag:s8], $0xC800  }
0x3c4: {  	[sflag:s8] =	ssyncset.done $0x0  }
0x3c5: {  	s0 =	rddreg [dreg:$0x1d];
	[sflag:s8] =	ssyncadd.s32 $0xFFFF3800  }
0x3c6: {  	[tilespmem:s2], [sflag:$0x5] =	stream.linear.gather [hbm4b:s0+s2], $0x190, $0x38;
	[tilespmem:$0x19400] =	vst v63  }
0x3c7: {  	_ =	swait.ge [sflag:s11], $0x190  }
0x3c8: {  	[sflag:s11] =	ssyncset.done $0x0  }
0x3c9: {  	[sflag:s11] =	ssyncadd.s32 $0xFFFFFE70  }
0x3ca: {  	[tilespmem:s7], [sflag:$0x1] =	stream.indirect.gather [hbm4b:s3+s12], $0x80, s2, s12, $0xb8;
	[tilespmem:$0x19400] =	vst v63  }
0x3cb: {  	_ =	swait.ge [sflag:s14], $0xC800  }
0x3cc: {  	[sflag:s14] =	ssyncset.done $0x0  }
0x3cd: {  	s0 =	rddreg [dreg:$0x1e];
	[sflag:s14] =	ssyncadd.s32 $0xFFFF3800  }
0x3ce: {  	[hbm4b:s0+s2] =	stream.linear.scatter [tilespmem:s9], [sflag:$0x4], $0xC800, $0x38;
	[tilespmem:$0x19400] =	vst v63  }
0x3cf: {  	_ =	swait.ge [sflag:s6], $0xC800  }
0x3d0: {  	[sflag:s6] =	ssyncset.done $0x0  }
0x3d1: {  	s0 =	rddreg [dreg:$0x1f];
	[sflag:s6] =	ssyncadd.s32 $0xFFFF3800  }
0x3d2: {  	[tilespmem:s16], [sflag:$0x5] =	stream.linear.gather [hbm4b:s0+s2], $0x190, $0x38;
	[tilespmem:$0x19400] =	vst v63  }
0x3d3: {  	_ =	swait.ge [sflag:s11], $0x190  }
0x3d4: {  	[sflag:s11] =	ssyncset.done $0x0  }
0x3d5: {  	[sflag:s11] =	ssyncadd.s32 $0xFFFFFE70  }
0x3d6: {  	[tilespmem:s9], [sflag:$0x2] =	stream.indirect.gather [hbm4b:s3+s12], $0x80, s16, s12, $0xb8;
	[tilespmem:$0x19400] =	vst v63  }
0x3d7: {  	_ =	swait.ge [sflag:s15], $0xC800  }
0x3d8: {  	s0 =	sld [smem:$0x7B0]  }
0x3d9: {  	[sflag:s15] =	ssyncset.done $0x0  }
0x3da: {  	[sflag:s15] =	ssyncadd.s32 $0xFFFF3800  }
0x3db: {  	[hbm4b:s0+s2] =	stream.linear.scatter [tilespmem:s7], [sflag:$0x3], $0xC800, $0x38;
	[tilespmem:$0x19400] =	vst v63  }
0x3dc: {  	_ =	swait.ge [sflag:s8], $0xC800  }
0x3dd: {  	s0 =	sld [smem:$0x7B1]  }
0x3de: {  	[sflag:s8] =	ssyncset.done $0x0  }
0x3df: {  	[sflag:s8] =	ssyncadd.s32 $0xFFFF3800  }
0x3e0: {  	[tilespmem:s2], [sflag:$0x5] =	stream.linear.gather [hbm4b:s0+s2], $0x190, $0x38;
	[tilespmem:$0x19400] =	vst v63  }
0x3e1: {  	_ =	swait.ge [sflag:s11], $0x190  }
0x3e2: {  	[sflag:s11] =	ssyncset.done $0x0  }
0x3e3: {  	[sflag:s11] =	ssyncadd.s32 $0xFFFFFE70  }
0x3e4: {  	[tilespmem:s7], [sflag:$0x1] =	stream.indirect.gather [hbm4b:s3+s12], $0x80, s2, s12, $0xb8;
	[tilespmem:$0x19400] =	vst v63  }
0x3e5: {  	_ =	swait.ge [sflag:s14], $0xC800  }
0x3e6: {  	s0 =	sld [smem:$0x7B2]  }
0x3e7: {  	[sflag:s14] =	ssyncset.done $0x0  }
0x3e8: {  	[sflag:s14] =	ssyncadd.s32 $0xFFFF3800  }
0x3e9: {  	[hbm4b:s0+s2] =	stream.linear.scatter [tilespmem:s9], [sflag:$0x4], $0xC800, $0x38;
	[tilespmem:$0x19400] =	vst v63  }
0x3ea: {  	_ =	swait.ge [sflag:s6], $0xC800  }
0x3eb: {  	s0 =	sld [smem:$0x7B3]  }
0x3ec: {  	[sflag:s6] =	ssyncset.done $0x0  }
0x3ed: {  	[sflag:s6] =	ssyncadd.s32 $0xFFFF3800  }
0x3ee: {  	[tilespmem:s16], [sflag:$0x5] =	stream.linear.gather [hbm4b:s0+s2], $0x190, $0x38;
	[tilespmem:$0x19400] =	vst v63  }
0x3ef: {  	_ =	swait.ge [sflag:s11], $0x190  }
0x3f0: {  	[sflag:s11] =	ssyncset.done $0x0  }
0x3f1: {  	[sflag:s11] =	ssyncadd.s32 $0xFFFFFE70  }
0x3f2: {  	[tilespmem:s9], [sflag:$0x2] =	stream.indirect.gather [hbm4b:s3+s12], $0x80, s16, s12, $0xb8;
	[tilespmem:$0x19400] =	vst v63  }
0x3f3: {  	_ =	swait.ge [sflag:s15], $0xC800  }
0x3f4: {  	s0 =	sld [smem:$0x7B4]  }
0x3f5: {  	[sflag:s15] =	ssyncset.done $0x0  }
0x3f6: {  	[sflag:s15] =	ssyncadd.s32 $0xFFFF3800  }
0x3f7: {  	[hbm4b:s0+s2] =	stream.linear.scatter [tilespmem:s7], [sflag:$0x3], $0xC800, $0x38;
	[tilespmem:$0x19400] =	vst v63  }
0x3f8: {  	_ =	swait.ge [sflag:s8], $0xC800  }
0x3f9: {  	s0 =	sld [smem:$0x7B5]  }
0x3fa: {  	[sflag:s8] =	ssyncset.done $0x0  }
0x3fb: {  	[sflag:s8] =	ssyncadd.s32 $0xFFFF3800  }
0x3fc: {  	[tilespmem:s2], [sflag:$0x5] =	stream.linear.gather [hbm4b:s0+s2], $0x190, $0x38;
	[tilespmem:$0x19400] =	vst v63  }
0x3fd: {  	_ =	swait.ge [sflag:s11], $0x190  }
0x3fe: {  	[sflag:s11] =	ssyncset.done $0x0  }
0x3ff: {  	[sflag:s11] =	ssyncadd.s32 $0xFFFFFE70  }
0x400: {  	[tilespmem:s7], [sflag:$0x1] =	stream.indirect.gather [hbm4b:s3+s12], $0x80, s2, s12, $0xb8;
	[tilespmem:$0x19400] =	vst v63  }
0x401: {  	_ =	swait.ge [sflag:s14], $0xC800  }
0x402: {  	s0 =	sld [smem:$0x7B6]  }
0x403: {  	[sflag:s14] =	ssyncset.done $0x0  }
0x404: {  	[sflag:s14] =	ssyncadd.s32 $0xFFFF3800  }
0x405: {  	[hbm4b:s0+s2] =	stream.linear.scatter [tilespmem:s9], [sflag:$0x4], $0xC800, $0x38;
	[tilespmem:$0x19400] =	vst v63  }
0x406: {  	_ =	swait.ge [sflag:s6], $0xC800  }
0x407: {  	s0 =	sld [smem:$0x7B7]  }
0x408: {  	[sflag:s6] =	ssyncset.done $0x0  }
0x409: {  	[sflag:s6] =	ssyncadd.s32 $0xFFFF3800  }
0x40a: {  	[tilespmem:s16], [sflag:$0x5] =	stream.linear.gather [hbm4b:s0+s2], $0x190, $0x38;
	[tilespmem:$0x19400] =	vst v63  }
0x40b: {  	_ =	swait.ge [sflag:s11], $0x190  }
0x40c: {  	[sflag:s11] =	ssyncset.done $0x0  }
0x40d: {  	[sflag:s11] =	ssyncadd.s32 $0xFFFFFE70  }
0x40e: {  	[tilespmem:s9], [sflag:$0x2] =	stream.indirect.gather [hbm4b:s3+s12], $0x80, s16, s12, $0xb8;
	[tilespmem:$0x19400] =	vst v63  }
0x40f: {  	_ =	swait.ge [sflag:s15], $0xC800  }
0x410: {  	s0 =	sld [smem:$0x7B8]  }
0x411: {  	[sflag:s15] =	ssyncset.done $0x0  }
0x412: {  	[sflag:s15] =	ssyncadd.s32 $0xFFFF3800  }
0x413: {  	[hbm4b:s0+s2] =	stream.linear.scatter [tilespmem:s7], [sflag:$0x3], $0xC800, $0x38;
	[tilespmem:$0x19400] =	vst v63  }
0x414: {  	_ =	swait.ge [sflag:s8], $0xC800  }
0x415: {  	s0 =	sld [smem:$0x7B9]  }
0x416: {  	[sflag:s8] =	ssyncset.done $0x0  }
0x417: {  	[sflag:s8] =	ssyncadd.s32 $0xFFFF3800  }
0x418: {  	[tilespmem:s2], [sflag:$0x5] =	stream.linear.gather [hbm4b:s0+s2], $0x190, $0x38;
	[tilespmem:$0x19400] =	vst v63  }
0x419: {  	_ =	swait.ge [sflag:s11], $0x190  }
0x41a: {  	[sflag:s11] =	ssyncset.done $0x0  }
0x41b: {  	[sflag:s11] =	ssyncadd.s32 $0xFFFFFE70  }
0x41c: {  	[tilespmem:s7], [sflag:$0x1] =	stream.indirect.gather [hbm4b:s3+s12], $0x80, s2, s12, $0xb8;
	[tilespmem:$0x19400] =	vst v63  }
0x41d: {  	_ =	swait.ge [sflag:s14], $0xC800  }
0x41e: {  	s0 =	sld [smem:$0x7BA]  }
0x41f: {  	[sflag:s14] =	ssyncset.done $0x0  }
0x420: {  	[sflag:s14] =	ssyncadd.s32 $0xFFFF3800  }
0x421: {  	[hbm4b:s0+s2] =	stream.linear.scatter [tilespmem:s9], [sflag:$0x4], $0xC800, $0x38;
	[tilespmem:$0x19400] =	vst v63  }
0x422: {  	_ =	swait.ge [sflag:s6], $0xC800  }
0x423: {  	s0 =	sld [smem:$0x7BB]  }
0x424: {  	[sflag:s6] =	ssyncset.done $0x0  }
0x425: {  	[sflag:s6] =	ssyncadd.s32 $0xFFFF3800  }
0x426: {  	[tilespmem:s16], [sflag:$0x5] =	stream.linear.gather [hbm4b:s0+s2], $0x190, $0x38;
	[tilespmem:$0x19400] =	vst v63  }
0x427: {  	_ =	swait.ge [sflag:s11], $0x190  }
0x428: {  	[sflag:s11] =	ssyncset.done $0x0  }
0x429: {  	[sflag:s11] =	ssyncadd.s32 $0xFFFFFE70  }
0x42a: {  	[tilespmem:s9], [sflag:$0x2] =	stream.indirect.gather [hbm4b:s3+s12], $0x80, s16, s12, $0xb8;
	[tilespmem:$0x19400] =	vst v63  }
0x42b: {  	_ =	swait.ge [sflag:s15], $0xC800  }
0x42c: {  	s0 =	sld [smem:$0x7BC]  }
0x42d: {  	[sflag:s15] =	ssyncset.done $0x0  }
0x42e: {  	[sflag:s15] =	ssyncadd.s32 $0xFFFF3800  }
0x42f: {  	[hbm4b:s0+s2] =	stream.linear.scatter [tilespmem:s7], [sflag:$0x3], $0xC800, $0x38;
	[tilespmem:$0x19400] =	vst v63  }
0x430: {  	_ =	swait.ge [sflag:s8], $0xC800  }
0x431: {  	s0 =	sld [smem:$0x7BD]  }
0x432: {  	[sflag:s8] =	ssyncset.done $0x0  }
0x433: {  	[sflag:s8] =	ssyncadd.s32 $0xFFFF3800  }
0x434: {  	[tilespmem:s2], [sflag:$0x5] =	stream.linear.gather [hbm4b:s0+s2], $0x190, $0x38;
	[tilespmem:$0x19400] =	vst v63  }
0x435: {  	_ =	swait.ge [sflag:s11], $0x190  }
0x436: {  	[sflag:s11] =	ssyncset.done $0x0  }
0x437: {  	[sflag:s11] =	ssyncadd.s32 $0xFFFFFE70  }
0x438: {  	[tilespmem:s7], [sflag:$0x1] =	stream.indirect.gather [hbm4b:s3+s12], $0x80, s2, s12, $0xb8;
	[tilespmem:$0x19400] =	vst v63  }
0x439: {  	_ =	swait.ge [sflag:s14], $0xC800  }
0x43a: {  	s0 =	sld [smem:$0x7BE]  }
0x43b: {  	[sflag:s14] =	ssyncset.done $0x0  }
0x43c: {  	[sflag:s14] =	ssyncadd.s32 $0xFFFF3800  }
0x43d: {  	[hbm4b:s0+s2] =	stream.linear.scatter [tilespmem:s9], [sflag:$0x4], $0xC800, $0x38;
	[tilespmem:$0x19400] =	vst v63  }
0x43e: {  	_ =	swait.ge [sflag:s6], $0xC800  }
0x43f: {  	s0 =	sld [smem:$0x7BF]  }
0x440: {  	[sflag:s6] =	ssyncset.done $0x0  }
0x441: {  	[sflag:s6] =	ssyncadd.s32 $0xFFFF3800  }
0x442: {  	[tilespmem:s16], [sflag:$0x5] =	stream.linear.gather [hbm4b:s0+s2], $0x190, $0x38;
	[tilespmem:$0x19400] =	vst v63  }
0x443: {  	_ =	swait.ge [sflag:s11], $0x190  }
0x444: {  	[sflag:s11] =	ssyncset.done $0x0  }
0x445: {  	[sflag:s11] =	ssyncadd.s32 $0xFFFFFE70  }
0x446: {  	[tilespmem:s9], [sflag:$0x2] =	stream.indirect.gather [hbm4b:s3+s12], $0x80, s16, s12, $0xb8;
	[tilespmem:$0x19400] =	vst v63  }
0x447: {  	_ =	swait.ge [sflag:s15], $0xC800  }
0x448: {  	s0 =	sld [smem:$0x7C0]  }
0x449: {  	[sflag:s15] =	ssyncset.done $0x0  }
0x44a: {  	[sflag:s15] =	ssyncadd.s32 $0xFFFF3800  }
0x44b: {  	[hbm4b:s0+s2] =	stream.linear.scatter [tilespmem:s7], [sflag:$0x3], $0xC800, $0x38;
	[tilespmem:$0x19400] =	vst v63  }
0x44c: {  	_ =	swait.ge [sflag:s8], $0xC800  }
0x44d: {  	s0 =	sld [smem:$0x7C1]  }
0x44e: {  	[sflag:s8] =	ssyncset.done $0x0  }
0x44f: {  	[sflag:s8] =	ssyncadd.s32 $0xFFFF3800  }
0x450: {  	[tilespmem:s2], [sflag:$0x5] =	stream.linear.gather [hbm4b:s0+s2], $0x190, $0x38;
	[tilespmem:$0x19400] =	vst v63  }
0x451: {  	_ =	swait.ge [sflag:s11], $0x190  }
0x452: {  	[sflag:s11] =	ssyncset.done $0x0  }
0x453: {  	[sflag:s11] =	ssyncadd.s32 $0xFFFFFE70  }
0x454: {  	[tilespmem:s7], [sflag:$0x1] =	stream.indirect.gather [hbm4b:s3+s12], $0x80, s2, s12, $0xb8;
	[tilespmem:$0x19400] =	vst v63  }
0x455: {  	_ =	swait.ge [sflag:s14], $0xC800  }
0x456: {  	s0 =	sld [smem:$0x7C2]  }
0x457: {  	[sflag:s14] =	ssyncset.done $0x0  }
0x458: {  	[sflag:s14] =	ssyncadd.s32 $0xFFFF3800  }
0x459: {  	[hbm4b:s0+s2] =	stream.linear.scatter [tilespmem:s9], [sflag:$0x4], $0xC800, $0x38;
	[tilespmem:$0x19400] =	vst v63  }
0x45a: {  	_ =	swait.ge [sflag:s6], $0xC800  }
0x45b: {  	s0 =	sld [smem:$0x7C4]  }
0x45c: {  	[sflag:s6] =	ssyncset.done $0x0  }
0x45d: {  	[sflag:s6] =	ssyncadd.s32 $0xFFFF3800  }
0x45e: {  	[tilespmem:s16], [sflag:$0x5] =	stream.linear.gather [hbm4b:s0+s2], $0x190, $0x38;
	[tilespmem:$0x19400] =	vst v63  }
0x45f: {  	_ =	swait.ge [sflag:s11], $0x190  }
0x460: {  	[sflag:s11] =	ssyncset.done $0x0  }
0x461: {  	[sflag:s11] =	ssyncadd.s32 $0xFFFFFE70  }
0x462: {  	[tilespmem:s9], [sflag:$0x2] =	stream.indirect.gather [hbm4b:s3+s12], $0x80, s16, s12, $0xb8;
	[tilespmem:$0x19400] =	vst v63  }
0x463: {  	_ =	swait.ge [sflag:s15], $0xC800  }
0x464: {  	s0 =	sld [smem:$0x7C5]  }
0x465: {  	[sflag:s15] =	ssyncset.done $0x0  }
0x466: {  	[sflag:s15] =	ssyncadd.s32 $0xFFFF3800  }
0x467: {  	[hbm4b:s0+s2] =	stream.linear.scatter [tilespmem:s7], [sflag:$0x3], $0xC800, $0x38;
	[tilespmem:$0x19400] =	vst v63  }
0x468: {  	_ =	swait.ge [sflag:s8], $0xC800  }
0x469: {  	s0 =	sld [smem:$0x7C7]  }
0x46a: {  	[sflag:s8] =	ssyncset.done $0x0  }
0x46b: {  	[sflag:s8] =	ssyncadd.s32 $0xFFFF3800  }
0x46c: {  	[tilespmem:s2], [sflag:$0x5] =	stream.linear.gather [hbm4b:s0+s2], $0x190, $0x38;
	[tilespmem:$0x19400] =	vst v63  }
0x46d: {  	_ =	swait.ge [sflag:s11], $0x190  }
0x46e: {  	[sflag:s11] =	ssyncset.done $0x0  }
0x46f: {  	[sflag:s11] =	ssyncadd.s32 $0xFFFFFE70  }
0x470: {  	[tilespmem:s7], [sflag:$0x1] =	stream.indirect.gather [hbm4b:s3+s12], $0x80, s2, s12, $0xb8;
	[tilespmem:$0x19400] =	vst v63  }
0x471: {  	_ =	swait.ge [sflag:s14], $0xC800  }
0x472: {  	s0 =	sld [smem:$0x7C9]  }
0x473: {  	[sflag:s14] =	ssyncset.done $0x0  }
0x474: {  	[sflag:s14] =	ssyncadd.s32 $0xFFFF3800  }
0x475: {  	[hbm4b:s0+s2] =	stream.linear.scatter [tilespmem:s9], [sflag:$0x4], $0xC800, $0x38;
	[tilespmem:$0x19400] =	vst v63  }
0x476: {  	_ =	swait.ge [sflag:s6], $0xC800  }
0x477: {  	s0 =	sld [smem:$0x7CB]  }
0x478: {  	[sflag:s6] =	ssyncset.done $0x0  }
0x479: {  	[sflag:s6] =	ssyncadd.s32 $0xFFFF3800  }
0x47a: {  	[tilespmem:s16], [sflag:$0x5] =	stream.linear.gather [hbm4b:s0+s2], $0x190, $0x38;
	[tilespmem:$0x19400] =	vst v63  }
0x47b: {  	_ =	swait.ge [sflag:s11], $0x190  }
0x47c: {  	[sflag:s11] =	ssyncset.done $0x0  }
0x47d: {  	[sflag:s11] =	ssyncadd.s32 $0xFFFFFE70  }
0x47e: {  	[tilespmem:s9], [sflag:$0x2] =	stream.indirect.gather [hbm4b:s3+s12], $0x80, s16, s12, $0xb8;
	[tilespmem:$0x19400] =	vst v63  }
0x47f: {  	_ =	swait.ge [sflag:s15], $0xC800  }
0x480: {  	s0 =	sld [smem:$0x7CD]  }
0x481: {  	[sflag:s15] =	ssyncset.done $0x0  }
0x482: {  	[sflag:s15] =	ssyncadd.s32 $0xFFFF3800  }
0x483: {  	[hbm4b:s0+s2] =	stream.linear.scatter [tilespmem:s7], [sflag:$0x3], $0xC800, $0x38;
	[tilespmem:$0x19400] =	vst v63  }
0x484: {  	_ =	swait.ge [sflag:s8], $0xC800  }
0x485: {  	s0 =	sld [smem:$0x7CF]  }
0x486: {  	[sflag:s8] =	ssyncset.done $0x0  }
0x487: {  	[sflag:s8] =	ssyncadd.s32 $0xFFFF3800  }
0x488: {  	[tilespmem:s2], [sflag:$0x5] =	stream.linear.gather [hbm4b:s0+s2], $0x190, $0x38;
	[tilespmem:$0x19400] =	vst v63  }
0x489: {  	_ =	swait.ge [sflag:s11], $0x190  }
0x48a: {  	[sflag:s11] =	ssyncset.done $0x0  }
0x48b: {  	[sflag:s11] =	ssyncadd.s32 $0xFFFFFE70  }
0x48c: {  	[tilespmem:s7], [sflag:$0x1] =	stream.indirect.gather [hbm4b:s3+s12], $0x80, s2, s12, $0xb8;
	[tilespmem:$0x19400] =	vst v63  }
0x48d: {  	_ =	swait.ge [sflag:s14], $0xC800  }
0x48e: {  	s0 =	sld [smem:$0x7D1]  }
0x48f: {  	[sflag:s14] =	ssyncset.done $0x0  }
0x490: {  	[sflag:s14] =	ssyncadd.s32 $0xFFFF3800  }
0x491: {  	[hbm4b:s0+s2] =	stream.linear.scatter [tilespmem:s9], [sflag:$0x4], $0xC800, $0x38;
	[tilespmem:$0x19400] =	vst v63  }
0x492: {  	_ =	swait.ge [sflag:s6], $0xC800  }
0x493: {  	s0 =	sld [smem:$0x7D3]  }
0x494: {  	[sflag:s6] =	ssyncset.done $0x0  }
0x495: {  	[sflag:s6] =	ssyncadd.s32 $0xFFFF3800  }
0x496: {  	[tilespmem:s16], [sflag:$0x5] =	stream.linear.gather [hbm4b:s0+s2], $0x190, $0x38;
	[tilespmem:$0x19400] =	vst v63  }
0x497: {  	_ =	swait.ge [sflag:s11], $0x190  }
0x498: {  	[sflag:s11] =	ssyncset.done $0x0  }
0x499: {  	[sflag:s11] =	ssyncadd.s32 $0xFFFFFE70  }
0x49a: {  	[tilespmem:s9], [sflag:$0x2] =	stream.indirect.gather [hbm4b:s3+s12], $0x80, s16, s12, $0xb8;
	[tilespmem:$0x19400] =	vst v63  }
0x49b: {  	_ =	swait.ge [sflag:s15], $0xC800  }
0x49c: {  	s0 =	sld [smem:$0x7D5]  }
0x49d: {  	[sflag:s15] =	ssyncset.done $0x0  }
0x49e: {  	[sflag:s15] =	ssyncadd.s32 $0xFFFF3800  }
0x49f: {  	[hbm4b:s0+s2] =	stream.linear.scatter [tilespmem:s7], [sflag:$0x3], $0xC800, $0x38;
	[tilespmem:$0x19400] =	vst v63  }
0x4a0: {  	_ =	swait.ge [sflag:s8], $0xC800  }
0x4a1: {  	s0 =	sld [smem:$0x7D7]  }
0x4a2: {  	[sflag:s8] =	ssyncset.done $0x0  }
0x4a3: {  	[sflag:s8] =	ssyncadd.s32 $0xFFFF3800  }
0x4a4: {  	[tilespmem:s2], [sflag:$0x5] =	stream.linear.gather [hbm4b:s0+s2], $0x190, $0x38;
	[tilespmem:$0x19400] =	vst v63  }
0x4a5: {  	_ =	swait.ge [sflag:s11], $0x190  }
0x4a6: {  	[sflag:s11] =	ssyncset.done $0x0  }
0x4a7: {  	[sflag:s11] =	ssyncadd.s32 $0xFFFFFE70  }
0x4a8: {  	[tilespmem:s7], [sflag:$0x1] =	stream.indirect.gather [hbm4b:s3+s12], $0x80, s2, s12, $0xb8;
	[tilespmem:$0x19400] =	vst v63  }
0x4a9: {  	_ =	swait.ge [sflag:s14], $0xC800  }
0x4aa: {  	s0 =	sld [smem:$0x7D9]  }
0x4ab: {  	[sflag:s14] =	ssyncset.done $0x0  }
0x4ac: {  	[sflag:s14] =	ssyncadd.s32 $0xFFFF3800  }
0x4ad: {  	[hbm4b:s0+s2] =	stream.linear.scatter [tilespmem:s9], [sflag:$0x4], $0xC800, $0x38;
	[tilespmem:$0x19400] =	vst v63  }
0x4ae: {  	_ =	swait.ge [sflag:s6], $0xC800  }
0x4af: {  	s0 =	sld [smem:$0x7DB]  }
0x4b0: {  	[sflag:s6] =	ssyncset.done $0x0  }
0x4b1: {  	[sflag:s6] =	ssyncadd.s32 $0xFFFF3800  }
0x4b2: {  	[tilespmem:s16], [sflag:$0x5] =	stream.linear.gather [hbm4b:s0+s2], $0x190, $0x38;
	[tilespmem:$0x19400] =	vst v63  }
0x4b3: {  	_ =	swait.ge [sflag:s11], $0x190  }
0x4b4: {  	[sflag:s11] =	ssyncset.done $0x0  }
0x4b5: {  	[sflag:s11] =	ssyncadd.s32 $0xFFFFFE70  }
0x4b6: {  	[tilespmem:s9], [sflag:$0x2] =	stream.indirect.gather [hbm4b:s3+s12], $0x80, s16, s12, $0xb8;
	[tilespmem:$0x19400] =	vst v63  }
0x4b7: {  	_ =	swait.ge [sflag:s15], $0xC800  }
0x4b8: {  	s0 =	sld [smem:$0x7DD]  }
0x4b9: {  	[sflag:s15] =	ssyncset.done $0x0  }
0x4ba: {  	[sflag:s15] =	ssyncadd.s32 $0xFFFF3800  }
0x4bb: {  	[hbm4b:s0+s2] =	stream.linear.scatter [tilespmem:s7], [sflag:$0x3], $0xC800, $0x38;
	[tilespmem:$0x19400] =	vst v63  }
0x4bc: {  	_ =	swait.ge [sflag:s8], $0xC800  }
0x4bd: {  	s0 =	sld [smem:$0x7DF]  }
0x4be: {  	[sflag:s8] =	ssyncset.done $0x0  }
0x4bf: {  	[sflag:s8] =	ssyncadd.s32 $0xFFFF3800  }
0x4c0: {  	[tilespmem:s2], [sflag:$0x5] =	stream.linear.gather [hbm4b:s0+s2], $0x190, $0x38;
	[tilespmem:$0x19400] =	vst v63  }
0x4c1: {  	_ =	swait.ge [sflag:s11], $0x190  }
0x4c2: {  	[sflag:s11] =	ssyncset.done $0x0  }
0x4c3: {  	[sflag:s11] =	ssyncadd.s32 $0xFFFFFE70  }
0x4c4: {  	[tilespmem:s7], [sflag:$0x1] =	stream.indirect.gather [hbm4b:s3+s12], $0x80, s2, s12, $0xb8;
	[tilespmem:$0x19400] =	vst v63  }
0x4c5: {  	_ =	swait.ge [sflag:s14], $0xC800  }
0x4c6: {  	s0 =	sld [smem:$0x7E1]  }
0x4c7: {  	[sflag:s14] =	ssyncset.done $0x0  }
0x4c8: {  	[sflag:s14] =	ssyncadd.s32 $0xFFFF3800  }
0x4c9: {  	[hbm4b:s0+s2] =	stream.linear.scatter [tilespmem:s9], [sflag:$0x4], $0xC800, $0x38;
	[tilespmem:$0x19400] =	vst v63  }
0x4ca: {  	_ =	swait.ge [sflag:s6], $0xC800  }
0x4cb: {  	s0 =	sld [smem:$0x7E3]  }
0x4cc: {  	[sflag:s6] =	ssyncset.done $0x0  }
0x4cd: {  	[sflag:s6] =	ssyncadd.s32 $0xFFFF3800  }
0x4ce: {  	[tilespmem:s16], [sflag:$0x5] =	stream.linear.gather [hbm4b:s0+s2], $0x190, $0x38;
	[tilespmem:$0x19400] =	vst v63  }
0x4cf: {  	_ =	swait.ge [sflag:s11], $0x190  }
0x4d0: {  	[sflag:s11] =	ssyncset.done $0x0  }
0x4d1: {  	[sflag:s11] =	ssyncadd.s32 $0xFFFFFE70  }
0x4d2: {  	[tilespmem:s9], [sflag:$0x2] =	stream.indirect.gather [hbm4b:s3+s12], $0x80, s16, s12, $0xb8;
	[tilespmem:$0x19400] =	vst v63  }
0x4d3: {  	_ =	swait.ge [sflag:s15], $0xC800  }
0x4d4: {  	s0 =	sld [smem:$0x7E5]  }
0x4d5: {  	[sflag:s15] =	ssyncset.done $0x0  }
0x4d6: {  	[sflag:s15] =	ssyncadd.s32 $0xFFFF3800  }
0x4d7: {  	[hbm4b:s0+s2] =	stream.linear.scatter [tilespmem:s7], [sflag:$0x3], $0xC800, $0x38;
	[tilespmem:$0x19400] =	vst v63  }
0x4d8: {  	_ =	swait.ge [sflag:s8], $0xC800  }
0x4d9: {  	s0 =	sld [smem:$0x7E7]  }
0x4da: {  	[sflag:s8] =	ssyncset.done $0x0  }
0x4db: {  	[sflag:s8] =	ssyncadd.s32 $0xFFFF3800  }
0x4dc: {  	[tilespmem:s2], [sflag:$0x5] =	stream.linear.gather [hbm4b:s0+s2], $0x190, $0x38;
	[tilespmem:$0x19400] =	vst v63  }
0x4dd: {  	_ =	swait.ge [sflag:s11], $0x190  }
0x4de: {  	[sflag:s11] =	ssyncset.done $0x0  }
0x4df: {  	[sflag:s11] =	ssyncadd.s32 $0xFFFFFE70  }
0x4e0: {  	[tilespmem:s7], [sflag:$0x1] =	stream.indirect.gather [hbm4b:s3+s12], $0x80, s2, s12, $0xb8;
	[tilespmem:$0x19400] =	vst v63  }
0x4e1: {  	_ =	swait.ge [sflag:s14], $0xC800  }
0x4e2: {  	s0 =	sld [smem:$0x7E9]  }
0x4e3: {  	[sflag:s14] =	ssyncset.done $0x0  }
0x4e4: {  	[sflag:s14] =	ssyncadd.s32 $0xFFFF3800  }
0x4e5: {  	[hbm4b:s0+s2] =	stream.linear.scatter [tilespmem:s9], [sflag:$0x4], $0xC800, $0x38;
	[tilespmem:$0x19400] =	vst v63  }
0x4e6: {  	_ =	swait.ge [sflag:s6], $0xC800  }
0x4e7: {  	s0 =	sld [smem:$0x7EB]  }
0x4e8: {  	[sflag:s6] =	ssyncset.done $0x0  }
0x4e9: {  	[sflag:s6] =	ssyncadd.s32 $0xFFFF3800  }
0x4ea: {  	[tilespmem:s16], [sflag:$0x5] =	stream.linear.gather [hbm4b:s0+s2], $0x190, $0x38;
	[tilespmem:$0x19400] =	vst v63  }
0x4eb: {  	_ =	swait.ge [sflag:s11], $0x190  }
0x4ec: {  	[sflag:s11] =	ssyncset.done $0x0  }
0x4ed: {  	[sflag:s11] =	ssyncadd.s32 $0xFFFFFE70  }
0x4ee: {  	[tilespmem:s9], [sflag:$0x2] =	stream.indirect.gather [hbm4b:s3+s12], $0x80, s16, s12, $0xb8;
	[tilespmem:$0x19400] =	vst v63  }
0x4ef: {  	_ =	swait.ge [sflag:s15], $0xC800  }
0x4f0: {  	s0 =	sld [smem:$0x7ED]  }
0x4f1: {  	[sflag:s15] =	ssyncset.done $0x0  }
0x4f2: {  	[sflag:s15] =	ssyncadd.s32 $0xFFFF3800  }
0x4f3: {  	[hbm4b:s0+s2] =	stream.linear.scatter [tilespmem:s7], [sflag:$0x3], $0xC800, $0x38;
	[tilespmem:$0x19400] =	vst v63  }
0x4f4: {  	_ =	swait.ge [sflag:s8], $0xC800  }
0x4f5: {  	s0 =	sld [smem:$0x7EF]  }
0x4f6: {  	[sflag:s8] =	ssyncset.done $0x0  }
0x4f7: {  	[sflag:s8] =	ssyncadd.s32 $0xFFFF3800  }
0x4f8: {  	[tilespmem:s2], [sflag:$0x5] =	stream.linear.gather [hbm4b:s0+s2], $0x190, $0x38;
	[tilespmem:$0x19400] =	vst v63  }
0x4f9: {  	_ =	swait.ge [sflag:s11], $0x190  }
0x4fa: {  	[sflag:s11] =	ssyncset.done $0x0  }
0x4fb: {  	[sflag:s11] =	ssyncadd.s32 $0xFFFFFE70  }
0x4fc: {  	[tilespmem:s7], [sflag:$0x1] =	stream.indirect.gather [hbm4b:s3+s12], $0x80, s2, s12, $0xb8;
	[tilespmem:$0x19400] =	vst v63  }
0x4fd: {  	_ =	swait.ge [sflag:s14], $0xC800  }
0x4fe: {  	s0 =	sld [smem:$0x7F1]  }
0x4ff: {  	[sflag:s14] =	ssyncset.done $0x0  }
0x500: {  	[sflag:s14] =	ssyncadd.s32 $0xFFFF3800  }
0x501: {  	[hbm4b:s0+s2] =	stream.linear.scatter [tilespmem:s9], [sflag:$0x4], $0xC800, $0x38;
	[tilespmem:$0x19400] =	vst v63  }
0x502: {  	_ =	swait.ge [sflag:s6], $0xC800  }
0x503: {  	s0 =	sld [smem:$0x7F3]  }
0x504: {  	[sflag:s6] =	ssyncset.done $0x0  }
0x505: {  	[sflag:s6] =	ssyncadd.s32 $0xFFFF3800  }
0x506: {  	[tilespmem:s16], [sflag:$0x5] =	stream.linear.gather [hbm4b:s0+s2], $0x190, $0x38;
	[tilespmem:$0x19400] =	vst v63  }
0x507: {  	_ =	swait.ge [sflag:s11], $0x190  }
0x508: {  	[sflag:s11] =	ssyncset.done $0x0  }
0x509: {  	[sflag:s11] =	ssyncadd.s32 $0xFFFFFE70  }
0x50a: {  	[tilespmem:s9], [sflag:$0x2] =	stream.indirect.gather [hbm4b:s3+s12], $0x80, s16, s12, $0xb8;
	[tilespmem:$0x19400] =	vst v63  }
0x50b: {  	_ =	swait.ge [sflag:s15], $0xC800  }
0x50c: {  	s0 =	sld [smem:$0x7F5]  }
0x50d: {  	[sflag:s15] =	ssyncset.done $0x0  }
0x50e: {  	[sflag:s15] =	ssyncadd.s32 $0xFFFF3800  }
0x50f: {  	[hbm4b:s0+s2] =	stream.linear.scatter [tilespmem:s7], [sflag:$0x3], $0xC800, $0x38;
	[tilespmem:$0x19400] =	vst v63  }
0x510: {  	_ =	swait.ge [sflag:s8], $0xC800  }
0x511: {  	s0 =	sld [smem:$0x7F6]  }
0x512: {  	[sflag:s8] =	ssyncset.done $0x0  }
0x513: {  	[sflag:s8] =	ssyncadd.s32 $0xFFFF3800  }
0x514: {  	[tilespmem:s2], [sflag:$0x5] =	stream.linear.gather [hbm4b:s0+s2], $0x190, $0x38;
	[tilespmem:$0x19400] =	vst v63  }
0x515: {  	_ =	swait.ge [sflag:s11], $0x190  }
0x516: {  	[sflag:s11] =	ssyncset.done $0x0  }
0x517: {  	[sflag:s11] =	ssyncadd.s32 $0xFFFFFE70  }
0x518: {  	[tilespmem:s7], [sflag:$0x1] =	stream.indirect.gather [hbm4b:s3+s12], $0x80, s2, s12, $0xb8;
	[tilespmem:$0x19400] =	vst v63  }
0x519: {  	_ =	swait.ge [sflag:s14], $0xC800  }
0x51a: {  	s0 =	sld [smem:$0x7F7]  }
0x51b: {  	[sflag:s14] =	ssyncset.done $0x0  }
0x51c: {  	[sflag:s14] =	ssyncadd.s32 $0xFFFF3800  }
0x51d: {  	[hbm4b:s0+s2] =	stream.linear.scatter [tilespmem:s9], [sflag:$0x4], $0xC800, $0x38;
	[tilespmem:$0x19400] =	vst v63  }
0x51e: {  	_ =	swait.ge [sflag:s6], $0xC800  }
0x51f: {  	s0 =	sld [smem:$0x7F8]  }
0x520: {  	[sflag:s6] =	ssyncset.done $0x0  }
0x521: {  	[sflag:s6] =	ssyncadd.s32 $0xFFFF3800  }
0x522: {  	[tilespmem:s16], [sflag:$0x5] =	stream.linear.gather [hbm4b:s0+s2], $0x190, $0x38;
	[tilespmem:$0x19400] =	vst v63  }
0x523: {  	_ =	swait.ge [sflag:s11], $0x190  }
0x524: {  	[sflag:s11] =	ssyncset.done $0x0  }
0x525: {  	[sflag:s11] =	ssyncadd.s32 $0xFFFFFE70  }
0x526: {  	[tilespmem:s9], [sflag:$0x2] =	stream.indirect.gather [hbm4b:s3+s12], $0x80, s16, s12, $0xb8;
	[tilespmem:$0x19400] =	vst v63  }
0x527: {  	_ =	swait.ge [sflag:s15], $0xC800  }
0x528: {  	s0 =	sld [smem:$0x7FA]  }
0x529: {  	[sflag:s15] =	ssyncset.done $0x0  }
0x52a: {  	[sflag:s15] =	ssyncadd.s32 $0xFFFF3800  }
0x52b: {  	[hbm4b:s0+s2] =	stream.linear.scatter [tilespmem:s7], [sflag:$0x3], $0xC800, $0x38;
	[tilespmem:$0x19400] =	vst v63  }
0x52c: {  	_ =	swait.ge [sflag:s8], $0xC800  }
0x52d: {  	s0 =	sld [smem:$0x7FB]  }
0x52e: {  	[sflag:s8] =	ssyncset.done $0x0  }
0x52f: {  	[sflag:s8] =	ssyncadd.s32 $0xFFFF3800  }
0x530: {  	[tilespmem:s2], [sflag:$0x5] =	stream.linear.gather [hbm4b:s0+s2], $0x190, $0x38;
	[tilespmem:$0x19400] =	vst v63  }
0x531: {  	_ =	swait.ge [sflag:s11], $0x190  }
0x532: {  	[sflag:s11] =	ssyncset.done $0x0  }
0x533: {  	[sflag:s11] =	ssyncadd.s32 $0xFFFFFE70  }
0x534: {  	[tilespmem:s7], [sflag:$0x1] =	stream.indirect.gather [hbm4b:s3+s12], $0x80, s2, s12, $0xb8;
	[tilespmem:$0x19400] =	vst v63  }
0x535: {  	_ =	swait.ge [sflag:s14], $0xC800  }
0x536: {  	s0 =	sld [smem:$0x7FC]  }
0x537: {  	[sflag:s14] =	ssyncset.done $0x0  }
0x538: {  	[sflag:s14] =	ssyncadd.s32 $0xFFFF3800  }
0x539: {  	[hbm4b:s0+s2] =	stream.linear.scatter [tilespmem:s9], [sflag:$0x4], $0xC800, $0x38;
	[tilespmem:$0x19400] =	vst v63  }
0x53a: {  	_ =	swait.ge [sflag:s6], $0xC800  }
0x53b: {  	s0 =	sld [smem:$0x7FD]  }
0x53c: {  	[sflag:s6] =	ssyncset.done $0x0  }
0x53d: {  	[sflag:s6] =	ssyncadd.s32 $0xFFFF3800  }
0x53e: {  	[tilespmem:s16], [sflag:$0x5] =	stream.linear.gather [hbm4b:s0+s2], $0x190, $0x38;
	[tilespmem:$0x19400] =	vst v63  }
0x53f: {  	_ =	swait.ge [sflag:s11], $0x190  }
0x540: {  	[sflag:s11] =	ssyncset.done $0x0  }
0x541: {  	[sflag:s11] =	ssyncadd.s32 $0xFFFFFE70  }
0x542: {  	[tilespmem:s9], [sflag:$0x2] =	stream.indirect.gather [hbm4b:s3+s12], $0x80, s16, s12, $0xb8;
	[tilespmem:$0x19400] =	vst v63  }
0x543: {  	_ =	swait.ge [sflag:s15], $0xC800  }
0x544: {  	[sflag:s15] =	ssyncset.done $0x0  }
0x545: {  	[sflag:s15] =	ssyncadd.s32 $0xFFFF3800  }
0x546: {  	[hbm4b:s31+s2] =	stream.linear.scatter [tilespmem:s7], [sflag:$0x3], $0xC800, $0x38;
	[tilespmem:$0x19400] =	vst v63  }
0x547: {  	_ =	swait.ge [sflag:s8], $0xC800  }
0x548: {  	[sflag:s8] =	ssyncset.done $0x0  }
0x549: {  	[sflag:s8] =	ssyncadd.s32 $0xFFFF3800  }
0x54a: {  	[tilespmem:s2], [sflag:$0x5] =	stream.linear.gather [hbm4b:s30+s2], $0x190, $0x38;
	[tilespmem:$0x19400] =	vst v63  }
0x54b: {  	_ =	swait.ge [sflag:s11], $0x190  }
0x54c: {  	[sflag:s11] =	ssyncset.done $0x0  }
0x54d: {  	[sflag:s11] =	ssyncadd.s32 $0xFFFFFE70  }
0x54e: {  	[tilespmem:s7], [sflag:$0x1] =	stream.indirect.gather [hbm4b:s3+s12], $0x80, s2, s12, $0xb8;
	[tilespmem:$0x19400] =	vst v63  }
0x54f: {  	_ =	swait.ge [sflag:s14], $0xC800  }
0x550: {  	[sflag:s14] =	ssyncset.done $0x0  }
0x551: {  	[sflag:s14] =	ssyncadd.s32 $0xFFFF3800  }
0x552: {  	[hbm4b:s29+s2] =	stream.linear.scatter [tilespmem:s9], [sflag:$0x4], $0xC800, $0x38;
	[tilespmem:$0x19400] =	vst v63  }
0x553: {  	_ =	swait.ge [sflag:s6], $0xC800  }
0x554: {  	[sflag:s6] =	ssyncset.done $0x0  }
0x555: {  	[sflag:s6] =	ssyncadd.s32 $0xFFFF3800  }
0x556: {  	[tilespmem:s16], [sflag:$0x5] =	stream.linear.gather [hbm4b:s28+s2], $0x190, $0x38;
	[tilespmem:$0x19400] =	vst v63  }
0x557: {  	_ =	swait.ge [sflag:s11], $0x190  }
0x558: {  	[sflag:s11] =	ssyncset.done $0x0  }
0x559: {  	[sflag:s11] =	ssyncadd.s32 $0xFFFFFE70  }
0x55a: {  	[tilespmem:s9], [sflag:$0x2] =	stream.indirect.gather [hbm4b:s3+s12], $0x80, s16, s12, $0xb8;
	[tilespmem:$0x19400] =	vst v63  }
0x55b: {  	_ =	swait.ge [sflag:s15], $0xC800  }
0x55c: {  	[sflag:s15] =	ssyncset.done $0x0  }
0x55d: {  	[sflag:s15] =	ssyncadd.s32 $0xFFFF3800  }
0x55e: {  	[hbm4b:s26+s2] =	stream.linear.scatter [tilespmem:s7], [sflag:$0x3], $0xC800, $0x38;
	[tilespmem:$0x19400] =	vst v63  }
0x55f: {  	_ =	swait.ge [sflag:s8], $0xC800  }
0x560: {  	[sflag:s8] =	ssyncset.done $0x0  }
0x561: {  	[sflag:s8] =	ssyncadd.s32 $0xFFFF3800  }
0x562: {  	[tilespmem:s2], [sflag:$0x5] =	stream.linear.gather [hbm4b:s25+s2], $0x190, $0x38;
	[tilespmem:$0x19400] =	vst v63  }
0x563: {  	_ =	swait.ge [sflag:s11], $0x190  }
0x564: {  	[sflag:s11] =	ssyncset.done $0x0  }
0x565: {  	[sflag:s11] =	ssyncadd.s32 $0xFFFFFE70  }
0x566: {  	[tilespmem:s7], [sflag:$0x1] =	stream.indirect.gather [hbm4b:s3+s12], $0x80, s2, s12, $0xb8;
	[tilespmem:$0x19400] =	vst v63  }
0x567: {  	_ =	swait.ge [sflag:s14], $0xC800  }
0x568: {  	[sflag:s14] =	ssyncset.done $0x0  }
0x569: {  	[sflag:s14] =	ssyncadd.s32 $0xFFFF3800  }
0x56a: {  	[hbm4b:s24+s2] =	stream.linear.scatter [tilespmem:s9], [sflag:$0x4], $0xC800, $0x38;
	[tilespmem:$0x19400] =	vst v63  }
0x56b: {  	_ =	swait.ge [sflag:s6], $0xC800  }
0x56c: {  	[sflag:s6] =	ssyncset.done $0x0  }
0x56d: {  	[sflag:s6] =	ssyncadd.s32 $0xFFFF3800  }
0x56e: {  	[tilespmem:s16], [sflag:$0x5] =	stream.linear.gather [hbm4b:s23+s2], $0x190, $0x38;
	[tilespmem:$0x19400] =	vst v63  }
0x56f: {  	_ =	swait.ge [sflag:s11], $0x190  }
0x570: {  	[sflag:s11] =	ssyncset.done $0x0  }
0x571: {  	[sflag:s11] =	ssyncadd.s32 $0xFFFFFE70  }
0x572: {  	[tilespmem:s9], [sflag:$0x2] =	stream.indirect.gather [hbm4b:s3+s12], $0x80, s16, s12, $0xb8;
	[tilespmem:$0x19400] =	vst v63  }
0x573: {  	_ =	swait.ge [sflag:s15], $0xC800  }
0x574: {  	[sflag:s15] =	ssyncset.done $0x0  }
0x575: {  	[sflag:s15] =	ssyncadd.s32 $0xFFFF3800  }
0x576: {  	[hbm4b:s22+s2] =	stream.linear.scatter [tilespmem:s7], [sflag:$0x3], $0xC800, $0x38;
	[tilespmem:$0x19400] =	vst v63  }
0x577: {  	_ =	swait.ge [sflag:s8], $0xC800  }
0x578: {  	[sflag:s8] =	ssyncset.done $0x0  }
0x579: {  	[sflag:s8] =	ssyncadd.s32 $0xFFFF3800  }
0x57a: {  	[tilespmem:s2], [sflag:$0x5] =	stream.linear.gather [hbm4b:s21+s2], $0x190, $0x38;
	[tilespmem:$0x19400] =	vst v63  }
0x57b: {  	_ =	swait.ge [sflag:s11], $0x190  }
0x57c: {  	[sflag:s11] =	ssyncset.done $0x0  }
0x57d: {  	[sflag:s11] =	ssyncadd.s32 $0xFFFFFE70  }
0x57e: {  	[tilespmem:s7], [sflag:$0x1] =	stream.indirect.gather [hbm4b:s3+s12], $0x80, s2, s12, $0xb8;
	[tilespmem:$0x19400] =	vst v63  }
0x57f: {  	_ =	swait.ge [sflag:s14], $0xC800  }
0x580: {  	[sflag:s14] =	ssyncset.done $0x0  }
0x581: {  	[sflag:s14] =	ssyncadd.s32 $0xFFFF3800  }
0x582: {  	[hbm4b:s20+s2] =	stream.linear.scatter [tilespmem:s9], [sflag:$0x4], $0xC800, $0x38;
	[tilespmem:$0x19400] =	vst v63  }
0x583: {  	_ =	swait.ge [sflag:s6], $0xC800  }
0x584: {  	[sflag:s6] =	ssyncset.done $0x0  }
0x585: {  	[sflag:s6] =	ssyncadd.s32 $0xFFFF3800  }
0x586: {  	[tilespmem:s16], [sflag:$0x5] =	stream.linear.gather [hbm4b:s19+s2], $0x190, $0x38;
	[tilespmem:$0x19400] =	vst v63  }
0x587: {  	_ =	swait.ge [sflag:s11], $0x190  }
0x588: {  	[sflag:s11] =	ssyncset.done $0x0  }
0x589: {  	[sflag:s11] =	ssyncadd.s32 $0xFFFFFE70  }
0x58a: {  	[tilespmem:s9], [sflag:$0x2] =	stream.indirect.gather [hbm4b:s3+s12], $0x80, s16, s12, $0xb8;
	[tilespmem:$0x19400] =	vst v63  }
0x58b: {  	_ =	swait.ge [sflag:s15], $0xC800  }
0x58c: {  	[sflag:s15] =	ssyncset.done $0x0  }
0x58d: {  	[sflag:s15] =	ssyncadd.s32 $0xFFFF3800  }
0x58e: {  	[hbm4b:s18+s2] =	stream.linear.scatter [tilespmem:s7], [sflag:$0x3], $0xC800, $0x38;
	[tilespmem:$0x19400] =	vst v63  }
0x58f: {  	_ =	swait.ge [sflag:s8], $0xC800  }
0x590: {  	[sflag:s8] =	ssyncset.done $0x0  }
0x591: {  	[sflag:s8] =	ssyncadd.s32 $0xFFFF3800  }
0x592: {  	[tilespmem:s2], [sflag:$0x5] =	stream.linear.gather [hbm4b:s17+s2], $0x190, $0x38;
	[tilespmem:$0x19400] =	vst v63  }
0x593: {  	_ =	swait.ge [sflag:s11], $0x190  }
0x594: {  	[sflag:s11] =	ssyncset.done $0x0  }
0x595: {  	[sflag:s11] =	ssyncadd.s32 $0xFFFFFE70  }
0x596: {  	[tilespmem:s7], [sflag:$0x1] =	stream.indirect.gather [hbm4b:s3+s12], $0x80, s2, s12, $0xb8;
	[tilespmem:$0x19400] =	vst v63  }
0x597: {  	_ =	swait.ge [sflag:s14], $0xC800  }
0x598: {  	[sflag:s14] =	ssyncset.done $0x0  }
0x599: {  	[sflag:s14] =	ssyncadd.s32 $0xFFFF3800  }
0x59a: {  	[hbm4b:s13+s2] =	stream.linear.scatter [tilespmem:s9], [sflag:$0x4], $0xC800, $0x38;
	[tilespmem:$0x19400] =	vst v63  }
0x59b: {  	_ =	swait.ge [sflag:s6], $0xC800  }
0x59c: {  	[sflag:s6] =	ssyncset.done $0x0  }
0x59d: {  	[sflag:s6] =	ssyncadd.s32 $0xFFFF3800  }
0x59e: {  	[tilespmem:s16], [sflag:$0x5] =	stream.linear.gather [hbm4b:s10+s2], $0x190, $0x38;
	[tilespmem:$0x19400] =	vst v63  }
0x59f: {  	_ =	swait.ge [sflag:s11], $0x190  }
0x5a0: {  	[sflag:s11] =	ssyncset.done $0x0  }
0x5a1: {  	[sflag:s11] =	ssyncadd.s32 $0xFFFFFE70  }
0x5a2: {  	[tilespmem:s9], [sflag:$0x2] =	stream.indirect.gather [hbm4b:s3+s12], $0x80, s16, s12, $0xb8;
	[tilespmem:$0x19400] =	vst v63  }
0x5a3: {  	_ =	swait.ge [sflag:s15], $0xC800  }
0x5a4: {  	[sflag:s15] =	ssyncset.done $0x0  }
0x5a5: {  	[sflag:s15] =	ssyncadd.s32 $0xFFFF3800  }
0x5a6: {  	[hbm4b:s5+s2] =	stream.linear.scatter [tilespmem:s7], [sflag:$0x3], $0xC800, $0x38;
	[tilespmem:$0x19400] =	vst v63  }
0x5a7: {  	_ =	swait.ge [sflag:s14], $0xC800  }
0x5a8: {  	[sflag:s14] =	ssyncset.done $0x0  }
0x5a9: {  	p1 =	sne.s32 s1, $0x1;
	[sflag:s14] =	ssyncadd.s32 $0xFFFF3800  }
0x5aa: {  	[hbm4b:s4+s2] =	stream.linear.scatter [tilespmem:s9], [sflag:$0x4], $0xC800, $0x38;
	[tilespmem:$0x19400] =	vst v63  }
.Ltmp2:
0x5ab: {  	_ =	swait.ge [sflag:s8], $0xC800;
	(pc) =	sbr.rel @p1 .LBB2_2-.Ltmp2, $4  }
0x5ac: {  	[sflag:s8] =	ssyncset.done $0x0  }
0x5ad: {  	[sflag:s8] =	ssyncadd.s32 $0xFFFF3800  }
0x5ae: {  	_ =	swait.ge [sflag:s6], $0xC800  }
0x5af: {  	s1 =	sadd.s32 $0xFFFFFFFF, s1;
	s0 =	rddreg [dreg:$0x2];
	[sflag:s6] =	ssyncset.done $0x0  }
.LBB2_3:
0x5b0: {  	[sflag:s6] =	ssyncadd.s32 @p0 $0xFFFF3800  }
0x5b1: {  	[tilespmem:s2], [sflag:$0x5] =	stream.linear.gather [hbm4b:s0+s2], $0x190, $0x38;
	[tilespmem:$0x19400] =	vst v63  }
0x5b2: {  	_ =	swait.ge [sflag:s11], $0x190  }
0x5b3: {  	[sflag:s11] =	ssyncset.done $0x0  }
0x5b4: {  	[sflag:s11] =	ssyncadd.s32 $0xFFFFFE70  }
0x5b5: {  	[tilespmem:s7], [sflag:$0x1] =	stream.indirect.gather [hbm4b:s3+s12], $0x80, s2, s12, $0xb8;
	[tilespmem:$0x19400] =	vst v63  }
0x5b6: {  	s1 =	rddreg [dreg:$0x3]  }
0x5b7: {  	[tilespmem:s16], [sflag:$0x5] =	stream.linear.gather [hbm4b:s1+s2], $0x190, $0x38;
	[tilespmem:$0x19400] =	vst v63  }
0x5b8: {  	_ =	swait.ge [sflag:s11], $0x190  }
0x5b9: {  	[sflag:s11] =	ssyncset.done $0x0  }
0x5ba: {  	[sflag:s11] =	ssyncadd.s32 $0xFFFFFE70  }
0x5bb: {  	[tilespmem:s9], [sflag:$0x2] =	stream.indirect.gather [hbm4b:s3+s12], $0x80, s16, s12, $0xb8;
	[tilespmem:$0x19400] =	vst v63  }
0x5bc: {  	_ =	swait.ge [sflag:s15], $0xC800  }
0x5bd: {  	[sflag:s15] =	ssyncset.done $0x0  }
0x5be: {  	s1 =	rddreg [dreg:$0x4];
	[sflag:s15] =	ssyncadd.s32 $0xFFFF3800  }
0x5bf: {  	[hbm4b:s1+s2] =	stream.linear.scatter [tilespmem:s7], [sflag:$0x3], $0xC800, $0x38;
	[tilespmem:$0x19400] =	vst v63  }
0x5c0: {  	_ =	swait.ge [sflag:s8], $0xC800  }
0x5c1: {  	[sflag:s8] =	ssyncset.done $0x0  }
0x5c2: {  	s1 =	rddreg [dreg:$0x5];
	[sflag:s8] =	ssyncadd.s32 $0xFFFF3800  }
0x5c3: {  	[tilespmem:s2], [sflag:$0x5] =	stream.linear.gather [hbm4b:s1+s2], $0x190, $0x38;
	[tilespmem:$0x19400] =	vst v63  }
0x5c4: {  	_ =	swait.ge [sflag:s11], $0x190  }
0x5c5: {  	[sflag:s11] =	ssyncset.done $0x0  }
0x5c6: {  	[sflag:s11] =	ssyncadd.s32 $0xFFFFFE70  }
0x5c7: {  	[tilespmem:s7], [sflag:$0x1] =	stream.indirect.gather [hbm4b:s3+s12], $0x80, s2, s12, $0xb8;
	[tilespmem:$0x19400] =	vst v63  }
0x5c8: {  	_ =	swait.ge [sflag:s14], $0xC800  }
0x5c9: {  	[sflag:s14] =	ssyncset.done $0x0  }
0x5ca: {  	s1 =	rddreg [dreg:$0x6];
	[sflag:s14] =	ssyncadd.s32 $0xFFFF3800  }
0x5cb: {  	[hbm4b:s1+s2] =	stream.linear.scatter [tilespmem:s9], [sflag:$0x4], $0xC800, $0x38;
	[tilespmem:$0x19400] =	vst v63  }
0x5cc: {  	_ =	swait.ge [sflag:s6], $0xC800  }
0x5cd: {  	[sflag:s6] =	ssyncset.done $0x0  }
0x5ce: {  	s1 =	rddreg [dreg:$0x7];
	[sflag:s6] =	ssyncadd.s32 $0xFFFF3800  }
0x5cf: {  	[tilespmem:s16], [sflag:$0x5] =	stream.linear.gather [hbm4b:s1+s2], $0x190, $0x38;
	[tilespmem:$0x19400] =	vst v63  }
0x5d0: {  	_ =	swait.ge [sflag:s11], $0x190  }
0x5d1: {  	[sflag:s11] =	ssyncset.done $0x0  }
0x5d2: {  	[sflag:s11] =	ssyncadd.s32 $0xFFFFFE70  }
0x5d3: {  	[tilespmem:s9], [sflag:$0x2] =	stream.indirect.gather [hbm4b:s3+s12], $0x80, s16, s12, $0xb8;
	[tilespmem:$0x19400] =	vst v63  }
0x5d4: {  	_ =	swait.ge [sflag:s15], $0xC800  }
0x5d5: {  	[sflag:s15] =	ssyncset.done $0x0  }
0x5d6: {  	s1 =	rddreg [dreg:$0x8];
	[sflag:s15] =	ssyncadd.s32 $0xFFFF3800  }
0x5d7: {  	[hbm4b:s1+s2] =	stream.linear.scatter [tilespmem:s7], [sflag:$0x3], $0xC800, $0x38;
	[tilespmem:$0x19400] =	vst v63  }
0x5d8: {  	_ =	swait.ge [sflag:s8], $0xC800  }
0x5d9: {  	[sflag:s8] =	ssyncset.done $0x0  }
0x5da: {  	s1 =	rddreg [dreg:$0x9];
	[sflag:s8] =	ssyncadd.s32 $0xFFFF3800  }
0x5db: {  	[tilespmem:s2], [sflag:$0x5] =	stream.linear.gather [hbm4b:s1+s2], $0x190, $0x38;
	[tilespmem:$0x19400] =	vst v63  }
0x5dc: {  	_ =	swait.ge [sflag:s11], $0x190  }
0x5dd: {  	[sflag:s11] =	ssyncset.done $0x0  }
0x5de: {  	[sflag:s11] =	ssyncadd.s32 $0xFFFFFE70  }
0x5df: {  	[tilespmem:s7], [sflag:$0x1] =	stream.indirect.gather [hbm4b:s3+s12], $0x80, s2, s12, $0xb8;
	[tilespmem:$0x19400] =	vst v63  }
0x5e0: {  	_ =	swait.ge [sflag:s14], $0xC800  }
0x5e1: {  	[sflag:s14] =	ssyncset.done $0x0  }
0x5e2: {  	s1 =	rddreg [dreg:$0xa];
	[sflag:s14] =	ssyncadd.s32 $0xFFFF3800  }
0x5e3: {  	[hbm4b:s1+s2] =	stream.linear.scatter [tilespmem:s9], [sflag:$0x4], $0xC800, $0x38;
	[tilespmem:$0x19400] =	vst v63  }
0x5e4: {  	_ =	swait.ge [sflag:s6], $0xC800  }
0x5e5: {  	[sflag:s6] =	ssyncset.done $0x0  }
0x5e6: {  	s1 =	rddreg [dreg:$0xb];
	[sflag:s6] =	ssyncadd.s32 $0xFFFF3800  }
0x5e7: {  	[tilespmem:s16], [sflag:$0x5] =	stream.linear.gather [hbm4b:s1+s2], $0x190, $0x38;
	[tilespmem:$0x19400] =	vst v63  }
0x5e8: {  	_ =	swait.ge [sflag:s11], $0x190  }
0x5e9: {  	[sflag:s11] =	ssyncset.done $0x0  }
0x5ea: {  	[sflag:s11] =	ssyncadd.s32 $0xFFFFFE70  }
0x5eb: {  	[tilespmem:s9], [sflag:$0x2] =	stream.indirect.gather [hbm4b:s3+s12], $0x80, s16, s12, $0xb8;
	[tilespmem:$0x19400] =	vst v63  }
0x5ec: {  	_ =	swait.ge [sflag:s15], $0xC800  }
0x5ed: {  	[sflag:s15] =	ssyncset.done $0x0  }
0x5ee: {  	s1 =	rddreg [dreg:$0xc];
	[sflag:s15] =	ssyncadd.s32 $0xFFFF3800  }
0x5ef: {  	[hbm4b:s1+s2] =	stream.linear.scatter [tilespmem:s7], [sflag:$0x3], $0xC800, $0x38;
	[tilespmem:$0x19400] =	vst v63  }
0x5f0: {  	_ =	swait.ge [sflag:s8], $0xC800  }
0x5f1: {  	[sflag:s8] =	ssyncset.done $0x0  }
0x5f2: {  	s1 =	rddreg [dreg:$0xd];
	[sflag:s8] =	ssyncadd.s32 $0xFFFF3800  }
0x5f3: {  	[tilespmem:s2], [sflag:$0x5] =	stream.linear.gather [hbm4b:s1+s2], $0x190, $0x38;
	[tilespmem:$0x19400] =	vst v63  }
0x5f4: {  	_ =	swait.ge [sflag:s11], $0x190  }
0x5f5: {  	[sflag:s11] =	ssyncset.done $0x0  }
0x5f6: {  	[sflag:s11] =	ssyncadd.s32 $0xFFFFFE70  }
0x5f7: {  	[tilespmem:s7], [sflag:$0x1] =	stream.indirect.gather [hbm4b:s3+s12], $0x80, s2, s12, $0xb8;
	[tilespmem:$0x19400] =	vst v63  }
0x5f8: {  	_ =	swait.ge [sflag:s14], $0xC800  }
0x5f9: {  	[sflag:s14] =	ssyncset.done $0x0  }
0x5fa: {  	s1 =	rddreg [dreg:$0xe];
	[sflag:s14] =	ssyncadd.s32 $0xFFFF3800  }
0x5fb: {  	[hbm4b:s1+s2] =	stream.linear.scatter [tilespmem:s9], [sflag:$0x4], $0xC800, $0x38;
	[tilespmem:$0x19400] =	vst v63  }
0x5fc: {  	_ =	swait.ge [sflag:s6], $0xC800  }
0x5fd: {  	[sflag:s6] =	ssyncset.done $0x0  }
0x5fe: {  	s1 =	rddreg [dreg:$0xf];
	[sflag:s6] =	ssyncadd.s32 $0xFFFF3800  }
0x5ff: {  	[tilespmem:s16], [sflag:$0x5] =	stream.linear.gather [hbm4b:s1+s2], $0x190, $0x38;
	[tilespmem:$0x19400] =	vst v63  }
0x600: {  	_ =	swait.ge [sflag:s11], $0x190  }
0x601: {  	[sflag:s11] =	ssyncset.done $0x0  }
0x602: {  	[sflag:s11] =	ssyncadd.s32 $0xFFFFFE70  }
0x603: {  	[tilespmem:s9], [sflag:$0x2] =	stream.indirect.gather [hbm4b:s3+s12], $0x80, s16, s12, $0xb8;
	[tilespmem:$0x19400] =	vst v63  }
0x604: {  	_ =	swait.ge [sflag:s15], $0xC800  }
0x605: {  	[sflag:s15] =	ssyncset.done $0x0  }
0x606: {  	s1 =	rddreg [dreg:$0x10];
	[sflag:s15] =	ssyncadd.s32 $0xFFFF3800  }
0x607: {  	[hbm4b:s1+s2] =	stream.linear.scatter [tilespmem:s7], [sflag:$0x3], $0xC800, $0x38;
	[tilespmem:$0x19400] =	vst v63  }
0x608: {  	_ =	swait.ge [sflag:s8], $0xC800  }
0x609: {  	[sflag:s8] =	ssyncset.done $0x0  }
0x60a: {  	s1 =	rddreg [dreg:$0x11];
	[sflag:s8] =	ssyncadd.s32 $0xFFFF3800  }
0x60b: {  	[tilespmem:s2], [sflag:$0x5] =	stream.linear.gather [hbm4b:s1+s2], $0x190, $0x38;
	[tilespmem:$0x19400] =	vst v63  }
0x60c: {  	_ =	swait.ge [sflag:s11], $0x190  }
0x60d: {  	[sflag:s11] =	ssyncset.done $0x0  }
0x60e: {  	[sflag:s11] =	ssyncadd.s32 $0xFFFFFE70  }
0x60f: {  	[tilespmem:s7], [sflag:$0x1] =	stream.indirect.gather [hbm4b:s3+s12], $0x80, s2, s12, $0xb8;
	[tilespmem:$0x19400] =	vst v63  }
0x610: {  	_ =	swait.ge [sflag:s14], $0xC800  }
0x611: {  	[sflag:s14] =	ssyncset.done $0x0  }
0x612: {  	s1 =	rddreg [dreg:$0x12];
	[sflag:s14] =	ssyncadd.s32 $0xFFFF3800  }
0x613: {  	[hbm4b:s1+s2] =	stream.linear.scatter [tilespmem:s9], [sflag:$0x4], $0xC800, $0x38;
	[tilespmem:$0x19400] =	vst v63  }
0x614: {  	_ =	swait.ge [sflag:s6], $0xC800  }
0x615: {  	[sflag:s6] =	ssyncset.done $0x0  }
0x616: {  	s1 =	rddreg [dreg:$0x13];
	[sflag:s6] =	ssyncadd.s32 $0xFFFF3800  }
0x617: {  	[tilespmem:s16], [sflag:$0x5] =	stream.linear.gather [hbm4b:s1+s2], $0x190, $0x38;
	[tilespmem:$0x19400] =	vst v63  }
0x618: {  	_ =	swait.ge [sflag:s11], $0x190  }
0x619: {  	[sflag:s11] =	ssyncset.done $0x0  }
0x61a: {  	[sflag:s11] =	ssyncadd.s32 $0xFFFFFE70  }
0x61b: {  	[tilespmem:s9], [sflag:$0x2] =	stream.indirect.gather [hbm4b:s3+s12], $0x80, s16, s12, $0xb8;
	[tilespmem:$0x19400] =	vst v63  }
0x61c: {  	_ =	swait.ge [sflag:s15], $0xC800  }
0x61d: {  	[sflag:s15] =	ssyncset.done $0x0  }
0x61e: {  	s1 =	rddreg [dreg:$0x14];
	[sflag:s15] =	ssyncadd.s32 $0xFFFF3800  }
0x61f: {  	[hbm4b:s1+s2] =	stream.linear.scatter [tilespmem:s7], [sflag:$0x3], $0xC800, $0x38;
	[tilespmem:$0x19400] =	vst v63  }
0x620: {  	_ =	swait.ge [sflag:s8], $0xC800  }
0x621: {  	[sflag:s8] =	ssyncset.done $0x0  }
0x622: {  	s1 =	rddreg [dreg:$0x15];
	[sflag:s8] =	ssyncadd.s32 $0xFFFF3800  }
0x623: {  	[tilespmem:s2], [sflag:$0x5] =	stream.linear.gather [hbm4b:s1+s2], $0x190, $0x38;
	[tilespmem:$0x19400] =	vst v63  }
0x624: {  	_ =	swait.ge [sflag:s11], $0x190  }
0x625: {  	[sflag:s11] =	ssyncset.done $0x0  }
0x626: {  	[sflag:s11] =	ssyncadd.s32 $0xFFFFFE70  }
0x627: {  	[tilespmem:s7], [sflag:$0x1] =	stream.indirect.gather [hbm4b:s3+s12], $0x80, s2, s12, $0xb8;
	[tilespmem:$0x19400] =	vst v63  }
0x628: {  	_ =	swait.ge [sflag:s14], $0xC800  }
0x629: {  	[sflag:s14] =	ssyncset.done $0x0  }
0x62a: {  	s1 =	rddreg [dreg:$0x16];
	[sflag:s14] =	ssyncadd.s32 $0xFFFF3800  }
0x62b: {  	[hbm4b:s1+s2] =	stream.linear.scatter [tilespmem:s9], [sflag:$0x4], $0xC800, $0x38;
	[tilespmem:$0x19400] =	vst v63  }
0x62c: {  	_ =	swait.ge [sflag:s6], $0xC800  }
0x62d: {  	[sflag:s6] =	ssyncset.done $0x0  }
0x62e: {  	s1 =	rddreg [dreg:$0x17];
	[sflag:s6] =	ssyncadd.s32 $0xFFFF3800  }
0x62f: {  	[tilespmem:s16], [sflag:$0x5] =	stream.linear.gather [hbm4b:s1+s2], $0x190, $0x38;
	[tilespmem:$0x19400] =	vst v63  }
0x630: {  	_ =	swait.ge [sflag:s11], $0x190  }
0x631: {  	[sflag:s11] =	ssyncset.done $0x0  }
0x632: {  	[sflag:s11] =	ssyncadd.s32 $0xFFFFFE70  }
0x633: {  	[tilespmem:s9], [sflag:$0x2] =	stream.indirect.gather [hbm4b:s3+s12], $0x80, s16, s12, $0xb8;
	[tilespmem:$0x19400] =	vst v63  }
0x634: {  	_ =	swait.ge [sflag:s15], $0xC800  }
0x635: {  	[sflag:s15] =	ssyncset.done $0x0  }
0x636: {  	s1 =	rddreg [dreg:$0x18];
	[sflag:s15] =	ssyncadd.s32 $0xFFFF3800  }
0x637: {  	[hbm4b:s1+s2] =	stream.linear.scatter [tilespmem:s7], [sflag:$0x3], $0xC800, $0x38;
	[tilespmem:$0x19400] =	vst v63  }
0x638: {  	_ =	swait.ge [sflag:s8], $0xC800  }
0x639: {  	[sflag:s8] =	ssyncset.done $0x0  }
0x63a: {  	s1 =	rddreg [dreg:$0x19];
	[sflag:s8] =	ssyncadd.s32 $0xFFFF3800  }
0x63b: {  	[tilespmem:s2], [sflag:$0x5] =	stream.linear.gather [hbm4b:s1+s2], $0x190, $0x38;
	[tilespmem:$0x19400] =	vst v63  }
0x63c: {  	_ =	swait.ge [sflag:s11], $0x190  }
0x63d: {  	[sflag:s11] =	ssyncset.done $0x0  }
0x63e: {  	[sflag:s11] =	ssyncadd.s32 $0xFFFFFE70  }
0x63f: {  	[tilespmem:s7], [sflag:$0x1] =	stream.indirect.gather [hbm4b:s3+s12], $0x80, s2, s12, $0xb8;
	[tilespmem:$0x19400] =	vst v63  }
0x640: {  	_ =	swait.ge [sflag:s14], $0xC800  }
0x641: {  	[sflag:s14] =	ssyncset.done $0x0  }
0x642: {  	s1 =	rddreg [dreg:$0x1a];
	[sflag:s14] =	ssyncadd.s32 $0xFFFF3800  }
0x643: {  	[hbm4b:s1+s2] =	stream.linear.scatter [tilespmem:s9], [sflag:$0x4], $0xC800, $0x38;
	[tilespmem:$0x19400] =	vst v63  }
0x644: {  	_ =	swait.ge [sflag:s6], $0xC800  }
0x645: {  	[sflag:s6] =	ssyncset.done $0x0  }
0x646: {  	s1 =	rddreg [dreg:$0x1b];
	[sflag:s6] =	ssyncadd.s32 $0xFFFF3800  }
0x647: {  	[tilespmem:s16], [sflag:$0x5] =	stream.linear.gather [hbm4b:s1+s2], $0x190, $0x38;
	[tilespmem:$0x19400] =	vst v63  }
0x648: {  	_ =	swait.ge [sflag:s11], $0x190  }
0x649: {  	[sflag:s11] =	ssyncset.done $0x0  }
0x64a: {  	[sflag:s11] =	ssyncadd.s32 $0xFFFFFE70  }
0x64b: {  	[tilespmem:s9], [sflag:$0x2] =	stream.indirect.gather [hbm4b:s3+s12], $0x80, s16, s12, $0xb8;
	[tilespmem:$0x19400] =	vst v63  }
0x64c: {  	_ =	swait.ge [sflag:s15], $0xC800  }
0x64d: {  	[sflag:s15] =	ssyncset.done $0x0  }
0x64e: {  	s1 =	rddreg [dreg:$0x1c];
	[sflag:s15] =	ssyncadd.s32 $0xFFFF3800  }
0x64f: {  	[hbm4b:s1+s2] =	stream.linear.scatter [tilespmem:s7], [sflag:$0x3], $0xC800, $0x38;
	[tilespmem:$0x19400] =	vst v63  }
0x650: {  	_ =	swait.ge [sflag:s8], $0xC800  }
0x651: {  	[sflag:s8] =	ssyncset.done $0x0  }
0x652: {  	s1 =	rddreg [dreg:$0x1d];
	[sflag:s8] =	ssyncadd.s32 $0xFFFF3800  }
0x653: {  	[tilespmem:s2], [sflag:$0x5] =	stream.linear.gather [hbm4b:s1+s2], $0x190, $0x38;
	[tilespmem:$0x19400] =	vst v63  }
0x654: {  	_ =	swait.ge [sflag:s11], $0x190  }
0x655: {  	[sflag:s11] =	ssyncset.done $0x0  }
0x656: {  	[sflag:s11] =	ssyncadd.s32 $0xFFFFFE70  }
0x657: {  	[tilespmem:s7], [sflag:$0x1] =	stream.indirect.gather [hbm4b:s3+s12], $0x80, s2, s12, $0xb8;
	[tilespmem:$0x19400] =	vst v63  }
0x658: {  	_ =	swait.ge [sflag:s14], $0xC800  }
0x659: {  	[sflag:s14] =	ssyncset.done $0x0  }
0x65a: {  	s1 =	rddreg [dreg:$0x1e];
	[sflag:s14] =	ssyncadd.s32 $0xFFFF3800  }
0x65b: {  	[hbm4b:s1+s2] =	stream.linear.scatter [tilespmem:s9], [sflag:$0x4], $0xC800, $0x38;
	[tilespmem:$0x19400] =	vst v63  }
0x65c: {  	_ =	swait.ge [sflag:s6], $0xC800  }
0x65d: {  	[sflag:s6] =	ssyncset.done $0x0  }
0x65e: {  	s1 =	rddreg [dreg:$0x1f];
	[sflag:s6] =	ssyncadd.s32 $0xFFFF3800  }
0x65f: {  	[tilespmem:s16], [sflag:$0x5] =	stream.linear.gather [hbm4b:s1+s2], $0x190, $0x38;
	[tilespmem:$0x19400] =	vst v63  }
0x660: {  	_ =	swait.ge [sflag:s11], $0x190  }
0x661: {  	[sflag:s11] =	ssyncset.done $0x0  }
0x662: {  	[sflag:s11] =	ssyncadd.s32 $0xFFFFFE70  }
0x663: {  	[tilespmem:s9], [sflag:$0x2] =	stream.indirect.gather [hbm4b:s3+s12], $0x80, s16, s12, $0xb8;
	[tilespmem:$0x19400] =	vst v63  }
0x664: {  	_ =	swait.ge [sflag:s15], $0xC800  }
0x665: {  	s1 =	sld [smem:$0x7B0]  }
0x666: {  	[sflag:s15] =	ssyncset.done $0x0  }
0x667: {  	[sflag:s15] =	ssyncadd.s32 $0xFFFF3800  }
0x668: {  	[hbm4b:s1+s2] =	stream.linear.scatter [tilespmem:s7], [sflag:$0x3], $0xC800, $0x38;
	[tilespmem:$0x19400] =	vst v63  }
0x669: {  	_ =	swait.ge [sflag:s8], $0xC800  }
0x66a: {  	s1 =	sld [smem:$0x7B1]  }
0x66b: {  	[sflag:s8] =	ssyncset.done $0x0  }
0x66c: {  	[sflag:s8] =	ssyncadd.s32 $0xFFFF3800  }
0x66d: {  	[tilespmem:s2], [sflag:$0x5] =	stream.linear.gather [hbm4b:s1+s2], $0x190, $0x38;
	[tilespmem:$0x19400] =	vst v63  }
0x66e: {  	_ =	swait.ge [sflag:s11], $0x190  }
0x66f: {  	[sflag:s11] =	ssyncset.done $0x0  }
0x670: {  	[sflag:s11] =	ssyncadd.s32 $0xFFFFFE70  }
0x671: {  	[tilespmem:s7], [sflag:$0x1] =	stream.indirect.gather [hbm4b:s3+s12], $0x80, s2, s12, $0xb8;
	[tilespmem:$0x19400] =	vst v63  }
0x672: {  	_ =	swait.ge [sflag:s14], $0xC800  }
0x673: {  	s1 =	sld [smem:$0x7B2]  }
0x674: {  	[sflag:s14] =	ssyncset.done $0x0  }
0x675: {  	[sflag:s14] =	ssyncadd.s32 $0xFFFF3800  }
0x676: {  	[hbm4b:s1+s2] =	stream.linear.scatter [tilespmem:s9], [sflag:$0x4], $0xC800, $0x38;
	[tilespmem:$0x19400] =	vst v63  }
0x677: {  	_ =	swait.ge [sflag:s6], $0xC800  }
0x678: {  	s1 =	sld [smem:$0x7B3]  }
0x679: {  	[sflag:s6] =	ssyncset.done $0x0  }
0x67a: {  	[sflag:s6] =	ssyncadd.s32 $0xFFFF3800  }
0x67b: {  	[tilespmem:s16], [sflag:$0x5] =	stream.linear.gather [hbm4b:s1+s2], $0x190, $0x38;
	[tilespmem:$0x19400] =	vst v63  }
0x67c: {  	_ =	swait.ge [sflag:s11], $0x190  }
0x67d: {  	[sflag:s11] =	ssyncset.done $0x0  }
0x67e: {  	[sflag:s11] =	ssyncadd.s32 $0xFFFFFE70  }
0x67f: {  	[tilespmem:s9], [sflag:$0x2] =	stream.indirect.gather [hbm4b:s3+s12], $0x80, s16, s12, $0xb8;
	[tilespmem:$0x19400] =	vst v63  }
0x680: {  	_ =	swait.ge [sflag:s15], $0xC800  }
0x681: {  	s1 =	sld [smem:$0x7B4]  }
0x682: {  	[sflag:s15] =	ssyncset.done $0x0  }
0x683: {  	[sflag:s15] =	ssyncadd.s32 $0xFFFF3800  }
0x684: {  	[hbm4b:s1+s2] =	stream.linear.scatter [tilespmem:s7], [sflag:$0x3], $0xC800, $0x38;
	[tilespmem:$0x19400] =	vst v63  }
0x685: {  	_ =	swait.ge [sflag:s8], $0xC800  }
0x686: {  	s1 =	sld [smem:$0x7B5]  }
0x687: {  	[sflag:s8] =	ssyncset.done $0x0  }
0x688: {  	[sflag:s8] =	ssyncadd.s32 $0xFFFF3800  }
0x689: {  	[tilespmem:s2], [sflag:$0x5] =	stream.linear.gather [hbm4b:s1+s2], $0x190, $0x38;
	[tilespmem:$0x19400] =	vst v63  }
0x68a: {  	_ =	swait.ge [sflag:s11], $0x190  }
0x68b: {  	[sflag:s11] =	ssyncset.done $0x0  }
0x68c: {  	[sflag:s11] =	ssyncadd.s32 $0xFFFFFE70  }
0x68d: {  	[tilespmem:s7], [sflag:$0x1] =	stream.indirect.gather [hbm4b:s3+s12], $0x80, s2, s12, $0xb8;
	[tilespmem:$0x19400] =	vst v63  }
0x68e: {  	_ =	swait.ge [sflag:s14], $0xC800  }
0x68f: {  	s1 =	sld [smem:$0x7B6]  }
0x690: {  	[sflag:s14] =	ssyncset.done $0x0  }
0x691: {  	[sflag:s14] =	ssyncadd.s32 $0xFFFF3800  }
0x692: {  	[hbm4b:s1+s2] =	stream.linear.scatter [tilespmem:s9], [sflag:$0x4], $0xC800, $0x38;
	[tilespmem:$0x19400] =	vst v63  }
0x693: {  	_ =	swait.ge [sflag:s6], $0xC800  }
0x694: {  	s1 =	sld [smem:$0x7B7]  }
0x695: {  	[sflag:s6] =	ssyncset.done $0x0  }
0x696: {  	[sflag:s6] =	ssyncadd.s32 $0xFFFF3800  }
0x697: {  	[tilespmem:s16], [sflag:$0x5] =	stream.linear.gather [hbm4b:s1+s2], $0x190, $0x38;
	[tilespmem:$0x19400] =	vst v63  }
0x698: {  	_ =	swait.ge [sflag:s11], $0x190  }
0x699: {  	[sflag:s11] =	ssyncset.done $0x0  }
0x69a: {  	[sflag:s11] =	ssyncadd.s32 $0xFFFFFE70  }
0x69b: {  	[tilespmem:s9], [sflag:$0x2] =	stream.indirect.gather [hbm4b:s3+s12], $0x80, s16, s12, $0xb8;
	[tilespmem:$0x19400] =	vst v63  }
0x69c: {  	_ =	swait.ge [sflag:s15], $0xC800  }
0x69d: {  	s1 =	sld [smem:$0x7B8]  }
0x69e: {  	[sflag:s15] =	ssyncset.done $0x0  }
0x69f: {  	[sflag:s15] =	ssyncadd.s32 $0xFFFF3800  }
0x6a0: {  	[hbm4b:s1+s2] =	stream.linear.scatter [tilespmem:s7], [sflag:$0x3], $0xC800, $0x38;
	[tilespmem:$0x19400] =	vst v63  }
0x6a1: {  	_ =	swait.ge [sflag:s8], $0xC800  }
0x6a2: {  	s1 =	sld [smem:$0x7B9]  }
0x6a3: {  	[sflag:s8] =	ssyncset.done $0x0  }
0x6a4: {  	[sflag:s8] =	ssyncadd.s32 $0xFFFF3800  }
0x6a5: {  	[tilespmem:s2], [sflag:$0x5] =	stream.linear.gather [hbm4b:s1+s2], $0x190, $0x38;
	[tilespmem:$0x19400] =	vst v63  }
0x6a6: {  	_ =	swait.ge [sflag:s11], $0x190  }
0x6a7: {  	[sflag:s11] =	ssyncset.done $0x0  }
0x6a8: {  	[sflag:s11] =	ssyncadd.s32 $0xFFFFFE70  }
0x6a9: {  	[tilespmem:s7], [sflag:$0x1] =	stream.indirect.gather [hbm4b:s3+s12], $0x80, s2, s12, $0xb8;
	[tilespmem:$0x19400] =	vst v63  }
0x6aa: {  	_ =	swait.ge [sflag:s14], $0xC800  }
0x6ab: {  	s1 =	sld [smem:$0x7BA]  }
0x6ac: {  	[sflag:s14] =	ssyncset.done $0x0  }
0x6ad: {  	[sflag:s14] =	ssyncadd.s32 $0xFFFF3800  }
0x6ae: {  	[hbm4b:s1+s2] =	stream.linear.scatter [tilespmem:s9], [sflag:$0x4], $0xC800, $0x38;
	[tilespmem:$0x19400] =	vst v63  }
0x6af: {  	_ =	swait.ge [sflag:s6], $0xC800  }
0x6b0: {  	s1 =	sld [smem:$0x7BB]  }
0x6b1: {  	[sflag:s6] =	ssyncset.done $0x0  }
0x6b2: {  	[sflag:s6] =	ssyncadd.s32 $0xFFFF3800  }
0x6b3: {  	[tilespmem:s16], [sflag:$0x5] =	stream.linear.gather [hbm4b:s1+s2], $0x190, $0x38;
	[tilespmem:$0x19400] =	vst v63  }
0x6b4: {  	_ =	swait.ge [sflag:s11], $0x190  }
0x6b5: {  	[sflag:s11] =	ssyncset.done $0x0  }
0x6b6: {  	[sflag:s11] =	ssyncadd.s32 $0xFFFFFE70  }
0x6b7: {  	[tilespmem:s9], [sflag:$0x2] =	stream.indirect.gather [hbm4b:s3+s12], $0x80, s16, s12, $0xb8;
	[tilespmem:$0x19400] =	vst v63  }
0x6b8: {  	_ =	swait.ge [sflag:s15], $0xC800  }
0x6b9: {  	s1 =	sld [smem:$0x7BC]  }
0x6ba: {  	[sflag:s15] =	ssyncset.done $0x0  }
0x6bb: {  	[sflag:s15] =	ssyncadd.s32 $0xFFFF3800  }
0x6bc: {  	[hbm4b:s1+s2] =	stream.linear.scatter [tilespmem:s7], [sflag:$0x3], $0xC800, $0x38;
	[tilespmem:$0x19400] =	vst v63  }
0x6bd: {  	_ =	swait.ge [sflag:s8], $0xC800  }
0x6be: {  	s1 =	sld [smem:$0x7BD]  }
0x6bf: {  	[sflag:s8] =	ssyncset.done $0x0  }
0x6c0: {  	[sflag:s8] =	ssyncadd.s32 $0xFFFF3800  }
0x6c1: {  	[tilespmem:s2], [sflag:$0x5] =	stream.linear.gather [hbm4b:s1+s2], $0x190, $0x38;
	[tilespmem:$0x19400] =	vst v63  }
0x6c2: {  	_ =	swait.ge [sflag:s11], $0x190  }
0x6c3: {  	[sflag:s11] =	ssyncset.done $0x0  }
0x6c4: {  	[sflag:s11] =	ssyncadd.s32 $0xFFFFFE70  }
0x6c5: {  	[tilespmem:s7], [sflag:$0x1] =	stream.indirect.gather [hbm4b:s3+s12], $0x80, s2, s12, $0xb8;
	[tilespmem:$0x19400] =	vst v63  }
0x6c6: {  	_ =	swait.ge [sflag:s14], $0xC800  }
0x6c7: {  	s1 =	sld [smem:$0x7BE]  }
0x6c8: {  	[sflag:s14] =	ssyncset.done $0x0  }
0x6c9: {  	[sflag:s14] =	ssyncadd.s32 $0xFFFF3800  }
0x6ca: {  	[hbm4b:s1+s2] =	stream.linear.scatter [tilespmem:s9], [sflag:$0x4], $0xC800, $0x38;
	[tilespmem:$0x19400] =	vst v63  }
0x6cb: {  	_ =	swait.ge [sflag:s6], $0xC800  }
0x6cc: {  	s1 =	sld [smem:$0x7BF]  }
0x6cd: {  	[sflag:s6] =	ssyncset.done $0x0  }
0x6ce: {  	[sflag:s6] =	ssyncadd.s32 $0xFFFF3800  }
0x6cf: {  	[tilespmem:s16], [sflag:$0x5] =	stream.linear.gather [hbm4b:s1+s2], $0x190, $0x38;
	[tilespmem:$0x19400] =	vst v63  }
0x6d0: {  	_ =	swait.ge [sflag:s11], $0x190  }
0x6d1: {  	[sflag:s11] =	ssyncset.done $0x0  }
0x6d2: {  	[sflag:s11] =	ssyncadd.s32 $0xFFFFFE70  }
0x6d3: {  	[tilespmem:s9], [sflag:$0x2] =	stream.indirect.gather [hbm4b:s3+s12], $0x80, s16, s12, $0xb8;
	[tilespmem:$0x19400] =	vst v63  }
0x6d4: {  	_ =	swait.ge [sflag:s15], $0xC800  }
0x6d5: {  	s1 =	sld [smem:$0x7C0]  }
0x6d6: {  	[sflag:s15] =	ssyncset.done $0x0  }
0x6d7: {  	[sflag:s15] =	ssyncadd.s32 $0xFFFF3800  }
0x6d8: {  	[hbm4b:s1+s2] =	stream.linear.scatter [tilespmem:s7], [sflag:$0x3], $0xC800, $0x38;
	[tilespmem:$0x19400] =	vst v63  }
0x6d9: {  	_ =	swait.ge [sflag:s8], $0xC800  }
0x6da: {  	s1 =	sld [smem:$0x7C1]  }
0x6db: {  	[sflag:s8] =	ssyncset.done $0x0  }
0x6dc: {  	[sflag:s8] =	ssyncadd.s32 $0xFFFF3800  }
0x6dd: {  	[tilespmem:s2], [sflag:$0x5] =	stream.linear.gather [hbm4b:s1+s2], $0x190, $0x38;
	[tilespmem:$0x19400] =	vst v63  }
0x6de: {  	_ =	swait.ge [sflag:s11], $0x190  }
0x6df: {  	[sflag:s11] =	ssyncset.done $0x0  }
0x6e0: {  	[sflag:s11] =	ssyncadd.s32 $0xFFFFFE70  }
0x6e1: {  	[tilespmem:s7], [sflag:$0x1] =	stream.indirect.gather [hbm4b:s3+s12], $0x80, s2, s12, $0xb8;
	[tilespmem:$0x19400] =	vst v63  }
0x6e2: {  	_ =	swait.ge [sflag:s14], $0xC800  }
0x6e3: {  	s1 =	sld [smem:$0x7C2]  }
0x6e4: {  	[sflag:s14] =	ssyncset.done $0x0  }
0x6e5: {  	[sflag:s14] =	ssyncadd.s32 $0xFFFF3800  }
0x6e6: {  	[hbm4b:s1+s2] =	stream.linear.scatter [tilespmem:s9], [sflag:$0x4], $0xC800, $0x38;
	[tilespmem:$0x19400] =	vst v63  }
0x6e7: {  	_ =	swait.ge [sflag:s6], $0xC800  }
0x6e8: {  	s1 =	sld [smem:$0x7C4]  }
0x6e9: {  	[sflag:s6] =	ssyncset.done $0x0  }
0x6ea: {  	[sflag:s6] =	ssyncadd.s32 $0xFFFF3800  }
0x6eb: {  	[tilespmem:s16], [sflag:$0x5] =	stream.linear.gather [hbm4b:s1+s2], $0x190, $0x38;
	[tilespmem:$0x19400] =	vst v63  }
0x6ec: {  	_ =	swait.ge [sflag:s11], $0x190  }
0x6ed: {  	[sflag:s11] =	ssyncset.done $0x0  }
0x6ee: {  	[sflag:s11] =	ssyncadd.s32 $0xFFFFFE70  }
0x6ef: {  	[tilespmem:s9], [sflag:$0x2] =	stream.indirect.gather [hbm4b:s3+s12], $0x80, s16, s12, $0xb8;
	[tilespmem:$0x19400] =	vst v63  }
0x6f0: {  	_ =	swait.ge [sflag:s15], $0xC800  }
0x6f1: {  	s1 =	sld [smem:$0x7C5]  }
0x6f2: {  	[sflag:s15] =	ssyncset.done $0x0  }
0x6f3: {  	[sflag:s15] =	ssyncadd.s32 $0xFFFF3800  }
0x6f4: {  	[hbm4b:s1+s2] =	stream.linear.scatter [tilespmem:s7], [sflag:$0x3], $0xC800, $0x38;
	[tilespmem:$0x19400] =	vst v63  }
0x6f5: {  	_ =	swait.ge [sflag:s8], $0xC800  }
0x6f6: {  	s1 =	sld [smem:$0x7C7]  }
0x6f7: {  	[sflag:s8] =	ssyncset.done $0x0  }
0x6f8: {  	[sflag:s8] =	ssyncadd.s32 $0xFFFF3800  }
0x6f9: {  	[tilespmem:s2], [sflag:$0x5] =	stream.linear.gather [hbm4b:s1+s2], $0x190, $0x38;
	[tilespmem:$0x19400] =	vst v63  }
0x6fa: {  	_ =	swait.ge [sflag:s11], $0x190  }
0x6fb: {  	[sflag:s11] =	ssyncset.done $0x0  }
0x6fc: {  	[sflag:s11] =	ssyncadd.s32 $0xFFFFFE70  }
0x6fd: {  	[tilespmem:s7], [sflag:$0x1] =	stream.indirect.gather [hbm4b:s3+s12], $0x80, s2, s12, $0xb8;
	[tilespmem:$0x19400] =	vst v63  }
0x6fe: {  	_ =	swait.ge [sflag:s14], $0xC800  }
0x6ff: {  	s1 =	sld [smem:$0x7C9]  }
0x700: {  	[sflag:s14] =	ssyncset.done $0x0  }
0x701: {  	[sflag:s14] =	ssyncadd.s32 $0xFFFF3800  }
0x702: {  	[hbm4b:s1+s2] =	stream.linear.scatter [tilespmem:s9], [sflag:$0x4], $0xC800, $0x38;
	[tilespmem:$0x19400] =	vst v63  }
0x703: {  	_ =	swait.ge [sflag:s6], $0xC800  }
0x704: {  	s1 =	sld [smem:$0x7CB]  }
0x705: {  	[sflag:s6] =	ssyncset.done $0x0  }
0x706: {  	[sflag:s6] =	ssyncadd.s32 $0xFFFF3800  }
0x707: {  	[tilespmem:s16], [sflag:$0x5] =	stream.linear.gather [hbm4b:s1+s2], $0x190, $0x38;
	[tilespmem:$0x19400] =	vst v63  }
0x708: {  	_ =	swait.ge [sflag:s11], $0x190  }
0x709: {  	[sflag:s11] =	ssyncset.done $0x0  }
0x70a: {  	[sflag:s11] =	ssyncadd.s32 $0xFFFFFE70  }
0x70b: {  	[tilespmem:s9], [sflag:$0x2] =	stream.indirect.gather [hbm4b:s3+s12], $0x80, s16, s12, $0xb8;
	[tilespmem:$0x19400] =	vst v63  }
0x70c: {  	_ =	swait.ge [sflag:s15], $0xC800  }
0x70d: {  	s1 =	sld [smem:$0x7CD]  }
0x70e: {  	[sflag:s15] =	ssyncset.done $0x0  }
0x70f: {  	[sflag:s15] =	ssyncadd.s32 $0xFFFF3800  }
0x710: {  	[hbm4b:s1+s2] =	stream.linear.scatter [tilespmem:s7], [sflag:$0x3], $0xC800, $0x38;
	[tilespmem:$0x19400] =	vst v63  }
0x711: {  	_ =	swait.ge [sflag:s8], $0xC800  }
0x712: {  	s1 =	sld [smem:$0x7CF]  }
0x713: {  	[sflag:s8] =	ssyncset.done $0x0  }
0x714: {  	[sflag:s8] =	ssyncadd.s32 $0xFFFF3800  }
0x715: {  	[tilespmem:s2], [sflag:$0x5] =	stream.linear.gather [hbm4b:s1+s2], $0x190, $0x38;
	[tilespmem:$0x19400] =	vst v63  }
0x716: {  	_ =	swait.ge [sflag:s11], $0x190  }
0x717: {  	[sflag:s11] =	ssyncset.done $0x0  }
0x718: {  	[sflag:s11] =	ssyncadd.s32 $0xFFFFFE70  }
0x719: {  	[tilespmem:s7], [sflag:$0x1] =	stream.indirect.gather [hbm4b:s3+s12], $0x80, s2, s12, $0xb8;
	[tilespmem:$0x19400] =	vst v63  }
0x71a: {  	_ =	swait.ge [sflag:s14], $0xC800  }
0x71b: {  	s1 =	sld [smem:$0x7D1]  }
0x71c: {  	[sflag:s14] =	ssyncset.done $0x0  }
0x71d: {  	[sflag:s14] =	ssyncadd.s32 $0xFFFF3800  }
0x71e: {  	[hbm4b:s1+s2] =	stream.linear.scatter [tilespmem:s9], [sflag:$0x4], $0xC800, $0x38;
	[tilespmem:$0x19400] =	vst v63  }
0x71f: {  	_ =	swait.ge [sflag:s6], $0xC800  }
0x720: {  	s1 =	sld [smem:$0x7D3]  }
0x721: {  	[sflag:s6] =	ssyncset.done $0x0  }
0x722: {  	[sflag:s6] =	ssyncadd.s32 $0xFFFF3800  }
0x723: {  	[tilespmem:s16], [sflag:$0x5] =	stream.linear.gather [hbm4b:s1+s2], $0x190, $0x38;
	[tilespmem:$0x19400] =	vst v63  }
0x724: {  	_ =	swait.ge [sflag:s11], $0x190  }
0x725: {  	[sflag:s11] =	ssyncset.done $0x0  }
0x726: {  	[sflag:s11] =	ssyncadd.s32 $0xFFFFFE70  }
0x727: {  	[tilespmem:s9], [sflag:$0x2] =	stream.indirect.gather [hbm4b:s3+s12], $0x80, s16, s12, $0xb8;
	[tilespmem:$0x19400] =	vst v63  }
0x728: {  	_ =	swait.ge [sflag:s15], $0xC800  }
0x729: {  	s1 =	sld [smem:$0x7D5]  }
0x72a: {  	[sflag:s15] =	ssyncset.done $0x0  }
0x72b: {  	[sflag:s15] =	ssyncadd.s32 $0xFFFF3800  }
0x72c: {  	[hbm4b:s1+s2] =	stream.linear.scatter [tilespmem:s7], [sflag:$0x3], $0xC800, $0x38;
	[tilespmem:$0x19400] =	vst v63  }
0x72d: {  	_ =	swait.ge [sflag:s8], $0xC800  }
0x72e: {  	s1 =	sld [smem:$0x7D7]  }
0x72f: {  	[sflag:s8] =	ssyncset.done $0x0  }
0x730: {  	[sflag:s8] =	ssyncadd.s32 $0xFFFF3800  }
0x731: {  	[tilespmem:s2], [sflag:$0x5] =	stream.linear.gather [hbm4b:s1+s2], $0x190, $0x38;
	[tilespmem:$0x19400] =	vst v63  }
0x732: {  	_ =	swait.ge [sflag:s11], $0x190  }
0x733: {  	[sflag:s11] =	ssyncset.done $0x0  }
0x734: {  	[sflag:s11] =	ssyncadd.s32 $0xFFFFFE70  }
0x735: {  	[tilespmem:s7], [sflag:$0x1] =	stream.indirect.gather [hbm4b:s3+s12], $0x80, s2, s12, $0xb8;
	[tilespmem:$0x19400] =	vst v63  }
0x736: {  	_ =	swait.ge [sflag:s14], $0xC800  }
0x737: {  	s1 =	sld [smem:$0x7D9]  }
0x738: {  	[sflag:s14] =	ssyncset.done $0x0  }
0x739: {  	[sflag:s14] =	ssyncadd.s32 $0xFFFF3800  }
0x73a: {  	[hbm4b:s1+s2] =	stream.linear.scatter [tilespmem:s9], [sflag:$0x4], $0xC800, $0x38;
	[tilespmem:$0x19400] =	vst v63  }
0x73b: {  	_ =	swait.ge [sflag:s6], $0xC800  }
0x73c: {  	s1 =	sld [smem:$0x7DB]  }
0x73d: {  	[sflag:s6] =	ssyncset.done $0x0  }
0x73e: {  	[sflag:s6] =	ssyncadd.s32 $0xFFFF3800  }
0x73f: {  	[tilespmem:s16], [sflag:$0x5] =	stream.linear.gather [hbm4b:s1+s2], $0x190, $0x38;
	[tilespmem:$0x19400] =	vst v63  }
0x740: {  	_ =	swait.ge [sflag:s11], $0x190  }
0x741: {  	[sflag:s11] =	ssyncset.done $0x0  }
0x742: {  	[sflag:s11] =	ssyncadd.s32 $0xFFFFFE70  }
0x743: {  	[tilespmem:s9], [sflag:$0x2] =	stream.indirect.gather [hbm4b:s3+s12], $0x80, s16, s12, $0xb8;
	[tilespmem:$0x19400] =	vst v63  }
0x744: {  	_ =	swait.ge [sflag:s15], $0xC800  }
0x745: {  	s1 =	sld [smem:$0x7DD]  }
0x746: {  	[sflag:s15] =	ssyncset.done $0x0  }
0x747: {  	[sflag:s15] =	ssyncadd.s32 $0xFFFF3800  }
0x748: {  	[hbm4b:s1+s2] =	stream.linear.scatter [tilespmem:s7], [sflag:$0x3], $0xC800, $0x38;
	[tilespmem:$0x19400] =	vst v63  }
0x749: {  	_ =	swait.ge [sflag:s8], $0xC800  }
0x74a: {  	s1 =	sld [smem:$0x7DF]  }
0x74b: {  	[sflag:s8] =	ssyncset.done $0x0  }
0x74c: {  	[sflag:s8] =	ssyncadd.s32 $0xFFFF3800  }
0x74d: {  	[tilespmem:s2], [sflag:$0x5] =	stream.linear.gather [hbm4b:s1+s2], $0x190, $0x38;
	[tilespmem:$0x19400] =	vst v63  }
0x74e: {  	_ =	swait.ge [sflag:s11], $0x190  }
0x74f: {  	[sflag:s11] =	ssyncset.done $0x0  }
0x750: {  	[sflag:s11] =	ssyncadd.s32 $0xFFFFFE70  }
0x751: {  	[tilespmem:s7], [sflag:$0x1] =	stream.indirect.gather [hbm4b:s3+s12], $0x80, s2, s12, $0xb8;
	[tilespmem:$0x19400] =	vst v63  }
0x752: {  	_ =	swait.ge [sflag:s14], $0xC800  }
0x753: {  	s1 =	sld [smem:$0x7E1]  }
0x754: {  	[sflag:s14] =	ssyncset.done $0x0  }
0x755: {  	[sflag:s14] =	ssyncadd.s32 $0xFFFF3800  }
0x756: {  	[hbm4b:s1+s2] =	stream.linear.scatter [tilespmem:s9], [sflag:$0x4], $0xC800, $0x38;
	[tilespmem:$0x19400] =	vst v63  }
0x757: {  	_ =	swait.ge [sflag:s6], $0xC800  }
0x758: {  	s1 =	sld [smem:$0x7E3]  }
0x759: {  	[sflag:s6] =	ssyncset.done $0x0  }
0x75a: {  	[sflag:s6] =	ssyncadd.s32 $0xFFFF3800  }
0x75b: {  	[tilespmem:s16], [sflag:$0x5] =	stream.linear.gather [hbm4b:s1+s2], $0x190, $0x38;
	[tilespmem:$0x19400] =	vst v63  }
0x75c: {  	_ =	swait.ge [sflag:s11], $0x190  }
0x75d: {  	[sflag:s11] =	ssyncset.done $0x0  }
0x75e: {  	[sflag:s11] =	ssyncadd.s32 $0xFFFFFE70  }
0x75f: {  	[tilespmem:s9], [sflag:$0x2] =	stream.indirect.gather [hbm4b:s3+s12], $0x80, s16, s12, $0xb8;
	[tilespmem:$0x19400] =	vst v63  }
0x760: {  	_ =	swait.ge [sflag:s15], $0xC800  }
0x761: {  	s1 =	sld [smem:$0x7E5]  }
0x762: {  	[sflag:s15] =	ssyncset.done $0x0  }
0x763: {  	[sflag:s15] =	ssyncadd.s32 $0xFFFF3800  }
0x764: {  	[hbm4b:s1+s2] =	stream.linear.scatter [tilespmem:s7], [sflag:$0x3], $0xC800, $0x38;
	[tilespmem:$0x19400] =	vst v63  }
0x765: {  	_ =	swait.ge [sflag:s8], $0xC800  }
0x766: {  	s1 =	sld [smem:$0x7E7]  }
0x767: {  	[sflag:s8] =	ssyncset.done $0x0  }
0x768: {  	[sflag:s8] =	ssyncadd.s32 $0xFFFF3800  }
0x769: {  	[tilespmem:s2], [sflag:$0x5] =	stream.linear.gather [hbm4b:s1+s2], $0x190, $0x38;
	[tilespmem:$0x19400] =	vst v63  }
0x76a: {  	_ =	swait.ge [sflag:s11], $0x190  }
0x76b: {  	[sflag:s11] =	ssyncset.done $0x0  }
0x76c: {  	[sflag:s11] =	ssyncadd.s32 $0xFFFFFE70  }
0x76d: {  	[tilespmem:s7], [sflag:$0x1] =	stream.indirect.gather [hbm4b:s3+s12], $0x80, s2, s12, $0xb8;
	[tilespmem:$0x19400] =	vst v63  }
0x76e: {  	_ =	swait.ge [sflag:s14], $0xC800  }
0x76f: {  	s1 =	sld [smem:$0x7E9]  }
0x770: {  	[sflag:s14] =	ssyncset.done $0x0  }
0x771: {  	[sflag:s14] =	ssyncadd.s32 $0xFFFF3800  }
0x772: {  	[hbm4b:s1+s2] =	stream.linear.scatter [tilespmem:s9], [sflag:$0x4], $0xC800, $0x38;
	[tilespmem:$0x19400] =	vst v63  }
0x773: {  	_ =	swait.ge [sflag:s6], $0xC800  }
0x774: {  	s1 =	sld [smem:$0x7EB]  }
0x775: {  	[sflag:s6] =	ssyncset.done $0x0  }
0x776: {  	[sflag:s6] =	ssyncadd.s32 $0xFFFF3800  }
0x777: {  	[tilespmem:s16], [sflag:$0x5] =	stream.linear.gather [hbm4b:s1+s2], $0x190, $0x38;
	[tilespmem:$0x19400] =	vst v63  }
0x778: {  	_ =	swait.ge [sflag:s11], $0x190  }
0x779: {  	[sflag:s11] =	ssyncset.done $0x0  }
0x77a: {  	[sflag:s11] =	ssyncadd.s32 $0xFFFFFE70  }
0x77b: {  	[tilespmem:s9], [sflag:$0x2] =	stream.indirect.gather [hbm4b:s3+s12], $0x80, s16, s12, $0xb8;
	[tilespmem:$0x19400] =	vst v63  }
0x77c: {  	_ =	swait.ge [sflag:s15], $0xC800  }
0x77d: {  	s1 =	sld [smem:$0x7ED]  }
0x77e: {  	[sflag:s15] =	ssyncset.done $0x0  }
0x77f: {  	[sflag:s15] =	ssyncadd.s32 $0xFFFF3800  }
0x780: {  	[hbm4b:s1+s2] =	stream.linear.scatter [tilespmem:s7], [sflag:$0x3], $0xC800, $0x38;
	[tilespmem:$0x19400] =	vst v63  }
0x781: {  	_ =	swait.ge [sflag:s8], $0xC800  }
0x782: {  	s1 =	sld [smem:$0x7EF]  }
0x783: {  	[sflag:s8] =	ssyncset.done $0x0  }
0x784: {  	[sflag:s8] =	ssyncadd.s32 $0xFFFF3800  }
0x785: {  	[tilespmem:s2], [sflag:$0x5] =	stream.linear.gather [hbm4b:s1+s2], $0x190, $0x38;
	[tilespmem:$0x19400] =	vst v63  }
0x786: {  	_ =	swait.ge [sflag:s11], $0x190  }
0x787: {  	[sflag:s11] =	ssyncset.done $0x0  }
0x788: {  	[sflag:s11] =	ssyncadd.s32 $0xFFFFFE70  }
0x789: {  	[tilespmem:s7], [sflag:$0x1] =	stream.indirect.gather [hbm4b:s3+s12], $0x80, s2, s12, $0xb8;
	[tilespmem:$0x19400] =	vst v63  }
0x78a: {  	_ =	swait.ge [sflag:s14], $0xC800  }
0x78b: {  	s1 =	sld [smem:$0x7F1]  }
0x78c: {  	[sflag:s14] =	ssyncset.done $0x0  }
0x78d: {  	[sflag:s14] =	ssyncadd.s32 $0xFFFF3800  }
0x78e: {  	[hbm4b:s1+s2] =	stream.linear.scatter [tilespmem:s9], [sflag:$0x4], $0xC800, $0x38;
	[tilespmem:$0x19400] =	vst v63  }
0x78f: {  	_ =	swait.ge [sflag:s6], $0xC800  }
0x790: {  	s1 =	sld [smem:$0x7F3]  }
0x791: {  	[sflag:s6] =	ssyncset.done $0x0  }
0x792: {  	[sflag:s6] =	ssyncadd.s32 $0xFFFF3800  }
0x793: {  	[tilespmem:s16], [sflag:$0x5] =	stream.linear.gather [hbm4b:s1+s2], $0x190, $0x38;
	[tilespmem:$0x19400] =	vst v63  }
0x794: {  	_ =	swait.ge [sflag:s11], $0x190  }
0x795: {  	[sflag:s11] =	ssyncset.done $0x0  }
0x796: {  	[sflag:s11] =	ssyncadd.s32 $0xFFFFFE70  }
0x797: {  	[tilespmem:s9], [sflag:$0x2] =	stream.indirect.gather [hbm4b:s3+s12], $0x80, s16, s12, $0xb8;
	[tilespmem:$0x19400] =	vst v63  }
0x798: {  	_ =	swait.ge [sflag:s15], $0xC800  }
0x799: {  	s1 =	sld [smem:$0x7F5]  }
0x79a: {  	[sflag:s15] =	ssyncset.done $0x0  }
0x79b: {  	[sflag:s15] =	ssyncadd.s32 $0xFFFF3800  }
0x79c: {  	[hbm4b:s1+s2] =	stream.linear.scatter [tilespmem:s7], [sflag:$0x3], $0xC800, $0x38;
	[tilespmem:$0x19400] =	vst v63  }
0x79d: {  	_ =	swait.ge [sflag:s8], $0xC800  }
0x79e: {  	s1 =	sld [smem:$0x7F6]  }
0x79f: {  	[sflag:s8] =	ssyncset.done $0x0  }
0x7a0: {  	[sflag:s8] =	ssyncadd.s32 $0xFFFF3800  }
0x7a1: {  	[tilespmem:s2], [sflag:$0x5] =	stream.linear.gather [hbm4b:s1+s2], $0x190, $0x38;
	[tilespmem:$0x19400] =	vst v63  }
0x7a2: {  	_ =	swait.ge [sflag:s11], $0x190  }
0x7a3: {  	[sflag:s11] =	ssyncset.done $0x0  }
0x7a4: {  	[sflag:s11] =	ssyncadd.s32 $0xFFFFFE70  }
0x7a5: {  	[tilespmem:s7], [sflag:$0x1] =	stream.indirect.gather [hbm4b:s3+s12], $0x80, s2, s12, $0xb8;
	[tilespmem:$0x19400] =	vst v63  }
0x7a6: {  	_ =	swait.ge [sflag:s14], $0xC800  }
0x7a7: {  	s1 =	sld [smem:$0x7F7]  }
0x7a8: {  	[sflag:s14] =	ssyncset.done $0x0  }
0x7a9: {  	[sflag:s14] =	ssyncadd.s32 $0xFFFF3800  }
0x7aa: {  	[hbm4b:s1+s2] =	stream.linear.scatter [tilespmem:s9], [sflag:$0x4], $0xC800, $0x38;
	[tilespmem:$0x19400] =	vst v63  }
0x7ab: {  	_ =	swait.ge [sflag:s6], $0xC800  }
0x7ac: {  	s1 =	sld [smem:$0x7F8]  }
0x7ad: {  	[sflag:s6] =	ssyncset.done $0x0  }
0x7ae: {  	[sflag:s6] =	ssyncadd.s32 $0xFFFF3800  }
0x7af: {  	[tilespmem:s16], [sflag:$0x5] =	stream.linear.gather [hbm4b:s1+s2], $0x190, $0x38;
	[tilespmem:$0x19400] =	vst v63  }
0x7b0: {  	_ =	swait.ge [sflag:s11], $0x190  }
0x7b1: {  	[sflag:s11] =	ssyncset.done $0x0  }
0x7b2: {  	[sflag:s11] =	ssyncadd.s32 $0xFFFFFE70  }
0x7b3: {  	[tilespmem:s9], [sflag:$0x2] =	stream.indirect.gather [hbm4b:s3+s12], $0x80, s16, s12, $0xb8;
	[tilespmem:$0x19400] =	vst v63  }
0x7b4: {  	_ =	swait.ge [sflag:s15], $0xC800  }
0x7b5: {  	s1 =	sld [smem:$0x7FA]  }
0x7b6: {  	[sflag:s15] =	ssyncset.done $0x0  }
0x7b7: {  	[sflag:s15] =	ssyncadd.s32 $0xFFFF3800  }
0x7b8: {  	[hbm4b:s1+s2] =	stream.linear.scatter [tilespmem:s7], [sflag:$0x3], $0xC800, $0x38;
	[tilespmem:$0x19400] =	vst v63  }
0x7b9: {  	_ =	swait.ge [sflag:s8], $0xC800  }
0x7ba: {  	s1 =	sld [smem:$0x7FB]  }
0x7bb: {  	[sflag:s8] =	ssyncset.done $0x0  }
0x7bc: {  	[sflag:s8] =	ssyncadd.s32 $0xFFFF3800  }
0x7bd: {  	[tilespmem:s2], [sflag:$0x5] =	stream.linear.gather [hbm4b:s1+s2], $0x190, $0x38;
	[tilespmem:$0x19400] =	vst v63  }
0x7be: {  	_ =	swait.ge [sflag:s11], $0x190  }
0x7bf: {  	[sflag:s11] =	ssyncset.done $0x0  }
0x7c0: {  	[sflag:s11] =	ssyncadd.s32 $0xFFFFFE70  }
0x7c1: {  	[tilespmem:s7], [sflag:$0x1] =	stream.indirect.gather [hbm4b:s3+s12], $0x80, s2, s12, $0xb8;
	[tilespmem:$0x19400] =	vst v63  }
0x7c2: {  	_ =	swait.ge [sflag:s14], $0xC800  }
0x7c3: {  	s1 =	sld [smem:$0x7FC]  }
0x7c4: {  	[sflag:s14] =	ssyncset.done $0x0  }
0x7c5: {  	[sflag:s14] =	ssyncadd.s32 $0xFFFF3800  }
0x7c6: {  	[hbm4b:s1+s2] =	stream.linear.scatter [tilespmem:s9], [sflag:$0x4], $0xC800, $0x38;
	[tilespmem:$0x19400] =	vst v63  }
0x7c7: {  	_ =	swait.ge [sflag:s6], $0xC800  }
0x7c8: {  	s1 =	sld [smem:$0x7FD]  }
0x7c9: {  	[sflag:s6] =	ssyncset.done $0x0  }
0x7ca: {  	[sflag:s6] =	ssyncadd.s32 $0xFFFF3800  }
0x7cb: {  	[tilespmem:s16], [sflag:$0x5] =	stream.linear.gather [hbm4b:s1+s2], $0x190, $0x38;
	[tilespmem:$0x19400] =	vst v63  }
0x7cc: {  	_ =	swait.ge [sflag:s11], $0x190  }
0x7cd: {  	[sflag:s11] =	ssyncset.done $0x0  }
0x7ce: {  	[sflag:s11] =	ssyncadd.s32 $0xFFFFFE70  }
0x7cf: {  	[tilespmem:s9], [sflag:$0x2] =	stream.indirect.gather [hbm4b:s3+s12], $0x80, s16, s12, $0xb8;
	[tilespmem:$0x19400] =	vst v63  }
0x7d0: {  	_ =	swait.ge [sflag:s15], $0xC800  }
0x7d1: {  	[sflag:s15] =	ssyncset.done $0x0  }
0x7d2: {  	[sflag:s15] =	ssyncadd.s32 $0xFFFF3800  }
0x7d3: {  	[hbm4b:s31+s2] =	stream.linear.scatter [tilespmem:s7], [sflag:$0x3], $0xC800, $0x38;
	[tilespmem:$0x19400] =	vst v63  }
0x7d4: {  	_ =	swait.ge [sflag:s8], $0xC800  }
0x7d5: {  	[sflag:s8] =	ssyncset.done $0x0  }
0x7d6: {  	[sflag:s8] =	ssyncadd.s32 $0xFFFF3800  }
0x7d7: {  	[tilespmem:s2], [sflag:$0x5] =	stream.linear.gather [hbm4b:s30+s2], $0x190, $0x38;
	[tilespmem:$0x19400] =	vst v63  }
0x7d8: {  	_ =	swait.ge [sflag:s11], $0x190  }
0x7d9: {  	[sflag:s11] =	ssyncset.done $0x0  }
0x7da: {  	[sflag:s11] =	ssyncadd.s32 $0xFFFFFE70  }
0x7db: {  	[tilespmem:s7], [sflag:$0x1] =	stream.indirect.gather [hbm4b:s3+s12], $0x80, s2, s12, $0xb8;
	[tilespmem:$0x19400] =	vst v63  }
0x7dc: {  	_ =	swait.ge [sflag:s14], $0xC800  }
0x7dd: {  	[sflag:s14] =	ssyncset.done $0x0  }
0x7de: {  	[sflag:s14] =	ssyncadd.s32 $0xFFFF3800  }
0x7df: {  	[hbm4b:s29+s2] =	stream.linear.scatter [tilespmem:s9], [sflag:$0x4], $0xC800, $0x38;
	[tilespmem:$0x19400] =	vst v63  }
0x7e0: {  	_ =	swait.ge [sflag:s6], $0xC800  }
0x7e1: {  	[sflag:s6] =	ssyncset.done $0x0  }
0x7e2: {  	[sflag:s6] =	ssyncadd.s32 $0xFFFF3800  }
0x7e3: {  	[tilespmem:s16], [sflag:$0x5] =	stream.linear.gather [hbm4b:s28+s2], $0x190, $0x38;
	[tilespmem:$0x19400] =	vst v63  }
0x7e4: {  	_ =	swait.ge [sflag:s11], $0x190  }
0x7e5: {  	[sflag:s11] =	ssyncset.done $0x0  }
0x7e6: {  	[sflag:s11] =	ssyncadd.s32 $0xFFFFFE70  }
0x7e7: {  	[tilespmem:s9], [sflag:$0x2] =	stream.indirect.gather [hbm4b:s3+s12], $0x80, s16, s12, $0xb8;
	[tilespmem:$0x19400] =	vst v63  }
0x7e8: {  	_ =	swait.ge [sflag:s15], $0xC800  }
0x7e9: {  	[sflag:s15] =	ssyncset.done $0x0  }
0x7ea: {  	[sflag:s15] =	ssyncadd.s32 $0xFFFF3800  }
0x7eb: {  	[hbm4b:s26+s2] =	stream.linear.scatter [tilespmem:s7], [sflag:$0x3], $0xC800, $0x38;
	[tilespmem:$0x19400] =	vst v63  }
0x7ec: {  	_ =	swait.ge [sflag:s8], $0xC800  }
0x7ed: {  	[sflag:s8] =	ssyncset.done $0x0  }
0x7ee: {  	[sflag:s8] =	ssyncadd.s32 $0xFFFF3800  }
0x7ef: {  	[tilespmem:s2], [sflag:$0x5] =	stream.linear.gather [hbm4b:s25+s2], $0x190, $0x38;
	[tilespmem:$0x19400] =	vst v63  }
0x7f0: {  	_ =	swait.ge [sflag:s11], $0x190  }
0x7f1: {  	[sflag:s11] =	ssyncset.done $0x0  }
0x7f2: {  	[sflag:s11] =	ssyncadd.s32 $0xFFFFFE70  }
0x7f3: {  	[tilespmem:s7], [sflag:$0x1] =	stream.indirect.gather [hbm4b:s3+s12], $0x80, s2, s12, $0xb8;
	[tilespmem:$0x19400] =	vst v63  }
0x7f4: {  	_ =	swait.ge [sflag:s14], $0xC800  }
0x7f5: {  	[sflag:s14] =	ssyncset.done $0x0  }
0x7f6: {  	[sflag:s14] =	ssyncadd.s32 $0xFFFF3800  }
0x7f7: {  	[hbm4b:s24+s2] =	stream.linear.scatter [tilespmem:s9], [sflag:$0x4], $0xC800, $0x38;
	[tilespmem:$0x19400] =	vst v63  }
0x7f8: {  	_ =	swait.ge [sflag:s6], $0xC800  }
0x7f9: {  	[sflag:s6] =	ssyncset.done $0x0  }
0x7fa: {  	[sflag:s6] =	ssyncadd.s32 $0xFFFF3800  }
0x7fb: {  	[tilespmem:s16], [sflag:$0x5] =	stream.linear.gather [hbm4b:s23+s2], $0x190, $0x38;
	[tilespmem:$0x19400] =	vst v63  }
0x7fc: {  	_ =	swait.ge [sflag:s11], $0x190  }
0x7fd: {  	[sflag:s11] =	ssyncset.done $0x0  }
0x7fe: {  	[sflag:s11] =	ssyncadd.s32 $0xFFFFFE70  }
0x7ff: {  	[tilespmem:s9], [sflag:$0x2] =	stream.indirect.gather [hbm4b:s3+s12], $0x80, s16, s12, $0xb8;
	[tilespmem:$0x19400] =	vst v63  }
0x800: {  	_ =	swait.ge [sflag:s15], $0xC800  }
0x801: {  	[sflag:s15] =	ssyncset.done $0x0  }
0x802: {  	[sflag:s15] =	ssyncadd.s32 $0xFFFF3800  }
0x803: {  	[hbm4b:s22+s2] =	stream.linear.scatter [tilespmem:s7], [sflag:$0x3], $0xC800, $0x38;
	[tilespmem:$0x19400] =	vst v63  }
0x804: {  	_ =	swait.ge [sflag:s8], $0xC800  }
0x805: {  	[sflag:s8] =	ssyncset.done $0x0  }
0x806: {  	[sflag:s8] =	ssyncadd.s32 $0xFFFF3800  }
0x807: {  	[tilespmem:s2], [sflag:$0x5] =	stream.linear.gather [hbm4b:s21+s2], $0x190, $0x38;
	[tilespmem:$0x19400] =	vst v63  }
0x808: {  	_ =	swait.ge [sflag:s11], $0x190  }
0x809: {  	[sflag:s11] =	ssyncset.done $0x0  }
0x80a: {  	[sflag:s11] =	ssyncadd.s32 $0xFFFFFE70  }
0x80b: {  	[tilespmem:s7], [sflag:$0x1] =	stream.indirect.gather [hbm4b:s3+s12], $0x80, s2, s12, $0xb8;
	[tilespmem:$0x19400] =	vst v63  }
0x80c: {  	_ =	swait.ge [sflag:s14], $0xC800  }
0x80d: {  	[sflag:s14] =	ssyncset.done $0x0  }
0x80e: {  	[sflag:s14] =	ssyncadd.s32 $0xFFFF3800  }
0x80f: {  	[hbm4b:s20+s2] =	stream.linear.scatter [tilespmem:s9], [sflag:$0x4], $0xC800, $0x38;
	[tilespmem:$0x19400] =	vst v63  }
0x810: {  	_ =	swait.ge [sflag:s6], $0xC800  }
0x811: {  	[sflag:s6] =	ssyncset.done $0x0  }
0x812: {  	[sflag:s6] =	ssyncadd.s32 $0xFFFF3800  }
0x813: {  	[tilespmem:s16], [sflag:$0x5] =	stream.linear.gather [hbm4b:s19+s2], $0x190, $0x38;
	[tilespmem:$0x19400] =	vst v63  }
0x814: {  	_ =	swait.ge [sflag:s11], $0x190  }
0x815: {  	[sflag:s11] =	ssyncset.done $0x0  }
0x816: {  	[sflag:s11] =	ssyncadd.s32 $0xFFFFFE70  }
0x817: {  	[tilespmem:s9], [sflag:$0x2] =	stream.indirect.gather [hbm4b:s3+s12], $0x80, s16, s12, $0xb8;
	[tilespmem:$0x19400] =	vst v63  }
0x818: {  	_ =	swait.ge [sflag:s15], $0xC800  }
0x819: {  	[sflag:s15] =	ssyncset.done $0x0  }
0x81a: {  	[sflag:s15] =	ssyncadd.s32 $0xFFFF3800  }
0x81b: {  	[hbm4b:s18+s2] =	stream.linear.scatter [tilespmem:s7], [sflag:$0x3], $0xC800, $0x38;
	[tilespmem:$0x19400] =	vst v63  }
0x81c: {  	_ =	swait.ge [sflag:s8], $0xC800  }
0x81d: {  	[sflag:s8] =	ssyncset.done $0x0  }
0x81e: {  	[sflag:s8] =	ssyncadd.s32 $0xFFFF3800  }
0x81f: {  	[tilespmem:s2], [sflag:$0x5] =	stream.linear.gather [hbm4b:s17+s2], $0x190, $0x38;
	[tilespmem:$0x19400] =	vst v63  }
0x820: {  	_ =	swait.ge [sflag:s11], $0x190  }
0x821: {  	[sflag:s11] =	ssyncset.done $0x0  }
0x822: {  	[sflag:s11] =	ssyncadd.s32 $0xFFFFFE70  }
0x823: {  	[tilespmem:s7], [sflag:$0x1] =	stream.indirect.gather [hbm4b:s3+s12], $0x80, s2, s12, $0xb8;
	[tilespmem:$0x19400] =	vst v63  }
0x824: {  	_ =	swait.ge [sflag:s14], $0xC800  }
0x825: {  	[sflag:s14] =	ssyncset.done $0x0  }
0x826: {  	[sflag:s14] =	ssyncadd.s32 $0xFFFF3800  }
0x827: {  	[hbm4b:s13+s2] =	stream.linear.scatter [tilespmem:s9], [sflag:$0x4], $0xC800, $0x38;
	[tilespmem:$0x19400] =	vst v63  }
0x828: {  	_ =	swait.ge [sflag:s6], $0xC800  }
0x829: {  	[sflag:s6] =	ssyncset.done $0x0  }
0x82a: {  	[sflag:s6] =	ssyncadd.s32 $0xFFFF3800  }
0x82b: {  	[tilespmem:s16], [sflag:$0x5] =	stream.linear.gather [hbm4b:s10+s2], $0x190, $0x38;
	[tilespmem:$0x19400] =	vst v63  }
0x82c: {  	_ =	swait.ge [sflag:s11], $0x190  }
0x82d: {  	[sflag:s11] =	ssyncset.done $0x0  }
0x82e: {  	[sflag:s11] =	ssyncadd.s32 $0xFFFFFE70  }
0x82f: {  	[tilespmem:s9], [sflag:$0x2] =	stream.indirect.gather [hbm4b:s3+s12], $0x80, s16, s12, $0xb8;
	[tilespmem:$0x19400] =	vst v63  }
0x830: {  	_ =	swait.ge [sflag:s15], $0xC800  }
0x831: {  	[sflag:s15] =	ssyncset.done $0x0  }
0x832: {  	[sflag:s15] =	ssyncadd.s32 $0xFFFF3800  }
0x833: {  	[hbm4b:s5+s2] =	stream.linear.scatter [tilespmem:s7], [sflag:$0x3], $0xC800, $0x38;
	[tilespmem:$0x19400] =	vst v63  }
0x834: {  	_ =	swait.ge [sflag:s14], $0xC800  }
0x835: {  	[sflag:s14] =	ssyncset.done $0x0  }
0x836: {  	[sflag:s14] =	ssyncadd.s32 $0xFFFF3800  }
0x837: {  	[hbm4b:s4+s2] =	stream.linear.scatter [tilespmem:s9], [sflag:$0x4], $0xC800, $0x38;
	[tilespmem:$0x19400] =	vst v63  }
0x838: {  	_ =	swait.ge [sflag:s8], $0xC800  }
0x839: {  	[sflag:s8] =	ssyncset.done $0x0  }
0x83a: {  	[sflag:s8] =	ssyncadd.s32 $0xFFFF3800  }
0x83b: {  	_ =	swait.ge [sflag:s6], $0xC800  }
0x83c: {  	[sflag:s6] =	ssyncset.done $0x0  }
0x83d: {  	[sflag:s6] =	ssyncadd.s32 $0xFFFF3800  }
0x83e: {  	_ =	sfence.sel $0x180000  }
0x83f: {  	[bflag:$0x0] =	sbarrier.arrive $0xFFFF  }
0x840: {  	_ =	strace $0x90000047  }
0x841: {  	s31 =	stileid.u32;
	[bflag:$0x2] =	sbarrier.arrive $0xFFFF  }
0x842: {  	p0 =	sne.s32 s31, $0x0;
	s0 =	rddreg [dreg:$0x1]  }
0x843: {  	s0 =	sadd.s32 @!p0 $0x100000, s0  }
0x844: {  	[sflag:s0] =	ssyncadd.tile.s32 @!p0 $0x1;
	_ =	shalt  }
.Lfunc_end2:
_tile_overlayer_lowered:
.L_overlay_start_2:
0x845: {  	(tag) =	ssettag $0x2  }
0x846: {  	s0 =	rddreg [dreg:$0x0];
	s2 =	stileid.u32  }
0x847: {  	s1 =	rddreg [dreg:$0x1];
	p0 =	sne.s32 s2, $0x0  }
0x848: {  	s3 =	rddreg [dreg:$0x2];
	[bflag:$0x3] =	sbarrier.arrive $0xFFFF;
	s2 =	simm.s32 @!p0 $0x1C05  }
0x849: {  	[timem:s3], [sflag:s2] =	dma.local @!p0 [hbm:s0], s1  }
0x84a: {  	s0 =	simm.s32 @!p0 $0x5  }
0x84b: {  	_ =	swait.ge @!p0 [sflag:s0], s1  }
0x84c: {  	s1 =	ssub.s32 @!p0 $0x0, s1;
	[sflag:s0] =	ssyncset.done @!p0 $0x0  }
0x84d: {  	[sflag:s0] =	ssyncadd.s32 @!p0 s1  }
0x84e: {  	[bflag:$0x3] =	sbarrier.arrive $0xFFFF  }
0x84f: {  	_ =	shalt  }

</sc_bundles>
